<compile_context>
chip_gen: v7x
topology: tpu7x:2x2x1
jax: 0.10.2.dev20260603
libtpu: 0.0.44.dev20260713+nightly
codegen_flags: <defaults>
</compile_context>

<pallas_src>
import functools

import jax
import jax.numpy as jnp
from jax import lax
from jax.experimental import pallas as pl
from jax.experimental.pallas import tpu as pltpu
from jax.experimental.pallas import tpu_sc as plsc

NC = 2
NS = 16
NW = NC * NS
L = 16

D_MODEL = 64
D_PAD = 128
SCALE = 8.0

BB = 128
NBUF = 4
AHEAD = 2


def _make_emb_kernel(n_rows: int, n_cols: int):
    kb_n = n_rows // BB
    nchunks = n_cols * kb_n
    assert n_rows % BB == 0 and nchunks % NW == 0
    nch = nchunks // NW
    assert nch % NBUF == 0
    ngrp = nch // NBUF

    mesh = plsc.VectorSubcoreMesh(
        core_axis_name="c", subcore_axis_name="s",
        num_cores=NC, num_subcores=NS,
    )

    scratch = [pltpu.VMEM((nch, BB), jnp.int32)]
    scratch += [pltpu.VMEM((BB, D_PAD), jnp.float32) for _ in range(NBUF)]
    scratch += [pltpu.VMEM((D_MODEL, BB), jnp.float32) for _ in range(NBUF)]
    scratch += [pltpu.SemaphoreType.DMA for _ in range(2 * NBUF)]

    @functools.partial(
        pl.kernel,
        out_type=jax.ShapeDtypeStruct((n_cols * D_MODEL, n_rows), jnp.float32),
        mesh=mesh,
        scratch_types=scratch,
        compiler_params=pltpu.CompilerParams(
            use_tc_tiling_on_sc=True, needs_layout_passes=False),
    )
    def emb(idx_hbm, table_hbm, out_hbm, idx_v, *rest):
        rows = rest[:NBUF]
        tbuf = rest[NBUF:2 * NBUF]
        sem_in = rest[2 * NBUF:3 * NBUF]
        sem_out = rest[3 * NBUF:]

        wid = lax.axis_index("s") * NC + lax.axis_index("c")
        cid0 = wid * nch

        pltpu.sync_copy(idx_hbm.at[wid], idx_v)

        lanes = lax.iota(jnp.int32, L)
        rvecs = [lanes + (j0 * L) for j0 in range(BB // L)]


        def fire_gather(f, bf):
            pltpu.async_copy(table_hbm.at[idx_v.at[f]], rows[bf], sem_in[bf])

        def drain_gather(bf):
            pltpu.make_async_copy(
                table_hbm.at[pl.ds(0, BB)], rows[bf], sem_in[bf]).wait()

        def drain_store(bf):
            pltpu.make_async_copy(
                tbuf[bf], out_hbm.at[pl.ds(0, D_MODEL), pl.ds(0, BB)],
                sem_out[bf]).wait()

        for b in range(AHEAD):
            fire_gather(b, b)

        def group(i, carry):
            for b in range(NBUF):
                g = i * NBUF + b
                cid = cid0 + g
                s = cid // kb_n
                kb = cid - s * kb_n
                r = rows[b]
                t = tbuf[b]

                drain_gather(b)

                @pl.when(i > 0)
                def _drain(b=b):
                    drain_store(b)

                @plsc.parallel_loop(0, L, unroll=8)
                def diag(d, r=r, t=t):
                    rot = jnp.where(lanes < L - d, lanes + d, lanes + d - L)
                    for c0 in range(D_MODEL // L):
                        col = rot + (c0 * L)
                        for j0 in range(BB // L):
                            v = plsc.load_gather(r, [rvecs[j0], col])
                            plsc.store_scatter(t, [col, rvecs[j0]], v * SCALE)

                pltpu.async_copy(
                    t,
                    out_hbm.at[pl.ds(s * D_MODEL, D_MODEL),
                               pl.ds(kb * BB, BB)],
                    sem_out[b])

                @pl.when(g + AHEAD < nch)
                def _fire(g=g, b=b):
                    fire_gather(g + AHEAD, (b + AHEAD) % NBUF)
            return carry

        lax.fori_loop(0, ngrp, group, 0)

        for b in range(NBUF):
            drain_store(b)

    return emb


@functools.lru_cache(maxsize=None)
def _get_emb(n_rows: int, n_cols: int):
    return _make_emb_kernel(n_rows, n_cols)


def kernel(x, table):
    n_rows, n_cols = x.shape
    idx = x.T.astype(jnp.int32).reshape(NW, (n_cols * n_rows) // (NW * BB), BB)
    tablep = jnp.pad(table, ((0, 0), (0, D_PAD - D_MODEL)))
    out = _get_emb(n_rows, n_cols)(idx, tablep)
    return out.reshape(n_cols, D_MODEL, n_rows).transpose(2, 0, 1)

# --- scband reference (transcript-rebuilt; emitter-appended) ---
"""Pipeline reference for scband-amppretrain-seq-embedding-pass-6614249636097 (READ-ONLY COPY).

The authoritative reference and input builder live on the scoring server;
editing this copy changes nothing except your own understanding.
"""

import jax, jax.numpy as jnp
import numpy as np

VOCAB = 100000
D_MODEL = 64

def setup_inputs(seed: int = 0) -> dict:
    key = jax.random.key(seed)
    k1, k2 = jax.random.split(key)
    x = jax.random.randint(k1, (4096, 200), 0, VOCAB, dtype=jnp.int64)
    table = jax.random.normal(k2, (VOCAB, D_MODEL), dtype=jnp.float32) * 0.02
    return {"x": x, "table": table}

def reference(x, table):
    # Embedding lookup (mask_zero only affects downstream masking, not values)
    emb = jnp.take(table, x, axis=0)
    emb = emb * jnp.sqrt(jnp.asarray(D_MODEL, dtype=jnp.float32))
    return emb

if __name__ == "__main__":
    import jax
    _d = setup_inputs()
    print(jax.jit(kernel)(*tuple(_d.values())))

</pallas_src>

<mosaic_0001>
#map = affine_map<(d0, d1) -> (0, 0, 0)>
#map1 = affine_map<(d0, d1) -> (0, 0)>
module attributes {stable_mosaic.version = 14 : i64} {
  func.func @emb(%arg0: i32, %arg1: i32, %arg2: memref<32x200x128xi32, #tpu.memory_space<hbm>>, %arg3: memref<100000x128xf32, #tpu.memory_space<hbm>>, %arg4: memref<12800x4096xf32, #tpu.memory_space<hbm>>, %arg5: memref<200x128xi32, #tpu.memory_space<vmem>>, %arg6: memref<128x128xf32, #tpu.memory_space<vmem>>, %arg7: memref<128x128xf32, #tpu.memory_space<vmem>>, %arg8: memref<128x128xf32, #tpu.memory_space<vmem>>, %arg9: memref<128x128xf32, #tpu.memory_space<vmem>>, %arg10: memref<64x128xf32, #tpu.memory_space<vmem>>, %arg11: memref<64x128xf32, #tpu.memory_space<vmem>>, %arg12: memref<64x128xf32, #tpu.memory_space<vmem>>, %arg13: memref<64x128xf32, #tpu.memory_space<vmem>>, %arg14: memref<!tpu.dma_semaphore, #tpu.memory_space<semaphore_mem>>, %arg15: memref<!tpu.dma_semaphore, #tpu.memory_space<semaphore_mem>>, %arg16: memref<!tpu.dma_semaphore, #tpu.memory_space<semaphore_mem>>, %arg17: memref<!tpu.dma_semaphore, #tpu.memory_space<semaphore_mem>>, %arg18: memref<!tpu.dma_semaphore, #tpu.memory_space<semaphore_mem>>, %arg19: memref<!tpu.dma_semaphore, #tpu.memory_space<semaphore_mem>>, %arg20: memref<!tpu.dma_semaphore, #tpu.memory_space<semaphore_mem>>, %arg21: memref<!tpu.dma_semaphore, #tpu.memory_space<semaphore_mem>>) attributes {dimension_semantics = [#tpu.dimension_semantics<core_parallel>, #tpu.dimension_semantics<subcore_parallel>], iteration_bounds = array<i64: 2, 16>, scalar_prefetch = 0 : i64, scratch_operands = 17 : i64, tpu.core_type = #tpu.core_type<sc_vector_subcore>, window_params = [{transform_indices = #map}, {transform_indices = #map1}, {transform_indices = #map1}]} {
    %mul3A = arith.constant 2 : i32
    %mul3A_0 = arith.muli %arg1, %mul3A : i32
    %add3A = arith.addi %mul3A_0, %arg0 : i32
    %mul3A_1 = arith.constant 200 : i32
    %mul3A_2 = arith.muli %add3A, %mul3A_1 : i32
    "tpu.region"() ({
      %run_scoped3A = tpu.sem_alloc : memref<!tpu.dma_semaphore, #tpu.memory_space<semaphore_mem>>
      %dma_start3A_68 = arith.constant 0 : i32
      %dma_start3A_69 = arith.constant 0 : i32
      %dma_start3A_70 = tpu.memref_slice %arg2[%add3A, %dma_start3A_68, %dma_start3A_69] : memref<32x200x128xi32, #tpu.memory_space<hbm>> -> memref<1x200x128xi32, #tpu.memory_space<hbm>>
      %dma_start3A_71 = tpu.memref_squeeze %dma_start3A_70 : memref<1x200x128xi32, #tpu.memory_space<hbm>> -> memref<200x128xi32, #tpu.memory_space<hbm>>
      %dma_start3A_72 = arith.constant 0 : i32
      %dma_start3A_73 = arith.constant 0 : i32
      %dma_start3A_74 = tpu.memref_slice %arg2[%add3A, %dma_start3A_72, %dma_start3A_73] : memref<32x200x128xi32, #tpu.memory_space<hbm>> -> memref<1x200x128xi32, #tpu.memory_space<hbm>>
      %dma_start3A_75 = tpu.memref_squeeze %dma_start3A_74 : memref<1x200x128xi32, #tpu.memory_space<hbm>> -> memref<200x128xi32, #tpu.memory_space<hbm>>
      tpu.enqueue_dma source(%dma_start3A_75 : memref<200x128xi32, #tpu.memory_space<hbm>>) target(%arg5 : memref<200x128xi32, #tpu.memory_space<vmem>>) target_semaphore(%run_scoped3A : memref<!tpu.dma_semaphore, #tpu.memory_space<semaphore_mem>>)
      %dma_wait3A_76 = arith.constant 0 : i32
      %dma_wait3A_77 = arith.constant 0 : i32
      %dma_wait3A_78 = tpu.memref_slice %arg2[%add3A, %dma_wait3A_76, %dma_wait3A_77] : memref<32x200x128xi32, #tpu.memory_space<hbm>> -> memref<1x200x128xi32, #tpu.memory_space<hbm>>
      %dma_wait3A_79 = tpu.memref_squeeze %dma_wait3A_78 : memref<1x200x128xi32, #tpu.memory_space<hbm>> -> memref<200x128xi32, #tpu.memory_space<hbm>>
      %dma_wait3A_80 = arith.constant 0 : i32
      %dma_wait3A_81 = arith.constant 0 : i32
      %dma_wait3A_82 = tpu.memref_slice %arg2[%add3A, %dma_wait3A_80, %dma_wait3A_81] : memref<32x200x128xi32, #tpu.memory_space<hbm>> -> memref<1x200x128xi32, #tpu.memory_space<hbm>>
      %dma_wait3A_83 = tpu.memref_squeeze %dma_wait3A_82 : memref<1x200x128xi32, #tpu.memory_space<hbm>> -> memref<200x128xi32, #tpu.memory_space<hbm>>
      tpu.wait_dma2 semaphore(%run_scoped3A : memref<!tpu.dma_semaphore, #tpu.memory_space<semaphore_mem>>) src(%dma_wait3A_83 : memref<200x128xi32, #tpu.memory_space<hbm>>) dst(%arg5 : memref<200x128xi32, #tpu.memory_space<vmem>>)
      tpu.yield
    }) : () -> ()
    %iota3A = tpu.iota {dimensions = array<i32: 0>} : vector<16xi32>
    %add3A_3 = arith.constant 0 : i32
    %add3A_4 = vector.broadcast %add3A_3 : i32 to vector<16xi32>
    %add3A_5 = arith.addi %iota3A, %add3A_4 : vector<16xi32>
    %add3A_6 = arith.constant 16 : i32
    %add3A_7 = vector.broadcast %add3A_6 : i32 to vector<16xi32>
    %add3A_8 = arith.addi %iota3A, %add3A_7 : vector<16xi32>
    %add3A_9 = arith.constant 32 : i32
    %add3A_10 = vector.broadcast %add3A_9 : i32 to vector<16xi32>
    %add3A_11 = arith.addi %iota3A, %add3A_10 : vector<16xi32>
    %add3A_12 = arith.constant 48 : i32
    %add3A_13 = vector.broadcast %add3A_12 : i32 to vector<16xi32>
    %add3A_14 = arith.addi %iota3A, %add3A_13 : vector<16xi32>
    %add3A_15 = arith.constant 64 : i32
    %add3A_16 = vector.broadcast %add3A_15 : i32 to vector<16xi32>
    %add3A_17 = arith.addi %iota3A, %add3A_16 : vector<16xi32>
    %add3A_18 = arith.constant 80 : i32
    %add3A_19 = vector.broadcast %add3A_18 : i32 to vector<16xi32>
    %add3A_20 = arith.addi %iota3A, %add3A_19 : vector<16xi32>
    %add3A_21 = arith.constant 96 : i32
    %add3A_22 = vector.broadcast %add3A_21 : i32 to vector<16xi32>
    %add3A_23 = arith.addi %iota3A, %add3A_22 : vector<16xi32>
    %add3A_24 = arith.constant 112 : i32
    %add3A_25 = vector.broadcast %add3A_24 : i32 to vector<16xi32>
    %add3A_26 = arith.addi %iota3A, %add3A_25 : vector<16xi32>
    %dma_start3A = arith.constant 0 : i32
    %dma_start3A_27 = arith.constant 0 : i32
    %dma_start3A_28 = tpu.memref_slice %arg5[%dma_start3A, %dma_start3A_27] : memref<200x128xi32, #tpu.memory_space<vmem>> -> memref<1x128xi32, #tpu.memory_space<vmem>>
    %dma_start3A_29 = tpu.memref_squeeze %dma_start3A_28 : memref<1x128xi32, #tpu.memory_space<vmem>> -> memref<128xi32, #tpu.memory_space<vmem>>
    %dma_start3A_30 = arith.constant 0 : i32
    %dma_start3A_31 = arith.constant 0 : i32
    %dma_start3A_32 = tpu.memref_slice %arg3[%dma_start3A_30, %dma_start3A_31] : memref<100000x128xf32, #tpu.memory_space<hbm>> -> memref<100000x128xf32, #tpu.memory_space<hbm>>
    tpu.enqueue_indirect_dma source(%dma_start3A_32 : memref<100000x128xf32, #tpu.memory_space<hbm>>) target(%arg6 : memref<128x128xf32, #tpu.memory_space<vmem>>) offsets(%dma_start3A_29 : memref<128xi32, #tpu.memory_space<vmem>>) semaphore(%arg14 : memref<!tpu.dma_semaphore, #tpu.memory_space<semaphore_mem>>)
    %dma_start3A_33 = arith.constant 1 : i32
    %dma_start3A_34 = arith.constant 0 : i32
    %dma_start3A_35 = tpu.memref_slice %arg5[%dma_start3A_33, %dma_start3A_34] : memref<200x128xi32, #tpu.memory_space<vmem>> -> memref<1x128xi32, #tpu.memory_space<vmem>>
    %dma_start3A_36 = tpu.memref_squeeze %dma_start3A_35 : memref<1x128xi32, #tpu.memory_space<vmem>> -> memref<128xi32, #tpu.memory_space<vmem>>
    %dma_start3A_37 = arith.constant 0 : i32
    %dma_start3A_38 = arith.constant 0 : i32
    %dma_start3A_39 = tpu.memref_slice %arg3[%dma_start3A_37, %dma_start3A_38] : memref<100000x128xf32, #tpu.memory_space<hbm>> -> memref<100000x128xf32, #tpu.memory_space<hbm>>
    tpu.enqueue_indirect_dma source(%dma_start3A_39 : memref<100000x128xf32, #tpu.memory_space<hbm>>) target(%arg7 : memref<128x128xf32, #tpu.memory_space<vmem>>) offsets(%dma_start3A_36 : memref<128xi32, #tpu.memory_space<vmem>>) semaphore(%arg15 : memref<!tpu.dma_semaphore, #tpu.memory_space<semaphore_mem>>)
    %scan3A = arith.constant 0 : i32
    %scan3A_40 = arith.constant 0 : i32
    %scan3A_41 = arith.constant 50 : i32
    %scan3A_42 = arith.addi %scan3A_40, %scan3A_41 : i32
    %scan3A_43 = arith.constant 1 : i32
    scf.for %scan3A_68 = %scan3A_40 to %scan3A_42 step %scan3A_43  : i32 {
      %mul3A_69 = arith.constant 4 : i32
      %mul3A_70 = arith.muli %scan3A_68, %mul3A_69 : i32
      %add3A_71 = arith.constant 0 : i32
      %add3A_72 = arith.addi %mul3A_70, %add3A_71 : i32
      %add3A_73 = arith.addi %mul3A_2, %add3A_72 : i32
      %jit3A = arith.constant 32 : i32
      %div3A = arith.divsi %add3A_73, %jit3A : i32
      %sign3A = arith.constant 0 : i32
      %sign3A_74 = arith.cmpi sgt, %add3A_73, %sign3A : i32
      %sign3A_75 = arith.extui %sign3A_74 : i1 to i32
      %sign3A_76 = arith.constant 0 : i32
      %sign3A_77 = arith.cmpi slt, %add3A_73, %sign3A_76 : i32
      %sign3A_78 = arith.extui %sign3A_77 : i1 to i32
      %sign3A_79 = arith.subi %sign3A_75, %sign3A_78 : i32
      %sign3A_80 = arith.constant 0 : i32
      %sign3A_81 = arith.cmpi sgt, %jit3A, %sign3A_80 : i32
      %sign3A_82 = arith.extui %sign3A_81 : i1 to i32
      %sign3A_83 = arith.constant 0 : i32
      %sign3A_84 = arith.cmpi slt, %jit3A, %sign3A_83 : i32
      %sign3A_85 = arith.extui %sign3A_84 : i1 to i32
      %sign3A_86 = arith.subi %sign3A_82, %sign3A_85 : i32
      %ne3A = arith.cmpi ne, %sign3A_79, %sign3A_86 : i32
      %rem3A = arith.remsi %add3A_73, %jit3A : i32
      %ne3A_87 = arith.constant 0 : i32
      %ne3A_88 = arith.cmpi ne, %rem3A, %ne3A_87 : i32
      %and3A = arith.andi %ne3A, %ne3A_88 : i1
      %sub3A = arith.constant 1 : i32
      %sub3A_89 = arith.subi %div3A, %sub3A : i32
      %select_n3A = arith.select %and3A, %sub3A_89, %div3A : i32
      %mul3A_90 = arith.constant 32 : i32
      %mul3A_91 = arith.muli %select_n3A, %mul3A_90 : i32
      %sub3A_92 = arith.subi %add3A_73, %mul3A_91 : i32
      %dma_wait3A_93 = arith.constant 0 : i32
      %dma_wait3A_94 = arith.constant 0 : i32
      %dma_wait3A_95 = tpu.memref_slice %arg3[%dma_wait3A_93, %dma_wait3A_94] : memref<100000x128xf32, #tpu.memory_space<hbm>> -> memref<128x128xf32, #tpu.memory_space<hbm>>
      %dma_wait3A_96 = arith.constant 0 : i32
      %dma_wait3A_97 = arith.constant 0 : i32
      %dma_wait3A_98 = tpu.memref_slice %arg3[%dma_wait3A_96, %dma_wait3A_97] : memref<100000x128xf32, #tpu.memory_space<hbm>> -> memref<128x128xf32, #tpu.memory_space<hbm>>
      tpu.wait_dma2 semaphore(%arg14 : memref<!tpu.dma_semaphore, #tpu.memory_space<semaphore_mem>>) src(%dma_wait3A_98 : memref<128x128xf32, #tpu.memory_space<hbm>>) dst(%arg6 : memref<128x128xf32, #tpu.memory_space<vmem>>)
      %gt3A = arith.constant 0 : i32
      %gt3A_99 = arith.cmpi sgt, %scan3A_68, %gt3A : i32
      %convert_element_type3A = arith.extui %gt3A_99 : i1 to i32
      %cond3A = arith.constant 0 : i32
      %cond3A_100 = arith.cmpi ne, %convert_element_type3A, %cond3A : i32
      scf.if %cond3A_100 {
        %dma_wait3A_292 = arith.constant 0 : i32
        %dma_wait3A_293 = arith.constant 0 : i32
        %dma_wait3A_294 = tpu.memref_slice %arg4[%dma_wait3A_292, %dma_wait3A_293] : memref<12800x4096xf32, #tpu.memory_space<hbm>> -> memref<64x128xf32, #tpu.memory_space<hbm>>
        %dma_wait3A_295 = arith.constant 0 : i32
        %dma_wait3A_296 = arith.constant 0 : i32
        %dma_wait3A_297 = tpu.memref_slice %arg4[%dma_wait3A_295, %dma_wait3A_296] : memref<12800x4096xf32, #tpu.memory_space<hbm>> -> memref<64x128xf32, #tpu.memory_space<hbm>>
        tpu.wait_dma2 semaphore(%arg18 : memref<!tpu.dma_semaphore, #tpu.memory_space<semaphore_mem>>) src(%arg10 : memref<64x128xf32, #tpu.memory_space<vmem>>) dst(%dma_wait3A_297 : memref<64x128xf32, #tpu.memory_space<hbm>>)
      } else {
      }
      %parallel_loop3A = arith.constant 0 : i32
      %parallel_loop3A_101 = arith.constant 16 : i32
      %parallel_loop3A_102 = arith.constant 1 : i32
      scf.for %parallel_loop3A_292 = %parallel_loop3A to %parallel_loop3A_101 step %parallel_loop3A_102  : i32 {
        %parallel_loop3A_293 = arith.constant 16 : i32
        %parallel_loop3A_294 = arith.subi %parallel_loop3A_293, %parallel_loop3A_292 : i32
        %parallel_loop3A_295 = vector.broadcast %parallel_loop3A_294 : i32 to vector<16xi32>
        %parallel_loop3A_296 = arith.cmpi slt, %iota3A, %parallel_loop3A_295 : vector<16xi32>
        %parallel_loop3A_297 = vector.broadcast %parallel_loop3A_292 : i32 to vector<16xi32>
        %parallel_loop3A_298 = arith.addi %iota3A, %parallel_loop3A_297 : vector<16xi32>
        %parallel_loop3A_299 = vector.broadcast %parallel_loop3A_292 : i32 to vector<16xi32>
        %parallel_loop3A_300 = arith.addi %iota3A, %parallel_loop3A_299 : vector<16xi32>
        %parallel_loop3A_301 = arith.constant 16 : i32
        %parallel_loop3A_302 = vector.broadcast %parallel_loop3A_301 : i32 to vector<16xi32>
        %parallel_loop3A_303 = arith.subi %parallel_loop3A_300, %parallel_loop3A_302 : vector<16xi32>
        %parallel_loop3A_304 = arith.select %parallel_loop3A_296, %parallel_loop3A_298, %parallel_loop3A_303 : vector<16xi1>, vector<16xi32>
        %parallel_loop3A_305 = arith.constant 0 : i32
        %parallel_loop3A_306 = vector.broadcast %parallel_loop3A_305 : i32 to vector<16xi32>
        %parallel_loop3A_307 = arith.addi %parallel_loop3A_304, %parallel_loop3A_306 : vector<16xi32>
        %parallel_loop3A_308 = tpu.vector_load_idx %arg6[%add3A_5, %parallel_loop3A_307] : memref<128x128xf32, #tpu.memory_space<vmem>>[vector<16xi32>, vector<16xi32>], vector<16xf32>,
        %parallel_loop3A_309 = arith.constant 8.000000e+00 : f32
        %parallel_loop3A_310 = vector.broadcast %parallel_loop3A_309 : f32 to vector<16xf32>
        %parallel_loop3A_311 = arith.mulf %parallel_loop3A_308, %parallel_loop3A_310 : vector<16xf32>
        tpu.vector_store_idx %arg10[%parallel_loop3A_307, %add3A_5], %parallel_loop3A_311 : memref<64x128xf32, #tpu.memory_space<vmem>>[vector<16xi32>, vector<16xi32>], vector<16xf32>,
        %parallel_loop3A_312 = tpu.vector_load_idx %arg6[%add3A_8, %parallel_loop3A_307] : memref<128x128xf32, #tpu.memory_space<vmem>>[vector<16xi32>, vector<16xi32>], vector<16xf32>,
        %parallel_loop3A_313 = arith.constant 8.000000e+00 : f32
        %parallel_loop3A_314 = vector.broadcast %parallel_loop3A_313 : f32 to vector<16xf32>
        %parallel_loop3A_315 = arith.mulf %parallel_loop3A_312, %parallel_loop3A_314 : vector<16xf32>
        tpu.vector_store_idx %arg10[%parallel_loop3A_307, %add3A_8], %parallel_loop3A_315 : memref<64x128xf32, #tpu.memory_space<vmem>>[vector<16xi32>, vector<16xi32>], vector<16xf32>,
        %parallel_loop3A_316 = tpu.vector_load_idx %arg6[%add3A_11, %parallel_loop3A_307] : memref<128x128xf32, #tpu.memory_space<vmem>>[vector<16xi32>, vector<16xi32>], vector<16xf32>,
        %parallel_loop3A_317 = arith.constant 8.000000e+00 : f32
        %parallel_loop3A_318 = vector.broadcast %parallel_loop3A_317 : f32 to vector<16xf32>
        %parallel_loop3A_319 = arith.mulf %parallel_loop3A_316, %parallel_loop3A_318 : vector<16xf32>
        tpu.vector_store_idx %arg10[%parallel_loop3A_307, %add3A_11], %parallel_loop3A_319 : memref<64x128xf32, #tpu.memory_space<vmem>>[vector<16xi32>, vector<16xi32>], vector<16xf32>,
        %parallel_loop3A_320 = tpu.vector_load_idx %arg6[%add3A_14, %parallel_loop3A_307] : memref<128x128xf32, #tpu.memory_space<vmem>>[vector<16xi32>, vector<16xi32>], vector<16xf32>,
        %parallel_loop3A_321 = arith.constant 8.000000e+00 : f32
        %parallel_loop3A_322 = vector.broadcast %parallel_loop3A_321 : f32 to vector<16xf32>
        %parallel_loop3A_323 = arith.mulf %parallel_loop3A_320, %parallel_loop3A_322 : vector<16xf32>
        tpu.vector_store_idx %arg10[%parallel_loop3A_307, %add3A_14], %parallel_loop3A_323 : memref<64x128xf32, #tpu.memory_space<vmem>>[vector<16xi32>, vector<16xi32>], vector<16xf32>,
        %parallel_loop3A_324 = tpu.vector_load_idx %arg6[%add3A_17, %parallel_loop3A_307] : memref<128x128xf32, #tpu.memory_space<vmem>>[vector<16xi32>, vector<16xi32>], vector<16xf32>,
        %parallel_loop3A_325 = arith.constant 8.000000e+00 : f32
        %parallel_loop3A_326 = vector.broadcast %parallel_loop3A_325 : f32 to vector<16xf32>
        %parallel_loop3A_327 = arith.mulf %parallel_loop3A_324, %parallel_loop3A_326 : vector<16xf32>
        tpu.vector_store_idx %arg10[%parallel_loop3A_307, %add3A_17], %parallel_loop3A_327 : memref<64x128xf32, #tpu.memory_space<vmem>>[vector<16xi32>, vector<16xi32>], vector<16xf32>,
        %parallel_loop3A_328 = tpu.vector_load_idx %arg6[%add3A_20, %parallel_loop3A_307] : memref<128x128xf32, #tpu.memory_space<vmem>>[vector<16xi32>, vector<16xi32>], vector<16xf32>,
        %parallel_loop3A_329 = arith.constant 8.000000e+00 : f32
        %parallel_loop3A_330 = vector.broadcast %parallel_loop3A_329 : f32 to vector<16xf32>
        %parallel_loop3A_331 = arith.mulf %parallel_loop3A_328, %parallel_loop3A_330 : vector<16xf32>
        tpu.vector_store_idx %arg10[%parallel_loop3A_307, %add3A_20], %parallel_loop3A_331 : memref<64x128xf32, #tpu.memory_space<vmem>>[vector<16xi32>, vector<16xi32>], vector<16xf32>,
        %parallel_loop3A_332 = tpu.vector_load_idx %arg6[%add3A_23, %parallel_loop3A_307] : memref<128x128xf32, #tpu.memory_space<vmem>>[vector<16xi32>, vector<16xi32>], vector<16xf32>,
        %parallel_loop3A_333 = arith.constant 8.000000e+00 : f32
        %parallel_loop3A_334 = vector.broadcast %parallel_loop3A_333 : f32 to vector<16xf32>
        %parallel_loop3A_335 = arith.mulf %parallel_loop3A_332, %parallel_loop3A_334 : vector<16xf32>
        tpu.vector_store_idx %arg10[%parallel_loop3A_307, %add3A_23], %parallel_loop3A_335 : memref<64x128xf32, #tpu.memory_space<vmem>>[vector<16xi32>, vector<16xi32>], vector<16xf32>,
        %parallel_loop3A_336 = tpu.vector_load_idx %arg6[%add3A_26, %parallel_loop3A_307] : memref<128x128xf32, #tpu.memory_space<vmem>>[vector<16xi32>, vector<16xi32>], vector<16xf32>,
        %parallel_loop3A_337 = arith.constant 8.000000e+00 : f32
        %parallel_loop3A_338 = vector.broadcast %parallel_loop3A_337 : f32 to vector<16xf32>
        %parallel_loop3A_339 = arith.mulf %parallel_loop3A_336, %parallel_loop3A_338 : vector<16xf32>
        tpu.vector_store_idx %arg10[%parallel_loop3A_307, %add3A_26], %parallel_loop3A_339 : memref<64x128xf32, #tpu.memory_space<vmem>>[vector<16xi32>, vector<16xi32>], vector<16xf32>,
        %parallel_loop3A_340 = arith.constant 16 : i32
        %parallel_loop3A_341 = vector.broadcast %parallel_loop3A_340 : i32 to vector<16xi32>
        %parallel_loop3A_342 = arith.addi %parallel_loop3A_304, %parallel_loop3A_341 : vector<16xi32>
        %parallel_loop3A_343 = tpu.vector_load_idx %arg6[%add3A_5, %parallel_loop3A_342] : memref<128x128xf32, #tpu.memory_space<vmem>>[vector<16xi32>, vector<16xi32>], vector<16xf32>,
        %parallel_loop3A_344 = arith.constant 8.000000e+00 : f32
        %parallel_loop3A_345 = vector.broadcast %parallel_loop3A_344 : f32 to vector<16xf32>
        %parallel_loop3A_346 = arith.mulf %parallel_loop3A_343, %parallel_loop3A_345 : vector<16xf32>
        tpu.vector_store_idx %arg10[%parallel_loop3A_342, %add3A_5], %parallel_loop3A_346 : memref<64x128xf32, #tpu.memory_space<vmem>>[vector<16xi32>, vector<16xi32>], vector<16xf32>,
        %parallel_loop3A_347 = tpu.vector_load_idx %arg6[%add3A_8, %parallel_loop3A_342] : memref<128x128xf32, #tpu.memory_space<vmem>>[vector<16xi32>, vector<16xi32>], vector<16xf32>,
        %parallel_loop3A_348 = arith.constant 8.000000e+00 : f32
        %parallel_loop3A_349 = vector.broadcast %parallel_loop3A_348 : f32 to vector<16xf32>
        %parallel_loop3A_350 = arith.mulf %parallel_loop3A_347, %parallel_loop3A_349 : vector<16xf32>
        tpu.vector_store_idx %arg10[%parallel_loop3A_342, %add3A_8], %parallel_loop3A_350 : memref<64x128xf32, #tpu.memory_space<vmem>>[vector<16xi32>, vector<16xi32>], vector<16xf32>,
        %parallel_loop3A_351 = tpu.vector_load_idx %arg6[%add3A_11, %parallel_loop3A_342] : memref<128x128xf32, #tpu.memory_space<vmem>>[vector<16xi32>, vector<16xi32>], vector<16xf32>,
        %parallel_loop3A_352 = arith.constant 8.000000e+00 : f32
        %parallel_loop3A_353 = vector.broadcast %parallel_loop3A_352 : f32 to vector<16xf32>
        %parallel_loop3A_354 = arith.mulf %parallel_loop3A_351, %parallel_loop3A_353 : vector<16xf32>
        tpu.vector_store_idx %arg10[%parallel_loop3A_342, %add3A_11], %parallel_loop3A_354 : memref<64x128xf32, #tpu.memory_space<vmem>>[vector<16xi32>, vector<16xi32>], vector<16xf32>,
        %parallel_loop3A_355 = tpu.vector_load_idx %arg6[%add3A_14, %parallel_loop3A_342] : memref<128x128xf32, #tpu.memory_space<vmem>>[vector<16xi32>, vector<16xi32>], vector<16xf32>,
        %parallel_loop3A_356 = arith.constant 8.000000e+00 : f32
        %parallel_loop3A_357 = vector.broadcast %parallel_loop3A_356 : f32 to vector<16xf32>
        %parallel_loop3A_358 = arith.mulf %parallel_loop3A_355, %parallel_loop3A_357 : vector<16xf32>
        tpu.vector_store_idx %arg10[%parallel_loop3A_342, %add3A_14], %parallel_loop3A_358 : memref<64x128xf32, #tpu.memory_space<vmem>>[vector<16xi32>, vector<16xi32>], vector<16xf32>,
        %parallel_loop3A_359 = tpu.vector_load_idx %arg6[%add3A_17, %parallel_loop3A_342] : memref<128x128xf32, #tpu.memory_space<vmem>>[vector<16xi32>, vector<16xi32>], vector<16xf32>,
        %parallel_loop3A_360 = arith.constant 8.000000e+00 : f32
        %parallel_loop3A_361 = vector.broadcast %parallel_loop3A_360 : f32 to vector<16xf32>
        %parallel_loop3A_362 = arith.mulf %parallel_loop3A_359, %parallel_loop3A_361 : vector<16xf32>
        tpu.vector_store_idx %arg10[%parallel_loop3A_342, %add3A_17], %parallel_loop3A_362 : memref<64x128xf32, #tpu.memory_space<vmem>>[vector<16xi32>, vector<16xi32>], vector<16xf32>,
        %parallel_loop3A_363 = tpu.vector_load_idx %arg6[%add3A_20, %parallel_loop3A_342] : memref<128x128xf32, #tpu.memory_space<vmem>>[vector<16xi32>, vector<16xi32>], vector<16xf32>,
        %parallel_loop3A_364 = arith.constant 8.000000e+00 : f32
        %parallel_loop3A_365 = vector.broadcast %parallel_loop3A_364 : f32 to vector<16xf32>
        %parallel_loop3A_366 = arith.mulf %parallel_loop3A_363, %parallel_loop3A_365 : vector<16xf32>
        tpu.vector_store_idx %arg10[%parallel_loop3A_342, %add3A_20], %parallel_loop3A_366 : memref<64x128xf32, #tpu.memory_space<vmem>>[vector<16xi32>, vector<16xi32>], vector<16xf32>,
        %parallel_loop3A_367 = tpu.vector_load_idx %arg6[%add3A_23, %parallel_loop3A_342] : memref<128x128xf32, #tpu.memory_space<vmem>>[vector<16xi32>, vector<16xi32>], vector<16xf32>,
        %parallel_loop3A_368 = arith.constant 8.000000e+00 : f32
        %parallel_loop3A_369 = vector.broadcast %parallel_loop3A_368 : f32 to vector<16xf32>
        %parallel_loop3A_370 = arith.mulf %parallel_loop3A_367, %parallel_loop3A_369 : vector<16xf32>
        tpu.vector_store_idx %arg10[%parallel_loop3A_342, %add3A_23], %parallel_loop3A_370 : memref<64x128xf32, #tpu.memory_space<vmem>>[vector<16xi32>, vector<16xi32>], vector<16xf32>,
        %parallel_loop3A_371 = tpu.vector_load_idx %arg6[%add3A_26, %parallel_loop3A_342] : memref<128x128xf32, #tpu.memory_space<vmem>>[vector<16xi32>, vector<16xi32>], vector<16xf32>,
        %parallel_loop3A_372 = arith.constant 8.000000e+00 : f32
        %parallel_loop3A_373 = vector.broadcast %parallel_loop3A_372 : f32 to vector<16xf32>
        %parallel_loop3A_374 = arith.mulf %parallel_loop3A_371, %parallel_loop3A_373 : vector<16xf32>
        tpu.vector_store_idx %arg10[%parallel_loop3A_342, %add3A_26], %parallel_loop3A_374 : memref<64x128xf32, #tpu.memory_space<vmem>>[vector<16xi32>, vector<16xi32>], vector<16xf32>,
        %parallel_loop3A_375 = arith.constant 32 : i32
        %parallel_loop3A_376 = vector.broadcast %parallel_loop3A_375 : i32 to vector<16xi32>
        %parallel_loop3A_377 = arith.addi %parallel_loop3A_304, %parallel_loop3A_376 : vector<16xi32>
        %parallel_loop3A_378 = tpu.vector_load_idx %arg6[%add3A_5, %parallel_loop3A_377] : memref<128x128xf32, #tpu.memory_space<vmem>>[vector<16xi32>, vector<16xi32>], vector<16xf32>,
        %parallel_loop3A_379 = arith.constant 8.000000e+00 : f32
        %parallel_loop3A_380 = vector.broadcast %parallel_loop3A_379 : f32 to vector<16xf32>
        %parallel_loop3A_381 = arith.mulf %parallel_loop3A_378, %parallel_loop3A_380 : vector<16xf32>
        tpu.vector_store_idx %arg10[%parallel_loop3A_377, %add3A_5], %parallel_loop3A_381 : memref<64x128xf32, #tpu.memory_space<vmem>>[vector<16xi32>, vector<16xi32>], vector<16xf32>,
        %parallel_loop3A_382 = tpu.vector_load_idx %arg6[%add3A_8, %parallel_loop3A_377] : memref<128x128xf32, #tpu.memory_space<vmem>>[vector<16xi32>, vector<16xi32>], vector<16xf32>,
        %parallel_loop3A_383 = arith.constant 8.000000e+00 : f32
        %parallel_loop3A_384 = vector.broadcast %parallel_loop3A_383 : f32 to vector<16xf32>
        %parallel_loop3A_385 = arith.mulf %parallel_loop3A_382, %parallel_loop3A_384 : vector<16xf32>
        tpu.vector_store_idx %arg10[%parallel_loop3A_377, %add3A_8], %parallel_loop3A_385 : memref<64x128xf32, #tpu.memory_space<vmem>>[vector<16xi32>, vector<16xi32>], vector<16xf32>,
        %parallel_loop3A_386 = tpu.vector_load_idx %arg6[%add3A_11, %parallel_loop3A_377] : memref<128x128xf32, #tpu.memory_space<vmem>>[vector<16xi32>, vector<16xi32>], vector<16xf32>,
        %parallel_loop3A_387 = arith.constant 8.000000e+00 : f32
        %parallel_loop3A_388 = vector.broadcast %parallel_loop3A_387 : f32 to vector<16xf32>
        %parallel_loop3A_389 = arith.mulf %parallel_loop3A_386, %parallel_loop3A_388 : vector<16xf32>
        tpu.vector_store_idx %arg10[%parallel_loop3A_377, %add3A_11], %parallel_loop3A_389 : memref<64x128xf32, #tpu.memory_space<vmem>>[vector<16xi32>, vector<16xi32>], vector<16xf32>,
        %parallel_loop3A_390 = tpu.vector_load_idx %arg6[%add3A_14, %parallel_loop3A_377] : memref<128x128xf32, #tpu.memory_space<vmem>>[vector<16xi32>, vector<16xi32>], vector<16xf32>,
        %parallel_loop3A_391 = arith.constant 8.000000e+00 : f32
        %parallel_loop3A_392 = vector.broadcast %parallel_loop3A_391 : f32 to vector<16xf32>
        %parallel_loop3A_393 = arith.mulf %parallel_loop3A_390, %parallel_loop3A_392 : vector<16xf32>
        tpu.vector_store_idx %arg10[%parallel_loop3A_377, %add3A_14], %parallel_loop3A_393 : memref<64x128xf32, #tpu.memory_space<vmem>>[vector<16xi32>, vector<16xi32>], vector<16xf32>,
        %parallel_loop3A_394 = tpu.vector_load_idx %arg6[%add3A_17, %parallel_loop3A_377] : memref<128x128xf32, #tpu.memory_space<vmem>>[vector<16xi32>, vector<16xi32>], vector<16xf32>,
        %parallel_loop3A_395 = arith.constant 8.000000e+00 : f32
        %parallel_loop3A_396 = vector.broadcast %parallel_loop3A_395 : f32 to vector<16xf32>
        %parallel_loop3A_397 = arith.mulf %parallel_loop3A_394, %parallel_loop3A_396 : vector<16xf32>
        tpu.vector_store_idx %arg10[%parallel_loop3A_377, %add3A_17], %parallel_loop3A_397 : memref<64x128xf32, #tpu.memory_space<vmem>>[vector<16xi32>, vector<16xi32>], vector<16xf32>,
        %parallel_loop3A_398 = tpu.vector_load_idx %arg6[%add3A_20, %parallel_loop3A_377] : memref<128x128xf32, #tpu.memory_space<vmem>>[vector<16xi32>, vector<16xi32>], vector<16xf32>,
        %parallel_loop3A_399 = arith.constant 8.000000e+00 : f32
        %parallel_loop3A_400 = vector.broadcast %parallel_loop3A_399 : f32 to vector<16xf32>
        %parallel_loop3A_401 = arith.mulf %parallel_loop3A_398, %parallel_loop3A_400 : vector<16xf32>
        tpu.vector_store_idx %arg10[%parallel_loop3A_377, %add3A_20], %parallel_loop3A_401 : memref<64x128xf32, #tpu.memory_space<vmem>>[vector<16xi32>, vector<16xi32>], vector<16xf32>,
        %parallel_loop3A_402 = tpu.vector_load_idx %arg6[%add3A_23, %parallel_loop3A_377] : memref<128x128xf32, #tpu.memory_space<vmem>>[vector<16xi32>, vector<16xi32>], vector<16xf32>,
        %parallel_loop3A_403 = arith.constant 8.000000e+00 : f32
        %parallel_loop3A_404 = vector.broadcast %parallel_loop3A_403 : f32 to vector<16xf32>
        %parallel_loop3A_405 = arith.mulf %parallel_loop3A_402, %parallel_loop3A_404 : vector<16xf32>
        tpu.vector_store_idx %arg10[%parallel_loop3A_377, %add3A_23], %parallel_loop3A_405 : memref<64x128xf32, #tpu.memory_space<vmem>>[vector<16xi32>, vector<16xi32>], vector<16xf32>,
        %parallel_loop3A_406 = tpu.vector_load_idx %arg6[%add3A_26, %parallel_loop3A_377] : memref<128x128xf32, #tpu.memory_space<vmem>>[vector<16xi32>, vector<16xi32>], vector<16xf32>,
        %parallel_loop3A_407 = arith.constant 8.000000e+00 : f32
        %parallel_loop3A_408 = vector.broadcast %parallel_loop3A_407 : f32 to vector<16xf32>
        %parallel_loop3A_409 = arith.mulf %parallel_loop3A_406, %parallel_loop3A_408 : vector<16xf32>
        tpu.vector_store_idx %arg10[%parallel_loop3A_377, %add3A_26], %parallel_loop3A_409 : memref<64x128xf32, #tpu.memory_space<vmem>>[vector<16xi32>, vector<16xi32>], vector<16xf32>,
        %parallel_loop3A_410 = arith.constant 48 : i32
        %parallel_loop3A_411 = vector.broadcast %parallel_loop3A_410 : i32 to vector<16xi32>
        %parallel_loop3A_412 = arith.addi %parallel_loop3A_304, %parallel_loop3A_411 : vector<16xi32>
        %parallel_loop3A_413 = tpu.vector_load_idx %arg6[%add3A_5, %parallel_loop3A_412] : memref<128x128xf32, #tpu.memory_space<vmem>>[vector<16xi32>, vector<16xi32>], vector<16xf32>,
        %parallel_loop3A_414 = arith.constant 8.000000e+00 : f32
        %parallel_loop3A_415 = vector.broadcast %parallel_loop3A_414 : f32 to vector<16xf32>
        %parallel_loop3A_416 = arith.mulf %parallel_loop3A_413, %parallel_loop3A_415 : vector<16xf32>
        tpu.vector_store_idx %arg10[%parallel_loop3A_412, %add3A_5], %parallel_loop3A_416 : memref<64x128xf32, #tpu.memory_space<vmem>>[vector<16xi32>, vector<16xi32>], vector<16xf32>,
        %parallel_loop3A_417 = tpu.vector_load_idx %arg6[%add3A_8, %parallel_loop3A_412] : memref<128x128xf32, #tpu.memory_space<vmem>>[vector<16xi32>, vector<16xi32>], vector<16xf32>,
        %parallel_loop3A_418 = arith.constant 8.000000e+00 : f32
        %parallel_loop3A_419 = vector.broadcast %parallel_loop3A_418 : f32 to vector<16xf32>
        %parallel_loop3A_420 = arith.mulf %parallel_loop3A_417, %parallel_loop3A_419 : vector<16xf32>
        tpu.vector_store_idx %arg10[%parallel_loop3A_412, %add3A_8], %parallel_loop3A_420 : memref<64x128xf32, #tpu.memory_space<vmem>>[vector<16xi32>, vector<16xi32>], vector<16xf32>,
        %parallel_loop3A_421 = tpu.vector_load_idx %arg6[%add3A_11, %parallel_loop3A_412] : memref<128x128xf32, #tpu.memory_space<vmem>>[vector<16xi32>, vector<16xi32>], vector<16xf32>,
        %parallel_loop3A_422 = arith.constant 8.000000e+00 : f32
        %parallel_loop3A_423 = vector.broadcast %parallel_loop3A_422 : f32 to vector<16xf32>
        %parallel_loop3A_424 = arith.mulf %parallel_loop3A_421, %parallel_loop3A_423 : vector<16xf32>
        tpu.vector_store_idx %arg10[%parallel_loop3A_412, %add3A_11], %parallel_loop3A_424 : memref<64x128xf32, #tpu.memory_space<vmem>>[vector<16xi32>, vector<16xi32>], vector<16xf32>,
        %parallel_loop3A_425 = tpu.vector_load_idx %arg6[%add3A_14, %parallel_loop3A_412] : memref<128x128xf32, #tpu.memory_space<vmem>>[vector<16xi32>, vector<16xi32>], vector<16xf32>,
        %parallel_loop3A_426 = arith.constant 8.000000e+00 : f32
        %parallel_loop3A_427 = vector.broadcast %parallel_loop3A_426 : f32 to vector<16xf32>
        %parallel_loop3A_428 = arith.mulf %parallel_loop3A_425, %parallel_loop3A_427 : vector<16xf32>
        tpu.vector_store_idx %arg10[%parallel_loop3A_412, %add3A_14], %parallel_loop3A_428 : memref<64x128xf32, #tpu.memory_space<vmem>>[vector<16xi32>, vector<16xi32>], vector<16xf32>,
        %parallel_loop3A_429 = tpu.vector_load_idx %arg6[%add3A_17, %parallel_loop3A_412] : memref<128x128xf32, #tpu.memory_space<vmem>>[vector<16xi32>, vector<16xi32>], vector<16xf32>,
        %parallel_loop3A_430 = arith.constant 8.000000e+00 : f32
        %parallel_loop3A_431 = vector.broadcast %parallel_loop3A_430 : f32 to vector<16xf32>
        %parallel_loop3A_432 = arith.mulf %parallel_loop3A_429, %parallel_loop3A_431 : vector<16xf32>
        tpu.vector_store_idx %arg10[%parallel_loop3A_412, %add3A_17], %parallel_loop3A_432 : memref<64x128xf32, #tpu.memory_space<vmem>>[vector<16xi32>, vector<16xi32>], vector<16xf32>,
        %parallel_loop3A_433 = tpu.vector_load_idx %arg6[%add3A_20, %parallel_loop3A_412] : memref<128x128xf32, #tpu.memory_space<vmem>>[vector<16xi32>, vector<16xi32>], vector<16xf32>,
        %parallel_loop3A_434 = arith.constant 8.000000e+00 : f32
        %parallel_loop3A_435 = vector.broadcast %parallel_loop3A_434 : f32 to vector<16xf32>
        %parallel_loop3A_436 = arith.mulf %parallel_loop3A_433, %parallel_loop3A_435 : vector<16xf32>
        tpu.vector_store_idx %arg10[%parallel_loop3A_412, %add3A_20], %parallel_loop3A_436 : memref<64x128xf32, #tpu.memory_space<vmem>>[vector<16xi32>, vector<16xi32>], vector<16xf32>,
        %parallel_loop3A_437 = tpu.vector_load_idx %arg6[%add3A_23, %parallel_loop3A_412] : memref<128x128xf32, #tpu.memory_space<vmem>>[vector<16xi32>, vector<16xi32>], vector<16xf32>,
        %parallel_loop3A_438 = arith.constant 8.000000e+00 : f32
        %parallel_loop3A_439 = vector.broadcast %parallel_loop3A_438 : f32 to vector<16xf32>
        %parallel_loop3A_440 = arith.mulf %parallel_loop3A_437, %parallel_loop3A_439 : vector<16xf32>
        tpu.vector_store_idx %arg10[%parallel_loop3A_412, %add3A_23], %parallel_loop3A_440 : memref<64x128xf32, #tpu.memory_space<vmem>>[vector<16xi32>, vector<16xi32>], vector<16xf32>,
        %parallel_loop3A_441 = tpu.vector_load_idx %arg6[%add3A_26, %parallel_loop3A_412] : memref<128x128xf32, #tpu.memory_space<vmem>>[vector<16xi32>, vector<16xi32>], vector<16xf32>,
        %parallel_loop3A_442 = arith.constant 8.000000e+00 : f32
        %parallel_loop3A_443 = vector.broadcast %parallel_loop3A_442 : f32 to vector<16xf32>
        %parallel_loop3A_444 = arith.mulf %parallel_loop3A_441, %parallel_loop3A_443 : vector<16xf32>
        tpu.vector_store_idx %arg10[%parallel_loop3A_412, %add3A_26], %parallel_loop3A_444 : memref<64x128xf32, #tpu.memory_space<vmem>>[vector<16xi32>, vector<16xi32>], vector<16xf32>,
      } {sc.loop_unroll_factor = 8 : i64, sc.parallel_access}
      %mul3A_103 = arith.constant 64 : i32
      %mul3A_104 = arith.muli %select_n3A, %mul3A_103 : i32
      %mul3A_105 = arith.constant 128 : i32
      %mul3A_106 = arith.muli %sub3A_92, %mul3A_105 : i32
      %dma_start3A_107 = tpu.memref_slice %arg4[%mul3A_104, %mul3A_106] : memref<12800x4096xf32, #tpu.memory_space<hbm>> -> memref<64x128xf32, #tpu.memory_space<hbm>>
      %dma_start3A_108 = tpu.memref_slice %arg4[%mul3A_104, %mul3A_106] : memref<12800x4096xf32, #tpu.memory_space<hbm>> -> memref<64x128xf32, #tpu.memory_space<hbm>>
      tpu.enqueue_dma source(%arg10 : memref<64x128xf32, #tpu.memory_space<vmem>>) target(%dma_start3A_108 : memref<64x128xf32, #tpu.memory_space<hbm>>) target_semaphore(%arg18 : memref<!tpu.dma_semaphore, #tpu.memory_space<semaphore_mem>>)
      %add3A_109 = arith.constant 2 : i32
      %add3A_110 = arith.addi %add3A_72, %add3A_109 : i32
      %lt3A = arith.constant 200 : i32
      %lt3A_111 = arith.cmpi slt, %add3A_110, %lt3A : i32
      %convert_element_type3A_112 = arith.extui %lt3A_111 : i1 to i32
      %cond3A_113 = arith.constant 0 : i32
      %cond3A_114 = arith.cmpi ne, %convert_element_type3A_112, %cond3A_113 : i32
      scf.if %cond3A_114 {
        %add3A_292 = arith.constant 2 : i32
        %add3A_293 = arith.addi %add3A_72, %add3A_292 : i32
        %dma_start3A_294 = arith.constant 0 : i32
        %dma_start3A_295 = tpu.memref_slice %arg5[%add3A_293, %dma_start3A_294] : memref<200x128xi32, #tpu.memory_space<vmem>> -> memref<1x128xi32, #tpu.memory_space<vmem>>
        %dma_start3A_296 = tpu.memref_squeeze %dma_start3A_295 : memref<1x128xi32, #tpu.memory_space<vmem>> -> memref<128xi32, #tpu.memory_space<vmem>>
        %dma_start3A_297 = arith.constant 0 : i32
        %dma_start3A_298 = arith.constant 0 : i32
        %dma_start3A_299 = tpu.memref_slice %arg3[%dma_start3A_297, %dma_start3A_298] : memref<100000x128xf32, #tpu.memory_space<hbm>> -> memref<100000x128xf32, #tpu.memory_space<hbm>>
        tpu.enqueue_indirect_dma source(%dma_start3A_299 : memref<100000x128xf32, #tpu.memory_space<hbm>>) target(%arg8 : memref<128x128xf32, #tpu.memory_space<vmem>>) offsets(%dma_start3A_296 : memref<128xi32, #tpu.memory_space<vmem>>) semaphore(%arg16 : memref<!tpu.dma_semaphore, #tpu.memory_space<semaphore_mem>>)
      } else {
      }
      %mul3A_115 = arith.constant 4 : i32
      %mul3A_116 = arith.muli %scan3A_68, %mul3A_115 : i32
      %add3A_117 = arith.constant 1 : i32
      %add3A_118 = arith.addi %mul3A_116, %add3A_117 : i32
      %add3A_119 = arith.addi %mul3A_2, %add3A_118 : i32
      %jit3A_120 = arith.constant 32 : i32
      %div3A_121 = arith.divsi %add3A_119, %jit3A_120 : i32
      %sign3A_122 = arith.constant 0 : i32
      %sign3A_123 = arith.cmpi sgt, %add3A_119, %sign3A_122 : i32
      %sign3A_124 = arith.extui %sign3A_123 : i1 to i32
      %sign3A_125 = arith.constant 0 : i32
      %sign3A_126 = arith.cmpi slt, %add3A_119, %sign3A_125 : i32
      %sign3A_127 = arith.extui %sign3A_126 : i1 to i32
      %sign3A_128 = arith.subi %sign3A_124, %sign3A_127 : i32
      %sign3A_129 = arith.constant 0 : i32
      %sign3A_130 = arith.cmpi sgt, %jit3A_120, %sign3A_129 : i32
      %sign3A_131 = arith.extui %sign3A_130 : i1 to i32
      %sign3A_132 = arith.constant 0 : i32
      %sign3A_133 = arith.cmpi slt, %jit3A_120, %sign3A_132 : i32
      %sign3A_134 = arith.extui %sign3A_133 : i1 to i32
      %sign3A_135 = arith.subi %sign3A_131, %sign3A_134 : i32
      %ne3A_136 = arith.cmpi ne, %sign3A_128, %sign3A_135 : i32
      %rem3A_137 = arith.remsi %add3A_119, %jit3A_120 : i32
      %ne3A_138 = arith.constant 0 : i32
      %ne3A_139 = arith.cmpi ne, %rem3A_137, %ne3A_138 : i32
      %and3A_140 = arith.andi %ne3A_136, %ne3A_139 : i1
      %sub3A_141 = arith.constant 1 : i32
      %sub3A_142 = arith.subi %div3A_121, %sub3A_141 : i32
      %select_n3A_143 = arith.select %and3A_140, %sub3A_142, %div3A_121 : i32
      %mul3A_144 = arith.constant 32 : i32
      %mul3A_145 = arith.muli %select_n3A_143, %mul3A_144 : i32
      %sub3A_146 = arith.subi %add3A_119, %mul3A_145 : i32
      %dma_wait3A_147 = arith.constant 0 : i32
      %dma_wait3A_148 = arith.constant 0 : i32
      %dma_wait3A_149 = tpu.memref_slice %arg3[%dma_wait3A_147, %dma_wait3A_148] : memref<100000x128xf32, #tpu.memory_space<hbm>> -> memref<128x128xf32, #tpu.memory_space<hbm>>
      %dma_wait3A_150 = arith.constant 0 : i32
      %dma_wait3A_151 = arith.constant 0 : i32
      %dma_wait3A_152 = tpu.memref_slice %arg3[%dma_wait3A_150, %dma_wait3A_151] : memref<100000x128xf32, #tpu.memory_space<hbm>> -> memref<128x128xf32, #tpu.memory_space<hbm>>
      tpu.wait_dma2 semaphore(%arg15 : memref<!tpu.dma_semaphore, #tpu.memory_space<semaphore_mem>>) src(%dma_wait3A_152 : memref<128x128xf32, #tpu.memory_space<hbm>>) dst(%arg7 : memref<128x128xf32, #tpu.memory_space<vmem>>)
      %gt3A_153 = arith.constant 0 : i32
      %gt3A_154 = arith.cmpi sgt, %scan3A_68, %gt3A_153 : i32
      %convert_element_type3A_155 = arith.extui %gt3A_154 : i1 to i32
      %cond3A_156 = arith.constant 0 : i32
      %cond3A_157 = arith.cmpi ne, %convert_element_type3A_155, %cond3A_156 : i32
      scf.if %cond3A_157 {
        %dma_wait3A_292 = arith.constant 0 : i32
        %dma_wait3A_293 = arith.constant 0 : i32
        %dma_wait3A_294 = tpu.memref_slice %arg4[%dma_wait3A_292, %dma_wait3A_293] : memref<12800x4096xf32, #tpu.memory_space<hbm>> -> memref<64x128xf32, #tpu.memory_space<hbm>>
        %dma_wait3A_295 = arith.constant 0 : i32
        %dma_wait3A_296 = arith.constant 0 : i32
        %dma_wait3A_297 = tpu.memref_slice %arg4[%dma_wait3A_295, %dma_wait3A_296] : memref<12800x4096xf32, #tpu.memory_space<hbm>> -> memref<64x128xf32, #tpu.memory_space<hbm>>
        tpu.wait_dma2 semaphore(%arg19 : memref<!tpu.dma_semaphore, #tpu.memory_space<semaphore_mem>>) src(%arg11 : memref<64x128xf32, #tpu.memory_space<vmem>>) dst(%dma_wait3A_297 : memref<64x128xf32, #tpu.memory_space<hbm>>)
      } else {
      }
      %parallel_loop3A_158 = arith.constant 0 : i32
      %parallel_loop3A_159 = arith.constant 16 : i32
      %parallel_loop3A_160 = arith.constant 1 : i32
      scf.for %parallel_loop3A_292 = %parallel_loop3A_158 to %parallel_loop3A_159 step %parallel_loop3A_160  : i32 {
        %parallel_loop3A_293 = arith.constant 16 : i32
        %parallel_loop3A_294 = arith.subi %parallel_loop3A_293, %parallel_loop3A_292 : i32
        %parallel_loop3A_295 = vector.broadcast %parallel_loop3A_294 : i32 to vector<16xi32>
        %parallel_loop3A_296 = arith.cmpi slt, %iota3A, %parallel_loop3A_295 : vector<16xi32>
        %parallel_loop3A_297 = vector.broadcast %parallel_loop3A_292 : i32 to vector<16xi32>
        %parallel_loop3A_298 = arith.addi %iota3A, %parallel_loop3A_297 : vector<16xi32>
        %parallel_loop3A_299 = vector.broadcast %parallel_loop3A_292 : i32 to vector<16xi32>
        %parallel_loop3A_300 = arith.addi %iota3A, %parallel_loop3A_299 : vector<16xi32>
        %parallel_loop3A_301 = arith.constant 16 : i32
        %parallel_loop3A_302 = vector.broadcast %parallel_loop3A_301 : i32 to vector<16xi32>
        %parallel_loop3A_303 = arith.subi %parallel_loop3A_300, %parallel_loop3A_302 : vector<16xi32>
        %parallel_loop3A_304 = arith.select %parallel_loop3A_296, %parallel_loop3A_298, %parallel_loop3A_303 : vector<16xi1>, vector<16xi32>
        %parallel_loop3A_305 = arith.constant 0 : i32
        %parallel_loop3A_306 = vector.broadcast %parallel_loop3A_305 : i32 to vector<16xi32>
        %parallel_loop3A_307 = arith.addi %parallel_loop3A_304, %parallel_loop3A_306 : vector<16xi32>
        %parallel_loop3A_308 = tpu.vector_load_idx %arg7[%add3A_5, %parallel_loop3A_307] : memref<128x128xf32, #tpu.memory_space<vmem>>[vector<16xi32>, vector<16xi32>], vector<16xf32>,
        %parallel_loop3A_309 = arith.constant 8.000000e+00 : f32
        %parallel_loop3A_310 = vector.broadcast %parallel_loop3A_309 : f32 to vector<16xf32>
        %parallel_loop3A_311 = arith.mulf %parallel_loop3A_308, %parallel_loop3A_310 : vector<16xf32>
        tpu.vector_store_idx %arg11[%parallel_loop3A_307, %add3A_5], %parallel_loop3A_311 : memref<64x128xf32, #tpu.memory_space<vmem>>[vector<16xi32>, vector<16xi32>], vector<16xf32>,
        %parallel_loop3A_312 = tpu.vector_load_idx %arg7[%add3A_8, %parallel_loop3A_307] : memref<128x128xf32, #tpu.memory_space<vmem>>[vector<16xi32>, vector<16xi32>], vector<16xf32>,
        %parallel_loop3A_313 = arith.constant 8.000000e+00 : f32
        %parallel_loop3A_314 = vector.broadcast %parallel_loop3A_313 : f32 to vector<16xf32>
        %parallel_loop3A_315 = arith.mulf %parallel_loop3A_312, %parallel_loop3A_314 : vector<16xf32>
        tpu.vector_store_idx %arg11[%parallel_loop3A_307, %add3A_8], %parallel_loop3A_315 : memref<64x128xf32, #tpu.memory_space<vmem>>[vector<16xi32>, vector<16xi32>], vector<16xf32>,
        %parallel_loop3A_316 = tpu.vector_load_idx %arg7[%add3A_11, %parallel_loop3A_307] : memref<128x128xf32, #tpu.memory_space<vmem>>[vector<16xi32>, vector<16xi32>], vector<16xf32>,
        %parallel_loop3A_317 = arith.constant 8.000000e+00 : f32
        %parallel_loop3A_318 = vector.broadcast %parallel_loop3A_317 : f32 to vector<16xf32>
        %parallel_loop3A_319 = arith.mulf %parallel_loop3A_316, %parallel_loop3A_318 : vector<16xf32>
        tpu.vector_store_idx %arg11[%parallel_loop3A_307, %add3A_11], %parallel_loop3A_319 : memref<64x128xf32, #tpu.memory_space<vmem>>[vector<16xi32>, vector<16xi32>], vector<16xf32>,
        %parallel_loop3A_320 = tpu.vector_load_idx %arg7[%add3A_14, %parallel_loop3A_307] : memref<128x128xf32, #tpu.memory_space<vmem>>[vector<16xi32>, vector<16xi32>], vector<16xf32>,
        %parallel_loop3A_321 = arith.constant 8.000000e+00 : f32
        %parallel_loop3A_322 = vector.broadcast %parallel_loop3A_321 : f32 to vector<16xf32>
        %parallel_loop3A_323 = arith.mulf %parallel_loop3A_320, %parallel_loop3A_322 : vector<16xf32>
        tpu.vector_store_idx %arg11[%parallel_loop3A_307, %add3A_14], %parallel_loop3A_323 : memref<64x128xf32, #tpu.memory_space<vmem>>[vector<16xi32>, vector<16xi32>], vector<16xf32>,
        %parallel_loop3A_324 = tpu.vector_load_idx %arg7[%add3A_17, %parallel_loop3A_307] : memref<128x128xf32, #tpu.memory_space<vmem>>[vector<16xi32>, vector<16xi32>], vector<16xf32>,
        %parallel_loop3A_325 = arith.constant 8.000000e+00 : f32
        %parallel_loop3A_326 = vector.broadcast %parallel_loop3A_325 : f32 to vector<16xf32>
        %parallel_loop3A_327 = arith.mulf %parallel_loop3A_324, %parallel_loop3A_326 : vector<16xf32>
        tpu.vector_store_idx %arg11[%parallel_loop3A_307, %add3A_17], %parallel_loop3A_327 : memref<64x128xf32, #tpu.memory_space<vmem>>[vector<16xi32>, vector<16xi32>], vector<16xf32>,
        %parallel_loop3A_328 = tpu.vector_load_idx %arg7[%add3A_20, %parallel_loop3A_307] : memref<128x128xf32, #tpu.memory_space<vmem>>[vector<16xi32>, vector<16xi32>], vector<16xf32>,
        %parallel_loop3A_329 = arith.constant 8.000000e+00 : f32
        %parallel_loop3A_330 = vector.broadcast %parallel_loop3A_329 : f32 to vector<16xf32>
        %parallel_loop3A_331 = arith.mulf %parallel_loop3A_328, %parallel_loop3A_330 : vector<16xf32>
        tpu.vector_store_idx %arg11[%parallel_loop3A_307, %add3A_20], %parallel_loop3A_331 : memref<64x128xf32, #tpu.memory_space<vmem>>[vector<16xi32>, vector<16xi32>], vector<16xf32>,
        %parallel_loop3A_332 = tpu.vector_load_idx %arg7[%add3A_23, %parallel_loop3A_307] : memref<128x128xf32, #tpu.memory_space<vmem>>[vector<16xi32>, vector<16xi32>], vector<16xf32>,
        %parallel_loop3A_333 = arith.constant 8.000000e+00 : f32
        %parallel_loop3A_334 = vector.broadcast %parallel_loop3A_333 : f32 to vector<16xf32>
        %parallel_loop3A_335 = arith.mulf %parallel_loop3A_332, %parallel_loop3A_334 : vector<16xf32>
        tpu.vector_store_idx %arg11[%parallel_loop3A_307, %add3A_23], %parallel_loop3A_335 : memref<64x128xf32, #tpu.memory_space<vmem>>[vector<16xi32>, vector<16xi32>], vector<16xf32>,
        %parallel_loop3A_336 = tpu.vector_load_idx %arg7[%add3A_26, %parallel_loop3A_307] : memref<128x128xf32, #tpu.memory_space<vmem>>[vector<16xi32>, vector<16xi32>], vector<16xf32>,
        %parallel_loop3A_337 = arith.constant 8.000000e+00 : f32
        %parallel_loop3A_338 = vector.broadcast %parallel_loop3A_337 : f32 to vector<16xf32>
        %parallel_loop3A_339 = arith.mulf %parallel_loop3A_336, %parallel_loop3A_338 : vector<16xf32>
        tpu.vector_store_idx %arg11[%parallel_loop3A_307, %add3A_26], %parallel_loop3A_339 : memref<64x128xf32, #tpu.memory_space<vmem>>[vector<16xi32>, vector<16xi32>], vector<16xf32>,
        %parallel_loop3A_340 = arith.constant 16 : i32
        %parallel_loop3A_341 = vector.broadcast %parallel_loop3A_340 : i32 to vector<16xi32>
        %parallel_loop3A_342 = arith.addi %parallel_loop3A_304, %parallel_loop3A_341 : vector<16xi32>
        %parallel_loop3A_343 = tpu.vector_load_idx %arg7[%add3A_5, %parallel_loop3A_342] : memref<128x128xf32, #tpu.memory_space<vmem>>[vector<16xi32>, vector<16xi32>], vector<16xf32>,
        %parallel_loop3A_344 = arith.constant 8.000000e+00 : f32
        %parallel_loop3A_345 = vector.broadcast %parallel_loop3A_344 : f32 to vector<16xf32>
        %parallel_loop3A_346 = arith.mulf %parallel_loop3A_343, %parallel_loop3A_345 : vector<16xf32>
        tpu.vector_store_idx %arg11[%parallel_loop3A_342, %add3A_5], %parallel_loop3A_346 : memref<64x128xf32, #tpu.memory_space<vmem>>[vector<16xi32>, vector<16xi32>], vector<16xf32>,
        %parallel_loop3A_347 = tpu.vector_load_idx %arg7[%add3A_8, %parallel_loop3A_342] : memref<128x128xf32, #tpu.memory_space<vmem>>[vector<16xi32>, vector<16xi32>], vector<16xf32>,
        %parallel_loop3A_348 = arith.constant 8.000000e+00 : f32
        %parallel_loop3A_349 = vector.broadcast %parallel_loop3A_348 : f32 to vector<16xf32>
        %parallel_loop3A_350 = arith.mulf %parallel_loop3A_347, %parallel_loop3A_349 : vector<16xf32>
        tpu.vector_store_idx %arg11[%parallel_loop3A_342, %add3A_8], %parallel_loop3A_350 : memref<64x128xf32, #tpu.memory_space<vmem>>[vector<16xi32>, vector<16xi32>], vector<16xf32>,
        %parallel_loop3A_351 = tpu.vector_load_idx %arg7[%add3A_11, %parallel_loop3A_342] : memref<128x128xf32, #tpu.memory_space<vmem>>[vector<16xi32>, vector<16xi32>], vector<16xf32>,
        %parallel_loop3A_352 = arith.constant 8.000000e+00 : f32
        %parallel_loop3A_353 = vector.broadcast %parallel_loop3A_352 : f32 to vector<16xf32>
        %parallel_loop3A_354 = arith.mulf %parallel_loop3A_351, %parallel_loop3A_353 : vector<16xf32>
        tpu.vector_store_idx %arg11[%parallel_loop3A_342, %add3A_11], %parallel_loop3A_354 : memref<64x128xf32, #tpu.memory_space<vmem>>[vector<16xi32>, vector<16xi32>], vector<16xf32>,
        %parallel_loop3A_355 = tpu.vector_load_idx %arg7[%add3A_14, %parallel_loop3A_342] : memref<128x128xf32, #tpu.memory_space<vmem>>[vector<16xi32>, vector<16xi32>], vector<16xf32>,
        %parallel_loop3A_356 = arith.constant 8.000000e+00 : f32
        %parallel_loop3A_357 = vector.broadcast %parallel_loop3A_356 : f32 to vector<16xf32>
        %parallel_loop3A_358 = arith.mulf %parallel_loop3A_355, %parallel_loop3A_357 : vector<16xf32>
        tpu.vector_store_idx %arg11[%parallel_loop3A_342, %add3A_14], %parallel_loop3A_358 : memref<64x128xf32, #tpu.memory_space<vmem>>[vector<16xi32>, vector<16xi32>], vector<16xf32>,
        %parallel_loop3A_359 = tpu.vector_load_idx %arg7[%add3A_17, %parallel_loop3A_342] : memref<128x128xf32, #tpu.memory_space<vmem>>[vector<16xi32>, vector<16xi32>], vector<16xf32>,
        %parallel_loop3A_360 = arith.constant 8.000000e+00 : f32
        %parallel_loop3A_361 = vector.broadcast %parallel_loop3A_360 : f32 to vector<16xf32>
        %parallel_loop3A_362 = arith.mulf %parallel_loop3A_359, %parallel_loop3A_361 : vector<16xf32>
        tpu.vector_store_idx %arg11[%parallel_loop3A_342, %add3A_17], %parallel_loop3A_362 : memref<64x128xf32, #tpu.memory_space<vmem>>[vector<16xi32>, vector<16xi32>], vector<16xf32>,
        %parallel_loop3A_363 = tpu.vector_load_idx %arg7[%add3A_20, %parallel_loop3A_342] : memref<128x128xf32, #tpu.memory_space<vmem>>[vector<16xi32>, vector<16xi32>], vector<16xf32>,
        %parallel_loop3A_364 = arith.constant 8.000000e+00 : f32
        %parallel_loop3A_365 = vector.broadcast %parallel_loop3A_364 : f32 to vector<16xf32>
        %parallel_loop3A_366 = arith.mulf %parallel_loop3A_363, %parallel_loop3A_365 : vector<16xf32>
        tpu.vector_store_idx %arg11[%parallel_loop3A_342, %add3A_20], %parallel_loop3A_366 : memref<64x128xf32, #tpu.memory_space<vmem>>[vector<16xi32>, vector<16xi32>], vector<16xf32>,
        %parallel_loop3A_367 = tpu.vector_load_idx %arg7[%add3A_23, %parallel_loop3A_342] : memref<128x128xf32, #tpu.memory_space<vmem>>[vector<16xi32>, vector<16xi32>], vector<16xf32>,
        %parallel_loop3A_368 = arith.constant 8.000000e+00 : f32
        %parallel_loop3A_369 = vector.broadcast %parallel_loop3A_368 : f32 to vector<16xf32>
        %parallel_loop3A_370 = arith.mulf %parallel_loop3A_367, %parallel_loop3A_369 : vector<16xf32>
        tpu.vector_store_idx %arg11[%parallel_loop3A_342, %add3A_23], %parallel_loop3A_370 : memref<64x128xf32, #tpu.memory_space<vmem>>[vector<16xi32>, vector<16xi32>], vector<16xf32>,
        %parallel_loop3A_371 = tpu.vector_load_idx %arg7[%add3A_26, %parallel_loop3A_342] : memref<128x128xf32, #tpu.memory_space<vmem>>[vector<16xi32>, vector<16xi32>], vector<16xf32>,
        %parallel_loop3A_372 = arith.constant 8.000000e+00 : f32
        %parallel_loop3A_373 = vector.broadcast %parallel_loop3A_372 : f32 to vector<16xf32>
        %parallel_loop3A_374 = arith.mulf %parallel_loop3A_371, %parallel_loop3A_373 : vector<16xf32>
        tpu.vector_store_idx %arg11[%parallel_loop3A_342, %add3A_26], %parallel_loop3A_374 : memref<64x128xf32, #tpu.memory_space<vmem>>[vector<16xi32>, vector<16xi32>], vector<16xf32>,
        %parallel_loop3A_375 = arith.constant 32 : i32
        %parallel_loop3A_376 = vector.broadcast %parallel_loop3A_375 : i32 to vector<16xi32>
        %parallel_loop3A_377 = arith.addi %parallel_loop3A_304, %parallel_loop3A_376 : vector<16xi32>
        %parallel_loop3A_378 = tpu.vector_load_idx %arg7[%add3A_5, %parallel_loop3A_377] : memref<128x128xf32, #tpu.memory_space<vmem>>[vector<16xi32>, vector<16xi32>], vector<16xf32>,
        %parallel_loop3A_379 = arith.constant 8.000000e+00 : f32
        %parallel_loop3A_380 = vector.broadcast %parallel_loop3A_379 : f32 to vector<16xf32>
        %parallel_loop3A_381 = arith.mulf %parallel_loop3A_378, %parallel_loop3A_380 : vector<16xf32>
        tpu.vector_store_idx %arg11[%parallel_loop3A_377, %add3A_5], %parallel_loop3A_381 : memref<64x128xf32, #tpu.memory_space<vmem>>[vector<16xi32>, vector<16xi32>], vector<16xf32>,
        %parallel_loop3A_382 = tpu.vector_load_idx %arg7[%add3A_8, %parallel_loop3A_377] : memref<128x128xf32, #tpu.memory_space<vmem>>[vector<16xi32>, vector<16xi32>], vector<16xf32>,
        %parallel_loop3A_383 = arith.constant 8.000000e+00 : f32
        %parallel_loop3A_384 = vector.broadcast %parallel_loop3A_383 : f32 to vector<16xf32>
        %parallel_loop3A_385 = arith.mulf %parallel_loop3A_382, %parallel_loop3A_384 : vector<16xf32>
        tpu.vector_store_idx %arg11[%parallel_loop3A_377, %add3A_8], %parallel_loop3A_385 : memref<64x128xf32, #tpu.memory_space<vmem>>[vector<16xi32>, vector<16xi32>], vector<16xf32>,
        %parallel_loop3A_386 = tpu.vector_load_idx %arg7[%add3A_11, %parallel_loop3A_377] : memref<128x128xf32, #tpu.memory_space<vmem>>[vector<16xi32>, vector<16xi32>], vector<16xf32>,
        %parallel_loop3A_387 = arith.constant 8.000000e+00 : f32
        %parallel_loop3A_388 = vector.broadcast %parallel_loop3A_387 : f32 to vector<16xf32>
        %parallel_loop3A_389 = arith.mulf %parallel_loop3A_386, %parallel_loop3A_388 : vector<16xf32>
        tpu.vector_store_idx %arg11[%parallel_loop3A_377, %add3A_11], %parallel_loop3A_389 : memref<64x128xf32, #tpu.memory_space<vmem>>[vector<16xi32>, vector<16xi32>], vector<16xf32>,
        %parallel_loop3A_390 = tpu.vector_load_idx %arg7[%add3A_14, %parallel_loop3A_377] : memref<128x128xf32, #tpu.memory_space<vmem>>[vector<16xi32>, vector<16xi32>], vector<16xf32>,
        %parallel_loop3A_391 = arith.constant 8.000000e+00 : f32
        %parallel_loop3A_392 = vector.broadcast %parallel_loop3A_391 : f32 to vector<16xf32>
        %parallel_loop3A_393 = arith.mulf %parallel_loop3A_390, %parallel_loop3A_392 : vector<16xf32>
        tpu.vector_store_idx %arg11[%parallel_loop3A_377, %add3A_14], %parallel_loop3A_393 : memref<64x128xf32, #tpu.memory_space<vmem>>[vector<16xi32>, vector<16xi32>], vector<16xf32>,
        %parallel_loop3A_394 = tpu.vector_load_idx %arg7[%add3A_17, %parallel_loop3A_377] : memref<128x128xf32, #tpu.memory_space<vmem>>[vector<16xi32>, vector<16xi32>], vector<16xf32>,
        %parallel_loop3A_395 = arith.constant 8.000000e+00 : f32
        %parallel_loop3A_396 = vector.broadcast %parallel_loop3A_395 : f32 to vector<16xf32>
        %parallel_loop3A_397 = arith.mulf %parallel_loop3A_394, %parallel_loop3A_396 : vector<16xf32>
        tpu.vector_store_idx %arg11[%parallel_loop3A_377, %add3A_17], %parallel_loop3A_397 : memref<64x128xf32, #tpu.memory_space<vmem>>[vector<16xi32>, vector<16xi32>], vector<16xf32>,
        %parallel_loop3A_398 = tpu.vector_load_idx %arg7[%add3A_20, %parallel_loop3A_377] : memref<128x128xf32, #tpu.memory_space<vmem>>[vector<16xi32>, vector<16xi32>], vector<16xf32>,
        %parallel_loop3A_399 = arith.constant 8.000000e+00 : f32
        %parallel_loop3A_400 = vector.broadcast %parallel_loop3A_399 : f32 to vector<16xf32>
        %parallel_loop3A_401 = arith.mulf %parallel_loop3A_398, %parallel_loop3A_400 : vector<16xf32>
        tpu.vector_store_idx %arg11[%parallel_loop3A_377, %add3A_20], %parallel_loop3A_401 : memref<64x128xf32, #tpu.memory_space<vmem>>[vector<16xi32>, vector<16xi32>], vector<16xf32>,
        %parallel_loop3A_402 = tpu.vector_load_idx %arg7[%add3A_23, %parallel_loop3A_377] : memref<128x128xf32, #tpu.memory_space<vmem>>[vector<16xi32>, vector<16xi32>], vector<16xf32>,
        %parallel_loop3A_403 = arith.constant 8.000000e+00 : f32
        %parallel_loop3A_404 = vector.broadcast %parallel_loop3A_403 : f32 to vector<16xf32>
        %parallel_loop3A_405 = arith.mulf %parallel_loop3A_402, %parallel_loop3A_404 : vector<16xf32>
        tpu.vector_store_idx %arg11[%parallel_loop3A_377, %add3A_23], %parallel_loop3A_405 : memref<64x128xf32, #tpu.memory_space<vmem>>[vector<16xi32>, vector<16xi32>], vector<16xf32>,
        %parallel_loop3A_406 = tpu.vector_load_idx %arg7[%add3A_26, %parallel_loop3A_377] : memref<128x128xf32, #tpu.memory_space<vmem>>[vector<16xi32>, vector<16xi32>], vector<16xf32>,
        %parallel_loop3A_407 = arith.constant 8.000000e+00 : f32
        %parallel_loop3A_408 = vector.broadcast %parallel_loop3A_407 : f32 to vector<16xf32>
        %parallel_loop3A_409 = arith.mulf %parallel_loop3A_406, %parallel_loop3A_408 : vector<16xf32>
        tpu.vector_store_idx %arg11[%parallel_loop3A_377, %add3A_26], %parallel_loop3A_409 : memref<64x128xf32, #tpu.memory_space<vmem>>[vector<16xi32>, vector<16xi32>], vector<16xf32>,
        %parallel_loop3A_410 = arith.constant 48 : i32
        %parallel_loop3A_411 = vector.broadcast %parallel_loop3A_410 : i32 to vector<16xi32>
        %parallel_loop3A_412 = arith.addi %parallel_loop3A_304, %parallel_loop3A_411 : vector<16xi32>
        %parallel_loop3A_413 = tpu.vector_load_idx %arg7[%add3A_5, %parallel_loop3A_412] : memref<128x128xf32, #tpu.memory_space<vmem>>[vector<16xi32>, vector<16xi32>], vector<16xf32>,
        %parallel_loop3A_414 = arith.constant 8.000000e+00 : f32
        %parallel_loop3A_415 = vector.broadcast %parallel_loop3A_414 : f32 to vector<16xf32>
        %parallel_loop3A_416 = arith.mulf %parallel_loop3A_413, %parallel_loop3A_415 : vector<16xf32>
        tpu.vector_store_idx %arg11[%parallel_loop3A_412, %add3A_5], %parallel_loop3A_416 : memref<64x128xf32, #tpu.memory_space<vmem>>[vector<16xi32>, vector<16xi32>], vector<16xf32>,
        %parallel_loop3A_417 = tpu.vector_load_idx %arg7[%add3A_8, %parallel_loop3A_412] : memref<128x128xf32, #tpu.memory_space<vmem>>[vector<16xi32>, vector<16xi32>], vector<16xf32>,
        %parallel_loop3A_418 = arith.constant 8.000000e+00 : f32
        %parallel_loop3A_419 = vector.broadcast %parallel_loop3A_418 : f32 to vector<16xf32>
        %parallel_loop3A_420 = arith.mulf %parallel_loop3A_417, %parallel_loop3A_419 : vector<16xf32>
        tpu.vector_store_idx %arg11[%parallel_loop3A_412, %add3A_8], %parallel_loop3A_420 : memref<64x128xf32, #tpu.memory_space<vmem>>[vector<16xi32>, vector<16xi32>], vector<16xf32>,
        %parallel_loop3A_421 = tpu.vector_load_idx %arg7[%add3A_11, %parallel_loop3A_412] : memref<128x128xf32, #tpu.memory_space<vmem>>[vector<16xi32>, vector<16xi32>], vector<16xf32>,
        %parallel_loop3A_422 = arith.constant 8.000000e+00 : f32
        %parallel_loop3A_423 = vector.broadcast %parallel_loop3A_422 : f32 to vector<16xf32>
        %parallel_loop3A_424 = arith.mulf %parallel_loop3A_421, %parallel_loop3A_423 : vector<16xf32>
        tpu.vector_store_idx %arg11[%parallel_loop3A_412, %add3A_11], %parallel_loop3A_424 : memref<64x128xf32, #tpu.memory_space<vmem>>[vector<16xi32>, vector<16xi32>], vector<16xf32>,
        %parallel_loop3A_425 = tpu.vector_load_idx %arg7[%add3A_14, %parallel_loop3A_412] : memref<128x128xf32, #tpu.memory_space<vmem>>[vector<16xi32>, vector<16xi32>], vector<16xf32>,
        %parallel_loop3A_426 = arith.constant 8.000000e+00 : f32
        %parallel_loop3A_427 = vector.broadcast %parallel_loop3A_426 : f32 to vector<16xf32>
        %parallel_loop3A_428 = arith.mulf %parallel_loop3A_425, %parallel_loop3A_427 : vector<16xf32>
        tpu.vector_store_idx %arg11[%parallel_loop3A_412, %add3A_14], %parallel_loop3A_428 : memref<64x128xf32, #tpu.memory_space<vmem>>[vector<16xi32>, vector<16xi32>], vector<16xf32>,
        %parallel_loop3A_429 = tpu.vector_load_idx %arg7[%add3A_17, %parallel_loop3A_412] : memref<128x128xf32, #tpu.memory_space<vmem>>[vector<16xi32>, vector<16xi32>], vector<16xf32>,
        %parallel_loop3A_430 = arith.constant 8.000000e+00 : f32
        %parallel_loop3A_431 = vector.broadcast %parallel_loop3A_430 : f32 to vector<16xf32>
        %parallel_loop3A_432 = arith.mulf %parallel_loop3A_429, %parallel_loop3A_431 : vector<16xf32>
        tpu.vector_store_idx %arg11[%parallel_loop3A_412, %add3A_17], %parallel_loop3A_432 : memref<64x128xf32, #tpu.memory_space<vmem>>[vector<16xi32>, vector<16xi32>], vector<16xf32>,
        %parallel_loop3A_433 = tpu.vector_load_idx %arg7[%add3A_20, %parallel_loop3A_412] : memref<128x128xf32, #tpu.memory_space<vmem>>[vector<16xi32>, vector<16xi32>], vector<16xf32>,
        %parallel_loop3A_434 = arith.constant 8.000000e+00 : f32
        %parallel_loop3A_435 = vector.broadcast %parallel_loop3A_434 : f32 to vector<16xf32>
        %parallel_loop3A_436 = arith.mulf %parallel_loop3A_433, %parallel_loop3A_435 : vector<16xf32>
        tpu.vector_store_idx %arg11[%parallel_loop3A_412, %add3A_20], %parallel_loop3A_436 : memref<64x128xf32, #tpu.memory_space<vmem>>[vector<16xi32>, vector<16xi32>], vector<16xf32>,
        %parallel_loop3A_437 = tpu.vector_load_idx %arg7[%add3A_23, %parallel_loop3A_412] : memref<128x128xf32, #tpu.memory_space<vmem>>[vector<16xi32>, vector<16xi32>], vector<16xf32>,
        %parallel_loop3A_438 = arith.constant 8.000000e+00 : f32
        %parallel_loop3A_439 = vector.broadcast %parallel_loop3A_438 : f32 to vector<16xf32>
        %parallel_loop3A_440 = arith.mulf %parallel_loop3A_437, %parallel_loop3A_439 : vector<16xf32>
        tpu.vector_store_idx %arg11[%parallel_loop3A_412, %add3A_23], %parallel_loop3A_440 : memref<64x128xf32, #tpu.memory_space<vmem>>[vector<16xi32>, vector<16xi32>], vector<16xf32>,
        %parallel_loop3A_441 = tpu.vector_load_idx %arg7[%add3A_26, %parallel_loop3A_412] : memref<128x128xf32, #tpu.memory_space<vmem>>[vector<16xi32>, vector<16xi32>], vector<16xf32>,
        %parallel_loop3A_442 = arith.constant 8.000000e+00 : f32
        %parallel_loop3A_443 = vector.broadcast %parallel_loop3A_442 : f32 to vector<16xf32>
        %parallel_loop3A_444 = arith.mulf %parallel_loop3A_441, %parallel_loop3A_443 : vector<16xf32>
        tpu.vector_store_idx %arg11[%parallel_loop3A_412, %add3A_26], %parallel_loop3A_444 : memref<64x128xf32, #tpu.memory_space<vmem>>[vector<16xi32>, vector<16xi32>], vector<16xf32>,
      } {sc.loop_unroll_factor = 8 : i64, sc.parallel_access}
      %mul3A_161 = arith.constant 64 : i32
      %mul3A_162 = arith.muli %select_n3A_143, %mul3A_161 : i32
      %mul3A_163 = arith.constant 128 : i32
      %mul3A_164 = arith.muli %sub3A_146, %mul3A_163 : i32
      %dma_start3A_165 = tpu.memref_slice %arg4[%mul3A_162, %mul3A_164] : memref<12800x4096xf32, #tpu.memory_space<hbm>> -> memref<64x128xf32, #tpu.memory_space<hbm>>
      %dma_start3A_166 = tpu.memref_slice %arg4[%mul3A_162, %mul3A_164] : memref<12800x4096xf32, #tpu.memory_space<hbm>> -> memref<64x128xf32, #tpu.memory_space<hbm>>
      tpu.enqueue_dma source(%arg11 : memref<64x128xf32, #tpu.memory_space<vmem>>) target(%dma_start3A_166 : memref<64x128xf32, #tpu.memory_space<hbm>>) target_semaphore(%arg19 : memref<!tpu.dma_semaphore, #tpu.memory_space<semaphore_mem>>)
      %add3A_167 = arith.constant 2 : i32
      %add3A_168 = arith.addi %add3A_118, %add3A_167 : i32
      %lt3A_169 = arith.constant 200 : i32
      %lt3A_170 = arith.cmpi slt, %add3A_168, %lt3A_169 : i32
      %convert_element_type3A_171 = arith.extui %lt3A_170 : i1 to i32
      %cond3A_172 = arith.constant 0 : i32
      %cond3A_173 = arith.cmpi ne, %convert_element_type3A_171, %cond3A_172 : i32
      scf.if %cond3A_173 {
        %add3A_292 = arith.constant 2 : i32
        %add3A_293 = arith.addi %add3A_118, %add3A_292 : i32
        %dma_start3A_294 = arith.constant 0 : i32
        %dma_start3A_295 = tpu.memref_slice %arg5[%add3A_293, %dma_start3A_294] : memref<200x128xi32, #tpu.memory_space<vmem>> -> memref<1x128xi32, #tpu.memory_space<vmem>>
        %dma_start3A_296 = tpu.memref_squeeze %dma_start3A_295 : memref<1x128xi32, #tpu.memory_space<vmem>> -> memref<128xi32, #tpu.memory_space<vmem>>
        %dma_start3A_297 = arith.constant 0 : i32
        %dma_start3A_298 = arith.constant 0 : i32
        %dma_start3A_299 = tpu.memref_slice %arg3[%dma_start3A_297, %dma_start3A_298] : memref<100000x128xf32, #tpu.memory_space<hbm>> -> memref<100000x128xf32, #tpu.memory_space<hbm>>
        tpu.enqueue_indirect_dma source(%dma_start3A_299 : memref<100000x128xf32, #tpu.memory_space<hbm>>) target(%arg9 : memref<128x128xf32, #tpu.memory_space<vmem>>) offsets(%dma_start3A_296 : memref<128xi32, #tpu.memory_space<vmem>>) semaphore(%arg17 : memref<!tpu.dma_semaphore, #tpu.memory_space<semaphore_mem>>)
      } else {
      }
      %mul3A_174 = arith.constant 4 : i32
      %mul3A_175 = arith.muli %scan3A_68, %mul3A_174 : i32
      %add3A_176 = arith.constant 2 : i32
      %add3A_177 = arith.addi %mul3A_175, %add3A_176 : i32
      %add3A_178 = arith.addi %mul3A_2, %add3A_177 : i32
      %jit3A_179 = arith.constant 32 : i32
      %div3A_180 = arith.divsi %add3A_178, %jit3A_179 : i32
      %sign3A_181 = arith.constant 0 : i32
      %sign3A_182 = arith.cmpi sgt, %add3A_178, %sign3A_181 : i32
      %sign3A_183 = arith.extui %sign3A_182 : i1 to i32
      %sign3A_184 = arith.constant 0 : i32
      %sign3A_185 = arith.cmpi slt, %add3A_178, %sign3A_184 : i32
      %sign3A_186 = arith.extui %sign3A_185 : i1 to i32
      %sign3A_187 = arith.subi %sign3A_183, %sign3A_186 : i32
      %sign3A_188 = arith.constant 0 : i32
      %sign3A_189 = arith.cmpi sgt, %jit3A_179, %sign3A_188 : i32
      %sign3A_190 = arith.extui %sign3A_189 : i1 to i32
      %sign3A_191 = arith.constant 0 : i32
      %sign3A_192 = arith.cmpi slt, %jit3A_179, %sign3A_191 : i32
      %sign3A_193 = arith.extui %sign3A_192 : i1 to i32
      %sign3A_194 = arith.subi %sign3A_190, %sign3A_193 : i32
      %ne3A_195 = arith.cmpi ne, %sign3A_187, %sign3A_194 : i32
      %rem3A_196 = arith.remsi %add3A_178, %jit3A_179 : i32
      %ne3A_197 = arith.constant 0 : i32
      %ne3A_198 = arith.cmpi ne, %rem3A_196, %ne3A_197 : i32
      %and3A_199 = arith.andi %ne3A_195, %ne3A_198 : i1
      %sub3A_200 = arith.constant 1 : i32
      %sub3A_201 = arith.subi %div3A_180, %sub3A_200 : i32
      %select_n3A_202 = arith.select %and3A_199, %sub3A_201, %div3A_180 : i32
      %mul3A_203 = arith.constant 32 : i32
      %mul3A_204 = arith.muli %select_n3A_202, %mul3A_203 : i32
      %sub3A_205 = arith.subi %add3A_178, %mul3A_204 : i32
      %dma_wait3A_206 = arith.constant 0 : i32
      %dma_wait3A_207 = arith.constant 0 : i32
      %dma_wait3A_208 = tpu.memref_slice %arg3[%dma_wait3A_206, %dma_wait3A_207] : memref<100000x128xf32, #tpu.memory_space<hbm>> -> memref<128x128xf32, #tpu.memory_space<hbm>>
      %dma_wait3A_209 = arith.constant 0 : i32
      %dma_wait3A_210 = arith.constant 0 : i32
      %dma_wait3A_211 = tpu.memref_slice %arg3[%dma_wait3A_209, %dma_wait3A_210] : memref<100000x128xf32, #tpu.memory_space<hbm>> -> memref<128x128xf32, #tpu.memory_space<hbm>>
      tpu.wait_dma2 semaphore(%arg16 : memref<!tpu.dma_semaphore, #tpu.memory_space<semaphore_mem>>) src(%dma_wait3A_211 : memref<128x128xf32, #tpu.memory_space<hbm>>) dst(%arg8 : memref<128x128xf32, #tpu.memory_space<vmem>>)
      %gt3A_212 = arith.constant 0 : i32
      %gt3A_213 = arith.cmpi sgt, %scan3A_68, %gt3A_212 : i32
      %convert_element_type3A_214 = arith.extui %gt3A_213 : i1 to i32
      %cond3A_215 = arith.constant 0 : i32
      %cond3A_216 = arith.cmpi ne, %convert_element_type3A_214, %cond3A_215 : i32
      scf.if %cond3A_216 {
        %dma_wait3A_292 = arith.constant 0 : i32
        %dma_wait3A_293 = arith.constant 0 : i32
        %dma_wait3A_294 = tpu.memref_slice %arg4[%dma_wait3A_292, %dma_wait3A_293] : memref<12800x4096xf32, #tpu.memory_space<hbm>> -> memref<64x128xf32, #tpu.memory_space<hbm>>
        %dma_wait3A_295 = arith.constant 0 : i32
        %dma_wait3A_296 = arith.constant 0 : i32
        %dma_wait3A_297 = tpu.memref_slice %arg4[%dma_wait3A_295, %dma_wait3A_296] : memref<12800x4096xf32, #tpu.memory_space<hbm>> -> memref<64x128xf32, #tpu.memory_space<hbm>>
        tpu.wait_dma2 semaphore(%arg20 : memref<!tpu.dma_semaphore, #tpu.memory_space<semaphore_mem>>) src(%arg12 : memref<64x128xf32, #tpu.memory_space<vmem>>) dst(%dma_wait3A_297 : memref<64x128xf32, #tpu.memory_space<hbm>>)
      } else {
      }
      %parallel_loop3A_217 = arith.constant 0 : i32
      %parallel_loop3A_218 = arith.constant 16 : i32
      %parallel_loop3A_219 = arith.constant 1 : i32
      scf.for %parallel_loop3A_292 = %parallel_loop3A_217 to %parallel_loop3A_218 step %parallel_loop3A_219  : i32 {
        %parallel_loop3A_293 = arith.constant 16 : i32
        %parallel_loop3A_294 = arith.subi %parallel_loop3A_293, %parallel_loop3A_292 : i32
        %parallel_loop3A_295 = vector.broadcast %parallel_loop3A_294 : i32 to vector<16xi32>
        %parallel_loop3A_296 = arith.cmpi slt, %iota3A, %parallel_loop3A_295 : vector<16xi32>
        %parallel_loop3A_297 = vector.broadcast %parallel_loop3A_292 : i32 to vector<16xi32>
        %parallel_loop3A_298 = arith.addi %iota3A, %parallel_loop3A_297 : vector<16xi32>
        %parallel_loop3A_299 = vector.broadcast %parallel_loop3A_292 : i32 to vector<16xi32>
        %parallel_loop3A_300 = arith.addi %iota3A, %parallel_loop3A_299 : vector<16xi32>
        %parallel_loop3A_301 = arith.constant 16 : i32
        %parallel_loop3A_302 = vector.broadcast %parallel_loop3A_301 : i32 to vector<16xi32>
        %parallel_loop3A_303 = arith.subi %parallel_loop3A_300, %parallel_loop3A_302 : vector<16xi32>
        %parallel_loop3A_304 = arith.select %parallel_loop3A_296, %parallel_loop3A_298, %parallel_loop3A_303 : vector<16xi1>, vector<16xi32>
        %parallel_loop3A_305 = arith.constant 0 : i32
        %parallel_loop3A_306 = vector.broadcast %parallel_loop3A_305 : i32 to vector<16xi32>
        %parallel_loop3A_307 = arith.addi %parallel_loop3A_304, %parallel_loop3A_306 : vector<16xi32>
        %parallel_loop3A_308 = tpu.vector_load_idx %arg8[%add3A_5, %parallel_loop3A_307] : memref<128x128xf32, #tpu.memory_space<vmem>>[vector<16xi32>, vector<16xi32>], vector<16xf32>,
        %parallel_loop3A_309 = arith.constant 8.000000e+00 : f32
        %parallel_loop3A_310 = vector.broadcast %parallel_loop3A_309 : f32 to vector<16xf32>
        %parallel_loop3A_311 = arith.mulf %parallel_loop3A_308, %parallel_loop3A_310 : vector<16xf32>
        tpu.vector_store_idx %arg12[%parallel_loop3A_307, %add3A_5], %parallel_loop3A_311 : memref<64x128xf32, #tpu.memory_space<vmem>>[vector<16xi32>, vector<16xi32>], vector<16xf32>,
        %parallel_loop3A_312 = tpu.vector_load_idx %arg8[%add3A_8, %parallel_loop3A_307] : memref<128x128xf32, #tpu.memory_space<vmem>>[vector<16xi32>, vector<16xi32>], vector<16xf32>,
        %parallel_loop3A_313 = arith.constant 8.000000e+00 : f32
        %parallel_loop3A_314 = vector.broadcast %parallel_loop3A_313 : f32 to vector<16xf32>
        %parallel_loop3A_315 = arith.mulf %parallel_loop3A_312, %parallel_loop3A_314 : vector<16xf32>
        tpu.vector_store_idx %arg12[%parallel_loop3A_307, %add3A_8], %parallel_loop3A_315 : memref<64x128xf32, #tpu.memory_space<vmem>>[vector<16xi32>, vector<16xi32>], vector<16xf32>,
        %parallel_loop3A_316 = tpu.vector_load_idx %arg8[%add3A_11, %parallel_loop3A_307] : memref<128x128xf32, #tpu.memory_space<vmem>>[vector<16xi32>, vector<16xi32>], vector<16xf32>,
        %parallel_loop3A_317 = arith.constant 8.000000e+00 : f32
        %parallel_loop3A_318 = vector.broadcast %parallel_loop3A_317 : f32 to vector<16xf32>
        %parallel_loop3A_319 = arith.mulf %parallel_loop3A_316, %parallel_loop3A_318 : vector<16xf32>
        tpu.vector_store_idx %arg12[%parallel_loop3A_307, %add3A_11], %parallel_loop3A_319 : memref<64x128xf32, #tpu.memory_space<vmem>>[vector<16xi32>, vector<16xi32>], vector<16xf32>,
        %parallel_loop3A_320 = tpu.vector_load_idx %arg8[%add3A_14, %parallel_loop3A_307] : memref<128x128xf32, #tpu.memory_space<vmem>>[vector<16xi32>, vector<16xi32>], vector<16xf32>,
        %parallel_loop3A_321 = arith.constant 8.000000e+00 : f32
        %parallel_loop3A_322 = vector.broadcast %parallel_loop3A_321 : f32 to vector<16xf32>
        %parallel_loop3A_323 = arith.mulf %parallel_loop3A_320, %parallel_loop3A_322 : vector<16xf32>
        tpu.vector_store_idx %arg12[%parallel_loop3A_307, %add3A_14], %parallel_loop3A_323 : memref<64x128xf32, #tpu.memory_space<vmem>>[vector<16xi32>, vector<16xi32>], vector<16xf32>,
        %parallel_loop3A_324 = tpu.vector_load_idx %arg8[%add3A_17, %parallel_loop3A_307] : memref<128x128xf32, #tpu.memory_space<vmem>>[vector<16xi32>, vector<16xi32>], vector<16xf32>,
        %parallel_loop3A_325 = arith.constant 8.000000e+00 : f32
        %parallel_loop3A_326 = vector.broadcast %parallel_loop3A_325 : f32 to vector<16xf32>
        %parallel_loop3A_327 = arith.mulf %parallel_loop3A_324, %parallel_loop3A_326 : vector<16xf32>
        tpu.vector_store_idx %arg12[%parallel_loop3A_307, %add3A_17], %parallel_loop3A_327 : memref<64x128xf32, #tpu.memory_space<vmem>>[vector<16xi32>, vector<16xi32>], vector<16xf32>,
        %parallel_loop3A_328 = tpu.vector_load_idx %arg8[%add3A_20, %parallel_loop3A_307] : memref<128x128xf32, #tpu.memory_space<vmem>>[vector<16xi32>, vector<16xi32>], vector<16xf32>,
        %parallel_loop3A_329 = arith.constant 8.000000e+00 : f32
        %parallel_loop3A_330 = vector.broadcast %parallel_loop3A_329 : f32 to vector<16xf32>
        %parallel_loop3A_331 = arith.mulf %parallel_loop3A_328, %parallel_loop3A_330 : vector<16xf32>
        tpu.vector_store_idx %arg12[%parallel_loop3A_307, %add3A_20], %parallel_loop3A_331 : memref<64x128xf32, #tpu.memory_space<vmem>>[vector<16xi32>, vector<16xi32>], vector<16xf32>,
        %parallel_loop3A_332 = tpu.vector_load_idx %arg8[%add3A_23, %parallel_loop3A_307] : memref<128x128xf32, #tpu.memory_space<vmem>>[vector<16xi32>, vector<16xi32>], vector<16xf32>,
        %parallel_loop3A_333 = arith.constant 8.000000e+00 : f32
        %parallel_loop3A_334 = vector.broadcast %parallel_loop3A_333 : f32 to vector<16xf32>
        %parallel_loop3A_335 = arith.mulf %parallel_loop3A_332, %parallel_loop3A_334 : vector<16xf32>
        tpu.vector_store_idx %arg12[%parallel_loop3A_307, %add3A_23], %parallel_loop3A_335 : memref<64x128xf32, #tpu.memory_space<vmem>>[vector<16xi32>, vector<16xi32>], vector<16xf32>,
        %parallel_loop3A_336 = tpu.vector_load_idx %arg8[%add3A_26, %parallel_loop3A_307] : memref<128x128xf32, #tpu.memory_space<vmem>>[vector<16xi32>, vector<16xi32>], vector<16xf32>,
        %parallel_loop3A_337 = arith.constant 8.000000e+00 : f32
        %parallel_loop3A_338 = vector.broadcast %parallel_loop3A_337 : f32 to vector<16xf32>
        %parallel_loop3A_339 = arith.mulf %parallel_loop3A_336, %parallel_loop3A_338 : vector<16xf32>
        tpu.vector_store_idx %arg12[%parallel_loop3A_307, %add3A_26], %parallel_loop3A_339 : memref<64x128xf32, #tpu.memory_space<vmem>>[vector<16xi32>, vector<16xi32>], vector<16xf32>,
        %parallel_loop3A_340 = arith.constant 16 : i32
        %parallel_loop3A_341 = vector.broadcast %parallel_loop3A_340 : i32 to vector<16xi32>
        %parallel_loop3A_342 = arith.addi %parallel_loop3A_304, %parallel_loop3A_341 : vector<16xi32>
        %parallel_loop3A_343 = tpu.vector_load_idx %arg8[%add3A_5, %parallel_loop3A_342] : memref<128x128xf32, #tpu.memory_space<vmem>>[vector<16xi32>, vector<16xi32>], vector<16xf32>,
        %parallel_loop3A_344 = arith.constant 8.000000e+00 : f32
        %parallel_loop3A_345 = vector.broadcast %parallel_loop3A_344 : f32 to vector<16xf32>
        %parallel_loop3A_346 = arith.mulf %parallel_loop3A_343, %parallel_loop3A_345 : vector<16xf32>
        tpu.vector_store_idx %arg12[%parallel_loop3A_342, %add3A_5], %parallel_loop3A_346 : memref<64x128xf32, #tpu.memory_space<vmem>>[vector<16xi32>, vector<16xi32>], vector<16xf32>,
        %parallel_loop3A_347 = tpu.vector_load_idx %arg8[%add3A_8, %parallel_loop3A_342] : memref<128x128xf32, #tpu.memory_space<vmem>>[vector<16xi32>, vector<16xi32>], vector<16xf32>,
        %parallel_loop3A_348 = arith.constant 8.000000e+00 : f32
        %parallel_loop3A_349 = vector.broadcast %parallel_loop3A_348 : f32 to vector<16xf32>
        %parallel_loop3A_350 = arith.mulf %parallel_loop3A_347, %parallel_loop3A_349 : vector<16xf32>
        tpu.vector_store_idx %arg12[%parallel_loop3A_342, %add3A_8], %parallel_loop3A_350 : memref<64x128xf32, #tpu.memory_space<vmem>>[vector<16xi32>, vector<16xi32>], vector<16xf32>,
        %parallel_loop3A_351 = tpu.vector_load_idx %arg8[%add3A_11, %parallel_loop3A_342] : memref<128x128xf32, #tpu.memory_space<vmem>>[vector<16xi32>, vector<16xi32>], vector<16xf32>,
        %parallel_loop3A_352 = arith.constant 8.000000e+00 : f32
        %parallel_loop3A_353 = vector.broadcast %parallel_loop3A_352 : f32 to vector<16xf32>
        %parallel_loop3A_354 = arith.mulf %parallel_loop3A_351, %parallel_loop3A_353 : vector<16xf32>
        tpu.vector_store_idx %arg12[%parallel_loop3A_342, %add3A_11], %parallel_loop3A_354 : memref<64x128xf32, #tpu.memory_space<vmem>>[vector<16xi32>, vector<16xi32>], vector<16xf32>,
        %parallel_loop3A_355 = tpu.vector_load_idx %arg8[%add3A_14, %parallel_loop3A_342] : memref<128x128xf32, #tpu.memory_space<vmem>>[vector<16xi32>, vector<16xi32>], vector<16xf32>,
        %parallel_loop3A_356 = arith.constant 8.000000e+00 : f32
        %parallel_loop3A_357 = vector.broadcast %parallel_loop3A_356 : f32 to vector<16xf32>
        %parallel_loop3A_358 = arith.mulf %parallel_loop3A_355, %parallel_loop3A_357 : vector<16xf32>
        tpu.vector_store_idx %arg12[%parallel_loop3A_342, %add3A_14], %parallel_loop3A_358 : memref<64x128xf32, #tpu.memory_space<vmem>>[vector<16xi32>, vector<16xi32>], vector<16xf32>,
        %parallel_loop3A_359 = tpu.vector_load_idx %arg8[%add3A_17, %parallel_loop3A_342] : memref<128x128xf32, #tpu.memory_space<vmem>>[vector<16xi32>, vector<16xi32>], vector<16xf32>,
        %parallel_loop3A_360 = arith.constant 8.000000e+00 : f32
        %parallel_loop3A_361 = vector.broadcast %parallel_loop3A_360 : f32 to vector<16xf32>
        %parallel_loop3A_362 = arith.mulf %parallel_loop3A_359, %parallel_loop3A_361 : vector<16xf32>
        tpu.vector_store_idx %arg12[%parallel_loop3A_342, %add3A_17], %parallel_loop3A_362 : memref<64x128xf32, #tpu.memory_space<vmem>>[vector<16xi32>, vector<16xi32>], vector<16xf32>,
        %parallel_loop3A_363 = tpu.vector_load_idx %arg8[%add3A_20, %parallel_loop3A_342] : memref<128x128xf32, #tpu.memory_space<vmem>>[vector<16xi32>, vector<16xi32>], vector<16xf32>,
        %parallel_loop3A_364 = arith.constant 8.000000e+00 : f32
        %parallel_loop3A_365 = vector.broadcast %parallel_loop3A_364 : f32 to vector<16xf32>
        %parallel_loop3A_366 = arith.mulf %parallel_loop3A_363, %parallel_loop3A_365 : vector<16xf32>
        tpu.vector_store_idx %arg12[%parallel_loop3A_342, %add3A_20], %parallel_loop3A_366 : memref<64x128xf32, #tpu.memory_space<vmem>>[vector<16xi32>, vector<16xi32>], vector<16xf32>,
        %parallel_loop3A_367 = tpu.vector_load_idx %arg8[%add3A_23, %parallel_loop3A_342] : memref<128x128xf32, #tpu.memory_space<vmem>>[vector<16xi32>, vector<16xi32>], vector<16xf32>,
        %parallel_loop3A_368 = arith.constant 8.000000e+00 : f32
        %parallel_loop3A_369 = vector.broadcast %parallel_loop3A_368 : f32 to vector<16xf32>
        %parallel_loop3A_370 = arith.mulf %parallel_loop3A_367, %parallel_loop3A_369 : vector<16xf32>
        tpu.vector_store_idx %arg12[%parallel_loop3A_342, %add3A_23], %parallel_loop3A_370 : memref<64x128xf32, #tpu.memory_space<vmem>>[vector<16xi32>, vector<16xi32>], vector<16xf32>,
        %parallel_loop3A_371 = tpu.vector_load_idx %arg8[%add3A_26, %parallel_loop3A_342] : memref<128x128xf32, #tpu.memory_space<vmem>>[vector<16xi32>, vector<16xi32>], vector<16xf32>,
        %parallel_loop3A_372 = arith.constant 8.000000e+00 : f32
        %parallel_loop3A_373 = vector.broadcast %parallel_loop3A_372 : f32 to vector<16xf32>
        %parallel_loop3A_374 = arith.mulf %parallel_loop3A_371, %parallel_loop3A_373 : vector<16xf32>
        tpu.vector_store_idx %arg12[%parallel_loop3A_342, %add3A_26], %parallel_loop3A_374 : memref<64x128xf32, #tpu.memory_space<vmem>>[vector<16xi32>, vector<16xi32>], vector<16xf32>,
        %parallel_loop3A_375 = arith.constant 32 : i32
        %parallel_loop3A_376 = vector.broadcast %parallel_loop3A_375 : i32 to vector<16xi32>
        %parallel_loop3A_377 = arith.addi %parallel_loop3A_304, %parallel_loop3A_376 : vector<16xi32>
        %parallel_loop3A_378 = tpu.vector_load_idx %arg8[%add3A_5, %parallel_loop3A_377] : memref<128x128xf32, #tpu.memory_space<vmem>>[vector<16xi32>, vector<16xi32>], vector<16xf32>,
        %parallel_loop3A_379 = arith.constant 8.000000e+00 : f32
        %parallel_loop3A_380 = vector.broadcast %parallel_loop3A_379 : f32 to vector<16xf32>
        %parallel_loop3A_381 = arith.mulf %parallel_loop3A_378, %parallel_loop3A_380 : vector<16xf32>
        tpu.vector_store_idx %arg12[%parallel_loop3A_377, %add3A_5], %parallel_loop3A_381 : memref<64x128xf32, #tpu.memory_space<vmem>>[vector<16xi32>, vector<16xi32>], vector<16xf32>,
        %parallel_loop3A_382 = tpu.vector_load_idx %arg8[%add3A_8, %parallel_loop3A_377] : memref<128x128xf32, #tpu.memory_space<vmem>>[vector<16xi32>, vector<16xi32>], vector<16xf32>,
        %parallel_loop3A_383 = arith.constant 8.000000e+00 : f32
        %parallel_loop3A_384 = vector.broadcast %parallel_loop3A_383 : f32 to vector<16xf32>
        %parallel_loop3A_385 = arith.mulf %parallel_loop3A_382, %parallel_loop3A_384 : vector<16xf32>
        tpu.vector_store_idx %arg12[%parallel_loop3A_377, %add3A_8], %parallel_loop3A_385 : memref<64x128xf32, #tpu.memory_space<vmem>>[vector<16xi32>, vector<16xi32>], vector<16xf32>,
        %parallel_loop3A_386 = tpu.vector_load_idx %arg8[%add3A_11, %parallel_loop3A_377] : memref<128x128xf32, #tpu.memory_space<vmem>>[vector<16xi32>, vector<16xi32>], vector<16xf32>,
        %parallel_loop3A_387 = arith.constant 8.000000e+00 : f32
        %parallel_loop3A_388 = vector.broadcast %parallel_loop3A_387 : f32 to vector<16xf32>
        %parallel_loop3A_389 = arith.mulf %parallel_loop3A_386, %parallel_loop3A_388 : vector<16xf32>
        tpu.vector_store_idx %arg12[%parallel_loop3A_377, %add3A_11], %parallel_loop3A_389 : memref<64x128xf32, #tpu.memory_space<vmem>>[vector<16xi32>, vector<16xi32>], vector<16xf32>,
        %parallel_loop3A_390 = tpu.vector_load_idx %arg8[%add3A_14, %parallel_loop3A_377] : memref<128x128xf32, #tpu.memory_space<vmem>>[vector<16xi32>, vector<16xi32>], vector<16xf32>,
        %parallel_loop3A_391 = arith.constant 8.000000e+00 : f32
        %parallel_loop3A_392 = vector.broadcast %parallel_loop3A_391 : f32 to vector<16xf32>
        %parallel_loop3A_393 = arith.mulf %parallel_loop3A_390, %parallel_loop3A_392 : vector<16xf32>
        tpu.vector_store_idx %arg12[%parallel_loop3A_377, %add3A_14], %parallel_loop3A_393 : memref<64x128xf32, #tpu.memory_space<vmem>>[vector<16xi32>, vector<16xi32>], vector<16xf32>,
        %parallel_loop3A_394 = tpu.vector_load_idx %arg8[%add3A_17, %parallel_loop3A_377] : memref<128x128xf32, #tpu.memory_space<vmem>>[vector<16xi32>, vector<16xi32>], vector<16xf32>,
        %parallel_loop3A_395 = arith.constant 8.000000e+00 : f32
        %parallel_loop3A_396 = vector.broadcast %parallel_loop3A_395 : f32 to vector<16xf32>
        %parallel_loop3A_397 = arith.mulf %parallel_loop3A_394, %parallel_loop3A_396 : vector<16xf32>
        tpu.vector_store_idx %arg12[%parallel_loop3A_377, %add3A_17], %parallel_loop3A_397 : memref<64x128xf32, #tpu.memory_space<vmem>>[vector<16xi32>, vector<16xi32>], vector<16xf32>,
        %parallel_loop3A_398 = tpu.vector_load_idx %arg8[%add3A_20, %parallel_loop3A_377] : memref<128x128xf32, #tpu.memory_space<vmem>>[vector<16xi32>, vector<16xi32>], vector<16xf32>,
        %parallel_loop3A_399 = arith.constant 8.000000e+00 : f32
        %parallel_loop3A_400 = vector.broadcast %parallel_loop3A_399 : f32 to vector<16xf32>
        %parallel_loop3A_401 = arith.mulf %parallel_loop3A_398, %parallel_loop3A_400 : vector<16xf32>
        tpu.vector_store_idx %arg12[%parallel_loop3A_377, %add3A_20], %parallel_loop3A_401 : memref<64x128xf32, #tpu.memory_space<vmem>>[vector<16xi32>, vector<16xi32>], vector<16xf32>,
        %parallel_loop3A_402 = tpu.vector_load_idx %arg8[%add3A_23, %parallel_loop3A_377] : memref<128x128xf32, #tpu.memory_space<vmem>>[vector<16xi32>, vector<16xi32>], vector<16xf32>,
        %parallel_loop3A_403 = arith.constant 8.000000e+00 : f32
        %parallel_loop3A_404 = vector.broadcast %parallel_loop3A_403 : f32 to vector<16xf32>
        %parallel_loop3A_405 = arith.mulf %parallel_loop3A_402, %parallel_loop3A_404 : vector<16xf32>
        tpu.vector_store_idx %arg12[%parallel_loop3A_377, %add3A_23], %parallel_loop3A_405 : memref<64x128xf32, #tpu.memory_space<vmem>>[vector<16xi32>, vector<16xi32>], vector<16xf32>,
        %parallel_loop3A_406 = tpu.vector_load_idx %arg8[%add3A_26, %parallel_loop3A_377] : memref<128x128xf32, #tpu.memory_space<vmem>>[vector<16xi32>, vector<16xi32>], vector<16xf32>,
        %parallel_loop3A_407 = arith.constant 8.000000e+00 : f32
        %parallel_loop3A_408 = vector.broadcast %parallel_loop3A_407 : f32 to vector<16xf32>
        %parallel_loop3A_409 = arith.mulf %parallel_loop3A_406, %parallel_loop3A_408 : vector<16xf32>
        tpu.vector_store_idx %arg12[%parallel_loop3A_377, %add3A_26], %parallel_loop3A_409 : memref<64x128xf32, #tpu.memory_space<vmem>>[vector<16xi32>, vector<16xi32>], vector<16xf32>,
        %parallel_loop3A_410 = arith.constant 48 : i32
        %parallel_loop3A_411 = vector.broadcast %parallel_loop3A_410 : i32 to vector<16xi32>
        %parallel_loop3A_412 = arith.addi %parallel_loop3A_304, %parallel_loop3A_411 : vector<16xi32>
        %parallel_loop3A_413 = tpu.vector_load_idx %arg8[%add3A_5, %parallel_loop3A_412] : memref<128x128xf32, #tpu.memory_space<vmem>>[vector<16xi32>, vector<16xi32>], vector<16xf32>,
        %parallel_loop3A_414 = arith.constant 8.000000e+00 : f32
        %parallel_loop3A_415 = vector.broadcast %parallel_loop3A_414 : f32 to vector<16xf32>
        %parallel_loop3A_416 = arith.mulf %parallel_loop3A_413, %parallel_loop3A_415 : vector<16xf32>
        tpu.vector_store_idx %arg12[%parallel_loop3A_412, %add3A_5], %parallel_loop3A_416 : memref<64x128xf32, #tpu.memory_space<vmem>>[vector<16xi32>, vector<16xi32>], vector<16xf32>,
        %parallel_loop3A_417 = tpu.vector_load_idx %arg8[%add3A_8, %parallel_loop3A_412] : memref<128x128xf32, #tpu.memory_space<vmem>>[vector<16xi32>, vector<16xi32>], vector<16xf32>,
        %parallel_loop3A_418 = arith.constant 8.000000e+00 : f32
        %parallel_loop3A_419 = vector.broadcast %parallel_loop3A_418 : f32 to vector<16xf32>
        %parallel_loop3A_420 = arith.mulf %parallel_loop3A_417, %parallel_loop3A_419 : vector<16xf32>
        tpu.vector_store_idx %arg12[%parallel_loop3A_412, %add3A_8], %parallel_loop3A_420 : memref<64x128xf32, #tpu.memory_space<vmem>>[vector<16xi32>, vector<16xi32>], vector<16xf32>,
        %parallel_loop3A_421 = tpu.vector_load_idx %arg8[%add3A_11, %parallel_loop3A_412] : memref<128x128xf32, #tpu.memory_space<vmem>>[vector<16xi32>, vector<16xi32>], vector<16xf32>,
        %parallel_loop3A_422 = arith.constant 8.000000e+00 : f32
        %parallel_loop3A_423 = vector.broadcast %parallel_loop3A_422 : f32 to vector<16xf32>
        %parallel_loop3A_424 = arith.mulf %parallel_loop3A_421, %parallel_loop3A_423 : vector<16xf32>
        tpu.vector_store_idx %arg12[%parallel_loop3A_412, %add3A_11], %parallel_loop3A_424 : memref<64x128xf32, #tpu.memory_space<vmem>>[vector<16xi32>, vector<16xi32>], vector<16xf32>,
        %parallel_loop3A_425 = tpu.vector_load_idx %arg8[%add3A_14, %parallel_loop3A_412] : memref<128x128xf32, #tpu.memory_space<vmem>>[vector<16xi32>, vector<16xi32>], vector<16xf32>,
        %parallel_loop3A_426 = arith.constant 8.000000e+00 : f32
        %parallel_loop3A_427 = vector.broadcast %parallel_loop3A_426 : f32 to vector<16xf32>
        %parallel_loop3A_428 = arith.mulf %parallel_loop3A_425, %parallel_loop3A_427 : vector<16xf32>
        tpu.vector_store_idx %arg12[%parallel_loop3A_412, %add3A_14], %parallel_loop3A_428 : memref<64x128xf32, #tpu.memory_space<vmem>>[vector<16xi32>, vector<16xi32>], vector<16xf32>,
        %parallel_loop3A_429 = tpu.vector_load_idx %arg8[%add3A_17, %parallel_loop3A_412] : memref<128x128xf32, #tpu.memory_space<vmem>>[vector<16xi32>, vector<16xi32>], vector<16xf32>,
        %parallel_loop3A_430 = arith.constant 8.000000e+00 : f32
        %parallel_loop3A_431 = vector.broadcast %parallel_loop3A_430 : f32 to vector<16xf32>
        %parallel_loop3A_432 = arith.mulf %parallel_loop3A_429, %parallel_loop3A_431 : vector<16xf32>
        tpu.vector_store_idx %arg12[%parallel_loop3A_412, %add3A_17], %parallel_loop3A_432 : memref<64x128xf32, #tpu.memory_space<vmem>>[vector<16xi32>, vector<16xi32>], vector<16xf32>,
        %parallel_loop3A_433 = tpu.vector_load_idx %arg8[%add3A_20, %parallel_loop3A_412] : memref<128x128xf32, #tpu.memory_space<vmem>>[vector<16xi32>, vector<16xi32>], vector<16xf32>,
        %parallel_loop3A_434 = arith.constant 8.000000e+00 : f32
        %parallel_loop3A_435 = vector.broadcast %parallel_loop3A_434 : f32 to vector<16xf32>
        %parallel_loop3A_436 = arith.mulf %parallel_loop3A_433, %parallel_loop3A_435 : vector<16xf32>
        tpu.vector_store_idx %arg12[%parallel_loop3A_412, %add3A_20], %parallel_loop3A_436 : memref<64x128xf32, #tpu.memory_space<vmem>>[vector<16xi32>, vector<16xi32>], vector<16xf32>,
        %parallel_loop3A_437 = tpu.vector_load_idx %arg8[%add3A_23, %parallel_loop3A_412] : memref<128x128xf32, #tpu.memory_space<vmem>>[vector<16xi32>, vector<16xi32>], vector<16xf32>,
        %parallel_loop3A_438 = arith.constant 8.000000e+00 : f32
        %parallel_loop3A_439 = vector.broadcast %parallel_loop3A_438 : f32 to vector<16xf32>
        %parallel_loop3A_440 = arith.mulf %parallel_loop3A_437, %parallel_loop3A_439 : vector<16xf32>
        tpu.vector_store_idx %arg12[%parallel_loop3A_412, %add3A_23], %parallel_loop3A_440 : memref<64x128xf32, #tpu.memory_space<vmem>>[vector<16xi32>, vector<16xi32>], vector<16xf32>,
        %parallel_loop3A_441 = tpu.vector_load_idx %arg8[%add3A_26, %parallel_loop3A_412] : memref<128x128xf32, #tpu.memory_space<vmem>>[vector<16xi32>, vector<16xi32>], vector<16xf32>,
        %parallel_loop3A_442 = arith.constant 8.000000e+00 : f32
        %parallel_loop3A_443 = vector.broadcast %parallel_loop3A_442 : f32 to vector<16xf32>
        %parallel_loop3A_444 = arith.mulf %parallel_loop3A_441, %parallel_loop3A_443 : vector<16xf32>
        tpu.vector_store_idx %arg12[%parallel_loop3A_412, %add3A_26], %parallel_loop3A_444 : memref<64x128xf32, #tpu.memory_space<vmem>>[vector<16xi32>, vector<16xi32>], vector<16xf32>,
      } {sc.loop_unroll_factor = 8 : i64, sc.parallel_access}
      %mul3A_220 = arith.constant 64 : i32
      %mul3A_221 = arith.muli %select_n3A_202, %mul3A_220 : i32
      %mul3A_222 = arith.constant 128 : i32
      %mul3A_223 = arith.muli %sub3A_205, %mul3A_222 : i32
      %dma_start3A_224 = tpu.memref_slice %arg4[%mul3A_221, %mul3A_223] : memref<12800x4096xf32, #tpu.memory_space<hbm>> -> memref<64x128xf32, #tpu.memory_space<hbm>>
      %dma_start3A_225 = tpu.memref_slice %arg4[%mul3A_221, %mul3A_223] : memref<12800x4096xf32, #tpu.memory_space<hbm>> -> memref<64x128xf32, #tpu.memory_space<hbm>>
      tpu.enqueue_dma source(%arg12 : memref<64x128xf32, #tpu.memory_space<vmem>>) target(%dma_start3A_225 : memref<64x128xf32, #tpu.memory_space<hbm>>) target_semaphore(%arg20 : memref<!tpu.dma_semaphore, #tpu.memory_space<semaphore_mem>>)
      %add3A_226 = arith.constant 2 : i32
      %add3A_227 = arith.addi %add3A_177, %add3A_226 : i32
      %lt3A_228 = arith.constant 200 : i32
      %lt3A_229 = arith.cmpi slt, %add3A_227, %lt3A_228 : i32
      %convert_element_type3A_230 = arith.extui %lt3A_229 : i1 to i32
      %cond3A_231 = arith.constant 0 : i32
      %cond3A_232 = arith.cmpi ne, %convert_element_type3A_230, %cond3A_231 : i32
      scf.if %cond3A_232 {
        %add3A_292 = arith.constant 2 : i32
        %add3A_293 = arith.addi %add3A_177, %add3A_292 : i32
        %dma_start3A_294 = arith.constant 0 : i32
        %dma_start3A_295 = tpu.memref_slice %arg5[%add3A_293, %dma_start3A_294] : memref<200x128xi32, #tpu.memory_space<vmem>> -> memref<1x128xi32, #tpu.memory_space<vmem>>
        %dma_start3A_296 = tpu.memref_squeeze %dma_start3A_295 : memref<1x128xi32, #tpu.memory_space<vmem>> -> memref<128xi32, #tpu.memory_space<vmem>>
        %dma_start3A_297 = arith.constant 0 : i32
        %dma_start3A_298 = arith.constant 0 : i32
        %dma_start3A_299 = tpu.memref_slice %arg3[%dma_start3A_297, %dma_start3A_298] : memref<100000x128xf32, #tpu.memory_space<hbm>> -> memref<100000x128xf32, #tpu.memory_space<hbm>>
        tpu.enqueue_indirect_dma source(%dma_start3A_299 : memref<100000x128xf32, #tpu.memory_space<hbm>>) target(%arg6 : memref<128x128xf32, #tpu.memory_space<vmem>>) offsets(%dma_start3A_296 : memref<128xi32, #tpu.memory_space<vmem>>) semaphore(%arg14 : memref<!tpu.dma_semaphore, #tpu.memory_space<semaphore_mem>>)
      } else {
      }
      %mul3A_233 = arith.constant 4 : i32
      %mul3A_234 = arith.muli %scan3A_68, %mul3A_233 : i32
      %add3A_235 = arith.constant 3 : i32
      %add3A_236 = arith.addi %mul3A_234, %add3A_235 : i32
      %add3A_237 = arith.addi %mul3A_2, %add3A_236 : i32
      %jit3A_238 = arith.constant 32 : i32
      %div3A_239 = arith.divsi %add3A_237, %jit3A_238 : i32
      %sign3A_240 = arith.constant 0 : i32
      %sign3A_241 = arith.cmpi sgt, %add3A_237, %sign3A_240 : i32
      %sign3A_242 = arith.extui %sign3A_241 : i1 to i32
      %sign3A_243 = arith.constant 0 : i32
      %sign3A_244 = arith.cmpi slt, %add3A_237, %sign3A_243 : i32
      %sign3A_245 = arith.extui %sign3A_244 : i1 to i32
      %sign3A_246 = arith.subi %sign3A_242, %sign3A_245 : i32
      %sign3A_247 = arith.constant 0 : i32
      %sign3A_248 = arith.cmpi sgt, %jit3A_238, %sign3A_247 : i32
      %sign3A_249 = arith.extui %sign3A_248 : i1 to i32
      %sign3A_250 = arith.constant 0 : i32
      %sign3A_251 = arith.cmpi slt, %jit3A_238, %sign3A_250 : i32
      %sign3A_252 = arith.extui %sign3A_251 : i1 to i32
      %sign3A_253 = arith.subi %sign3A_249, %sign3A_252 : i32
      %ne3A_254 = arith.cmpi ne, %sign3A_246, %sign3A_253 : i32
      %rem3A_255 = arith.remsi %add3A_237, %jit3A_238 : i32
      %ne3A_256 = arith.constant 0 : i32
      %ne3A_257 = arith.cmpi ne, %rem3A_255, %ne3A_256 : i32
      %and3A_258 = arith.andi %ne3A_254, %ne3A_257 : i1
      %sub3A_259 = arith.constant 1 : i32
      %sub3A_260 = arith.subi %div3A_239, %sub3A_259 : i32
      %select_n3A_261 = arith.select %and3A_258, %sub3A_260, %div3A_239 : i32
      %mul3A_262 = arith.constant 32 : i32
      %mul3A_263 = arith.muli %select_n3A_261, %mul3A_262 : i32
      %sub3A_264 = arith.subi %add3A_237, %mul3A_263 : i32
      %dma_wait3A_265 = arith.constant 0 : i32
      %dma_wait3A_266 = arith.constant 0 : i32
      %dma_wait3A_267 = tpu.memref_slice %arg3[%dma_wait3A_265, %dma_wait3A_266] : memref<100000x128xf32, #tpu.memory_space<hbm>> -> memref<128x128xf32, #tpu.memory_space<hbm>>
      %dma_wait3A_268 = arith.constant 0 : i32
      %dma_wait3A_269 = arith.constant 0 : i32
      %dma_wait3A_270 = tpu.memref_slice %arg3[%dma_wait3A_268, %dma_wait3A_269] : memref<100000x128xf32, #tpu.memory_space<hbm>> -> memref<128x128xf32, #tpu.memory_space<hbm>>
      tpu.wait_dma2 semaphore(%arg17 : memref<!tpu.dma_semaphore, #tpu.memory_space<semaphore_mem>>) src(%dma_wait3A_270 : memref<128x128xf32, #tpu.memory_space<hbm>>) dst(%arg9 : memref<128x128xf32, #tpu.memory_space<vmem>>)
      %gt3A_271 = arith.constant 0 : i32
      %gt3A_272 = arith.cmpi sgt, %scan3A_68, %gt3A_271 : i32
      %convert_element_type3A_273 = arith.extui %gt3A_272 : i1 to i32
      %cond3A_274 = arith.constant 0 : i32
      %cond3A_275 = arith.cmpi ne, %convert_element_type3A_273, %cond3A_274 : i32
      scf.if %cond3A_275 {
        %dma_wait3A_292 = arith.constant 0 : i32
        %dma_wait3A_293 = arith.constant 0 : i32
        %dma_wait3A_294 = tpu.memref_slice %arg4[%dma_wait3A_292, %dma_wait3A_293] : memref<12800x4096xf32, #tpu.memory_space<hbm>> -> memref<64x128xf32, #tpu.memory_space<hbm>>
        %dma_wait3A_295 = arith.constant 0 : i32
        %dma_wait3A_296 = arith.constant 0 : i32
        %dma_wait3A_297 = tpu.memref_slice %arg4[%dma_wait3A_295, %dma_wait3A_296] : memref<12800x4096xf32, #tpu.memory_space<hbm>> -> memref<64x128xf32, #tpu.memory_space<hbm>>
        tpu.wait_dma2 semaphore(%arg21 : memref<!tpu.dma_semaphore, #tpu.memory_space<semaphore_mem>>) src(%arg13 : memref<64x128xf32, #tpu.memory_space<vmem>>) dst(%dma_wait3A_297 : memref<64x128xf32, #tpu.memory_space<hbm>>)
      } else {
      }
      %parallel_loop3A_276 = arith.constant 0 : i32
      %parallel_loop3A_277 = arith.constant 16 : i32
      %parallel_loop3A_278 = arith.constant 1 : i32
      scf.for %parallel_loop3A_292 = %parallel_loop3A_276 to %parallel_loop3A_277 step %parallel_loop3A_278  : i32 {
        %parallel_loop3A_293 = arith.constant 16 : i32
        %parallel_loop3A_294 = arith.subi %parallel_loop3A_293, %parallel_loop3A_292 : i32
        %parallel_loop3A_295 = vector.broadcast %parallel_loop3A_294 : i32 to vector<16xi32>
        %parallel_loop3A_296 = arith.cmpi slt, %iota3A, %parallel_loop3A_295 : vector<16xi32>
        %parallel_loop3A_297 = vector.broadcast %parallel_loop3A_292 : i32 to vector<16xi32>
        %parallel_loop3A_298 = arith.addi %iota3A, %parallel_loop3A_297 : vector<16xi32>
        %parallel_loop3A_299 = vector.broadcast %parallel_loop3A_292 : i32 to vector<16xi32>
        %parallel_loop3A_300 = arith.addi %iota3A, %parallel_loop3A_299 : vector<16xi32>
        %parallel_loop3A_301 = arith.constant 16 : i32
        %parallel_loop3A_302 = vector.broadcast %parallel_loop3A_301 : i32 to vector<16xi32>
        %parallel_loop3A_303 = arith.subi %parallel_loop3A_300, %parallel_loop3A_302 : vector<16xi32>
        %parallel_loop3A_304 = arith.select %parallel_loop3A_296, %parallel_loop3A_298, %parallel_loop3A_303 : vector<16xi1>, vector<16xi32>
        %parallel_loop3A_305 = arith.constant 0 : i32
        %parallel_loop3A_306 = vector.broadcast %parallel_loop3A_305 : i32 to vector<16xi32>
        %parallel_loop3A_307 = arith.addi %parallel_loop3A_304, %parallel_loop3A_306 : vector<16xi32>
        %parallel_loop3A_308 = tpu.vector_load_idx %arg9[%add3A_5, %parallel_loop3A_307] : memref<128x128xf32, #tpu.memory_space<vmem>>[vector<16xi32>, vector<16xi32>], vector<16xf32>,
        %parallel_loop3A_309 = arith.constant 8.000000e+00 : f32
        %parallel_loop3A_310 = vector.broadcast %parallel_loop3A_309 : f32 to vector<16xf32>
        %parallel_loop3A_311 = arith.mulf %parallel_loop3A_308, %parallel_loop3A_310 : vector<16xf32>
        tpu.vector_store_idx %arg13[%parallel_loop3A_307, %add3A_5], %parallel_loop3A_311 : memref<64x128xf32, #tpu.memory_space<vmem>>[vector<16xi32>, vector<16xi32>], vector<16xf32>,
        %parallel_loop3A_312 = tpu.vector_load_idx %arg9[%add3A_8, %parallel_loop3A_307] : memref<128x128xf32, #tpu.memory_space<vmem>>[vector<16xi32>, vector<16xi32>], vector<16xf32>,
        %parallel_loop3A_313 = arith.constant 8.000000e+00 : f32
        %parallel_loop3A_314 = vector.broadcast %parallel_loop3A_313 : f32 to vector<16xf32>
        %parallel_loop3A_315 = arith.mulf %parallel_loop3A_312, %parallel_loop3A_314 : vector<16xf32>
        tpu.vector_store_idx %arg13[%parallel_loop3A_307, %add3A_8], %parallel_loop3A_315 : memref<64x128xf32, #tpu.memory_space<vmem>>[vector<16xi32>, vector<16xi32>], vector<16xf32>,
        %parallel_loop3A_316 = tpu.vector_load_idx %arg9[%add3A_11, %parallel_loop3A_307] : memref<128x128xf32, #tpu.memory_space<vmem>>[vector<16xi32>, vector<16xi32>], vector<16xf32>,
        %parallel_loop3A_317 = arith.constant 8.000000e+00 : f32
        %parallel_loop3A_318 = vector.broadcast %parallel_loop3A_317 : f32 to vector<16xf32>
        %parallel_loop3A_319 = arith.mulf %parallel_loop3A_316, %parallel_loop3A_318 : vector<16xf32>
        tpu.vector_store_idx %arg13[%parallel_loop3A_307, %add3A_11], %parallel_loop3A_319 : memref<64x128xf32, #tpu.memory_space<vmem>>[vector<16xi32>, vector<16xi32>], vector<16xf32>,
        %parallel_loop3A_320 = tpu.vector_load_idx %arg9[%add3A_14, %parallel_loop3A_307] : memref<128x128xf32, #tpu.memory_space<vmem>>[vector<16xi32>, vector<16xi32>], vector<16xf32>,
        %parallel_loop3A_321 = arith.constant 8.000000e+00 : f32
        %parallel_loop3A_322 = vector.broadcast %parallel_loop3A_321 : f32 to vector<16xf32>
        %parallel_loop3A_323 = arith.mulf %parallel_loop3A_320, %parallel_loop3A_322 : vector<16xf32>
        tpu.vector_store_idx %arg13[%parallel_loop3A_307, %add3A_14], %parallel_loop3A_323 : memref<64x128xf32, #tpu.memory_space<vmem>>[vector<16xi32>, vector<16xi32>], vector<16xf32>,
        %parallel_loop3A_324 = tpu.vector_load_idx %arg9[%add3A_17, %parallel_loop3A_307] : memref<128x128xf32, #tpu.memory_space<vmem>>[vector<16xi32>, vector<16xi32>], vector<16xf32>,
        %parallel_loop3A_325 = arith.constant 8.000000e+00 : f32
        %parallel_loop3A_326 = vector.broadcast %parallel_loop3A_325 : f32 to vector<16xf32>
        %parallel_loop3A_327 = arith.mulf %parallel_loop3A_324, %parallel_loop3A_326 : vector<16xf32>
        tpu.vector_store_idx %arg13[%parallel_loop3A_307, %add3A_17], %parallel_loop3A_327 : memref<64x128xf32, #tpu.memory_space<vmem>>[vector<16xi32>, vector<16xi32>], vector<16xf32>,
        %parallel_loop3A_328 = tpu.vector_load_idx %arg9[%add3A_20, %parallel_loop3A_307] : memref<128x128xf32, #tpu.memory_space<vmem>>[vector<16xi32>, vector<16xi32>], vector<16xf32>,
        %parallel_loop3A_329 = arith.constant 8.000000e+00 : f32
        %parallel_loop3A_330 = vector.broadcast %parallel_loop3A_329 : f32 to vector<16xf32>
        %parallel_loop3A_331 = arith.mulf %parallel_loop3A_328, %parallel_loop3A_330 : vector<16xf32>
        tpu.vector_store_idx %arg13[%parallel_loop3A_307, %add3A_20], %parallel_loop3A_331 : memref<64x128xf32, #tpu.memory_space<vmem>>[vector<16xi32>, vector<16xi32>], vector<16xf32>,
        %parallel_loop3A_332 = tpu.vector_load_idx %arg9[%add3A_23, %parallel_loop3A_307] : memref<128x128xf32, #tpu.memory_space<vmem>>[vector<16xi32>, vector<16xi32>], vector<16xf32>,
        %parallel_loop3A_333 = arith.constant 8.000000e+00 : f32
        %parallel_loop3A_334 = vector.broadcast %parallel_loop3A_333 : f32 to vector<16xf32>
        %parallel_loop3A_335 = arith.mulf %parallel_loop3A_332, %parallel_loop3A_334 : vector<16xf32>
        tpu.vector_store_idx %arg13[%parallel_loop3A_307, %add3A_23], %parallel_loop3A_335 : memref<64x128xf32, #tpu.memory_space<vmem>>[vector<16xi32>, vector<16xi32>], vector<16xf32>,
        %parallel_loop3A_336 = tpu.vector_load_idx %arg9[%add3A_26, %parallel_loop3A_307] : memref<128x128xf32, #tpu.memory_space<vmem>>[vector<16xi32>, vector<16xi32>], vector<16xf32>,
        %parallel_loop3A_337 = arith.constant 8.000000e+00 : f32
        %parallel_loop3A_338 = vector.broadcast %parallel_loop3A_337 : f32 to vector<16xf32>
        %parallel_loop3A_339 = arith.mulf %parallel_loop3A_336, %parallel_loop3A_338 : vector<16xf32>
        tpu.vector_store_idx %arg13[%parallel_loop3A_307, %add3A_26], %parallel_loop3A_339 : memref<64x128xf32, #tpu.memory_space<vmem>>[vector<16xi32>, vector<16xi32>], vector<16xf32>,
        %parallel_loop3A_340 = arith.constant 16 : i32
        %parallel_loop3A_341 = vector.broadcast %parallel_loop3A_340 : i32 to vector<16xi32>
        %parallel_loop3A_342 = arith.addi %parallel_loop3A_304, %parallel_loop3A_341 : vector<16xi32>
        %parallel_loop3A_343 = tpu.vector_load_idx %arg9[%add3A_5, %parallel_loop3A_342] : memref<128x128xf32, #tpu.memory_space<vmem>>[vector<16xi32>, vector<16xi32>], vector<16xf32>,
        %parallel_loop3A_344 = arith.constant 8.000000e+00 : f32
        %parallel_loop3A_345 = vector.broadcast %parallel_loop3A_344 : f32 to vector<16xf32>
        %parallel_loop3A_346 = arith.mulf %parallel_loop3A_343, %parallel_loop3A_345 : vector<16xf32>
        tpu.vector_store_idx %arg13[%parallel_loop3A_342, %add3A_5], %parallel_loop3A_346 : memref<64x128xf32, #tpu.memory_space<vmem>>[vector<16xi32>, vector<16xi32>], vector<16xf32>,
        %parallel_loop3A_347 = tpu.vector_load_idx %arg9[%add3A_8, %parallel_loop3A_342] : memref<128x128xf32, #tpu.memory_space<vmem>>[vector<16xi32>, vector<16xi32>], vector<16xf32>,
        %parallel_loop3A_348 = arith.constant 8.000000e+00 : f32
        %parallel_loop3A_349 = vector.broadcast %parallel_loop3A_348 : f32 to vector<16xf32>
        %parallel_loop3A_350 = arith.mulf %parallel_loop3A_347, %parallel_loop3A_349 : vector<16xf32>
        tpu.vector_store_idx %arg13[%parallel_loop3A_342, %add3A_8], %parallel_loop3A_350 : memref<64x128xf32, #tpu.memory_space<vmem>>[vector<16xi32>, vector<16xi32>], vector<16xf32>,
        %parallel_loop3A_351 = tpu.vector_load_idx %arg9[%add3A_11, %parallel_loop3A_342] : memref<128x128xf32, #tpu.memory_space<vmem>>[vector<16xi32>, vector<16xi32>], vector<16xf32>,
        %parallel_loop3A_352 = arith.constant 8.000000e+00 : f32
        %parallel_loop3A_353 = vector.broadcast %parallel_loop3A_352 : f32 to vector<16xf32>
        %parallel_loop3A_354 = arith.mulf %parallel_loop3A_351, %parallel_loop3A_353 : vector<16xf32>
        tpu.vector_store_idx %arg13[%parallel_loop3A_342, %add3A_11], %parallel_loop3A_354 : memref<64x128xf32, #tpu.memory_space<vmem>>[vector<16xi32>, vector<16xi32>], vector<16xf32>,
        %parallel_loop3A_355 = tpu.vector_load_idx %arg9[%add3A_14, %parallel_loop3A_342] : memref<128x128xf32, #tpu.memory_space<vmem>>[vector<16xi32>, vector<16xi32>], vector<16xf32>,
        %parallel_loop3A_356 = arith.constant 8.000000e+00 : f32
        %parallel_loop3A_357 = vector.broadcast %parallel_loop3A_356 : f32 to vector<16xf32>
        %parallel_loop3A_358 = arith.mulf %parallel_loop3A_355, %parallel_loop3A_357 : vector<16xf32>
        tpu.vector_store_idx %arg13[%parallel_loop3A_342, %add3A_14], %parallel_loop3A_358 : memref<64x128xf32, #tpu.memory_space<vmem>>[vector<16xi32>, vector<16xi32>], vector<16xf32>,
        %parallel_loop3A_359 = tpu.vector_load_idx %arg9[%add3A_17, %parallel_loop3A_342] : memref<128x128xf32, #tpu.memory_space<vmem>>[vector<16xi32>, vector<16xi32>], vector<16xf32>,
        %parallel_loop3A_360 = arith.constant 8.000000e+00 : f32
        %parallel_loop3A_361 = vector.broadcast %parallel_loop3A_360 : f32 to vector<16xf32>
        %parallel_loop3A_362 = arith.mulf %parallel_loop3A_359, %parallel_loop3A_361 : vector<16xf32>
        tpu.vector_store_idx %arg13[%parallel_loop3A_342, %add3A_17], %parallel_loop3A_362 : memref<64x128xf32, #tpu.memory_space<vmem>>[vector<16xi32>, vector<16xi32>], vector<16xf32>,
        %parallel_loop3A_363 = tpu.vector_load_idx %arg9[%add3A_20, %parallel_loop3A_342] : memref<128x128xf32, #tpu.memory_space<vmem>>[vector<16xi32>, vector<16xi32>], vector<16xf32>,
        %parallel_loop3A_364 = arith.constant 8.000000e+00 : f32
        %parallel_loop3A_365 = vector.broadcast %parallel_loop3A_364 : f32 to vector<16xf32>
        %parallel_loop3A_366 = arith.mulf %parallel_loop3A_363, %parallel_loop3A_365 : vector<16xf32>
        tpu.vector_store_idx %arg13[%parallel_loop3A_342, %add3A_20], %parallel_loop3A_366 : memref<64x128xf32, #tpu.memory_space<vmem>>[vector<16xi32>, vector<16xi32>], vector<16xf32>,
        %parallel_loop3A_367 = tpu.vector_load_idx %arg9[%add3A_23, %parallel_loop3A_342] : memref<128x128xf32, #tpu.memory_space<vmem>>[vector<16xi32>, vector<16xi32>], vector<16xf32>,
        %parallel_loop3A_368 = arith.constant 8.000000e+00 : f32
        %parallel_loop3A_369 = vector.broadcast %parallel_loop3A_368 : f32 to vector<16xf32>
        %parallel_loop3A_370 = arith.mulf %parallel_loop3A_367, %parallel_loop3A_369 : vector<16xf32>
        tpu.vector_store_idx %arg13[%parallel_loop3A_342, %add3A_23], %parallel_loop3A_370 : memref<64x128xf32, #tpu.memory_space<vmem>>[vector<16xi32>, vector<16xi32>], vector<16xf32>,
        %parallel_loop3A_371 = tpu.vector_load_idx %arg9[%add3A_26, %parallel_loop3A_342] : memref<128x128xf32, #tpu.memory_space<vmem>>[vector<16xi32>, vector<16xi32>], vector<16xf32>,
        %parallel_loop3A_372 = arith.constant 8.000000e+00 : f32
        %parallel_loop3A_373 = vector.broadcast %parallel_loop3A_372 : f32 to vector<16xf32>
        %parallel_loop3A_374 = arith.mulf %parallel_loop3A_371, %parallel_loop3A_373 : vector<16xf32>
        tpu.vector_store_idx %arg13[%parallel_loop3A_342, %add3A_26], %parallel_loop3A_374 : memref<64x128xf32, #tpu.memory_space<vmem>>[vector<16xi32>, vector<16xi32>], vector<16xf32>,
        %parallel_loop3A_375 = arith.constant 32 : i32
        %parallel_loop3A_376 = vector.broadcast %parallel_loop3A_375 : i32 to vector<16xi32>
        %parallel_loop3A_377 = arith.addi %parallel_loop3A_304, %parallel_loop3A_376 : vector<16xi32>
        %parallel_loop3A_378 = tpu.vector_load_idx %arg9[%add3A_5, %parallel_loop3A_377] : memref<128x128xf32, #tpu.memory_space<vmem>>[vector<16xi32>, vector<16xi32>], vector<16xf32>,
        %parallel_loop3A_379 = arith.constant 8.000000e+00 : f32
        %parallel_loop3A_380 = vector.broadcast %parallel_loop3A_379 : f32 to vector<16xf32>
        %parallel_loop3A_381 = arith.mulf %parallel_loop3A_378, %parallel_loop3A_380 : vector<16xf32>
        tpu.vector_store_idx %arg13[%parallel_loop3A_377, %add3A_5], %parallel_loop3A_381 : memref<64x128xf32, #tpu.memory_space<vmem>>[vector<16xi32>, vector<16xi32>], vector<16xf32>,
        %parallel_loop3A_382 = tpu.vector_load_idx %arg9[%add3A_8, %parallel_loop3A_377] : memref<128x128xf32, #tpu.memory_space<vmem>>[vector<16xi32>, vector<16xi32>], vector<16xf32>,
        %parallel_loop3A_383 = arith.constant 8.000000e+00 : f32
        %parallel_loop3A_384 = vector.broadcast %parallel_loop3A_383 : f32 to vector<16xf32>
        %parallel_loop3A_385 = arith.mulf %parallel_loop3A_382, %parallel_loop3A_384 : vector<16xf32>
        tpu.vector_store_idx %arg13[%parallel_loop3A_377, %add3A_8], %parallel_loop3A_385 : memref<64x128xf32, #tpu.memory_space<vmem>>[vector<16xi32>, vector<16xi32>], vector<16xf32>,
        %parallel_loop3A_386 = tpu.vector_load_idx %arg9[%add3A_11, %parallel_loop3A_377] : memref<128x128xf32, #tpu.memory_space<vmem>>[vector<16xi32>, vector<16xi32>], vector<16xf32>,
        %parallel_loop3A_387 = arith.constant 8.000000e+00 : f32
        %parallel_loop3A_388 = vector.broadcast %parallel_loop3A_387 : f32 to vector<16xf32>
        %parallel_loop3A_389 = arith.mulf %parallel_loop3A_386, %parallel_loop3A_388 : vector<16xf32>
        tpu.vector_store_idx %arg13[%parallel_loop3A_377, %add3A_11], %parallel_loop3A_389 : memref<64x128xf32, #tpu.memory_space<vmem>>[vector<16xi32>, vector<16xi32>], vector<16xf32>,
        %parallel_loop3A_390 = tpu.vector_load_idx %arg9[%add3A_14, %parallel_loop3A_377] : memref<128x128xf32, #tpu.memory_space<vmem>>[vector<16xi32>, vector<16xi32>], vector<16xf32>,
        %parallel_loop3A_391 = arith.constant 8.000000e+00 : f32
        %parallel_loop3A_392 = vector.broadcast %parallel_loop3A_391 : f32 to vector<16xf32>
        %parallel_loop3A_393 = arith.mulf %parallel_loop3A_390, %parallel_loop3A_392 : vector<16xf32>
        tpu.vector_store_idx %arg13[%parallel_loop3A_377, %add3A_14], %parallel_loop3A_393 : memref<64x128xf32, #tpu.memory_space<vmem>>[vector<16xi32>, vector<16xi32>], vector<16xf32>,
        %parallel_loop3A_394 = tpu.vector_load_idx %arg9[%add3A_17, %parallel_loop3A_377] : memref<128x128xf32, #tpu.memory_space<vmem>>[vector<16xi32>, vector<16xi32>], vector<16xf32>,
        %parallel_loop3A_395 = arith.constant 8.000000e+00 : f32
        %parallel_loop3A_396 = vector.broadcast %parallel_loop3A_395 : f32 to vector<16xf32>
        %parallel_loop3A_397 = arith.mulf %parallel_loop3A_394, %parallel_loop3A_396 : vector<16xf32>
        tpu.vector_store_idx %arg13[%parallel_loop3A_377, %add3A_17], %parallel_loop3A_397 : memref<64x128xf32, #tpu.memory_space<vmem>>[vector<16xi32>, vector<16xi32>], vector<16xf32>,
        %parallel_loop3A_398 = tpu.vector_load_idx %arg9[%add3A_20, %parallel_loop3A_377] : memref<128x128xf32, #tpu.memory_space<vmem>>[vector<16xi32>, vector<16xi32>], vector<16xf32>,
        %parallel_loop3A_399 = arith.constant 8.000000e+00 : f32
        %parallel_loop3A_400 = vector.broadcast %parallel_loop3A_399 : f32 to vector<16xf32>
        %parallel_loop3A_401 = arith.mulf %parallel_loop3A_398, %parallel_loop3A_400 : vector<16xf32>
        tpu.vector_store_idx %arg13[%parallel_loop3A_377, %add3A_20], %parallel_loop3A_401 : memref<64x128xf32, #tpu.memory_space<vmem>>[vector<16xi32>, vector<16xi32>], vector<16xf32>,
        %parallel_loop3A_402 = tpu.vector_load_idx %arg9[%add3A_23, %parallel_loop3A_377] : memref<128x128xf32, #tpu.memory_space<vmem>>[vector<16xi32>, vector<16xi32>], vector<16xf32>,
        %parallel_loop3A_403 = arith.constant 8.000000e+00 : f32
        %parallel_loop3A_404 = vector.broadcast %parallel_loop3A_403 : f32 to vector<16xf32>
        %parallel_loop3A_405 = arith.mulf %parallel_loop3A_402, %parallel_loop3A_404 : vector<16xf32>
        tpu.vector_store_idx %arg13[%parallel_loop3A_377, %add3A_23], %parallel_loop3A_405 : memref<64x128xf32, #tpu.memory_space<vmem>>[vector<16xi32>, vector<16xi32>], vector<16xf32>,
        %parallel_loop3A_406 = tpu.vector_load_idx %arg9[%add3A_26, %parallel_loop3A_377] : memref<128x128xf32, #tpu.memory_space<vmem>>[vector<16xi32>, vector<16xi32>], vector<16xf32>,
        %parallel_loop3A_407 = arith.constant 8.000000e+00 : f32
        %parallel_loop3A_408 = vector.broadcast %parallel_loop3A_407 : f32 to vector<16xf32>
        %parallel_loop3A_409 = arith.mulf %parallel_loop3A_406, %parallel_loop3A_408 : vector<16xf32>
        tpu.vector_store_idx %arg13[%parallel_loop3A_377, %add3A_26], %parallel_loop3A_409 : memref<64x128xf32, #tpu.memory_space<vmem>>[vector<16xi32>, vector<16xi32>], vector<16xf32>,
        %parallel_loop3A_410 = arith.constant 48 : i32
        %parallel_loop3A_411 = vector.broadcast %parallel_loop3A_410 : i32 to vector<16xi32>
        %parallel_loop3A_412 = arith.addi %parallel_loop3A_304, %parallel_loop3A_411 : vector<16xi32>
        %parallel_loop3A_413 = tpu.vector_load_idx %arg9[%add3A_5, %parallel_loop3A_412] : memref<128x128xf32, #tpu.memory_space<vmem>>[vector<16xi32>, vector<16xi32>], vector<16xf32>,
        %parallel_loop3A_414 = arith.constant 8.000000e+00 : f32
        %parallel_loop3A_415 = vector.broadcast %parallel_loop3A_414 : f32 to vector<16xf32>
        %parallel_loop3A_416 = arith.mulf %parallel_loop3A_413, %parallel_loop3A_415 : vector<16xf32>
        tpu.vector_store_idx %arg13[%parallel_loop3A_412, %add3A_5], %parallel_loop3A_416 : memref<64x128xf32, #tpu.memory_space<vmem>>[vector<16xi32>, vector<16xi32>], vector<16xf32>,
        %parallel_loop3A_417 = tpu.vector_load_idx %arg9[%add3A_8, %parallel_loop3A_412] : memref<128x128xf32, #tpu.memory_space<vmem>>[vector<16xi32>, vector<16xi32>], vector<16xf32>,
        %parallel_loop3A_418 = arith.constant 8.000000e+00 : f32
        %parallel_loop3A_419 = vector.broadcast %parallel_loop3A_418 : f32 to vector<16xf32>
        %parallel_loop3A_420 = arith.mulf %parallel_loop3A_417, %parallel_loop3A_419 : vector<16xf32>
        tpu.vector_store_idx %arg13[%parallel_loop3A_412, %add3A_8], %parallel_loop3A_420 : memref<64x128xf32, #tpu.memory_space<vmem>>[vector<16xi32>, vector<16xi32>], vector<16xf32>,
        %parallel_loop3A_421 = tpu.vector_load_idx %arg9[%add3A_11, %parallel_loop3A_412] : memref<128x128xf32, #tpu.memory_space<vmem>>[vector<16xi32>, vector<16xi32>], vector<16xf32>,
        %parallel_loop3A_422 = arith.constant 8.000000e+00 : f32
        %parallel_loop3A_423 = vector.broadcast %parallel_loop3A_422 : f32 to vector<16xf32>
        %parallel_loop3A_424 = arith.mulf %parallel_loop3A_421, %parallel_loop3A_423 : vector<16xf32>
        tpu.vector_store_idx %arg13[%parallel_loop3A_412, %add3A_11], %parallel_loop3A_424 : memref<64x128xf32, #tpu.memory_space<vmem>>[vector<16xi32>, vector<16xi32>], vector<16xf32>,
        %parallel_loop3A_425 = tpu.vector_load_idx %arg9[%add3A_14, %parallel_loop3A_412] : memref<128x128xf32, #tpu.memory_space<vmem>>[vector<16xi32>, vector<16xi32>], vector<16xf32>,
        %parallel_loop3A_426 = arith.constant 8.000000e+00 : f32
        %parallel_loop3A_427 = vector.broadcast %parallel_loop3A_426 : f32 to vector<16xf32>
        %parallel_loop3A_428 = arith.mulf %parallel_loop3A_425, %parallel_loop3A_427 : vector<16xf32>
        tpu.vector_store_idx %arg13[%parallel_loop3A_412, %add3A_14], %parallel_loop3A_428 : memref<64x128xf32, #tpu.memory_space<vmem>>[vector<16xi32>, vector<16xi32>], vector<16xf32>,
        %parallel_loop3A_429 = tpu.vector_load_idx %arg9[%add3A_17, %parallel_loop3A_412] : memref<128x128xf32, #tpu.memory_space<vmem>>[vector<16xi32>, vector<16xi32>], vector<16xf32>,
        %parallel_loop3A_430 = arith.constant 8.000000e+00 : f32
        %parallel_loop3A_431 = vector.broadcast %parallel_loop3A_430 : f32 to vector<16xf32>
        %parallel_loop3A_432 = arith.mulf %parallel_loop3A_429, %parallel_loop3A_431 : vector<16xf32>
        tpu.vector_store_idx %arg13[%parallel_loop3A_412, %add3A_17], %parallel_loop3A_432 : memref<64x128xf32, #tpu.memory_space<vmem>>[vector<16xi32>, vector<16xi32>], vector<16xf32>,
        %parallel_loop3A_433 = tpu.vector_load_idx %arg9[%add3A_20, %parallel_loop3A_412] : memref<128x128xf32, #tpu.memory_space<vmem>>[vector<16xi32>, vector<16xi32>], vector<16xf32>,
        %parallel_loop3A_434 = arith.constant 8.000000e+00 : f32
        %parallel_loop3A_435 = vector.broadcast %parallel_loop3A_434 : f32 to vector<16xf32>
        %parallel_loop3A_436 = arith.mulf %parallel_loop3A_433, %parallel_loop3A_435 : vector<16xf32>
        tpu.vector_store_idx %arg13[%parallel_loop3A_412, %add3A_20], %parallel_loop3A_436 : memref<64x128xf32, #tpu.memory_space<vmem>>[vector<16xi32>, vector<16xi32>], vector<16xf32>,
        %parallel_loop3A_437 = tpu.vector_load_idx %arg9[%add3A_23, %parallel_loop3A_412] : memref<128x128xf32, #tpu.memory_space<vmem>>[vector<16xi32>, vector<16xi32>], vector<16xf32>,
        %parallel_loop3A_438 = arith.constant 8.000000e+00 : f32
        %parallel_loop3A_439 = vector.broadcast %parallel_loop3A_438 : f32 to vector<16xf32>
        %parallel_loop3A_440 = arith.mulf %parallel_loop3A_437, %parallel_loop3A_439 : vector<16xf32>
        tpu.vector_store_idx %arg13[%parallel_loop3A_412, %add3A_23], %parallel_loop3A_440 : memref<64x128xf32, #tpu.memory_space<vmem>>[vector<16xi32>, vector<16xi32>], vector<16xf32>,
        %parallel_loop3A_441 = tpu.vector_load_idx %arg9[%add3A_26, %parallel_loop3A_412] : memref<128x128xf32, #tpu.memory_space<vmem>>[vector<16xi32>, vector<16xi32>], vector<16xf32>,
        %parallel_loop3A_442 = arith.constant 8.000000e+00 : f32
        %parallel_loop3A_443 = vector.broadcast %parallel_loop3A_442 : f32 to vector<16xf32>
        %parallel_loop3A_444 = arith.mulf %parallel_loop3A_441, %parallel_loop3A_443 : vector<16xf32>
        tpu.vector_store_idx %arg13[%parallel_loop3A_412, %add3A_26], %parallel_loop3A_444 : memref<64x128xf32, #tpu.memory_space<vmem>>[vector<16xi32>, vector<16xi32>], vector<16xf32>,
      } {sc.loop_unroll_factor = 8 : i64, sc.parallel_access}
      %mul3A_279 = arith.constant 64 : i32
      %mul3A_280 = arith.muli %select_n3A_261, %mul3A_279 : i32
      %mul3A_281 = arith.constant 128 : i32
      %mul3A_282 = arith.muli %sub3A_264, %mul3A_281 : i32
      %dma_start3A_283 = tpu.memref_slice %arg4[%mul3A_280, %mul3A_282] : memref<12800x4096xf32, #tpu.memory_space<hbm>> -> memref<64x128xf32, #tpu.memory_space<hbm>>
      %dma_start3A_284 = tpu.memref_slice %arg4[%mul3A_280, %mul3A_282] : memref<12800x4096xf32, #tpu.memory_space<hbm>> -> memref<64x128xf32, #tpu.memory_space<hbm>>
      tpu.enqueue_dma source(%arg13 : memref<64x128xf32, #tpu.memory_space<vmem>>) target(%dma_start3A_284 : memref<64x128xf32, #tpu.memory_space<hbm>>) target_semaphore(%arg21 : memref<!tpu.dma_semaphore, #tpu.memory_space<semaphore_mem>>)
      %add3A_285 = arith.constant 2 : i32
      %add3A_286 = arith.addi %add3A_236, %add3A_285 : i32
      %lt3A_287 = arith.constant 200 : i32
      %lt3A_288 = arith.cmpi slt, %add3A_286, %lt3A_287 : i32
      %convert_element_type3A_289 = arith.extui %lt3A_288 : i1 to i32
      %cond3A_290 = arith.constant 0 : i32
      %cond3A_291 = arith.cmpi ne, %convert_element_type3A_289, %cond3A_290 : i32
      scf.if %cond3A_291 {
        %add3A_292 = arith.constant 2 : i32
        %add3A_293 = arith.addi %add3A_236, %add3A_292 : i32
        %dma_start3A_294 = arith.constant 0 : i32
        %dma_start3A_295 = tpu.memref_slice %arg5[%add3A_293, %dma_start3A_294] : memref<200x128xi32, #tpu.memory_space<vmem>> -> memref<1x128xi32, #tpu.memory_space<vmem>>
        %dma_start3A_296 = tpu.memref_squeeze %dma_start3A_295 : memref<1x128xi32, #tpu.memory_space<vmem>> -> memref<128xi32, #tpu.memory_space<vmem>>
        %dma_start3A_297 = arith.constant 0 : i32
        %dma_start3A_298 = arith.constant 0 : i32
        %dma_start3A_299 = tpu.memref_slice %arg3[%dma_start3A_297, %dma_start3A_298] : memref<100000x128xf32, #tpu.memory_space<hbm>> -> memref<100000x128xf32, #tpu.memory_space<hbm>>
        tpu.enqueue_indirect_dma source(%dma_start3A_299 : memref<100000x128xf32, #tpu.memory_space<hbm>>) target(%arg7 : memref<128x128xf32, #tpu.memory_space<vmem>>) offsets(%dma_start3A_296 : memref<128xi32, #tpu.memory_space<vmem>>) semaphore(%arg15 : memref<!tpu.dma_semaphore, #tpu.memory_space<semaphore_mem>>)
      } else {
      }
    }
    %scan3A_44 = arith.constant 50 : i32
    %dma_wait3A = arith.constant 0 : i32
    %dma_wait3A_45 = arith.constant 0 : i32
    %dma_wait3A_46 = tpu.memref_slice %arg4[%dma_wait3A, %dma_wait3A_45] : memref<12800x4096xf32, #tpu.memory_space<hbm>> -> memref<64x128xf32, #tpu.memory_space<hbm>>
    %dma_wait3A_47 = arith.constant 0 : i32
    %dma_wait3A_48 = arith.constant 0 : i32
    %dma_wait3A_49 = tpu.memref_slice %arg4[%dma_wait3A_47, %dma_wait3A_48] : memref<12800x4096xf32, #tpu.memory_space<hbm>> -> memref<64x128xf32, #tpu.memory_space<hbm>>
    tpu.wait_dma2 semaphore(%arg18 : memref<!tpu.dma_semaphore, #tpu.memory_space<semaphore_mem>>) src(%arg10 : memref<64x128xf32, #tpu.memory_space<vmem>>) dst(%dma_wait3A_49 : memref<64x128xf32, #tpu.memory_space<hbm>>)
    %dma_wait3A_50 = arith.constant 0 : i32
    %dma_wait3A_51 = arith.constant 0 : i32
    %dma_wait3A_52 = tpu.memref_slice %arg4[%dma_wait3A_50, %dma_wait3A_51] : memref<12800x4096xf32, #tpu.memory_space<hbm>> -> memref<64x128xf32, #tpu.memory_space<hbm>>
    %dma_wait3A_53 = arith.constant 0 : i32
    %dma_wait3A_54 = arith.constant 0 : i32
    %dma_wait3A_55 = tpu.memref_slice %arg4[%dma_wait3A_53, %dma_wait3A_54] : memref<12800x4096xf32, #tpu.memory_space<hbm>> -> memref<64x128xf32, #tpu.memory_space<hbm>>
    tpu.wait_dma2 semaphore(%arg19 : memref<!tpu.dma_semaphore, #tpu.memory_space<semaphore_mem>>) src(%arg11 : memref<64x128xf32, #tpu.memory_space<vmem>>) dst(%dma_wait3A_55 : memref<64x128xf32, #tpu.memory_space<hbm>>)
    %dma_wait3A_56 = arith.constant 0 : i32
    %dma_wait3A_57 = arith.constant 0 : i32
    %dma_wait3A_58 = tpu.memref_slice %arg4[%dma_wait3A_56, %dma_wait3A_57] : memref<12800x4096xf32, #tpu.memory_space<hbm>> -> memref<64x128xf32, #tpu.memory_space<hbm>>
    %dma_wait3A_59 = arith.constant 0 : i32
    %dma_wait3A_60 = arith.constant 0 : i32
    %dma_wait3A_61 = tpu.memref_slice %arg4[%dma_wait3A_59, %dma_wait3A_60] : memref<12800x4096xf32, #tpu.memory_space<hbm>> -> memref<64x128xf32, #tpu.memory_space<hbm>>
    tpu.wait_dma2 semaphore(%arg20 : memref<!tpu.dma_semaphore, #tpu.memory_space<semaphore_mem>>) src(%arg12 : memref<64x128xf32, #tpu.memory_space<vmem>>) dst(%dma_wait3A_61 : memref<64x128xf32, #tpu.memory_space<hbm>>)
    %dma_wait3A_62 = arith.constant 0 : i32
    %dma_wait3A_63 = arith.constant 0 : i32
    %dma_wait3A_64 = tpu.memref_slice %arg4[%dma_wait3A_62, %dma_wait3A_63] : memref<12800x4096xf32, #tpu.memory_space<hbm>> -> memref<64x128xf32, #tpu.memory_space<hbm>>
    %dma_wait3A_65 = arith.constant 0 : i32
    %dma_wait3A_66 = arith.constant 0 : i32
    %dma_wait3A_67 = tpu.memref_slice %arg4[%dma_wait3A_65, %dma_wait3A_66] : memref<12800x4096xf32, #tpu.memory_space<hbm>> -> memref<64x128xf32, #tpu.memory_space<hbm>>
    tpu.wait_dma2 semaphore(%arg21 : memref<!tpu.dma_semaphore, #tpu.memory_space<semaphore_mem>>) src(%arg13 : memref<64x128xf32, #tpu.memory_space<vmem>>) dst(%dma_wait3A_67 : memref<64x128xf32, #tpu.memory_space<hbm>>)
    return
  }
}

</mosaic_0001>

<sc_bundles>
// kernel: kernel.3.cloned.1.call-start
scs
__scs_entry_jumppad:
0x0: {  	(pc) =	sbr.rel $0x88, $3  }
0x1: {  	(tag) =	ssettag $0x0;
	lr =	simm.s32 $0x1  }
0x2: {  	[smem:$0x3F9F] =	sst lr;
	_ =	strace $0xD0000000  }
0x3: {  	_ = 	snop  }
0x4: {  	_ = 	snop  }
0x5: {  	_ = 	snop  }
0x6: {  	_ = 	snop  }
0x7: {  	_ = 	snop  }
__scs_overlays_trampoline_lowered:
0x8: {  	[smem:$0x3FAE] =	sst s0  }
0x9: {  	[smem:$0x3FAF] =	sst s1  }
0xa: {  	[smem:$0x3FB0] =	sst s2  }
0xb: {  	[smem:$0x3FB1] =	sst s3  }
0xc: {  	[smem:$0x3FB2] =	sst s4  }
0xd: {  	[smem:$0x3FB3] =	sst s5  }
0xe: {  	[smem:$0x3FB4] =	sst s6  }
0xf: {  	[smem:$0x3FB5] =	sst s7  }
0x10: {  	[smem:$0x3FB6] =	sst s8  }
0x11: {  	[smem:$0x3FB7] =	sst s9;
	s0 =	simm.s32 @!p0 $0x0  }
0x12: {  	s1 =	sld [smem:$0x3F9D];
	s0 =	simm.s32 @p0 $0x1  }
0x13: {  	[smem:$0x3FB8] =	sst s0;
	s0 =	simm.s32 @!p1 $0x0  }
0x14: {  	s2 =	sld [smem:$0x3F9C];
	s0 =	simm.s32 @p1 $0x1  }
0x15: {  	[smem:$0x3FB9] =	sst s0;
	s0 =	simm.s32 @!p2 $0x0  }
0x16: {  	s3 =	sld [smem:$0x3FDB];
	s0 =	simm.s32 @p2 $0x1  }
0x17: {  	s4 =	simm.s32 $0x1BF5;
	[smem:$0x3FBB] =	sst s0  }
0x18: {  	s0 =	sld [smem:$0x3F9E];
	_ =	swait.ge [sflag:s4], $0x0  }
0x19: {  	s7 =	sld [smem:$0x3F9F]  }
0x1a: {  	s8 =	sadd.s32 $0xFFFFE003, lr  }
0x1b: {  	s9 =	sadd.s32 $0xFFFFFEF7, lr;
	s5 =	simm.s32 $0xFFFFFFFF;
	p2 =	slt.u32 s8, $0xFFFFF086  }
0x1c: {  	p1 =	slt.u32 s9, $0xF7A;
	s5 =	simm.s32 @!p2 $0x0  }
0x1d: {  	s5 =	simm.s32 @p1 $0x1;
	p0 =	seq.s32 s7, s2  }
0x1e: {  	s7 =	smul.u32 @!p0 $0xF7A, s2;
	p2 =	seq.s32 @!p0 s5, $0x0  }
0x1f: {  	s9 =	smul.u32 $0xF7A, s1;
	s8 =	simm.s32 @!p0 $0x1BF5;
	p2 =	por !p2, p0  }
0x20: {  	[sflag:s8] =	ssyncset.s32 @!p0 $0xFFFFF086;
	s6 =	sadd.s32 @!p0 s3, s7;
	s7 =	simm.s32 @!p0 $0x108  }
0x21: {  	s3 =	sadd.s32 s3, s9;
	s6 =	sadd.s32 @!p0 $0x88, s6;
	s7 =	simm.s32 @p2 $0x1082  }
0x22: {  	[simem:s7], [sflag:s8] =	dma.local @!p0 [hbm:s6], $0xF7A  }
0x23: {  	s9 =	sor.u32 $0xD0000000, s2;
	s6 =	simm.s32 $0x108;
	_ =	swait.ge @!p0 [sflag:s8], $0x0  }
0x24: {  	s3 =	sadd.s32 $0x88, s3;
	s6 =	simm.s32 @!p1 $0x1082;
	[sflag:s4] =	ssyncset.s32 $0xFFFFF086  }
0x25: {  	[simem:s6], [sflag:s4] =	dma.local [hbm:s3], $0xF7A  }
0x26: {  	[smem:$0x3F9F] =	sst s1;
	(tag) =	ssettag s2;
	_ =	strace s9  }
0x27: {  	s1 =	sld [smem:$0x3FAF]  }
0x28: {  	s2 =	sld [smem:$0x3FB0]  }
0x29: {  	s4 =	sld [smem:$0x3FB2]  }
0x2a: {  	p0 =	seq.s32 s5, $0x0;
	s5 =	sld [smem:$0x3FB3]  }
0x2b: {  	s6 =	sld [smem:$0x3FB4]  }
0x2c: {  	s7 =	sld [smem:$0x3FB5]  }
0x2d: {  	s3 =	simm.s32 $0x108;
	s8 =	sld [smem:$0x3FB6]  }
0x2e: {  	s3 =	simm.s32 @!p0 $0x1082;
	s9 =	sld [smem:$0x3FB7]  }
0x2f: {  	lr =	sadd.s32 s0, s3;
	s0 =	sld [smem:$0x3FAE]  }
0x30: {  	s3 =	sld [smem:$0x3FB1]  }
0x31: {  	[smem:$0x3FBA] =	sst s10  }
0x32: {  	s10 =	sld [smem:$0x3FB8];
	_ =	sdelay $0x3  }
0x33: {  	p0 =	seq.s32 s10, $0x1;
	s10 =	sld [smem:$0x3FBA];
	_ =	sdelay $0x3  }
0x34: {  	[smem:$0x3FBA] =	sst s10  }
0x35: {  	s10 =	sld [smem:$0x3FB9];
	_ =	sdelay $0x3  }
0x36: {  	p1 =	seq.s32 s10, $0x1;
	s10 =	sld [smem:$0x3FBA];
	_ =	sdelay $0x3  }
0x37: {  	[smem:$0x3FBA] =	sst s10  }
0x38: {  	s10 =	sld [smem:$0x3FBB]  }
0x39: {  	_ = 	snop;
	(pc) =	sbr.ind lr, $3  }
0x3a: {  	_ = 	snop  }
0x3b: {  	_ = 	snop  }
0x3c: {  	p2 =	seq.s32 s10, $0x1;
	s10 =	sld [smem:$0x3FBA]  }
0x3d: {  	_ =	shalt  }
0x3e: {  	_ =	shalt  }
0x3f: {  	_ =	shalt  }
0x40: {  	_ =	shalt  }
0x41: {  	_ =	shalt  }
0x42: {  	_ =	shalt  }
0x43: {  	_ =	shalt  }
0x44: {  	_ =	shalt  }
0x45: {  	_ =	shalt  }
0x46: {  	_ =	shalt  }
0x47: {  	_ =	shalt  }
0x48: {  	_ =	shalt  }
0x49: {  	_ =	shalt  }
0x4a: {  	_ =	shalt  }
0x4b: {  	_ =	shalt  }
0x4c: {  	_ =	shalt  }
0x4d: {  	_ =	shalt  }
0x4e: {  	_ =	shalt  }
0x4f: {  	_ =	shalt  }
0x50: {  	_ =	shalt  }
0x51: {  	_ =	shalt  }
0x52: {  	_ =	shalt  }
0x53: {  	_ =	shalt  }
0x54: {  	_ =	shalt  }
0x55: {  	_ =	shalt  }
0x56: {  	_ =	shalt  }
0x57: {  	_ =	shalt  }
0x58: {  	_ =	shalt  }
0x59: {  	_ =	shalt  }
0x5a: {  	_ =	shalt  }
0x5b: {  	_ =	shalt  }
0x5c: {  	_ =	shalt  }
0x5d: {  	_ =	shalt  }
0x5e: {  	_ =	shalt  }
0x5f: {  	_ =	shalt  }
0x60: {  	_ =	shalt  }
0x61: {  	_ =	shalt  }
0x62: {  	_ =	shalt  }
0x63: {  	_ =	shalt  }
0x64: {  	_ =	shalt  }
0x65: {  	_ =	shalt  }
0x66: {  	_ =	shalt  }
0x67: {  	_ =	shalt  }
0x68: {  	_ =	shalt  }
0x69: {  	_ =	shalt  }
0x6a: {  	_ =	shalt  }
0x6b: {  	_ =	shalt  }
0x6c: {  	_ =	shalt  }
0x6d: {  	_ =	shalt  }
0x6e: {  	_ =	shalt  }
0x6f: {  	_ =	shalt  }
0x70: {  	_ =	shalt  }
0x71: {  	_ =	shalt  }
0x72: {  	_ =	shalt  }
0x73: {  	_ =	shalt  }
0x74: {  	_ =	shalt  }
0x75: {  	_ =	shalt  }
0x76: {  	_ =	shalt  }
0x77: {  	_ =	shalt  }
0x78: {  	_ =	shalt  }
0x79: {  	_ =	shalt  }
0x7a: {  	_ =	shalt  }
0x7b: {  	_ =	shalt  }
0x7c: {  	_ =	shalt  }
0x7d: {  	_ =	shalt  }
0x7e: {  	_ =	shalt  }
0x7f: {  	_ =	shalt  }
0x80: {  	_ =	shalt  }
0x81: {  	_ =	shalt  }
0x82: {  	_ =	shalt  }
0x83: {  	_ =	shalt  }
0x84: {  	_ =	shalt  }
0x85: {  	_ =	shalt  }
0x86: {  	_ =	shalt  }
0x87: {  	_ =	shalt  }
.Lfunc_end0:
.L_simem_size_0:
called_computation_lowered:
.L_overlay_start_0:
0x88: {  	s2 =	sld [smem:$0x3FD9]  }
0x89: {  	s3 =	sld [smem:$0x3FFE];
	_ =	sdelay $0x1  }
0x8a: {  	s1 =	srdreg.scid  }
0x8b: {  	s0 =	sand.u32 $0x1, s1  }
0x8c: {  	s17 =	sshll.u32 s0, $0xA;
	s2 =	sadd.s32 s3, s2  }
0x8d: {  	s2 =	sadd.s32 s2, s17  }
0x8e: {  	[smem:$0x3FC6] =	sst s2  }
0x8f: {  	_ = 	snop  }
0x90: {  	s2 =	sld [smem:$0x3FD0];
	(tm) =	ssettm $0x1  }
0x91: {  	s18 =	sld [smem:$0x3FFB];
	_ =	sdelay $0x3  }
0x92: {  	_ =	strace s18  }
0x93: {  	s3 =	sld [smem:$0x3FFC];
	_ =	sdelay $0x3  }
0x94: {  	_ =	strace s3  }
0x95: {  	s3 =	sld [smem:$0x3FFD];
	_ =	sdelay $0x3  }
0x96: {  	_ =	strace s3  }
0x97: {  	_ =	strace $0x8FFFFFFF  }
0x98: {  	s19 =	sld [smem:$0x3FDB];
	_ =	sdelay $0x1  }
0x99: {  	s4 =	simm.s32 $_scs_section_size  }
0x9a: {  	s5 =	simm.s32 $_size__tile_overlayer_lowered;
	s6 =	simm.s32 $_tile_overlayer_lowered  }
0x9b: {  	s22 =	simm.s32 $0x1BFF;
	s21 =	sshll.u32 s6, $0x1;
	s3 =	sadd.s32 s4, s19  }
0x9c: {  	s7 =	simm.s32 $0x0;
	s20 =	sshll.u32 s5, $0x1;
	s5 =	sadd.s32 s21, s3  }
0x9d: {  	[timem:s7], [sflag:s22] =	dma.local [hbm:s5], s20  }
0x9e: {  	_ =	swait.ge [sflag:s22], s20  }
0x9f: {  	s4 =	ssub.s32 $0x0, s20;
	[sflag:s22] =	ssyncset.done $0x0  }
0xa0: {  	[sflag:s22] =	ssyncadd.s32 s4;
	_ =	sdelay $0x1  }
0xa1: {  	s23 =	simm.s32 $0x1B8B  }
0xa2: {  	_ =	swait.ge [sflag:s23], $0x1  }
0xa3: {  	[sflag:s23] =	ssyncset.done $0x0  }
0xa4: {  	s25 =	simm.s32 $0x1B8E;
	s24 =	sld [smem:$0x3FFE];
	[sflag:s23] =	ssyncadd.s32 $0xFFFFFFFF  }
0xa5: {  	s26 =	simm.s32 $execute0_lowered;
	[smem:$0x3FD2] =	sst s25  }
0xa6: {  	s5 =	sshll.u32 s26, $0x1;
	_ =	strace $0x80000046;
	[dreg:$0x1] =	wrdreg $0xFFFFFFFF  }
0xa7: {  	s28 =	simm.s32 $_size_execute0_lowered;
	s3 =	sadd.s32 s3, s5;
	[dreg:$0x0] =	wrdreg $0x0  }
0xa8: {  	s5 =	sshll.u32 s28, $0x1;
	[dreg:$0x2] =	wrdreg s3  }
0xa9: {  	[dreg:$0x3] =	wrdreg s5  }
0xaa: {  	[dreg:$0x4] =	wrdreg $0xC0  }
0xab: {  	_ =	task [dreg:s7], $0x5FFFF  }
0xac: {  	[dreg:$0x1] =	wrdreg $0xFFFFFFFF  }
0xad: {  	[dreg:$0x0] =	wrdreg $0x60  }
0xae: {  	[dreg:$0x2] =	wrdreg s24  }
0xaf: {  	[dreg:$0x3] =	wrdreg s2  }
0xb0: {  	[dreg:$0x4] =	wrdreg $0x9  }
0xb1: {  	_ =	task.clear_ibuf [dreg:s7], $0x5FFFF;
	_ =	strace $0x90000046  }
0xb2: {  	s29 =	simm.s32 $0x9;
	_ =	strace $0x80000048  }
0xb3: {  	_ =	swait.ge [sflag:s29], $0x1  }
0xb4: {  	[sflag:s29] =	ssyncadd.s32 $0xFFFFFFFF  }
0xb5: {  	_ =	strace $0x90000048  }
0xb6: {  	_ =	sfence  }
0xb7: {  	s30 =	sld [smem:$0x0];
	_ =	sdelay $0x2  }
0xb8: {  	s31 =	sshll.u32 s1, $0xD;
	s1 =	sshrl.u32 s1, $0x2  }
0xb9: {  	s3 =	sand.u32 $0x4000, s31;
	s1 =	sadd.s32 s1, s30  }
0xba: {  	s0 =	sor.u32 s3, s0;
	s1 =	sshll.u32 s1, $0x11  }
0xbb: {  	s0 =	sor.u32 s1, s0  }
0xbc: {  	s0 =	sadd.s32 $0x8F2B, s0  }
0xbd: {  	[sflag:s0] =	ssyncadd.remote.s32 $0x1  }
0xbe: {  	_ =	sfence.sel $0xFFFF  }
0xbf: {  	[dreg:$0x0] =	wrdreg $0xFFFFFFFF;
	(pc) =	sbr.abs _section_cstart, $3  }
0xc0: {  	[dreg:$0x1] =	wrdreg $0xFFFFFFFF  }
0xc1: {  	_ =	task.clear_ibuf [dreg:s7], $0x2FFFF;
	_ =	strace $0x9FFFFFFF  }
0xc2: {  	(tm) =	ssettm $0x7FFFFFFF  }
0xc3: {  	_ =	shalt  }
tec
execute0_lowered:
.L_overlay_start_1:
0x0: {  	(tag) =	ssettag $0x1  }
0x1: {  	v0 =	vlaneseq.u32;
	s0 =	rddreg [dreg:$0x0];
	s4 =	simm.s32 $0x0  }
0x2: {  	v53 =	vmul.u32 $0x80, v0;
	v63 =	vor.u32 $0xFFFFFFF0, v0;
	[smem:$0x7FF] =	sst s4  }
0x3: {  	s2 =	rddreg [dreg:$0x1];
	_ =	strace $0x80000047;
	[tilespmem:$0x1FEB0] =	vst v63  }
0x4: {  	v61 =	vor.u32 $0x800, v53;
	[tilespmem:$0x1FEA0] =	vst v53  }
0x5: {  	v62 =	vor.u32 $0x1000, v53;
	[tilespmem:$0x1FEC0] =	vst v61  }
0x6: {  	v59 =	vor.u32 $0x3830, v53;
	[tilespmem:$0x1FED0] =	vst v62  }
0x7: {  	v60 =	vor.u32 $0x3030, v53;
	[tilespmem:$0x1FEE0] =	vst v59  }
0x8: {  	v21 =	vor.u32 $0x2000, v53;
	[tilespmem:$0x1FEF0] =	vst v60  }
0x9: {  	v20 =	vor.u32 $0x1800, v53;
	[tilespmem:$0x1FF00] =	vst v21  }
0xa: {  	v34 =	vor.u32 $0x820, v53;
	[tilespmem:$0x1FF10] =	vst v20  }
0xb: {  	v38 =	vor.u32 $0x2820, v53;
	[tilespmem:$0x1FF20] =	vst v34  }
0xc: {  	s1 =	srdreg.scid;
	v35 =	vor.u32 $0x1020, v53;
	[tilespmem:$0x1FF30] =	vst v38  }
0xd: {  	s3 =	stileid.u32;
	s9 =	simm.s32 $0x80;
	s10 =	simm.s32 $0x6400;
	v39 =	vor.u32 $0x3020, v53;
	[tilespmem:$0x1FF40] =	vst v35  }
0xe: {  	s11 =	simm.s32 $0xA400;
	s12 =	simm.s32 $0x1;
	s13 =	simm.s32 $0x16400;
	v36 =	vor.u32 $0x1820, v53;
	[tilespmem:$0x1FF50] =	vst v39  }
0xf: {  	s14 =	simm.s32 $0x400;
	s15 =	simm.s32 $0x8000;
	s16 =	simm.s32 $0xE400;
	v40 =	vor.u32 $0x3820, v53;
	[tilespmem:$0x1FF60] =	vst v36  }
0x10: {  	s17 =	simm.s32 $0x2;
	s18 =	simm.s32 $0x18400;
	s19 =	simm.s32 $0x12400;
	v4 =	vor.u32 $0x10, v0;
	v37 =	vor.u32 $0x2020, v53;
	[tilespmem:$0x1FF70] =	vst v40  }
0x11: {  	s20 =	simm.s32 $0x3;
	s1 =	sand.u32 $0x1, s1;
	s3 =	sshll.u32 s3, $0x1;
	v6 =	vor.u32 $0x20, v0;
	v8 =	vor.u32 $0x30, v0;
	v1 =	vor.u32 $0x30, v53;
	[tilespmem:$0x1FF80] =	vst v37  }
0x12: {  	s21 =	simm.s32 $0x1A400;
	s22 =	simm.s32 $0x4;
	v10 =	vor.u32 $0x40, v0;
	v12 =	vor.u32 $0x50, v0;
	s3 =	sor.u32 s1, s3;
	v3 =	vor.u32 $0x2030, v53;
	[tilespmem:$0x1FF90] =	vst v1  }
0x13: {  	s23 =	simm.s32 $0x1C400;
	v14 =	vor.u32 $0x60, v0;
	v16 =	vor.u32 $0x70, v0;
	s1 =	ssub.s32 $0x2, s1;
	s26 =	smul.u32 $0xC80, s3;
	v26 =	vor.u32 $0x810, v53;
	[tilespmem:$0x1FFA0] =	vst v3  }
.Ltmp0:
0x14: {  	s24 =	simm.s32 $0x5;
	s5 =	sshrl.u32 s1, $0x1;
	v22 =	vor.u32 $0x2800, v53;
	v23 =	vor.u32 $0x3000, v53;
	v25 =	vor.u32 $0x10, v53;
	[tilespmem:$0x1FFB0] =	vst v26;
	(pc) =	sbr.rel .LBB2_1-.Ltmp0, $4  }
0x15: {  	s25 =	simm.s32 $0x6;
	s28 =	simm.s32 $0x8;
	v24 =	vor.u32 $0x3800, v53;
	v11 =	vor.u32 $0x1010, v53;
	v7 =	vor.u32 $0x2830, v53;
	s30 =	ssub.s32 s1, s5;
	[tilespmem:$0x1FFC0] =	vst v25  }
0x16: {  	s4 =	sadd.s32 $0x19400, s0;
	v28 =	vor.u32 $0x1810, v53;
	v29 =	vor.u32 $0x2010, v53;
	v9 =	vor.u32 $0x1030, v53;
	[tilespmem:$0x1FFD0] =	vst v7;
	s6 =	sadd.s32 s26, s0;
	s0 =	smax.u32 s30, $0x1  }
0x17: {  	s29 =	simm.s32 $0x0;
	v30 =	vor.u32 $0x2810, v53;
	v31 =	vor.u32 $0x3010, v53;
	v32 =	vor.u32 $0x3810, v53;
	[tilespmem:$0x1FFE0] =	vst v9;
	s31 =	sadd.s32 $0x400, s6;
	[dreg:$0x4] =	wrdreg s0  }
0x18: {  	v33 =	vor.u32 $0x20, v53;
	v2 =	vor.u32 $0x830, v53;
	v5 =	vor.u32 $0x1830, v53;
	s5 =	smul.u32 $0xC8, s3;
	[tilespmem:$0x1FFF0] =	vst v11;
	s26 =	simm.s32 $0x7;
	[dreg:$0x3] =	wrdreg s31  }
.LBB2_12:
0x19: {  	_ =	swait.ge [sflag:s24], $0x2000  }
0x1a: {  	[sflag:s24] =	ssyncset.done $0x0  }
0x1b: {  	[sflag:s24] =	ssyncadd.s32 $0xFFFFE000  }
0x1c: {  	_ =	swait.ge [sflag:s25], $0x2000  }
0x1d: {  	[sflag:s25] =	ssyncset.done $0x0  }
0x1e: {  	[sflag:s25] =	ssyncadd.s32 $0xFFFFE000  }
0x1f: {  	_ =	swait.ge [sflag:s26], $0x2000  }
0x20: {  	[sflag:s26] =	ssyncset.done $0x0  }
0x21: {  	[sflag:s26] =	ssyncadd.s32 $0xFFFFE000  }
0x22: {  	_ =	swait.ge [sflag:s28], $0x2000  }
0x23: {  	s29 =	sadd.s32 $0x1, s29;
	s0 =	rddreg [dreg:$0x4]  }
0x24: {  	p0 =	sne.s32 s29, s0  }
.Ltmp1:
0x25: {  	_ = 	snop;
	(pc) =	sbr.rel @!p0 .LBB2_13-.Ltmp1, $3  }
0x26: {  	_ =	sdelay $0x1  }
0x27: {  	[sflag:s28] =	ssyncset.done $0x0  }
0x28: {  	v11 =	vmov v27;
	[sflag:s28] =	ssyncadd.s32 $0xFFFFE000  }
.LBB2_1:
0x29: {  	s0 =	simm.s32 $0x0;
	s1 =	rddreg [dreg:$0x3];
	s31 =	simm.s32 $0x9  }
0x2a: {  	[tilespmem:s0], [sflag:$0x9] =	stream.linear.gather [hbm4b:s1+s0], $0x6400, $0x38;
	[tilespmem:$0x1E400] =	vst v63  }
0x2b: {  	_ =	swait.ge [sflag:s31], $0x6400  }
0x2c: {  	[sflag:s31] =	ssyncset.done $0x0  }
0x2d: {  	[sflag:s31] =	ssyncadd.s32 $0xFFFF9C00  }
0x2e: {  	[tilespmem:s10], [sflag:$0x1] =	stream.indirect.gather [hbm4b:s4+s9], $0x80, s0, s9, $0xb8;
	[tilespmem:$0x1E400] =	vst v63  }
0x2f: {  	s30 =	simm.s32 $0x0  }
0x30: {  	[tilespmem:s11], [sflag:$0x2] =	stream.indirect.gather [hbm4b:s4+s9], $0x80, s9, s9, $0xb8;
	[tilespmem:$0x1E400] =	vst v63  }
.LBB2_2:
0x31: {  	_ =	swait.ge [sflag:s12], $0x4000  }
0x32: {  	p0 =	seq.s32 s30, $0x0;
	[sflag:s12] =	ssyncset.done $0x0  }
0x33: {  	v19 =	vmovc v20;
	v18 =	vmov v21;
	v13 =	vmov v23;
	v17 =	vmov v25;
	s3 =	simm.s32 @!p0 $0x5;
	[sflag:s12] =	ssyncadd.s32 $0xFFFFC000  }
0x34: {  	s31 =	sshll.u32 s30, $0x2;
	v46 =	vmovc v22;
	v15 =	vmovc v26;
	v49 =	vmov v24;
	v51 =	vmov v11;
	v52 =	vmov v28;
	_ =	swait.ge @!p0 [sflag:s3], $0x2000  }
0x35: {  	p1 =	por $0x1, $0x1;
	v54 =	vmovc v29;
	v55 =	vmovc v30;
	v56 =	vmov v31;
	v57 =	vmov v32;
	v58 =	vmov v33;
	s1 =	sadd.s32 s5, s31;
	[sflag:s3] =	ssyncset.done @!p0 $0x0  }
0x36: {  	v20 =	vmovc v2;
	v21 =	vmovc v3;
	v22 =	vmov v5;
	v23 =	vmov v7;
	v24 =	vmov v9;
	s0 =	sshrl.u32 s1, $0x5;
	[sflag:s3] =	ssyncadd.s32 @!p0 $0xFFFFE000;
	s3 =	simm.s32 $0x0  }
.LBB2_3:
0x37: {  	s6 =	ssub.s32 $0x10, s3  }
0x38: {  	v41 =	vmov s6  }
0x39: {  	vm0 =	vgt.u32 v41, v0  }
0x3a: {  	v41 =	vsel vm0, v0, v63  }
0x3b: {  	v41 =	vadd.s32 s3, v41  }
0x3c: {  	v42 =	vadd.s32 v53, v41;
	_ =	sdelay $0x4  }
0x3d: {  	v42 =	vld.idx.msk [tilespmem:v42+s10+$0x0], $0xffff  }
0x3e: {  	v43 =	vshll.u32 v41, $0x7  }
0x3f: {  	v44 =	vor.u32 v0, v43  }
0x40: {  	v45 =	vadd.s32 v61, v41;
	_ =	sdelay $0x1  }
0x41: {  	v42 =	vmul.f32 $8.000000000e+00, v42;
	_ =	sdelay $0x1  }
0x42: {  	[tilespmem:v44+s13+$0x0] =	vst.idx.msk $0xffff, v42  }
0x43: {  	v42 =	vld.idx.msk [tilespmem:v45+s10+$0x0], $0xffff;
	_ =	sdelay $0x1  }
0x44: {  	v38 =	vor.u32 v4, v43  }
0x45: {  	v39 =	vadd.s32 v62, v41;
	_ =	sdelay $0x1  }
0x46: {  	v42 =	vmul.f32 $8.000000000e+00, v42;
	_ =	sdelay $0x1  }
0x47: {  	[tilespmem:v38+s13+$0x0] =	vst.idx.msk $0xffff, v42  }
0x48: {  	v42 =	vld.idx.msk [tilespmem:v39+s10+$0x0], $0xffff;
	_ =	sdelay $0x1  }
0x49: {  	v48 =	vor.u32 v6, v43  }
0x4a: {  	v50 =	vadd.s32 v19, v41;
	_ =	sdelay $0x1  }
0x4b: {  	v42 =	vmul.f32 $8.000000000e+00, v42;
	_ =	sdelay $0x1  }
0x4c: {  	[tilespmem:v48+s13+$0x0] =	vst.idx.msk $0xffff, v42  }
0x4d: {  	v42 =	vld.idx.msk [tilespmem:v50+s10+$0x0], $0xffff;
	_ =	sdelay $0x1  }
0x4e: {  	v59 =	vor.u32 v8, v43  }
0x4f: {  	v60 =	vadd.s32 v18, v41;
	_ =	sdelay $0x1  }
0x50: {  	v42 =	vmul.f32 $8.000000000e+00, v42;
	_ =	sdelay $0x1  }
0x51: {  	[tilespmem:v59+s13+$0x0] =	vst.idx.msk $0xffff, v42  }
0x52: {  	v42 =	vld.idx.msk [tilespmem:v60+s10+$0x0], $0xffff;
	_ =	sdelay $0x1  }
0x53: {  	v32 =	vor.u32 v10, v43;
	_ =	sdelay $0x1  }
0x54: {  	s7 =	sxor.u32 $0xF, s3  }
0x55: {  	v34 =	vmov s7;
	v33 =	vadd.s32 v46, v41;
	v42 =	vmul.f32 $8.000000000e+00, v42  }
0x56: {  	vm9 =	vgt.u32 v34, v0  }
0x57: {  	s8 =	sor.u32 $0x1, s3;
	[tilespmem:v32+s13+$0x0] =	vst.idx.msk $0xffff, v42;
	v42 =	vsel vm9, v0, v63  }
0x58: {  	v42 =	vadd.s32 s8, v42  }
0x59: {  	v47 =	vadd.s32 v53, v42  }
0x5a: {  	v44 =	vld.idx.msk [tilespmem:v33+s10+$0x0], $0xffff;
	_ =	sdelay $0x1  }
0x5b: {  	v35 =	vor.u32 v12, v43  }
0x5c: {  	v36 =	vadd.s32 v13, v41  }
0x5d: {  	v37 =	vld.idx.msk [tilespmem:v47+s10+$0x0], $0xffff  }
0x5e: {  	v30 =	vmov v46;
	v46 =	vshll.u32 v42, $0x7;
	v44 =	vmul.f32 $8.000000000e+00, v44  }
0x5f: {  	v38 =	vor.u32 v0, v46  }
0x60: {  	v48 =	vadd.s32 v61, v42;
	[tilespmem:v35+s13+$0x0] =	vst.idx.msk $0xffff, v44  }
0x61: {  	v44 =	vld.idx.msk [tilespmem:v36+s10+$0x0], $0xffff  }
0x62: {  	v45 =	vmul.f32 $8.000000000e+00, v37  }
0x63: {  	v39 =	vor.u32 v14, v43  }
0x64: {  	v40 =	vadd.s32 v49, v41;
	[tilespmem:v38+s13+$0x0] =	vst.idx.msk $0xffff, v45  }
0x65: {  	v47 =	vld.idx.msk [tilespmem:v48+s10+$0x0], $0xffff  }
0x66: {  	v44 =	vmul.f32 $8.000000000e+00, v44  }
0x67: {  	v59 =	vor.u32 v4, v46  }
0x68: {  	v50 =	vadd.s32 v62, v42;
	[tilespmem:v39+s13+$0x0] =	vst.idx.msk $0xffff, v44  }
0x69: {  	v45 =	vld.idx.msk [tilespmem:v40+s10+$0x0], $0xffff  }
0x6a: {  	v60 =	vmul.f32 $8.000000000e+00, v47  }
0x6b: {  	v43 =	vor.u32 v16, v43  }
0x6c: {  	v32 =	vadd.s32 v17, v41;
	[tilespmem:v59+s13+$0x0] =	vst.idx.msk $0xffff, v60  }
0x6d: {  	v44 =	vld.idx.msk [tilespmem:v50+s10+$0x0], $0xffff  }
0x6e: {  	v45 =	vmul.f32 $8.000000000e+00, v45;
	_ =	sdelay $0x1  }
0x6f: {  	[tilespmem:v43+s13+$0x0] =	vst.idx.msk $0xffff, v45  }
0x70: {  	v36 =	vadd.s32 $0x10, v41;
	v45 =	vld.idx.msk [tilespmem:v32+s10+$0x0], $0xffff  }
0x71: {  	v33 =	vor.u32 v6, v46;
	v35 =	vmul.f32 $8.000000000e+00, v44;
	v44 =	vshll.u32 v36, $0x7  }
0x72: {  	v34 =	vadd.s32 v19, v42;
	v37 =	vor.u32 v0, v44  }
0x73: {  	v39 =	vadd.s32 v15, v41;
	_ =	sdelay $0x1  }
0x74: {  	v45 =	vmul.f32 $8.000000000e+00, v45  }
0x75: {  	[tilespmem:v33+s13+$0x0] =	vst.idx.msk $0xffff, v35  }
0x76: {  	v38 =	vld.idx.msk [tilespmem:v34+s10+$0x0], $0xffff;
	[tilespmem:v37+s13+$0x0] =	vst.idx.msk $0xffff, v45  }
0x77: {  	v45 =	vld.idx.msk [tilespmem:v39+s10+$0x0], $0xffff  }
0x78: {  	v59 =	vor.u32 v8, v46  }
0x79: {  	v60 =	vadd.s32 v18, v42;
	v33 =	vor.u32 v4, v44  }
0x7a: {  	v35 =	vadd.s32 v51, v41  }
0x7b: {  	v32 =	vmul.f32 $8.000000000e+00, v38  }
0x7c: {  	v45 =	vmul.f32 $8.000000000e+00, v45  }
0x7d: {  	[tilespmem:v59+s13+$0x0] =	vst.idx.msk $0xffff, v32  }
0x7e: {  	v34 =	vld.idx.msk [tilespmem:v60+s10+$0x0], $0xffff;
	[tilespmem:v33+s13+$0x0] =	vst.idx.msk $0xffff, v45  }
0x7f: {  	v45 =	vld.idx.msk [tilespmem:v35+s10+$0x0], $0xffff  }
0x80: {  	v36 =	vor.u32 v10, v46  }
0x81: {  	v37 =	vadd.s32 v30, v42;
	v39 =	vor.u32 v6, v44  }
0x82: {  	v60 =	vadd.s32 v52, v41  }
0x83: {  	v38 =	vmul.f32 $8.000000000e+00, v34  }
0x84: {  	v45 =	vmul.f32 $8.000000000e+00, v45  }
0x85: {  	[tilespmem:v36+s13+$0x0] =	vst.idx.msk $0xffff, v38  }
0x86: {  	v59 =	vld.idx.msk [tilespmem:v37+s10+$0x0], $0xffff;
	[tilespmem:v39+s13+$0x0] =	vst.idx.msk $0xffff, v45  }
0x87: {  	v45 =	vld.idx.msk [tilespmem:v60+s10+$0x0], $0xffff  }
0x88: {  	v32 =	vor.u32 v12, v46  }
0x89: {  	v33 =	vadd.s32 v13, v42;
	v35 =	vor.u32 v8, v44  }
0x8a: {  	v37 =	vadd.s32 v54, v41  }
0x8b: {  	v34 =	vmul.f32 $8.000000000e+00, v59  }
0x8c: {  	v45 =	vmul.f32 $8.000000000e+00, v45  }
0x8d: {  	[tilespmem:v32+s13+$0x0] =	vst.idx.msk $0xffff, v34  }
0x8e: {  	v36 =	vld.idx.msk [tilespmem:v33+s10+$0x0], $0xffff;
	[tilespmem:v35+s13+$0x0] =	vst.idx.msk $0xffff, v45  }
0x8f: {  	v45 =	vld.idx.msk [tilespmem:v37+s10+$0x0], $0xffff  }
0x90: {  	v31 =	vmov v49;
	v38 =	vor.u32 v14, v46  }
0x91: {  	v39 =	vadd.s32 v31, v42;
	v60 =	vor.u32 v10, v44  }
0x92: {  	v33 =	vadd.s32 v55, v41  }
0x93: {  	v59 =	vmul.f32 $8.000000000e+00, v36  }
0x94: {  	v45 =	vmul.f32 $8.000000000e+00, v45  }
0x95: {  	[tilespmem:v38+s13+$0x0] =	vst.idx.msk $0xffff, v59  }
0x96: {  	v32 =	vld.idx.msk [tilespmem:v39+s10+$0x0], $0xffff;
	[tilespmem:v60+s13+$0x0] =	vst.idx.msk $0xffff, v45  }
0x97: {  	v45 =	vld.idx.msk [tilespmem:v33+s10+$0x0], $0xffff  }
0x98: {  	v46 =	vor.u32 v16, v46  }
0x99: {  	v34 =	vadd.s32 v17, v42;
	v36 =	vor.u32 v12, v44  }
0x9a: {  	v39 =	vadd.s32 v56, v41  }
0x9b: {  	v35 =	vmul.f32 $8.000000000e+00, v32  }
0x9c: {  	v45 =	vmul.f32 $8.000000000e+00, v45  }
0x9d: {  	[tilespmem:v46+s13+$0x0] =	vst.idx.msk $0xffff, v35  }
0x9e: {  	v37 =	vadd.s32 $0x10, v42;
	v38 =	vld.idx.msk [tilespmem:v34+s10+$0x0], $0xffff;
	[tilespmem:v36+s13+$0x0] =	vst.idx.msk $0xffff, v45  }
0x9f: {  	v46 =	vshll.u32 v37, $0x7;
	v45 =	vld.idx.msk [tilespmem:v39+s10+$0x0], $0xffff  }
0xa0: {  	v59 =	vor.u32 v0, v46  }
0xa1: {  	v60 =	vadd.s32 v15, v42;
	v33 =	vor.u32 v14, v44  }
0xa2: {  	v35 =	vadd.s32 v57, v41  }
0xa3: {  	v32 =	vmul.f32 $8.000000000e+00, v38  }
0xa4: {  	v45 =	vmul.f32 $8.000000000e+00, v45  }
0xa5: {  	[tilespmem:v59+s13+$0x0] =	vst.idx.msk $0xffff, v32  }
0xa6: {  	v34 =	vld.idx.msk [tilespmem:v60+s10+$0x0], $0xffff;
	[tilespmem:v33+s13+$0x0] =	vst.idx.msk $0xffff, v45  }
0xa7: {  	v45 =	vld.idx.msk [tilespmem:v35+s10+$0x0], $0xffff  }
0xa8: {  	v36 =	vor.u32 v4, v46  }
0xa9: {  	v37 =	vadd.s32 v51, v42;
	v39 =	vor.u32 v16, v44;
	_ =	sdelay $0x1  }
0xaa: {  	v38 =	vmul.f32 $8.000000000e+00, v34  }
0xab: {  	v59 =	vadd.s32 v58, v41;
	v45 =	vmul.f32 $8.000000000e+00, v45  }
0xac: {  	[tilespmem:v36+s13+$0x0] =	vst.idx.msk $0xffff, v38  }
0xad: {  	v40 =	vld.idx.msk [tilespmem:v37+s10+$0x0], $0xffff;
	[tilespmem:v39+s13+$0x0] =	vst.idx.msk $0xffff, v45  }
0xae: {  	v37 =	vld [tilespmem:$0x1FF20];
	_ =	sdelay $0x1  }
0xaf: {  	v60 =	vor.u32 v6, v46;
	v34 =	vadd.s32 $0x20, v41;
	v45 =	vld.idx.msk [tilespmem:v59+s10+$0x0], $0xffff  }
0xb0: {  	v32 =	vadd.s32 v52, v42;
	v44 =	vshll.u32 v34, $0x7  }
0xb1: {  	v35 =	vor.u32 v0, v44  }
0xb2: {  	v33 =	vmul.f32 $8.000000000e+00, v40;
	v59 =	vadd.s32 v37, v41;
	_ =	sdelay $0x1  }
0xb3: {  	v38 =	vld [tilespmem:$0x1FF40];
	[tilespmem:v60+s13+$0x0] =	vst.idx.msk $0xffff, v33;
	v45 =	vmul.f32 $8.000000000e+00, v45  }
0xb4: {  	v40 =	vld.idx.msk [tilespmem:v32+s10+$0x0], $0xffff  }
0xb5: {  	[tilespmem:v35+s13+$0x0] =	vst.idx.msk $0xffff, v45  }
0xb6: {  	v60 =	vor.u32 v8, v46;
	v45 =	vld.idx.msk [tilespmem:v59+s10+$0x0], $0xffff  }
0xb7: {  	v32 =	vadd.s32 v54, v42  }
0xb8: {  	v34 =	vor.u32 v4, v44  }
0xb9: {  	v39 =	vadd.s32 v38, v41;
	v33 =	vmul.f32 $8.000000000e+00, v40;
	_ =	sdelay $0x1  }
0xba: {  	[tilespmem:v60+s13+$0x0] =	vst.idx.msk $0xffff, v33;
	v45 =	vmul.f32 $8.000000000e+00, v45  }
0xbb: {  	v35 =	vld.idx.msk [tilespmem:v32+s10+$0x0], $0xffff  }
0xbc: {  	[tilespmem:v34+s13+$0x0] =	vst.idx.msk $0xffff, v45  }
0xbd: {  	v59 =	vor.u32 v10, v46;
	v45 =	vld.idx.msk [tilespmem:v39+s10+$0x0], $0xffff  }
0xbe: {  	v60 =	vadd.s32 v55, v42;
	v39 =	vld [tilespmem:$0x1FF60];
	_ =	sdelay $0x1  }
0xbf: {  	v32 =	vmul.f32 $8.000000000e+00, v35;
	_ =	sdelay $0x1  }
0xc0: {  	v33 =	vor.u32 v6, v44;
	[tilespmem:v59+s13+$0x0] =	vst.idx.msk $0xffff, v32  }
0xc1: {  	v34 =	vld.idx.msk [tilespmem:v60+s10+$0x0], $0xffff;
	v35 =	vadd.s32 v39, v41;
	_ =	sdelay $0x1  }
0xc2: {  	v36 =	vor.u32 v12, v46;
	v45 =	vmul.f32 $8.000000000e+00, v45  }
0xc3: {  	v40 =	vld [tilespmem:$0x1FF80];
	v59 =	vadd.s32 v56, v42  }
0xc4: {  	[tilespmem:v33+s13+$0x0] =	vst.idx.msk $0xffff, v45  }
0xc5: {  	v60 =	vmul.f32 $8.000000000e+00, v34;
	v45 =	vld.idx.msk [tilespmem:v35+s10+$0x0], $0xffff;
	_ =	sdelay $0x1  }
0xc6: {  	v32 =	vor.u32 v8, v44;
	[tilespmem:v36+s13+$0x0] =	vst.idx.msk $0xffff, v60  }
0xc7: {  	v34 =	vadd.s32 v40, v41;
	v33 =	vld.idx.msk [tilespmem:v59+s10+$0x0], $0xffff;
	_ =	sdelay $0x1  }
0xc8: {  	v35 =	vor.u32 v14, v46;
	v45 =	vmul.f32 $8.000000000e+00, v45  }
0xc9: {  	v1 =	vld [tilespmem:$0x1FF30];
	v36 =	vadd.s32 v57, v42  }
0xca: {  	[tilespmem:v32+s13+$0x0] =	vst.idx.msk $0xffff, v45  }
0xcb: {  	v59 =	vmul.f32 $8.000000000e+00, v33;
	v45 =	vld.idx.msk [tilespmem:v34+s10+$0x0], $0xffff;
	_ =	sdelay $0x1  }
0xcc: {  	v60 =	vor.u32 v10, v44;
	[tilespmem:v35+s13+$0x0] =	vst.idx.msk $0xffff, v59  }
0xcd: {  	v33 =	vadd.s32 v1, v41;
	v32 =	vld.idx.msk [tilespmem:v36+s10+$0x0], $0xffff;
	_ =	sdelay $0x1  }
0xce: {  	v46 =	vor.u32 v16, v46;
	v45 =	vmul.f32 $8.000000000e+00, v45  }
0xcf: {  	v1 =	vld [tilespmem:$0x1FF50];
	v34 =	vadd.s32 v58, v42  }
0xd0: {  	[tilespmem:v60+s13+$0x0] =	vst.idx.msk $0xffff, v45  }
0xd1: {  	v35 =	vmul.f32 $8.000000000e+00, v32;
	v45 =	vld.idx.msk [tilespmem:v33+s10+$0x0], $0xffff;
	_ =	sdelay $0x1  }
0xd2: {  	v36 =	vor.u32 v12, v44;
	[tilespmem:v46+s13+$0x0] =	vst.idx.msk $0xffff, v35  }
0xd3: {  	v59 =	vadd.s32 $0x20, v42;
	v32 =	vadd.s32 v1, v41;
	v60 =	vld.idx.msk [tilespmem:v34+s10+$0x0], $0xffff  }
0xd4: {  	v50 =	vshll.u32 v59, $0x7  }
0xd5: {  	v46 =	vor.u32 v0, v50;
	v45 =	vmul.f32 $8.000000000e+00, v45  }
0xd6: {  	v1 =	vld [tilespmem:$0x1FF70];
	v33 =	vadd.s32 v37, v42  }
0xd7: {  	[tilespmem:v36+s13+$0x0] =	vst.idx.msk $0xffff, v45  }
0xd8: {  	v34 =	vmul.f32 $8.000000000e+00, v60;
	v45 =	vld.idx.msk [tilespmem:v32+s10+$0x0], $0xffff;
	_ =	sdelay $0x1  }
0xd9: {  	v35 =	vor.u32 v14, v44;
	[tilespmem:v46+s13+$0x0] =	vst.idx.msk $0xffff, v34  }
0xda: {  	v36 =	vadd.s32 v1, v41;
	v46 =	vld.idx.msk [tilespmem:v33+s10+$0x0], $0xffff;
	_ =	sdelay $0x1  }
0xdb: {  	v59 =	vor.u32 v4, v50;
	v45 =	vmul.f32 $8.000000000e+00, v45  }
0xdc: {  	v60 =	vadd.s32 v38, v42;
	v1 =	vld [tilespmem:$0x1FF90]  }
0xdd: {  	[tilespmem:v35+s13+$0x0] =	vst.idx.msk $0xffff, v45  }
0xde: {  	s7 =	ssub.s32 $0xE, s3;
	v32 =	vmul.f32 $8.000000000e+00, v46;
	v45 =	vld.idx.msk [tilespmem:v36+s10+$0x0], $0xffff  }
0xdf: {  	v35 =	vmov s7  }
0xe0: {  	v33 =	vor.u32 v16, v44;
	[tilespmem:v59+s13+$0x0] =	vst.idx.msk $0xffff, v32;
	vm10 =	vgt.u32 v35, v0  }
0xe1: {  	s8 =	sor.u32 $0x2, s3;
	v34 =	vld.idx.msk [tilespmem:v60+s10+$0x0], $0xffff;
	v36 =	vadd.s32 v1, v41;
	v44 =	vsel vm10, v0, v63  }
0xe2: {  	v44 =	vadd.s32 s8, v44  }
0xe3: {  	v59 =	vor.u32 v6, v50;
	v32 =	vadd.s32 v53, v44;
	v45 =	vmul.f32 $8.000000000e+00, v45  }
0xe4: {  	v60 =	vadd.s32 v39, v42  }
0xe5: {  	[tilespmem:v33+s13+$0x0] =	vst.idx.msk $0xffff, v45  }
0xe6: {  	v33 =	vmul.f32 $8.000000000e+00, v34;
	v34 =	vadd.s32 $0x30, v41;
	v35 =	vld.idx.msk [tilespmem:v36+s10+$0x0], $0xffff  }
0xe7: {  	v43 =	vshll.u32 v34, $0x7  }
0xe8: {  	v36 =	vld.idx.msk [tilespmem:v32+s10+$0x0], $0xffff;
	[tilespmem:v59+s13+$0x0] =	vst.idx.msk $0xffff, v33;
	v45 =	vor.u32 v0, v43  }
0xe9: {  	v28 =	vmov v51;
	v48 =	vadd.s32 v20, v41;
	v51 =	vshll.u32 v44, $0x7;
	v47 =	vld.idx.msk [tilespmem:v60+s10+$0x0], $0xffff  }
0xea: {  	v60 =	vor.u32 v0, v51  }
0xeb: {  	v29 =	vmovc v52;
	v52 =	vor.u32 v8, v50;
	v34 =	vadd.s32 v61, v44;
	v46 =	vmul.f32 $8.000000000e+00, v35  }
0xec: {  	v59 =	vadd.s32 v40, v42  }
0xed: {  	v36 =	vmul.f32 $8.000000000e+00, v36;
	[tilespmem:v45+s13+$0x0] =	vst.idx.msk $0xffff, v46  }
0xee: {  	v35 =	vmul.f32 $8.000000000e+00, v47;
	v46 =	vld.idx.msk [tilespmem:v48+s10+$0x0], $0xffff  }
0xef: {  	v1 =	vld [tilespmem:$0x1FF30];
	[tilespmem:v60+s13+$0x0] =	vst.idx.msk $0xffff, v36  }
0xf0: {  	v45 =	vor.u32 v4, v43;
	v60 =	vld.idx.msk [tilespmem:v34+s10+$0x0], $0xffff;
	[tilespmem:v52+s13+$0x0] =	vst.idx.msk $0xffff, v35  }
0xf1: {  	v48 =	vld.idx.msk [tilespmem:v59+s10+$0x0], $0xffff;
	v59 =	vadd.s32 v24, v41;
	_ =	sdelay $0x1  }
0xf2: {  	v46 =	vmul.f32 $8.000000000e+00, v46;
	_ =	sdelay $0x1  }
0xf3: {  	s7 =	ssub.s32 $0xD, s3;
	v34 =	vadd.s32 v1, v42;
	v1 =	vld [tilespmem:$0x1FEA0];
	[tilespmem:v45+s13+$0x0] =	vst.idx.msk $0xffff, v46  }
0xf4: {  	v61 =	vor.u32 v10, v50;
	v46 =	vld.idx.msk [tilespmem:v59+s10+$0x0], $0xffff;
	v59 =	vmul.f32 $8.000000000e+00, v60;
	v60 =	vmov s7  }
0xf5: {  	vm11 =	vgt.u32 v60, v0  }
0xf6: {  	s8 =	sor.u32 $0x3, s3;
	v45 =	vsel vm11, v0, v63  }
0xf7: {  	v48 =	vmul.f32 $8.000000000e+00, v48;
	v45 =	vadd.s32 s8, v45  }
0xf8: {  	v53 =	vadd.s32 v1, v45;
	v1 =	vld [tilespmem:$0x1FF50]  }
0xf9: {  	[tilespmem:v61+s13+$0x0] =	vst.idx.msk $0xffff, v48  }
0xfa: {  	v61 =	vld.idx.msk [tilespmem:v34+s10+$0x0], $0xffff;
	_ =	sdelay $0x1  }
0xfb: {  	v49 =	vmul.f32 $8.000000000e+00, v46;
	v46 =	vor.u32 v12, v50  }
0xfc: {  	v32 =	vmovc v54;
	v54 =	vor.u32 v6, v43;
	s7 =	ssub.s32 $0xC, s3;
	v34 =	vmov v56;
	v56 =	vadd.s32 v1, v42;
	v1 =	vld [tilespmem:$0x1FEA0]  }
0xfd: {  	v36 =	vadd.s32 v62, v44;
	v35 =	vor.u32 v4, v51;
	v62 =	vmov s7  }
0xfe: {  	vm12 =	vgt.u32 v62, v0;
	v48 =	vmul.f32 $8.000000000e+00, v61  }
0xff: {  	s8 =	sor.u32 $0x4, s3;
	v60 =	vsel vm12, v0, v63  }
0x100: {  	[tilespmem:v46+s13+$0x0] =	vst.idx.msk $0xffff, v48;
	v46 =	vadd.s32 s8, v60  }
0x101: {  	[tilespmem:v54+s13+$0x0] =	vst.idx.msk $0xffff, v49;
	v54 =	vadd.s32 v1, v46;
	v1 =	vld [tilespmem:$0x1FEC0]  }
0x102: {  	[tilespmem:v35+s13+$0x0] =	vst.idx.msk $0xffff, v59  }
0x103: {  	v47 =	vld.idx.msk [tilespmem:v36+s10+$0x0], $0xffff  }
0x104: {  	s7 =	ssub.s32 $0xB, s3  }
0x105: {  	v36 =	vmov v58;
	v58 =	vor.u32 v6, v51;
	v60 =	vmov s7  }
0x106: {  	vm13 =	vgt.u32 v60, v0;
	v60 =	vadd.s32 v1, v45;
	v1 =	vld [tilespmem:$0x1FEA0];
	_ =	sdelay $0x1  }
0x107: {  	v47 =	vmul.f32 $8.000000000e+00, v47  }
0x108: {  	v3 =	vld [tilespmem:$0x1FEA0];
	v33 =	vmov v55;
	v55 =	vadd.s32 v22, v41;
	s8 =	sor.u32 $0x5, s3;
	v62 =	vsel vm13, v0, v63  }
0x109: {  	v59 =	vadd.s32 v19, v44;
	v53 =	vld.idx.msk [tilespmem:v53+s10+$0x0], $0xffff;
	[tilespmem:v58+s13+$0x0] =	vst.idx.msk $0xffff, v47;
	v47 =	vadd.s32 s8, v62  }
0x10a: {  	s7 =	ssub.s32 $0xA, s3;
	v62 =	vadd.s32 v1, v47;
	v1 =	vld [tilespmem:$0x1FEA0]  }
0x10b: {  	v52 =	vshll.u32 v45, $0x7;
	v48 =	vmov s7;
	v49 =	vld.idx.msk [tilespmem:v56+s10+$0x0], $0xffff  }
0x10c: {  	v7 =	vld [tilespmem:$0x1FEC0];
	v61 =	vor.u32 v0, v52;
	s7 =	ssub.s32 $0x9, s3;
	vm14 =	vgt.u32 v48, v0  }
0x10d: {  	v58 =	vld.idx.msk [tilespmem:v55+s10+$0x0], $0xffff;
	s8 =	sor.u32 $0x6, s3;
	v48 =	vsel vm14, v0, v63;
	v56 =	vmov s7  }
0x10e: {  	v35 =	vmovc v57;
	v57 =	vor.u32 v14, v50;
	v59 =	vld.idx.msk [tilespmem:v59+s10+$0x0], $0xffff;
	v48 =	vadd.s32 s8, v48;
	vm15 =	vgt.u32 v56, v0  }
0x10f: {  	v53 =	vmul.f32 $8.000000000e+00, v53;
	s8 =	sor.u32 $0x7, s3;
	v56 =	vsel vm15, v0, v63;
	v55 =	vadd.s32 v1, v48;
	v1 =	vld [tilespmem:$0x1FF70]  }
0x110: {  	v9 =	vld [tilespmem:$0x1FED0];
	v2 =	vor.u32 v8, v51;
	v63 =	vmul.f32 $8.000000000e+00, v49;
	v49 =	vadd.s32 s8, v56  }
0x111: {  	[tilespmem:v61+s13+$0x0] =	vst.idx.msk $0xffff, v53;
	v61 =	vadd.s32 v3, v49;
	v3 =	vadd.s32 v18, v44  }
0x112: {  	v60 =	vld.idx.msk [tilespmem:v60+s10+$0x0], $0xffff  }
0x113: {  	v59 =	vmul.f32 $8.000000000e+00, v59;
	[tilespmem:v57+s13+$0x0] =	vst.idx.msk $0xffff, v63  }
0x114: {  	v54 =	vld.idx.msk [tilespmem:v54+s10+$0x0], $0xffff;
	v63 =	vadd.s32 v7, v46;
	v7 =	vor.u32 v4, v52;
	v1 =	vadd.s32 v1, v42  }
0x115: {  	v9 =	vadd.s32 v9, v45;
	[tilespmem:v2+s13+$0x0] =	vst.idx.msk $0xffff, v59;
	v2 =	vld [tilespmem:$0x1FEC0];
	v56 =	vshll.u32 v46, $0x7  }
0x116: {  	v5 =	vor.u32 v0, v56;
	v3 =	vld.idx.msk [tilespmem:v3+s10+$0x0], $0xffff  }
0x117: {  	v62 =	vld.idx.msk [tilespmem:v62+s10+$0x0], $0xffff;
	v60 =	vmul.f32 $8.000000000e+00, v60  }
0x118: {  	v26 =	vmov v13;
	v53 =	vshll.u32 v47, $0x7;
	v11 =	vld.idx.msk [tilespmem:v55+s10+$0x0], $0xffff  }
0x119: {  	v13 =	vor.u32 v0, v53;
	[tilespmem:v7+s13+$0x0] =	vst.idx.msk $0xffff, v60;
	v55 =	vshll.u32 v48, $0x7;
	v57 =	vld.idx.msk [tilespmem:v1+s10+$0x0], $0xffff;
	v1 =	vmul.f32 $8.000000000e+00, v54  }
0x11a: {  	v9 =	vld.idx.msk [tilespmem:v9+s10+$0x0], $0xffff;
	v59 =	vor.u32 v0, v55  }
0x11b: {  	[tilespmem:v5+s13+$0x0] =	vst.idx.msk $0xffff, v1;
	v1 =	vld [tilespmem:$0x1FEC0]  }
0x11c: {  	v25 =	vmov v15;
	v15 =	vor.u32 v10, v51;
	v62 =	vmul.f32 $8.000000000e+00, v62;
	v5 =	vld.idx.msk [tilespmem:v63+s10+$0x0], $0xffff  }
0x11d: {  	v2 =	vadd.s32 v2, v47;
	v7 =	vmul.f32 $8.000000000e+00, v11;
	v11 =	vld [tilespmem:$0x1FEC0]  }
0x11e: {  	v27 =	vmov v17;
	v17 =	vor.u32 v4, v56;
	v61 =	vld.idx.msk [tilespmem:v61+s10+$0x0], $0xffff;
	[tilespmem:v13+s13+$0x0] =	vst.idx.msk $0xffff, v62  }
0x11f: {  	v3 =	vmul.f32 $8.000000000e+00, v3;
	v13 =	vld [tilespmem:$0x1FED0];
	[tilespmem:v59+s13+$0x0] =	vst.idx.msk $0xffff, v7;
	v59 =	vor.u32 v6, v52  }
0x120: {  	v54 =	vshll.u32 v49, $0x7;
	v1 =	vadd.s32 v1, v48  }
0x121: {  	[tilespmem:v15+s13+$0x0] =	vst.idx.msk $0xffff, v3;
	v3 =	vld [tilespmem:$0x1FED0];
	v63 =	vor.u32 v0, v54;
	v5 =	vmul.f32 $8.000000000e+00, v5  }
0x122: {  	v2 =	vld.idx.msk [tilespmem:v2+s10+$0x0], $0xffff;
	v9 =	vmul.f32 $8.000000000e+00, v9;
	v11 =	vadd.s32 v11, v49  }
0x123: {  	v60 =	vadd.s32 v30, v44;
	[tilespmem:v17+s13+$0x0] =	vst.idx.msk $0xffff, v5;
	v5 =	vld [tilespmem:$0x1FED0]  }
0x124: {  	v13 =	vadd.s32 v13, v46;
	v7 =	vmul.f32 $8.000000000e+00, v61;
	[tilespmem:v59+s13+$0x0] =	vst.idx.msk $0xffff, v9;
	v9 =	vld [tilespmem:$0x1FED0]  }
0x125: {  	v1 =	vld.idx.msk [tilespmem:v1+s10+$0x0], $0xffff  }
0x126: {  	v62 =	vor.u32 v4, v53;
	v61 =	vadd.s32 v19, v45;
	[tilespmem:v63+s13+$0x0] =	vst.idx.msk $0xffff, v7  }
0x127: {  	v3 =	vadd.s32 v3, v47;
	v7 =	vor.u32 v4, v55;
	v11 =	vld.idx.msk [tilespmem:v11+s10+$0x0], $0xffff  }
0x128: {  	v15 =	vld.idx.msk [tilespmem:v60+s10+$0x0], $0xffff;
	v5 =	vadd.s32 v5, v48  }
0x129: {  	v2 =	vmul.f32 $8.000000000e+00, v2;
	v17 =	vor.u32 v4, v54;
	v13 =	vld.idx.msk [tilespmem:v13+s10+$0x0], $0xffff  }
0x12a: {  	v60 =	vor.u32 v12, v51;
	v9 =	vadd.s32 v9, v49;
	v1 =	vmul.f32 $8.000000000e+00, v1  }
0x12b: {  	[tilespmem:v62+s13+$0x0] =	vst.idx.msk $0xffff, v2;
	v59 =	vadd.s32 v26, v44;
	v61 =	vld.idx.msk [tilespmem:v61+s10+$0x0], $0xffff;
	v63 =	vor.u32 v6, v56  }
0x12c: {  	v2 =	vadd.s32 v19, v46;
	v3 =	vld.idx.msk [tilespmem:v3+s10+$0x0], $0xffff;
	[tilespmem:v7+s13+$0x0] =	vst.idx.msk $0xffff, v1;
	v1 =	vmul.f32 $8.000000000e+00, v11  }
0x12d: {  	v7 =	vmul.f32 $8.000000000e+00, v15;
	v11 =	vor.u32 v8, v52;
	v5 =	vld.idx.msk [tilespmem:v5+s10+$0x0], $0xffff  }
0x12e: {  	v62 =	vor.u32 v6, v53;
	v13 =	vmul.f32 $8.000000000e+00, v13;
	v15 =	vadd.s32 v18, v45;
	[tilespmem:v17+s13+$0x0] =	vst.idx.msk $0xffff, v1  }
0x12f: {  	[tilespmem:v60+s13+$0x0] =	vst.idx.msk $0xffff, v7;
	v1 =	vadd.s32 v19, v47;
	v7 =	vor.u32 v6, v55;
	v9 =	vld.idx.msk [tilespmem:v9+s10+$0x0], $0xffff  }
0x130: {  	[tilespmem:v63+s13+$0x0] =	vst.idx.msk $0xffff, v13;
	v13 =	vadd.s32 v19, v48;
	v17 =	vld.idx.msk [tilespmem:v59+s10+$0x0], $0xffff;
	v59 =	vmul.f32 $8.000000000e+00, v61  }
0x131: {  	v3 =	vmul.f32 $8.000000000e+00, v3;
	v2 =	vld.idx.msk [tilespmem:v2+s10+$0x0], $0xffff;
	v60 =	vor.u32 v6, v54  }
0x132: {  	v61 =	vor.u32 v14, v51;
	[tilespmem:v11+s13+$0x0] =	vst.idx.msk $0xffff, v59;
	v11 =	vadd.s32 v19, v49;
	v5 =	vmul.f32 $8.000000000e+00, v5  }
0x133: {  	[tilespmem:v62+s13+$0x0] =	vst.idx.msk $0xffff, v3;
	v63 =	vor.u32 v8, v56;
	v59 =	vadd.s32 v31, v44;
	v15 =	vld.idx.msk [tilespmem:v15+s10+$0x0], $0xffff  }
0x134: {  	v3 =	vadd.s32 v18, v46;
	v1 =	vld.idx.msk [tilespmem:v1+s10+$0x0], $0xffff;
	[tilespmem:v7+s13+$0x0] =	vst.idx.msk $0xffff, v5;
	v5 =	vmul.f32 $8.000000000e+00, v9  }
0x135: {  	v7 =	vmul.f32 $8.000000000e+00, v17;
	v9 =	vor.u32 v10, v52;
	v13 =	vld.idx.msk [tilespmem:v13+s10+$0x0], $0xffff  }
0x136: {  	v62 =	vor.u32 v8, v53;
	v2 =	vmul.f32 $8.000000000e+00, v2;
	v17 =	vadd.s32 v30, v45;
	[tilespmem:v60+s13+$0x0] =	vst.idx.msk $0xffff, v5  }
0x137: {  	[tilespmem:v61+s13+$0x0] =	vst.idx.msk $0xffff, v7;
	v5 =	vadd.s32 v18, v47;
	v7 =	vor.u32 v8, v55;
	v11 =	vld.idx.msk [tilespmem:v11+s10+$0x0], $0xffff  }
0x138: {  	[tilespmem:v63+s13+$0x0] =	vst.idx.msk $0xffff, v2;
	v2 =	vadd.s32 v18, v48;
	v59 =	vld.idx.msk [tilespmem:v59+s10+$0x0], $0xffff;
	v15 =	vmul.f32 $8.000000000e+00, v15  }
0x139: {  	v3 =	vld.idx.msk [tilespmem:v3+s10+$0x0], $0xffff;
	v60 =	vor.u32 v8, v54;
	v1 =	vmul.f32 $8.000000000e+00, v1  }
0x13a: {  	v51 =	vor.u32 v16, v51;
	[tilespmem:v9+s13+$0x0] =	vst.idx.msk $0xffff, v15;
	v9 =	vmul.f32 $8.000000000e+00, v13;
	v13 =	vadd.s32 v18, v49  }
0x13b: {  	v61 =	vor.u32 v10, v56;
	v15 =	vadd.s32 v27, v44;
	v17 =	vld.idx.msk [tilespmem:v17+s10+$0x0], $0xffff;
	[tilespmem:v62+s13+$0x0] =	vst.idx.msk $0xffff, v1  }
0x13c: {  	v1 =	vadd.s32 v30, v46;
	v5 =	vld.idx.msk [tilespmem:v5+s10+$0x0], $0xffff;
	[tilespmem:v7+s13+$0x0] =	vst.idx.msk $0xffff, v9;
	v7 =	vmul.f32 $8.000000000e+00, v11  }
0x13d: {  	v9 =	vmul.f32 $8.000000000e+00, v59;
	v11 =	vor.u32 v12, v52;
	v2 =	vld.idx.msk [tilespmem:v2+s10+$0x0], $0xffff  }
0x13e: {  	v3 =	vmul.f32 $8.000000000e+00, v3;
	v62 =	vor.u32 v10, v53;
	v59 =	vadd.s32 v26, v45;
	[tilespmem:v60+s13+$0x0] =	vst.idx.msk $0xffff, v7  }
0x13f: {  	[tilespmem:v51+s13+$0x0] =	vst.idx.msk $0xffff, v9;
	v7 =	vadd.s32 v30, v47;
	v9 =	vor.u32 v10, v55;
	v13 =	vld.idx.msk [tilespmem:v13+s10+$0x0], $0xffff  }
0x140: {  	[tilespmem:v61+s13+$0x0] =	vst.idx.msk $0xffff, v3;
	v3 =	vadd.s32 v30, v48;
	v60 =	vadd.s32 $0x10, v44;
	v15 =	vld.idx.msk [tilespmem:v15+s10+$0x0], $0xffff;
	v17 =	vmul.f32 $8.000000000e+00, v17  }
0x141: {  	v51 =	vshll.u32 v60, $0x7;
	v1 =	vld.idx.msk [tilespmem:v1+s10+$0x0], $0xffff;
	v60 =	vor.u32 v10, v54;
	v5 =	vmul.f32 $8.000000000e+00, v5  }
0x142: {  	v63 =	vor.u32 v12, v56;
	v61 =	vor.u32 v0, v51;
	[tilespmem:v11+s13+$0x0] =	vst.idx.msk $0xffff, v17;
	v2 =	vmul.f32 $8.000000000e+00, v2  }
0x143: {  	v18 =	vor.u32 v12, v53;
	v11 =	vadd.s32 v30, v49;
	v59 =	vld.idx.msk [tilespmem:v59+s10+$0x0], $0xffff;
	[tilespmem:v62+s13+$0x0] =	vst.idx.msk $0xffff, v5  }
0x144: {  	v17 =	vadd.s32 v25, v44;
	v7 =	vld.idx.msk [tilespmem:v7+s10+$0x0], $0xffff;
	[tilespmem:v9+s13+$0x0] =	vst.idx.msk $0xffff, v2;
	v2 =	vmul.f32 $8.000000000e+00, v13  }
0x145: {  	v5 =	vadd.s32 v26, v46;
	v13 =	vmul.f32 $8.000000000e+00, v15;
	v15 =	vor.u32 v14, v52  }
0x146: {  	v62 =	vadd.s32 v31, v45;
	v1 =	vmul.f32 $8.000000000e+00, v1;
	v3 =	vld.idx.msk [tilespmem:v3+s10+$0x0], $0xffff;
	[tilespmem:v60+s13+$0x0] =	vst.idx.msk $0xffff, v2  }
0x147: {  	v9 =	vor.u32 v8, v43;
	[tilespmem:v61+s13+$0x0] =	vst.idx.msk $0xffff, v13;
	v2 =	vadd.s32 v26, v47  }
0x148: {  	v58 =	vmul.f32 $8.000000000e+00, v58;
	v13 =	vor.u32 v12, v55;
	[tilespmem:v63+s13+$0x0] =	vst.idx.msk $0xffff, v1;
	v11 =	vld.idx.msk [tilespmem:v11+s10+$0x0], $0xffff;
	v59 =	vmul.f32 $8.000000000e+00, v59  }
0x149: {  	v1 =	vadd.s32 v26, v48;
	v60 =	vor.u32 v12, v54;
	v17 =	vld.idx.msk [tilespmem:v17+s10+$0x0], $0xffff;
	v7 =	vmul.f32 $8.000000000e+00, v7  }
0x14a: {  	v61 =	vor.u32 v4, v51;
	v63 =	vor.u32 v14, v56;
	v5 =	vld.idx.msk [tilespmem:v5+s10+$0x0], $0xffff;
	[tilespmem:v15+s13+$0x0] =	vst.idx.msk $0xffff, v59  }
0x14b: {  	v15 =	vadd.s32 v26, v49;
	v3 =	vmul.f32 $8.000000000e+00, v3;
	v62 =	vld.idx.msk [tilespmem:v62+s10+$0x0], $0xffff;
	[tilespmem:v18+s13+$0x0] =	vst.idx.msk $0xffff, v7  }
0x14c: {  	v56 =	vor.u32 v16, v56;
	v59 =	vadd.s32 v28, v44;
	[tilespmem:v9+s13+$0x0] =	vst.idx.msk $0xffff, v58;
	v2 =	vld.idx.msk [tilespmem:v2+s10+$0x0], $0xffff  }
0x14d: {  	v7 =	vadd.s32 v31, v46;
	[tilespmem:v13+s13+$0x0] =	vst.idx.msk $0xffff, v3;
	v3 =	vmul.f32 $8.000000000e+00, v11;
	v11 =	vor.u32 v16, v52  }
0x14e: {  	v9 =	vmul.f32 $8.000000000e+00, v17;
	v13 =	vadd.s32 v27, v45;
	v17 =	vor.u32 v14, v53;
	v1 =	vld.idx.msk [tilespmem:v1+s10+$0x0], $0xffff  }
0x14f: {  	v58 =	vadd.s32 v21, v41;
	v5 =	vmul.f32 $8.000000000e+00, v5;
	[tilespmem:v60+s13+$0x0] =	vst.idx.msk $0xffff, v3;
	v3 =	vadd.s32 v31, v47  }
0x150: {  	[tilespmem:v61+s13+$0x0] =	vst.idx.msk $0xffff, v9;
	v9 =	vor.u32 v14, v55;
	v15 =	vld.idx.msk [tilespmem:v15+s10+$0x0], $0xffff;
	v52 =	vmul.f32 $8.000000000e+00, v62  }
0x151: {  	[tilespmem:v63+s13+$0x0] =	vst.idx.msk $0xffff, v5;
	v5 =	vadd.s32 v31, v48;
	v18 =	vld.idx.msk [tilespmem:v59+s10+$0x0], $0xffff;
	v2 =	vmul.f32 $8.000000000e+00, v2  }
0x152: {  	v60 =	vor.u32 v16, v50;
	v7 =	vld.idx.msk [tilespmem:v7+s10+$0x0], $0xffff;
	v59 =	vor.u32 v14, v54;
	[tilespmem:v11+s13+$0x0] =	vst.idx.msk $0xffff, v52  }
0x153: {  	v11 =	vadd.s32 v31, v49;
	v1 =	vmul.f32 $8.000000000e+00, v1;
	v13 =	vld.idx.msk [tilespmem:v13+s10+$0x0], $0xffff;
	[tilespmem:v17+s13+$0x0] =	vst.idx.msk $0xffff, v2  }
0x154: {  	v55 =	vor.u32 v16, v55;
	v61 =	vadd.s32 v29, v44;
	v62 =	vadd.s32 $0x10, v45;
	v3 =	vld.idx.msk [tilespmem:v3+s10+$0x0], $0xffff  }
0x155: {  	v50 =	vshll.u32 v62, $0x7;
	v2 =	vadd.s32 v27, v46;
	[tilespmem:v9+s13+$0x0] =	vst.idx.msk $0xffff, v1;
	v1 =	vmul.f32 $8.000000000e+00, v15;
	v9 =	vld [tilespmem:$0x1FF90]  }
0x156: {  	v52 =	vmul.f32 $8.000000000e+00, v57;
	v57 =	vor.u32 v16, v53;
	v17 =	vor.u32 v0, v50;
	v5 =	vld.idx.msk [tilespmem:v5+s10+$0x0], $0xffff  }
0x157: {  	v15 =	vmul.f32 $8.000000000e+00, v18;
	v18 =	vadd.s32 v25, v45;
	v7 =	vmul.f32 $8.000000000e+00, v7;
	[tilespmem:v59+s13+$0x0] =	vst.idx.msk $0xffff, v1  }
0x158: {  	v63 =	vadd.s32 $0x10, v46;
	[tilespmem:v60+s13+$0x0] =	vst.idx.msk $0xffff, v52;
	v59 =	vadd.s32 v27, v47;
	v11 =	vld.idx.msk [tilespmem:v11+s10+$0x0], $0xffff  }
0x159: {  	v1 =	vor.u32 v6, v51;
	[tilespmem:v56+s13+$0x0] =	vst.idx.msk $0xffff, v7;
	v7 =	vadd.s32 v27, v48;
	v13 =	vmul.f32 $8.000000000e+00, v13  }
0x15a: {  	v60 =	vor.u32 v16, v54;
	v2 =	vld.idx.msk [tilespmem:v2+s10+$0x0], $0xffff;
	v3 =	vmul.f32 $8.000000000e+00, v3;
	v9 =	vadd.s32 v9, v42  }
0x15b: {  	v58 =	vld.idx.msk [tilespmem:v58+s10+$0x0], $0xffff;
	v53 =	vshll.u32 v63, $0x7;
	[tilespmem:v17+s13+$0x0] =	vst.idx.msk $0xffff, v13;
	v13 =	vadd.s32 v27, v49;
	v5 =	vmul.f32 $8.000000000e+00, v5  }
0x15c: {  	v52 =	vor.u32 v0, v53;
	v17 =	vld.idx.msk [tilespmem:v18+s10+$0x0], $0xffff;
	v18 =	vor.u32 v4, v50;
	[tilespmem:v57+s13+$0x0] =	vst.idx.msk $0xffff, v3  }
0x15d: {  	v62 =	vadd.s32 $0x10, v47;
	v3 =	vadd.s32 v25, v46;
	v59 =	vld.idx.msk [tilespmem:v59+s10+$0x0], $0xffff;
	[tilespmem:v55+s13+$0x0] =	vst.idx.msk $0xffff, v5;
	v5 =	vmul.f32 $8.000000000e+00, v11  }
0x15e: {  	v54 =	vshll.u32 v62, $0x7;
	[tilespmem:v1+s13+$0x0] =	vst.idx.msk $0xffff, v15;
	v1 =	vadd.s32 v28, v45;
	v11 =	vadd.s32 $0x10, v48;
	v7 =	vld.idx.msk [tilespmem:v7+s10+$0x0], $0xffff  }
0x15f: {  	v2 =	vmul.f32 $8.000000000e+00, v2;
	v55 =	vshll.u32 v11, $0x7;
	v57 =	vld.idx.msk [tilespmem:v9+s10+$0x0], $0xffff;
	v9 =	vor.u32 v0, v54;
	[tilespmem:v60+s13+$0x0] =	vst.idx.msk $0xffff, v5  }
0x160: {  	v15 =	vadd.s32 $0x10, v49;
	v5 =	vadd.s32 v25, v47;
	v11 =	vor.u32 v0, v55;
	v13 =	vld.idx.msk [tilespmem:v13+s10+$0x0], $0xffff  }
0x161: {  	v56 =	vshll.u32 v15, $0x7;
	v60 =	vld.idx.msk [tilespmem:v61+s10+$0x0], $0xffff;
	[tilespmem:v52+s13+$0x0] =	vst.idx.msk $0xffff, v2;
	v2 =	vadd.s32 v25, v48;
	v17 =	vmul.f32 $8.000000000e+00, v17  }
0x162: {  	v52 =	vor.u32 v0, v56;
	v3 =	vld.idx.msk [tilespmem:v3+s10+$0x0], $0xffff;
	v15 =	vmul.f32 $8.000000000e+00, v59  }
0x163: {  	v59 =	vor.u32 v8, v51;
	[tilespmem:v18+s13+$0x0] =	vst.idx.msk $0xffff, v17;
	v17 =	vadd.s32 v25, v49;
	v7 =	vmul.f32 $8.000000000e+00, v7  }
0x164: {  	v61 =	vor.u32 v4, v53;
	v18 =	vadd.s32 v32, v44;
	v1 =	vld.idx.msk [tilespmem:v1+s10+$0x0], $0xffff;
	[tilespmem:v9+s13+$0x0] =	vst.idx.msk $0xffff, v15  }
0x165: {  	v9 =	vadd.s32 v28, v46;
	v5 =	vld.idx.msk [tilespmem:v5+s10+$0x0], $0xffff;
	[tilespmem:v11+s13+$0x0] =	vst.idx.msk $0xffff, v7;
	v7 =	vmul.f32 $8.000000000e+00, v13  }
0x166: {  	v11 =	vmul.f32 $8.000000000e+00, v60;
	v13 =	vor.u32 v6, v50;
	v2 =	vld.idx.msk [tilespmem:v2+s10+$0x0], $0xffff  }
0x167: {  	v15 =	vadd.s32 v29, v45;
	v3 =	vmul.f32 $8.000000000e+00, v3;
	v60 =	vor.u32 v4, v54;
	[tilespmem:v52+s13+$0x0] =	vst.idx.msk $0xffff, v7  }
0x168: {  	[tilespmem:v59+s13+$0x0] =	vst.idx.msk $0xffff, v11;
	v7 =	vadd.s32 v28, v47;
	v11 =	vor.u32 v4, v55;
	v17 =	vld.idx.msk [tilespmem:v17+s10+$0x0], $0xffff  }
0x169: {  	[tilespmem:v61+s13+$0x0] =	vst.idx.msk $0xffff, v3;
	v3 =	vadd.s32 v28, v48;
	v18 =	vld.idx.msk [tilespmem:v18+s10+$0x0], $0xffff;
	v1 =	vmul.f32 $8.000000000e+00, v1  }
0x16a: {  	v52 =	vor.u32 v4, v56;
	v9 =	vld.idx.msk [tilespmem:v9+s10+$0x0], $0xffff;
	v5 =	vmul.f32 $8.000000000e+00, v5  }
0x16b: {  	v59 =	vor.u32 v10, v51;
	[tilespmem:v13+s13+$0x0] =	vst.idx.msk $0xffff, v1;
	v1 =	vmul.f32 $8.000000000e+00, v2;
	v2 =	vadd.s32 v28, v49  }
0x16c: {  	v61 =	vor.u32 v6, v53;
	v13 =	vadd.s32 v33, v44;
	v15 =	vld.idx.msk [tilespmem:v15+s10+$0x0], $0xffff;
	[tilespmem:v60+s13+$0x0] =	vst.idx.msk $0xffff, v5  }
0x16d: {  	v5 =	vadd.s32 v29, v46;
	v7 =	vld.idx.msk [tilespmem:v7+s10+$0x0], $0xffff;
	[tilespmem:v11+s13+$0x0] =	vst.idx.msk $0xffff, v1;
	v1 =	vmul.f32 $8.000000000e+00, v17  }
0x16e: {  	v11 =	vmul.f32 $8.000000000e+00, v18;
	v17 =	vor.u32 v8, v50;
	v3 =	vld.idx.msk [tilespmem:v3+s10+$0x0], $0xffff  }
0x16f: {  	v60 =	vor.u32 v6, v54;
	v18 =	vadd.s32 v32, v45;
	v9 =	vmul.f32 $8.000000000e+00, v9;
	[tilespmem:v52+s13+$0x0] =	vst.idx.msk $0xffff, v1  }
0x170: {  	[tilespmem:v59+s13+$0x0] =	vst.idx.msk $0xffff, v11;
	v1 =	vadd.s32 v29, v47;
	v11 =	vor.u32 v6, v55;
	v2 =	vld.idx.msk [tilespmem:v2+s10+$0x0], $0xffff  }
0x171: {  	v13 =	vld.idx.msk [tilespmem:v13+s10+$0x0], $0xffff;
	v15 =	vmul.f32 $8.000000000e+00, v15;
	[tilespmem:v61+s13+$0x0] =	vst.idx.msk $0xffff, v9;
	v9 =	vadd.s32 v29, v48  }
0x172: {  	v52 =	vor.u32 v6, v56;
	v5 =	vld.idx.msk [tilespmem:v5+s10+$0x0], $0xffff;
	v7 =	vmul.f32 $8.000000000e+00, v7  }
0x173: {  	v59 =	vor.u32 v12, v51;
	[tilespmem:v17+s13+$0x0] =	vst.idx.msk $0xffff, v15;
	v15 =	vadd.s32 v29, v49;
	v3 =	vmul.f32 $8.000000000e+00, v3  }
0x174: {  	v61 =	vor.u32 v8, v53;
	v17 =	vadd.s32 v34, v44;
	v18 =	vld.idx.msk [tilespmem:v18+s10+$0x0], $0xffff;
	[tilespmem:v60+s13+$0x0] =	vst.idx.msk $0xffff, v7  }
0x175: {  	v7 =	vadd.s32 v32, v46;
	v1 =	vld.idx.msk [tilespmem:v1+s10+$0x0], $0xffff;
	[tilespmem:v11+s13+$0x0] =	vst.idx.msk $0xffff, v3;
	v2 =	vmul.f32 $8.000000000e+00, v2  }
0x176: {  	v3 =	vmul.f32 $8.000000000e+00, v13;
	v11 =	vor.u32 v10, v50;
	v9 =	vld.idx.msk [tilespmem:v9+s10+$0x0], $0xffff  }
0x177: {  	v60 =	vor.u32 v8, v54;
	v13 =	vadd.s32 v33, v45;
	v5 =	vmul.f32 $8.000000000e+00, v5;
	[tilespmem:v52+s13+$0x0] =	vst.idx.msk $0xffff, v2  }
0x178: {  	[tilespmem:v59+s13+$0x0] =	vst.idx.msk $0xffff, v3;
	v2 =	vadd.s32 v32, v47;
	v3 =	vor.u32 v8, v55;
	v15 =	vld.idx.msk [tilespmem:v15+s10+$0x0], $0xffff  }
0x179: {  	v17 =	vld.idx.msk [tilespmem:v17+s10+$0x0], $0xffff;
	v18 =	vmul.f32 $8.000000000e+00, v18;
	[tilespmem:v61+s13+$0x0] =	vst.idx.msk $0xffff, v5;
	v5 =	vadd.s32 v32, v48  }
0x17a: {  	v52 =	vor.u32 v8, v56;
	v7 =	vld.idx.msk [tilespmem:v7+s10+$0x0], $0xffff;
	v1 =	vmul.f32 $8.000000000e+00, v1  }
0x17b: {  	v59 =	vor.u32 v14, v51;
	[tilespmem:v11+s13+$0x0] =	vst.idx.msk $0xffff, v18;
	v11 =	vadd.s32 v32, v49;
	v9 =	vmul.f32 $8.000000000e+00, v9  }
0x17c: {  	v61 =	vor.u32 v10, v53;
	v18 =	vadd.s32 v35, v44;
	v13 =	vld.idx.msk [tilespmem:v13+s10+$0x0], $0xffff;
	[tilespmem:v60+s13+$0x0] =	vst.idx.msk $0xffff, v1  }
0x17d: {  	v1 =	vadd.s32 v33, v46;
	v2 =	vld.idx.msk [tilespmem:v2+s10+$0x0], $0xffff;
	[tilespmem:v3+s13+$0x0] =	vst.idx.msk $0xffff, v9;
	v3 =	vmul.f32 $8.000000000e+00, v15  }
0x17e: {  	v9 =	vmul.f32 $8.000000000e+00, v17;
	v15 =	vor.u32 v12, v50;
	v5 =	vld.idx.msk [tilespmem:v5+s10+$0x0], $0xffff  }
0x17f: {  	v60 =	vor.u32 v10, v54;
	v17 =	vadd.s32 v34, v45;
	v7 =	vmul.f32 $8.000000000e+00, v7;
	[tilespmem:v52+s13+$0x0] =	vst.idx.msk $0xffff, v3  }
0x180: {  	[tilespmem:v59+s13+$0x0] =	vst.idx.msk $0xffff, v9;
	v3 =	vadd.s32 v33, v47;
	v9 =	vor.u32 v10, v55;
	v11 =	vld.idx.msk [tilespmem:v11+s10+$0x0], $0xffff  }
0x181: {  	v18 =	vld.idx.msk [tilespmem:v18+s10+$0x0], $0xffff;
	v13 =	vmul.f32 $8.000000000e+00, v13;
	[tilespmem:v61+s13+$0x0] =	vst.idx.msk $0xffff, v7;
	v7 =	vadd.s32 v33, v48  }
0x182: {  	v19 =	vadd.s32 v37, v45;
	v52 =	vor.u32 v10, v56;
	v1 =	vld.idx.msk [tilespmem:v1+s10+$0x0], $0xffff;
	v2 =	vmul.f32 $8.000000000e+00, v2  }
0x183: {  	v51 =	vor.u32 v16, v51;
	[tilespmem:v15+s13+$0x0] =	vst.idx.msk $0xffff, v13;
	v13 =	vadd.s32 v33, v49;
	v5 =	vmul.f32 $8.000000000e+00, v5  }
0x184: {  	v59 =	vor.u32 v12, v53;
	v15 =	vadd.s32 v36, v44;
	v17 =	vld.idx.msk [tilespmem:v17+s10+$0x0], $0xffff;
	[tilespmem:v60+s13+$0x0] =	vst.idx.msk $0xffff, v2  }
0x185: {  	v2 =	vadd.s32 v34, v46;
	v3 =	vld.idx.msk [tilespmem:v3+s10+$0x0], $0xffff;
	[tilespmem:v9+s13+$0x0] =	vst.idx.msk $0xffff, v5;
	v5 =	vmul.f32 $8.000000000e+00, v11  }
0x186: {  	v63 =	vadd.s32 $0x20, v44;
	v11 =	vmul.f32 $8.000000000e+00, v18;
	v18 =	vor.u32 v14, v50;
	v7 =	vld.idx.msk [tilespmem:v7+s10+$0x0], $0xffff  }
0x187: {  	v61 =	vor.u32 v12, v54;
	v60 =	vadd.s32 v35, v45;
	v1 =	vmul.f32 $8.000000000e+00, v1;
	[tilespmem:v52+s13+$0x0] =	vst.idx.msk $0xffff, v5  }
0x188: {  	[tilespmem:v51+s13+$0x0] =	vst.idx.msk $0xffff, v11;
	v5 =	vadd.s32 v34, v47;
	v11 =	vor.u32 v12, v55;
	v13 =	vld.idx.msk [tilespmem:v13+s10+$0x0], $0xffff  }
0x189: {  	v9 =	vor.u32 v10, v43;
	v52 =	vshll.u32 v63, $0x7;
	v15 =	vld.idx.msk [tilespmem:v15+s10+$0x0], $0xffff;
	v17 =	vmul.f32 $8.000000000e+00, v17;
	[tilespmem:v59+s13+$0x0] =	vst.idx.msk $0xffff, v1  }
0x18a: {  	v1 =	vadd.s32 v34, v48;
	v59 =	vor.u32 v12, v56;
	v2 =	vld.idx.msk [tilespmem:v2+s10+$0x0], $0xffff;
	v3 =	vmul.f32 $8.000000000e+00, v3  }
0x18b: {  	v62 =	vor.u32 v0, v52;
	[tilespmem:v18+s13+$0x0] =	vst.idx.msk $0xffff, v17;
	v17 =	vadd.s32 v34, v49;
	v7 =	vmul.f32 $8.000000000e+00, v7  }
0x18c: {  	v63 =	vor.u32 v14, v53;
	v18 =	vadd.s32 v37, v44;
	v60 =	vld.idx.msk [tilespmem:v60+s10+$0x0], $0xffff;
	[tilespmem:v61+s13+$0x0] =	vst.idx.msk $0xffff, v3  }
0x18d: {  	v3 =	vmul.f32 $8.000000000e+00, v58;
	v58 =	vadd.s32 v35, v46;
	v5 =	vld.idx.msk [tilespmem:v5+s10+$0x0], $0xffff;
	[tilespmem:v11+s13+$0x0] =	vst.idx.msk $0xffff, v7;
	v7 =	vmul.f32 $8.000000000e+00, v13  }
0x18e: {  	v53 =	vor.u32 v16, v53;
	v11 =	vmul.f32 $8.000000000e+00, v15;
	v13 =	vor.u32 v16, v50  }
0x18f: {  	v61 =	vor.u32 v14, v54;
	v1 =	vld.idx.msk [tilespmem:v1+s10+$0x0], $0xffff;
	v2 =	vmul.f32 $8.000000000e+00, v2;
	[tilespmem:v59+s13+$0x0] =	vst.idx.msk $0xffff, v7  }
0x190: {  	v54 =	vor.u32 v16, v54;
	[tilespmem:v62+s13+$0x0] =	vst.idx.msk $0xffff, v11;
	v7 =	vadd.s32 v35, v47;
	v17 =	vld.idx.msk [tilespmem:v17+s10+$0x0], $0xffff  }
0x191: {  	v11 =	vor.u32 v14, v55;
	v18 =	vld.idx.msk [tilespmem:v18+s10+$0x0], $0xffff;
	v59 =	vmul.f32 $8.000000000e+00, v60;
	[tilespmem:v63+s13+$0x0] =	vst.idx.msk $0xffff, v2  }
0x192: {  	v15 =	vadd.s32 v36, v45;
	v2 =	vadd.s32 v35, v48;
	v58 =	vld.idx.msk [tilespmem:v58+s10+$0x0], $0xffff;
	v5 =	vmul.f32 $8.000000000e+00, v5  }
0x193: {  	v62 =	vadd.s32 $0x30, v42;
	v55 =	vor.u32 v16, v55;
	v60 =	vor.u32 v14, v56;
	[tilespmem:v13+s13+$0x0] =	vst.idx.msk $0xffff, v59  }
0x194: {  	v50 =	vshll.u32 v62, $0x7;
	v13 =	vadd.s32 v35, v49;
	v1 =	vmul.f32 $8.000000000e+00, v1;
	[tilespmem:v61+s13+$0x0] =	vst.idx.msk $0xffff, v5  }
0x195: {  	v63 =	vadd.s32 $0x20, v45;
	v62 =	vor.u32 v0, v50;
	v59 =	vor.u32 v4, v52;
	v7 =	vld.idx.msk [tilespmem:v7+s10+$0x0], $0xffff  }
0x196: {  	v5 =	vmul.f32 $8.000000000e+00, v57;
	v57 =	vadd.s32 v36, v46;
	[tilespmem:v11+s13+$0x0] =	vst.idx.msk $0xffff, v1;
	v1 =	vmul.f32 $8.000000000e+00, v17  }
0x197: {  	[tilespmem:v9+s13+$0x0] =	vst.idx.msk $0xffff, v3;
	v17 =	vmul.f32 $8.000000000e+00, v18;
	v18 =	vadd.s32 v38, v44;
	v2 =	vld.idx.msk [tilespmem:v2+s10+$0x0], $0xffff;
	v58 =	vmul.f32 $8.000000000e+00, v58  }
0x198: {  	v15 =	vld.idx.msk [tilespmem:v15+s10+$0x0], $0xffff;
	v61 =	vor.u32 v6, v52;
	[tilespmem:v60+s13+$0x0] =	vst.idx.msk $0xffff, v1;
	v60 =	vadd.s32 v36, v47  }
0x199: {  	v9 =	vadd.s32 $0x20, v46;
	v11 =	vadd.s32 v20, v42;
	v13 =	vld.idx.msk [tilespmem:v13+s10+$0x0], $0xffff;
	[tilespmem:v53+s13+$0x0] =	vst.idx.msk $0xffff, v58;
	v53 =	vshll.u32 v63, $0x7  }
0x19a: {  	[tilespmem:v62+s13+$0x0] =	vst.idx.msk $0xffff, v5;
	v58 =	vadd.s32 v36, v48;
	v63 =	vor.u32 v0, v53;
	v7 =	vmul.f32 $8.000000000e+00, v7  }
0x19b: {  	v5 =	vadd.s32 v37, v46;
	[tilespmem:v59+s13+$0x0] =	vst.idx.msk $0xffff, v17;
	v59 =	vor.u32 v16, v56;
	v17 =	vld.idx.msk [tilespmem:v57+s10+$0x0], $0xffff  }
0x19c: {  	v57 =	vshll.u32 v9, $0x7;
	v3 =	vld.idx.msk [tilespmem:v18+s10+$0x0], $0xffff;
	v18 =	vadd.s32 v36, v49;
	v2 =	vmul.f32 $8.000000000e+00, v2;
	[tilespmem:v54+s13+$0x0] =	vst.idx.msk $0xffff, v7  }
0x19d: {  	v15 =	vmul.f32 $8.000000000e+00, v15;
	v9 =	vadd.s32 $0x20, v47;
	v7 =	vor.u32 v0, v57;
	v60 =	vld.idx.msk [tilespmem:v60+s10+$0x0], $0xffff  }
0x19e: {  	v1 =	vadd.s32 v39, v44;
	v11 =	vld.idx.msk [tilespmem:v11+s10+$0x0], $0xffff;
	[tilespmem:v55+s13+$0x0] =	vst.idx.msk $0xffff, v2;
	v2 =	vmul.f32 $8.000000000e+00, v13;
	v55 =	vshll.u32 v9, $0x7  }
0x19f: {  	v62 =	vadd.s32 $0x20, v49;
	v9 =	vadd.s32 $0x20, v48;
	v13 =	vld.idx.msk [tilespmem:v58+s10+$0x0], $0xffff;
	v58 =	vor.u32 v0, v55;
	[tilespmem:v63+s13+$0x0] =	vst.idx.msk $0xffff, v15  }
0x1a0: {  	v17 =	vmul.f32 $8.000000000e+00, v17;
	v56 =	vshll.u32 v9, $0x7;
	[tilespmem:v59+s13+$0x0] =	vst.idx.msk $0xffff, v2;
	v2 =	vadd.s32 v37, v47;
	v19 =	vld.idx.msk [tilespmem:v19+s10+$0x0], $0xffff  }
0x1a1: {  	v54 =	vshll.u32 v62, $0x7;
	v9 =	vor.u32 v0, v56;
	v3 =	vmul.f32 $8.000000000e+00, v3;
	v18 =	vld.idx.msk [tilespmem:v18+s10+$0x0], $0xffff  }
0x1a2: {  	v15 =	vadd.s32 v37, v48;
	v59 =	vor.u32 v4, v53;
	[tilespmem:v7+s13+$0x0] =	vst.idx.msk $0xffff, v17;
	v7 =	vmul.f32 $8.000000000e+00, v60  }
0x1a3: {  	v17 =	vor.u32 v0, v54;
	[tilespmem:v61+s13+$0x0] =	vst.idx.msk $0xffff, v3;
	v3 =	vld.idx.msk [tilespmem:v5+s10+$0x0], $0xffff  }
0x1a4: {  	v1 =	vld.idx.msk [tilespmem:v1+s10+$0x0], $0xffff;
	v5 =	vmul.f32 $8.000000000e+00, v13;
	v13 =	vadd.s32 v37, v49;
	[tilespmem:v58+s13+$0x0] =	vst.idx.msk $0xffff, v7  }
0x1a5: {  	v60 =	vadd.s32 v38, v45;
	v7 =	vor.u32 v4, v57;
	v19 =	vmul.f32 $8.000000000e+00, v19;
	v2 =	vld.idx.msk [tilespmem:v2+s10+$0x0], $0xffff  }
0x1a6: {  	v58 =	vadd.s32 v38, v46;
	[tilespmem:v9+s13+$0x0] =	vst.idx.msk $0xffff, v5;
	v5 =	vmul.f32 $8.000000000e+00, v18;
	v18 =	vor.u32 v8, v52  }
0x1a7: {  	v62 =	vor.u32 v4, v55;
	v61 =	vadd.s32 v40, v44;
	v15 =	vld.idx.msk [tilespmem:v15+s10+$0x0], $0xffff;
	[tilespmem:v59+s13+$0x0] =	vst.idx.msk $0xffff, v19  }
0x1a8: {  	v37 =	vld [tilespmem:$0x1FF30];
	v9 =	vor.u32 v4, v50;
	[tilespmem:v17+s13+$0x0] =	vst.idx.msk $0xffff, v5;
	v3 =	vmul.f32 $8.000000000e+00, v3;
	v5 =	vadd.s32 v38, v47  }
0x1a9: {  	v59 =	vadd.s32 v38, v48;
	v17 =	vor.u32 v4, v56;
	v1 =	vmul.f32 $8.000000000e+00, v1;
	v13 =	vld.idx.msk [tilespmem:v13+s10+$0x0], $0xffff  }
0x1aa: {  	v60 =	vld.idx.msk [tilespmem:v60+s10+$0x0], $0xffff;
	[tilespmem:v7+s13+$0x0] =	vst.idx.msk $0xffff, v3;
	v3 =	vor.u32 v4, v54;
	v2 =	vmul.f32 $8.000000000e+00, v2  }
0x1ab: {  	v7 =	vmul.f32 $8.000000000e+00, v11;
	[tilespmem:v18+s13+$0x0] =	vst.idx.msk $0xffff, v1;
	v1 =	vld.idx.msk [tilespmem:v58+s10+$0x0], $0xffff;
	v58 =	vor.u32 v6, v53  }
0x1ac: {  	v11 =	vmul.f32 $8.000000000e+00, v15;
	v15 =	vadd.s32 v38, v49;
	v18 =	vld.idx.msk [tilespmem:v61+s10+$0x0], $0xffff;
	[tilespmem:v62+s13+$0x0] =	vst.idx.msk $0xffff, v2  }
0x1ad: {  	v61 =	vadd.s32 v39, v45;
	[tilespmem:v9+s13+$0x0] =	vst.idx.msk $0xffff, v7;
	v2 =	vor.u32 v6, v57;
	v5 =	vld.idx.msk [tilespmem:v5+s10+$0x0], $0xffff  }
0x1ae: {  	v7 =	vor.u32 v10, v52;
	v9 =	vadd.s32 v39, v46;
	[tilespmem:v17+s13+$0x0] =	vst.idx.msk $0xffff, v11;
	v11 =	vmul.f32 $8.000000000e+00, v13  }
0x1af: {  	v17 =	vadd.s32 v37, v44;
	v13 =	vld.idx.msk [tilespmem:v59+s10+$0x0], $0xffff;
	v59 =	vmul.f32 $8.000000000e+00, v60;
	v60 =	vor.u32 v6, v55  }
0x1b0: {  	v38 =	vld [tilespmem:$0x1FF50];
	[tilespmem:v3+s13+$0x0] =	vst.idx.msk $0xffff, v11;
	v1 =	vmul.f32 $8.000000000e+00, v1;
	v3 =	vadd.s32 v39, v47  }
0x1b1: {  	v11 =	vor.u32 v6, v56;
	v15 =	vld.idx.msk [tilespmem:v15+s10+$0x0], $0xffff;
	v18 =	vmul.f32 $8.000000000e+00, v18;
	[tilespmem:v58+s13+$0x0] =	vst.idx.msk $0xffff, v59  }
0x1b2: {  	v58 =	vadd.s32 v39, v48;
	v59 =	vld.idx.msk [tilespmem:v61+s10+$0x0], $0xffff;
	[tilespmem:v2+s13+$0x0] =	vst.idx.msk $0xffff, v1;
	v1 =	vmul.f32 $8.000000000e+00, v5  }
0x1b3: {  	v2 =	vor.u32 v6, v54;
	[tilespmem:v7+s13+$0x0] =	vst.idx.msk $0xffff, v18;
	v5 =	vld.idx.msk [tilespmem:v9+s10+$0x0], $0xffff  }
0x1b4: {  	v9 =	vadd.s32 v39, v49;
	v7 =	vmul.f32 $8.000000000e+00, v13;
	v13 =	vld.idx.msk [tilespmem:v17+s10+$0x0], $0xffff;
	[tilespmem:v60+s13+$0x0] =	vst.idx.msk $0xffff, v1  }
0x1b5: {  	v19 =	vadd.s32 v24, v42;
	v1 =	vor.u32 v8, v57;
	v3 =	vld.idx.msk [tilespmem:v3+s10+$0x0], $0xffff  }
0x1b6: {  	v60 =	vadd.s32 v40, v46;
	[tilespmem:v11+s13+$0x0] =	vst.idx.msk $0xffff, v7;
	v7 =	vmul.f32 $8.000000000e+00, v15;
	v15 =	vor.u32 v12, v52  }
0x1b7: {  	v62 =	vor.u32 v8, v55;
	v58 =	vld.idx.msk [tilespmem:v58+s10+$0x0], $0xffff  }
0x1b8: {  	v17 =	vor.u32 v8, v53;
	[tilespmem:v2+s13+$0x0] =	vst.idx.msk $0xffff, v7;
	v2 =	vmul.f32 $8.000000000e+00, v5;
	v5 =	vadd.s32 v40, v47  }
0x1b9: {  	v18 =	vadd.s32 v40, v45;
	v7 =	vor.u32 v8, v56;
	v9 =	vld.idx.msk [tilespmem:v9+s10+$0x0], $0xffff;
	v13 =	vmul.f32 $8.000000000e+00, v13  }
0x1ba: {  	v19 =	vld.idx.msk [tilespmem:v19+s10+$0x0], $0xffff;
	v61 =	vadd.s32 v38, v44;
	[tilespmem:v1+s13+$0x0] =	vst.idx.msk $0xffff, v2;
	v1 =	vmul.f32 $8.000000000e+00, v3  }
0x1bb: {  	v59 =	vmul.f32 $8.000000000e+00, v59;
	v2 =	vor.u32 v8, v54;
	[tilespmem:v15+s13+$0x0] =	vst.idx.msk $0xffff, v13;
	v13 =	vld.idx.msk [tilespmem:v60+s10+$0x0], $0xffff  }
0x1bc: {  	v63 =	vadd.s32 v40, v48;
	v11 =	vor.u32 v6, v50;
	v15 =	vmul.f32 $8.000000000e+00, v58;
	[tilespmem:v62+s13+$0x0] =	vst.idx.msk $0xffff, v1  }
0x1bd: {  	[tilespmem:v17+s13+$0x0] =	vst.idx.msk $0xffff, v59;
	v1 =	vor.u32 v10, v57;
	v5 =	vld.idx.msk [tilespmem:v5+s10+$0x0], $0xffff  }
0x1be: {  	v18 =	vld.idx.msk [tilespmem:v18+s10+$0x0], $0xffff;
	[tilespmem:v7+s13+$0x0] =	vst.idx.msk $0xffff, v15;
	v7 =	vmul.f32 $8.000000000e+00, v9  }
0x1bf: {  	v39 =	vld [tilespmem:$0x1FF70];
	v17 =	vadd.s32 v22, v42;
	v3 =	vmul.f32 $8.000000000e+00, v19;
	v19 =	vadd.s32 v40, v49  }
0x1c0: {  	v60 =	vld.idx.msk [tilespmem:v61+s10+$0x0], $0xffff;
	v58 =	vor.u32 v10, v53;
	[tilespmem:v2+s13+$0x0] =	vst.idx.msk $0xffff, v7;
	v2 =	vmul.f32 $8.000000000e+00, v13  }
0x1c1: {  	v61 =	vadd.s32 v37, v45;
	[tilespmem:v11+s13+$0x0] =	vst.idx.msk $0xffff, v3;
	v9 =	vld.idx.msk [tilespmem:v63+s10+$0x0], $0xffff  }
0x1c2: {  	v3 =	vadd.s32 v37, v46;
	[tilespmem:v1+s13+$0x0] =	vst.idx.msk $0xffff, v2;
	v1 =	vmul.f32 $8.000000000e+00, v5;
	v5 =	vld [tilespmem:$0x1FEF0]  }
0x1c3: {  	v15 =	vmul.f32 $8.000000000e+00, v18;
	v18 =	vor.u32 v10, v55  }
0x1c4: {  	v51 =	vadd.s32 v23, v41;
	v7 =	vadd.s32 v37, v47;
	v13 =	vor.u32 v10, v56;
	v19 =	vld.idx.msk [tilespmem:v19+s10+$0x0], $0xffff  }
0x1c5: {  	v11 =	vor.u32 v14, v52;
	v17 =	vld.idx.msk [tilespmem:v17+s10+$0x0], $0xffff;
	[tilespmem:v58+s13+$0x0] =	vst.idx.msk $0xffff, v15;
	v15 =	vadd.s32 v37, v48  }
0x1c6: {  	v59 =	vor.u32 v12, v43;
	v62 =	vadd.s32 v39, v44;
	v61 =	vld.idx.msk [tilespmem:v61+s10+$0x0], $0xffff;
	v2 =	vor.u32 v10, v54  }
0x1c7: {  	v3 =	vld.idx.msk [tilespmem:v3+s10+$0x0], $0xffff;
	v58 =	vadd.s32 v5, v41;
	v5 =	vmul.f32 $8.000000000e+00, v9;
	v9 =	vadd.s32 v37, v49  }
0x1c8: {  	v60 =	vmul.f32 $8.000000000e+00, v60;
	[tilespmem:v18+s13+$0x0] =	vst.idx.msk $0xffff, v1;
	v1 =	vor.u32 v12, v53;
	v18 =	vadd.s32 v38, v45  }
0x1c9: {  	v7 =	vld.idx.msk [tilespmem:v7+s10+$0x0], $0xffff;
	[tilespmem:v13+s13+$0x0] =	vst.idx.msk $0xffff, v5;
	v5 =	vor.u32 v12, v57;
	v13 =	vmul.f32 $8.000000000e+00, v19  }
0x1ca: {  	[tilespmem:v11+s13+$0x0] =	vst.idx.msk $0xffff, v60;
	v11 =	vadd.s32 v38, v46;
	v19 =	vor.u32 v8, v50;
	v15 =	vld.idx.msk [tilespmem:v15+s10+$0x0], $0xffff  }
0x1cb: {  	v60 =	vld.idx.msk [tilespmem:v62+s10+$0x0], $0xffff;
	v61 =	vmul.f32 $8.000000000e+00, v61;
	v37 =	vor.u32 v12, v55;
	[tilespmem:v2+s13+$0x0] =	vst.idx.msk $0xffff, v13  }
0x1cc: {  	v2 =	vmul.f32 $8.000000000e+00, v3;
	v3 =	vadd.s32 v38, v47;
	v13 =	vor.u32 v12, v56;
	v9 =	vld.idx.msk [tilespmem:v9+s10+$0x0], $0xffff  }
0x1cd: {  	v52 =	vor.u32 v16, v52;
	v17 =	vmul.f32 $8.000000000e+00, v17;
	[tilespmem:v1+s13+$0x0] =	vst.idx.msk $0xffff, v61;
	v1 =	vadd.s32 v38, v48  }
0x1ce: {  	v18 =	vld.idx.msk [tilespmem:v18+s10+$0x0], $0xffff;
	[tilespmem:v5+s13+$0x0] =	vst.idx.msk $0xffff, v2;
	v2 =	vmul.f32 $8.000000000e+00, v7;
	v5 =	vor.u32 v12, v54  }
0x1cf: {  	[tilespmem:v19+s13+$0x0] =	vst.idx.msk $0xffff, v17;
	v7 =	vld.idx.msk [tilespmem:v11+s10+$0x0], $0xffff;
	v11 =	vmul.f32 $8.000000000e+00, v15;
	v15 =	vadd.s32 v38, v49  }
0x1d0: {  	v40 =	vld [tilespmem:$0x1FF90];
	v17 =	vmul.f32 $8.000000000e+00, v60;
	v19 =	vor.u32 v14, v53;
	v60 =	vadd.s32 v39, v45;
	[tilespmem:v37+s13+$0x0] =	vst.idx.msk $0xffff, v2  }
0x1d1: {  	v2 =	vor.u32 v14, v57;
	v3 =	vld.idx.msk [tilespmem:v3+s10+$0x0], $0xffff;
	[tilespmem:v13+s13+$0x0] =	vst.idx.msk $0xffff, v11;
	v9 =	vmul.f32 $8.000000000e+00, v9  }
0x1d2: {  	v61 =	vor.u32 v14, v55;
	[tilespmem:v52+s13+$0x0] =	vst.idx.msk $0xffff, v17;
	v13 =	vadd.s32 v39, v46;
	v1 =	vld.idx.msk [tilespmem:v1+s10+$0x0], $0xffff  }
0x1d3: {  	v53 =	vor.u32 v16, v53;
	v18 =	vmul.f32 $8.000000000e+00, v18;
	v17 =	vor.u32 v10, v50;
	[tilespmem:v5+s13+$0x0] =	vst.idx.msk $0xffff, v9  }
0x1d4: {  	v9 =	vor.u32 v14, v56;
	v5 =	vmul.f32 $8.000000000e+00, v7;
	v7 =	vadd.s32 v39, v47;
	v15 =	vld.idx.msk [tilespmem:v15+s10+$0x0], $0xffff  }
0x1d5: {  	v38 =	vadd.s32 $0x30, v44;
	v37 =	vadd.s32 v40, v44;
	[tilespmem:v19+s13+$0x0] =	vst.idx.msk $0xffff, v18;
	v18 =	vadd.s32 v39, v48  }
0x1d6: {  	v52 =	vshll.u32 v38, $0x7;
	v19 =	vld.idx.msk [tilespmem:v60+s10+$0x0], $0xffff;
	[tilespmem:v2+s13+$0x0] =	vst.idx.msk $0xffff, v5;
	v2 =	vmul.f32 $8.000000000e+00, v3;
	v3 =	vor.u32 v14, v54  }
0x1d7: {  	v38 =	vadd.s32 v40, v45;
	v11 =	vadd.s32 v21, v42;
	v13 =	vld.idx.msk [tilespmem:v13+s10+$0x0], $0xffff;
	v1 =	vmul.f32 $8.000000000e+00, v1  }
0x1d8: {  	v57 =	vor.u32 v16, v57;
	v60 =	vld.idx.msk [tilespmem:v51+s10+$0x0], $0xffff;
	[tilespmem:v61+s13+$0x0] =	vst.idx.msk $0xffff, v2;
	v2 =	vadd.s32 v39, v49  }
0x1d9: {  	v5 =	vor.u32 v0, v52;
	v7 =	vld.idx.msk [tilespmem:v7+s10+$0x0], $0xffff;
	[tilespmem:v9+s13+$0x0] =	vst.idx.msk $0xffff, v1;
	v1 =	vmul.f32 $8.000000000e+00, v15  }
0x1da: {  	v61 =	vadd.s32 v40, v46;
	v39 =	vadd.s32 $0x30, v46;
	v15 =	vadd.s32 $0x30, v45;
	v18 =	vld.idx.msk [tilespmem:v18+s10+$0x0], $0xffff  }
0x1db: {  	v51 =	vshll.u32 v15, $0x7;
	v15 =	vor.u32 v16, v55;
	[tilespmem:v3+s13+$0x0] =	vst.idx.msk $0xffff, v1;
	v1 =	vld.idx.msk [tilespmem:v37+s10+$0x0], $0xffff;
	v3 =	vmul.f32 $8.000000000e+00, v19  }
0x1dc: {  	v11 =	vld.idx.msk [tilespmem:v11+s10+$0x0], $0xffff;
	v19 =	vadd.s32 v40, v47;
	v37 =	vor.u32 v16, v56;
	v13 =	vmul.f32 $8.000000000e+00, v13  }
0x1dd: {  	v9 =	vadd.s32 v20, v44;
	v56 =	vadd.s32 v40, v48;
	[tilespmem:v53+s13+$0x0] =	vst.idx.msk $0xffff, v3;
	v2 =	vld.idx.msk [tilespmem:v2+s10+$0x0], $0xffff  }
0x1de: {  	v3 =	vor.u32 v0, v51;
	v53 =	vshll.u32 v39, $0x7;
	v38 =	vld.idx.msk [tilespmem:v38+s10+$0x0], $0xffff;
	[tilespmem:v57+s13+$0x0] =	vst.idx.msk $0xffff, v13;
	v7 =	vmul.f32 $8.000000000e+00, v7  }
0x1df: {  	v13 =	vadd.s32 v20, v45;
	v57 =	vld.idx.msk [tilespmem:v61+s10+$0x0], $0xffff;
	v18 =	vmul.f32 $8.000000000e+00, v18;
	v61 =	vor.u32 v16, v54  }
0x1e0: {  	v1 =	vmul.f32 $8.000000000e+00, v1;
	[tilespmem:v15+s13+$0x0] =	vst.idx.msk $0xffff, v7;
	v7 =	vor.u32 v0, v53;
	v15 =	vadd.s32 v40, v49  }
0x1e1: {  	v60 =	vmul.f32 $8.000000000e+00, v60;
	[tilespmem:v37+s13+$0x0] =	vst.idx.msk $0xffff, v18;
	v18 =	vadd.s32 v20, v46;
	v37 =	vadd.s32 $0x30, v47;
	v19 =	vld.idx.msk [tilespmem:v19+s10+$0x0], $0xffff  }
0x1e2: {  	[tilespmem:v5+s13+$0x0] =	vst.idx.msk $0xffff, v1;
	v54 =	vshll.u32 v37, $0x7;
	v1 =	vadd.s32 $0x30, v48;
	v5 =	vld.idx.msk [tilespmem:v56+s10+$0x0], $0xffff;
	v2 =	vmul.f32 $8.000000000e+00, v2  }
0x1e3: {  	[tilespmem:v59+s13+$0x0] =	vst.idx.msk $0xffff, v60;
	v9 =	vld.idx.msk [tilespmem:v9+s10+$0x0], $0xffff;
	v38 =	vmul.f32 $8.000000000e+00, v38;
	v39 =	vor.u32 v0, v54;
	v55 =	vshll.u32 v1, $0x7  }
0x1e4: {  	v40 =	vadd.s32 v20, v47;
	v1 =	vmul.f32 $8.000000000e+00, v57;
	[tilespmem:v61+s13+$0x0] =	vst.idx.msk $0xffff, v2;
	v2 =	vor.u32 v0, v55  }
0x1e5: {  	v11 =	vmul.f32 $8.000000000e+00, v11;
	v37 =	vadd.s32 $0x30, v49;
	[tilespmem:v3+s13+$0x0] =	vst.idx.msk $0xffff, v38;
	v3 =	vadd.s32 v20, v48;
	v15 =	vld.idx.msk [tilespmem:v15+s10+$0x0], $0xffff  }
0x1e6: {  	v56 =	vshll.u32 v37, $0x7;
	v38 =	vor.u32 v4, v52;
	v13 =	vld.idx.msk [tilespmem:v13+s10+$0x0], $0xffff;
	[tilespmem:v7+s13+$0x0] =	vst.idx.msk $0xffff, v1;
	v1 =	vmul.f32 $8.000000000e+00, v19  }
0x1e7: {  	v7 =	vadd.s32 v24, v44;
	v19 =	vor.u32 v0, v56;
	v18 =	vld.idx.msk [tilespmem:v18+s10+$0x0], $0xffff;
	v5 =	vmul.f32 $8.000000000e+00, v5  }
0x1e8: {  	v9 =	vmul.f32 $8.000000000e+00, v9;
	[tilespmem:v39+s13+$0x0] =	vst.idx.msk $0xffff, v1;
	v1 =	vor.u32 v4, v51;
	v39 =	vadd.s32 v20, v49  }
0x1e9: {  	[tilespmem:v2+s13+$0x0] =	vst.idx.msk $0xffff, v5;
	v2 =	vadd.s32 v24, v45;
	v5 =	vor.u32 v4, v53;
	v57 =	vld.idx.msk [tilespmem:v40+s10+$0x0], $0xffff  }
0x1ea: {  	[tilespmem:v17+s13+$0x0] =	vst.idx.msk $0xffff, v11;
	v11 =	vadd.s32 v24, v46;
	v3 =	vld.idx.msk [tilespmem:v3+s10+$0x0], $0xffff;
	v15 =	vmul.f32 $8.000000000e+00, v15  }
0x1eb: {  	v17 =	vld.idx.msk [tilespmem:v58+s10+$0x0], $0xffff;
	[tilespmem:v38+s13+$0x0] =	vst.idx.msk $0xffff, v9;
	v9 =	vmul.f32 $8.000000000e+00, v13;
	v13 =	vor.u32 v4, v54  }
0x1ec: {  	v40 =	vor.u32 v4, v55;
	v7 =	vld.idx.msk [tilespmem:v7+s10+$0x0], $0xffff;
	v18 =	vmul.f32 $8.000000000e+00, v18;
	[tilespmem:v19+s13+$0x0] =	vst.idx.msk $0xffff, v15  }
0x1ed: {  	v15 =	vor.u32 v6, v52;
	[tilespmem:v1+s13+$0x0] =	vst.idx.msk $0xffff, v9;
	v1 =	vadd.s32 v24, v47;
	v9 =	vld.idx.msk [tilespmem:v39+s10+$0x0], $0xffff  }
0x1ee: {  	v2 =	vld.idx.msk [tilespmem:v2+s10+$0x0], $0xffff;
	[tilespmem:v5+s13+$0x0] =	vst.idx.msk $0xffff, v18;
	v5 =	vmul.f32 $8.000000000e+00, v57;
	v18 =	vadd.s32 v24, v48  }
0x1ef: {  	v37 =	vor.u32 v4, v56;
	v19 =	vadd.s32 v22, v44;
	v11 =	vld.idx.msk [tilespmem:v11+s10+$0x0], $0xffff;
	v3 =	vmul.f32 $8.000000000e+00, v3  }
0x1f0: {  	v38 =	vor.u32 v6, v51;
	[tilespmem:v13+s13+$0x0] =	vst.idx.msk $0xffff, v5;
	v5 =	vadd.s32 v24, v49  }
0x1f1: {  	v39 =	vor.u32 v6, v53;
	v13 =	vadd.s32 v23, v42;
	v7 =	vmul.f32 $8.000000000e+00, v7;
	[tilespmem:v40+s13+$0x0] =	vst.idx.msk $0xffff, v3  }
0x1f2: {  	v3 =	vor.u32 v14, v43;
	v40 =	vadd.s32 v22, v45;
	v1 =	vld.idx.msk [tilespmem:v1+s10+$0x0], $0xffff;
	v9 =	vmul.f32 $8.000000000e+00, v9  }
0x1f3: {  	[tilespmem:v15+s13+$0x0] =	vst.idx.msk $0xffff, v7;
	v7 =	vadd.s32 v22, v46;
	v2 =	vmul.f32 $8.000000000e+00, v2;
	v15 =	vld.idx.msk [tilespmem:v18+s10+$0x0], $0xffff  }
0x1f4: {  	v17 =	vmul.f32 $8.000000000e+00, v17;
	v18 =	vld.idx.msk [tilespmem:v19+s10+$0x0], $0xffff;
	v19 =	vor.u32 v6, v54;
	v11 =	vmul.f32 $8.000000000e+00, v11;
	[tilespmem:v37+s13+$0x0] =	vst.idx.msk $0xffff, v9  }
0x1f5: {  	v9 =	vor.u32 v6, v55;
	[tilespmem:v38+s13+$0x0] =	vst.idx.msk $0xffff, v2;
	v2 =	vadd.s32 v22, v47;
	v5 =	vld.idx.msk [tilespmem:v5+s10+$0x0], $0xffff  }
0x1f6: {  	v37 =	vor.u32 v8, v52;
	v13 =	vld.idx.msk [tilespmem:v13+s10+$0x0], $0xffff;
	[tilespmem:v39+s13+$0x0] =	vst.idx.msk $0xffff, v11;
	v11 =	vadd.s32 v22, v48  }
0x1f7: {  	v38 =	vadd.s32 v21, v44;
	v58 =	vld.idx.msk [tilespmem:v40+s10+$0x0], $0xffff;
	v39 =	vor.u32 v6, v56;
	v1 =	vmul.f32 $8.000000000e+00, v1  }
0x1f8: {  	[tilespmem:v3+s13+$0x0] =	vst.idx.msk $0xffff, v17;
	v3 =	vld.idx.msk [tilespmem:v7+s10+$0x0], $0xffff;
	v7 =	vmul.f32 $8.000000000e+00, v15;
	v15 =	vadd.s32 v22, v49  }
0x1f9: {  	v17 =	vmul.f32 $8.000000000e+00, v18;
	v18 =	vadd.s32 v21, v45;
	[tilespmem:v19+s13+$0x0] =	vst.idx.msk $0xffff, v1;
	v1 =	vor.u32 v8, v51  }
0x1fa: {  	[tilespmem:v9+s13+$0x0] =	vst.idx.msk $0xffff, v7;
	v7 =	vor.u32 v8, v53;
	v2 =	vld.idx.msk [tilespmem:v2+s10+$0x0], $0xffff;
	v5 =	vmul.f32 $8.000000000e+00, v5  }
0x1fb: {  	v9 =	vor.u32 v12, v50;
	[tilespmem:v37+s13+$0x0] =	vst.idx.msk $0xffff, v17;
	v17 =	vadd.s32 v21, v46;
	v11 =	vld.idx.msk [tilespmem:v11+s10+$0x0], $0xffff  }
0x1fc: {  	v37 =	vor.u32 v8, v54;
	v19 =	vld.idx.msk [tilespmem:v38+s10+$0x0], $0xffff;
	v40 =	vmul.f32 $8.000000000e+00, v58;
	[tilespmem:v39+s13+$0x0] =	vst.idx.msk $0xffff, v5  }
0x1fd: {  	v38 =	vor.u32 v8, v55;
	v3 =	vmul.f32 $8.000000000e+00, v3;
	v5 =	vadd.s32 v21, v47;
	v15 =	vld.idx.msk [tilespmem:v15+s10+$0x0], $0xffff  }
0x1fe: {  	v60 =	vld [tilespmem:$0x1FEF0];
	v13 =	vmul.f32 $8.000000000e+00, v13;
	v39 =	vadd.s32 v21, v48;
	[tilespmem:v1+s13+$0x0] =	vst.idx.msk $0xffff, v40;
	v1 =	vor.u32 v10, v52  }
0x1ff: {  	[tilespmem:v7+s13+$0x0] =	vst.idx.msk $0xffff, v3;
	v3 =	vld.idx.msk [tilespmem:v18+s10+$0x0], $0xffff;
	v2 =	vmul.f32 $8.000000000e+00, v2;
	v7 =	vor.u32 v8, v56  }
0x200: {  	[tilespmem:v9+s13+$0x0] =	vst.idx.msk $0xffff, v13;
	v13 =	vadd.s32 v21, v49;
	v9 =	vld.idx.msk [tilespmem:v17+s10+$0x0], $0xffff;
	v11 =	vmul.f32 $8.000000000e+00, v11  }
0x201: {  	v18 =	vadd.s32 v23, v44;
	v17 =	vmul.f32 $8.000000000e+00, v19;
	[tilespmem:v37+s13+$0x0] =	vst.idx.msk $0xffff, v2;
	v2 =	vor.u32 v10, v51  }
0x202: {  	v19 =	vor.u32 v10, v53;
	v5 =	vld.idx.msk [tilespmem:v5+s10+$0x0], $0xffff;
	[tilespmem:v38+s13+$0x0] =	vst.idx.msk $0xffff, v11;
	v11 =	vmul.f32 $8.000000000e+00, v15  }
0x203: {  	[tilespmem:v1+s13+$0x0] =	vst.idx.msk $0xffff, v17;
	v1 =	vadd.s32 v23, v45;
	v15 =	vld.idx.msk [tilespmem:v39+s10+$0x0], $0xffff  }
0x204: {  	v40 =	vor.u32 v10, v54;
	v17 =	vadd.s32 v60, v42;
	v3 =	vmul.f32 $8.000000000e+00, v3;
	[tilespmem:v7+s13+$0x0] =	vst.idx.msk $0xffff, v11  }
0x205: {  	v11 =	vor.u32 v10, v55;
	v7 =	vmul.f32 $8.000000000e+00, v9;
	v9 =	vadd.s32 v23, v46;
	v13 =	vld.idx.msk [tilespmem:v13+s10+$0x0], $0xffff  }
0x206: {  	v18 =	vld.idx.msk [tilespmem:v18+s10+$0x0], $0xffff;
	[tilespmem:v2+s13+$0x0] =	vst.idx.msk $0xffff, v3;
	v2 =	vadd.s32 v23, v47  }
0x207: {  	v59 =	vld [tilespmem:$0x1FEE0];
	[tilespmem:v19+s13+$0x0] =	vst.idx.msk $0xffff, v7;
	v3 =	vmul.f32 $8.000000000e+00, v5;
	v5 =	vadd.s32 v23, v48;
	v7 =	vor.u32 v10, v56  }
0x208: {  	v37 =	vadd.s32 v23, v49;
	v19 =	vor.u32 v12, v52;
	v1 =	vld.idx.msk [tilespmem:v1+s10+$0x0], $0xffff;
	v15 =	vmul.f32 $8.000000000e+00, v15  }
0x209: {  	v38 =	vor.u32 v12, v51;
	v17 =	vld.idx.msk [tilespmem:v17+s10+$0x0], $0xffff;
	[tilespmem:v40+s13+$0x0] =	vst.idx.msk $0xffff, v3  }
0x20a: {  	v3 =	vadd.s32 v60, v44;
	v9 =	vld.idx.msk [tilespmem:v9+s10+$0x0], $0xffff;
	[tilespmem:v11+s13+$0x0] =	vst.idx.msk $0xffff, v15;
	v11 =	vmul.f32 $8.000000000e+00, v13  }
0x20b: {  	v13 =	vor.u32 v14, v50;
	v15 =	vmul.f32 $8.000000000e+00, v18;
	v18 =	vadd.s32 v60, v45;
	v2 =	vld.idx.msk [tilespmem:v2+s10+$0x0], $0xffff  }
0x20c: {  	v39 =	vor.u32 v12, v55;
	[tilespmem:v7+s13+$0x0] =	vst.idx.msk $0xffff, v11;
	v7 =	vor.u32 v12, v53;
	v5 =	vld.idx.msk [tilespmem:v5+s10+$0x0], $0xffff  }
0x20d: {  	[tilespmem:v19+s13+$0x0] =	vst.idx.msk $0xffff, v15;
	v11 =	vor.u32 v12, v54;
	v1 =	vmul.f32 $8.000000000e+00, v1;
	v15 =	vld.idx.msk [tilespmem:v37+s10+$0x0], $0xffff  }
0x20e: {  	v40 =	vor.u32 v12, v56;
	v19 =	vadd.s32 v60, v46;
	v17 =	vmul.f32 $8.000000000e+00, v17  }
0x20f: {  	v3 =	vld.idx.msk [tilespmem:v3+s10+$0x0], $0xffff;
	[tilespmem:v38+s13+$0x0] =	vst.idx.msk $0xffff, v1;
	v1 =	vmul.f32 $8.000000000e+00, v9;
	v9 =	vadd.s32 v60, v47  }
0x210: {  	[tilespmem:v13+s13+$0x0] =	vst.idx.msk $0xffff, v17;
	v17 =	vadd.s32 v60, v48;
	v13 =	vld.idx.msk [tilespmem:v18+s10+$0x0], $0xffff;
	v2 =	vmul.f32 $8.000000000e+00, v2  }
0x211: {  	[tilespmem:v7+s13+$0x0] =	vst.idx.msk $0xffff, v1;
	v1 =	vor.u32 v14, v52;
	v5 =	vmul.f32 $8.000000000e+00, v5;
	v7 =	vadd.s32 v60, v49  }
0x212: {  	[tilespmem:v11+s13+$0x0] =	vst.idx.msk $0xffff, v2;
	v2 =	vadd.s32 v59, v41;
	v11 =	vor.u32 v14, v51;
	v15 =	vmul.f32 $8.000000000e+00, v15  }
0x213: {  	v18 =	vld.idx.msk [tilespmem:v19+s10+$0x0], $0xffff;
	[tilespmem:v39+s13+$0x0] =	vst.idx.msk $0xffff, v5;
	v5 =	vadd.s32 v59, v42  }
0x214: {  	v3 =	vmul.f32 $8.000000000e+00, v3;
	[tilespmem:v40+s13+$0x0] =	vst.idx.msk $0xffff, v15;
	v15 =	vadd.s32 v59, v44;
	v9 =	vld.idx.msk [tilespmem:v9+s10+$0x0], $0xffff  }
0x215: {  	v37 =	vor.u32 v14, v53;
	v19 =	vadd.s32 v59, v45;
	v17 =	vld.idx.msk [tilespmem:v17+s10+$0x0], $0xffff;
	v13 =	vmul.f32 $8.000000000e+00, v13  }
0x216: {  	[tilespmem:v1+s13+$0x0] =	vst.idx.msk $0xffff, v3;
	v1 =	vadd.s32 v59, v46;
	v3 =	vor.u32 v14, v54;
	v7 =	vld.idx.msk [tilespmem:v7+s10+$0x0], $0xffff  }
0x217: {  	v2 =	vld.idx.msk [tilespmem:v2+s10+$0x0], $0xffff;
	[tilespmem:v11+s13+$0x0] =	vst.idx.msk $0xffff, v13;
	v11 =	vadd.s32 v59, v47;
	v13 =	vor.u32 v14, v55  }
0x218: {  	v38 =	vadd.s32 v59, v48;
	v39 =	vor.u32 v14, v56;
	v18 =	vmul.f32 $8.000000000e+00, v18;
	v5 =	vld.idx.msk [tilespmem:v5+s10+$0x0], $0xffff  }
0x219: {  	v43 =	vor.u32 v16, v43;
	v60 =	vadd.s32 v59, v49;
	v15 =	vld.idx.msk [tilespmem:v15+s10+$0x0], $0xffff;
	v9 =	vmul.f32 $8.000000000e+00, v9  }
0x21a: {  	v19 =	vld.idx.msk [tilespmem:v19+s10+$0x0], $0xffff;
	[tilespmem:v37+s13+$0x0] =	vst.idx.msk $0xffff, v18;
	v18 =	vor.u32 v16, v50;
	v17 =	vmul.f32 $8.000000000e+00, v17  }
0x21b: {  	[tilespmem:v3+s13+$0x0] =	vst.idx.msk $0xffff, v9;
	v3 =	vor.u32 v16, v52;
	v1 =	vld.idx.msk [tilespmem:v1+s10+$0x0], $0xffff;
	v7 =	vmul.f32 $8.000000000e+00, v7  }
0x21c: {  	v9 =	vor.u32 v16, v51;
	[tilespmem:v13+s13+$0x0] =	vst.idx.msk $0xffff, v17;
	v2 =	vmul.f32 $8.000000000e+00, v2;
	v11 =	vld.idx.msk [tilespmem:v11+s10+$0x0], $0xffff  }
0x21d: {  	[tilespmem:v39+s13+$0x0] =	vst.idx.msk $0xffff, v7;
	v5 =	vmul.f32 $8.000000000e+00, v5;
	v7 =	vor.u32 v16, v53;
	v13 =	vld.idx.msk [tilespmem:v38+s10+$0x0], $0xffff  }
0x21e: {  	[tilespmem:v43+s13+$0x0] =	vst.idx.msk $0xffff, v2;
	v2 =	vmul.f32 $8.000000000e+00, v15;
	v15 =	vor.u32 v16, v54;
	v17 =	vld.idx.msk [tilespmem:v60+s10+$0x0], $0xffff  }
0x21f: {  	[tilespmem:v18+s13+$0x0] =	vst.idx.msk $0xffff, v5;
	v5 =	vmul.f32 $8.000000000e+00, v19;
	v18 =	vor.u32 v16, v55  }
0x220: {  	p2 =	por p1, p1;
	v63 =	vld [tilespmem:$0x1FEB0];
	[tilespmem:v3+s13+$0x0] =	vst.idx.msk $0xffff, v2;
	v1 =	vmul.f32 $8.000000000e+00, v1;
	v2 =	vor.u32 v16, v56  }
.Ltmp2:
0x221: {  	v62 =	vld [tilespmem:$0x1FED0];
	[tilespmem:v9+s13+$0x0] =	vst.idx.msk $0xffff, v5;
	v3 =	vmul.f32 $8.000000000e+00, v11;
	(pc) =	sbr.rel @p2 .LBB2_3-.Ltmp2, $4  }
0x222: {  	v61 =	vld [tilespmem:$0x1FEC0];
	[tilespmem:v7+s13+$0x0] =	vst.idx.msk $0xffff, v1;
	v1 =	vmul.f32 $8.000000000e+00, v13  }
0x223: {  	v57 =	vmov v35;
	v58 =	vmov v36;
	v53 =	vld [tilespmem:$0x1FEA0];
	[tilespmem:v15+s13+$0x0] =	vst.idx.msk $0xffff, v3;
	v3 =	vmul.f32 $8.000000000e+00, v17  }
0x224: {  	v49 =	vmovc v31;
	v46 =	vmovc v30;
	v52 =	vmov v29;
	v51 =	vmov v28;
	v54 =	vmov v32;
	v19 =	vld [tilespmem:$0x1FF10];
	[tilespmem:v18+s13+$0x0] =	vst.idx.msk $0xffff, v1  }
0x225: {  	p1 =	por $0x0, $0x0;
	s3 =	simm.s32 $0x8;
	v55 =	vmovc v33;
	v56 =	vmovc v34;
	v13 =	vmov v26;
	v15 =	vmov v25;
	v17 =	vmov v27;
	v18 =	vld [tilespmem:$0x1FF00];
	[tilespmem:v2+s13+$0x0] =	vst.idx.msk $0xffff, v3  }
0x226: {  	s1 =	sshll.u32 s1, $0xA;
	s3 =	sshll.u32 s0, $0xF  }
0x227: {  	s6 =	sshll.u32 s0, $0x12;
	s1 =	ssub.s32 s1, s3  }
0x228: {  	s0 =	sadd.s32 s6, s1  }
0x229: {  	s1 =	sor.u32 $0x2, s31;
	s0 =	sshrl.u32 s0, $0x3  }
0x22a: {  	s7 =	sshll.u32 s1, $0x7;
	s0 =	sadd.s32 s2, s0  }
0x22b: {  	[hbm4b:s0+s14] =	stream.strided.scatter [tilespmem:s13], [sflag:$0x5], $0x2000, s15, s14, $0x38;
	[tilespmem:$0x1E400] =	vst v63  }
0x22c: {  	s0 =	sand.u32 $0x3FFFFF80, s7  }
0x22d: {  	[tilespmem:s16], [sflag:$0x3] =	stream.indirect.gather [hbm4b:s4+s9], $0x80, s0, s9, $0xb8;
	[tilespmem:$0x1E400] =	vst v63  }
0x22e: {  	_ =	swait.ge [sflag:s17], $0x4000  }
0x22f: {  	[sflag:s17] =	ssyncset.done $0x0  }
0x230: {  	s6 =	simm.s32 @!p0 $0x6;
	[sflag:s17] =	ssyncadd.s32 $0xFFFFC000  }
0x231: {  	s8 =	sadd.s32 s31, s5;
	_ =	swait.ge @!p0 [sflag:s6], $0x2000  }
0x232: {  	p1 =	por $0x1, $0x1;
	s0 =	sadd.s32 $0x1, s8;
	[sflag:s6] =	ssyncset.done @!p0 $0x0  }
0x233: {  	s3 =	sshrl.u32 s0, $0x5;
	[sflag:s6] =	ssyncadd.s32 @!p0 $0xFFFFE000;
	s6 =	simm.s32 $0x0  }
.LBB2_5:
0x234: {  	s7 =	ssub.s32 $0x10, s6  }
0x235: {  	v1 =	vmov s7  }
0x236: {  	vm0 =	vgt.u32 v1, v0  }
0x237: {  	v1 =	vsel vm0, v0, v63  }
0x238: {  	v41 =	vadd.s32 s6, v1  }
0x239: {  	v1 =	vadd.s32 v53, v41;
	_ =	sdelay $0x4  }
0x23a: {  	v1 =	vld.idx.msk [tilespmem:v1+s11+$0x0], $0xffff  }
0x23b: {  	v2 =	vshll.u32 v41, $0x7  }
0x23c: {  	v3 =	vor.u32 v0, v2  }
0x23d: {  	v5 =	vadd.s32 v61, v41;
	_ =	sdelay $0x1  }
0x23e: {  	v1 =	vmul.f32 $8.000000000e+00, v1;
	_ =	sdelay $0x1  }
0x23f: {  	[tilespmem:v3+s18+$0x0] =	vst.idx.msk $0xffff, v1  }
0x240: {  	v1 =	vld.idx.msk [tilespmem:v5+s11+$0x0], $0xffff;
	_ =	sdelay $0x1  }
0x241: {  	v3 =	vor.u32 v4, v2  }
0x242: {  	v5 =	vadd.s32 v62, v41;
	_ =	sdelay $0x1  }
0x243: {  	v1 =	vmul.f32 $8.000000000e+00, v1;
	_ =	sdelay $0x1  }
0x244: {  	[tilespmem:v3+s18+$0x0] =	vst.idx.msk $0xffff, v1  }
0x245: {  	v1 =	vld.idx.msk [tilespmem:v5+s11+$0x0], $0xffff;
	_ =	sdelay $0x1  }
0x246: {  	v3 =	vor.u32 v6, v2  }
0x247: {  	v5 =	vadd.s32 v19, v41;
	_ =	sdelay $0x1  }
0x248: {  	v1 =	vmul.f32 $8.000000000e+00, v1;
	_ =	sdelay $0x1  }
0x249: {  	[tilespmem:v3+s18+$0x0] =	vst.idx.msk $0xffff, v1  }
0x24a: {  	v1 =	vld.idx.msk [tilespmem:v5+s11+$0x0], $0xffff;
	_ =	sdelay $0x1  }
0x24b: {  	v3 =	vor.u32 v8, v2  }
0x24c: {  	v5 =	vadd.s32 v18, v41;
	_ =	sdelay $0x1  }
0x24d: {  	v1 =	vmul.f32 $8.000000000e+00, v1;
	_ =	sdelay $0x1  }
0x24e: {  	[tilespmem:v3+s18+$0x0] =	vst.idx.msk $0xffff, v1  }
0x24f: {  	v1 =	vld.idx.msk [tilespmem:v5+s11+$0x0], $0xffff;
	_ =	sdelay $0x1  }
0x250: {  	v3 =	vor.u32 v10, v2;
	_ =	sdelay $0x1  }
0x251: {  	v5 =	vadd.s32 v46, v41  }
0x252: {  	v1 =	vmul.f32 $8.000000000e+00, v1  }
0x253: {  	s8 =	sxor.u32 $0xF, s6  }
0x254: {  	[tilespmem:v3+s18+$0x0] =	vst.idx.msk $0xffff, v1;
	v3 =	vmov s8  }
0x255: {  	vm9 =	vgt.u32 v3, v0  }
0x256: {  	s8 =	sor.u32 $0x1, s6;
	v1 =	vld.idx.msk [tilespmem:v5+s11+$0x0], $0xffff;
	v5 =	vsel vm9, v0, v63  }
0x257: {  	v42 =	vadd.s32 s8, v5  }
0x258: {  	v3 =	vor.u32 v12, v2;
	v5 =	vadd.s32 v53, v42;
	_ =	sdelay $0x1  }
0x259: {  	v7 =	vadd.s32 v13, v41  }
0x25a: {  	v1 =	vmul.f32 $8.000000000e+00, v1;
	_ =	sdelay $0x1  }
0x25b: {  	[tilespmem:v3+s18+$0x0] =	vst.idx.msk $0xffff, v1;
	v3 =	vld.idx.msk [tilespmem:v5+s11+$0x0], $0xffff  }
0x25c: {  	v5 =	vshll.u32 v42, $0x7  }
0x25d: {  	v1 =	vld.idx.msk [tilespmem:v7+s11+$0x0], $0xffff;
	v7 =	vor.u32 v0, v5  }
0x25e: {  	v9 =	vadd.s32 v61, v42;
	_ =	sdelay $0x1  }
0x25f: {  	v3 =	vmul.f32 $8.000000000e+00, v3;
	_ =	sdelay $0x1  }
0x260: {  	[tilespmem:v7+s18+$0x0] =	vst.idx.msk $0xffff, v3;
	v3 =	vor.u32 v14, v2  }
0x261: {  	v7 =	vld.idx.msk [tilespmem:v9+s11+$0x0], $0xffff;
	v9 =	vadd.s32 v49, v41;
	_ =	sdelay $0x1  }
0x262: {  	v11 =	vor.u32 v4, v5;
	v1 =	vmul.f32 $8.000000000e+00, v1  }
0x263: {  	v13 =	vadd.s32 v62, v42  }
0x264: {  	[tilespmem:v3+s18+$0x0] =	vst.idx.msk $0xffff, v1  }
0x265: {  	v1 =	vmul.f32 $8.000000000e+00, v7;
	v3 =	vld.idx.msk [tilespmem:v9+s11+$0x0], $0xffff;
	_ =	sdelay $0x1  }
0x266: {  	[tilespmem:v11+s18+$0x0] =	vst.idx.msk $0xffff, v1;
	v1 =	vor.u32 v16, v2  }
0x267: {  	v7 =	vadd.s32 v17, v41;
	v2 =	vld.idx.msk [tilespmem:v13+s11+$0x0], $0xffff;
	_ =	sdelay $0x1  }
0x268: {  	v9 =	vor.u32 v6, v5;
	v3 =	vmul.f32 $8.000000000e+00, v3  }
0x269: {  	v11 =	vadd.s32 v19, v42  }
0x26a: {  	[tilespmem:v1+s18+$0x0] =	vst.idx.msk $0xffff, v3  }
0x26b: {  	v1 =	vmul.f32 $8.000000000e+00, v2;
	v2 =	vadd.s32 $0x10, v41;
	v3 =	vld.idx.msk [tilespmem:v7+s11+$0x0], $0xffff  }
0x26c: {  	v2 =	vshll.u32 v2, $0x7  }
0x26d: {  	[tilespmem:v9+s18+$0x0] =	vst.idx.msk $0xffff, v1;
	v1 =	vor.u32 v0, v2  }
0x26e: {  	v9 =	vadd.s32 v15, v41;
	v7 =	vld.idx.msk [tilespmem:v11+s11+$0x0], $0xffff;
	_ =	sdelay $0x1  }
0x26f: {  	v11 =	vor.u32 v8, v5;
	v3 =	vmul.f32 $8.000000000e+00, v3  }
0x270: {  	v13 =	vadd.s32 v18, v42  }
0x271: {  	[tilespmem:v1+s18+$0x0] =	vst.idx.msk $0xffff, v3  }
0x272: {  	v1 =	vmul.f32 $8.000000000e+00, v7;
	v3 =	vld.idx.msk [tilespmem:v9+s11+$0x0], $0xffff;
	_ =	sdelay $0x1  }
0x273: {  	[tilespmem:v11+s18+$0x0] =	vst.idx.msk $0xffff, v1;
	v1 =	vor.u32 v4, v2  }
0x274: {  	v9 =	vadd.s32 v51, v41;
	v7 =	vld.idx.msk [tilespmem:v13+s11+$0x0], $0xffff;
	_ =	sdelay $0x1  }
0x275: {  	v11 =	vor.u32 v10, v5;
	v3 =	vmul.f32 $8.000000000e+00, v3  }
0x276: {  	v13 =	vadd.s32 v46, v42  }
0x277: {  	[tilespmem:v1+s18+$0x0] =	vst.idx.msk $0xffff, v3  }
0x278: {  	v1 =	vmul.f32 $8.000000000e+00, v7;
	v3 =	vld.idx.msk [tilespmem:v9+s11+$0x0], $0xffff;
	_ =	sdelay $0x1  }
0x279: {  	[tilespmem:v11+s18+$0x0] =	vst.idx.msk $0xffff, v1;
	v1 =	vor.u32 v6, v2  }
0x27a: {  	v9 =	vadd.s32 v52, v41;
	v7 =	vld.idx.msk [tilespmem:v13+s11+$0x0], $0xffff;
	_ =	sdelay $0x1  }
0x27b: {  	v11 =	vor.u32 v12, v5;
	v3 =	vmul.f32 $8.000000000e+00, v3  }
0x27c: {  	v13 =	vadd.s32 v26, v42  }
0x27d: {  	[tilespmem:v1+s18+$0x0] =	vst.idx.msk $0xffff, v3  }
0x27e: {  	v1 =	vmul.f32 $8.000000000e+00, v7;
	v3 =	vld.idx.msk [tilespmem:v9+s11+$0x0], $0xffff;
	_ =	sdelay $0x1  }
0x27f: {  	[tilespmem:v11+s18+$0x0] =	vst.idx.msk $0xffff, v1;
	v1 =	vor.u32 v8, v2  }
0x280: {  	v9 =	vadd.s32 v54, v41;
	v7 =	vld.idx.msk [tilespmem:v13+s11+$0x0], $0xffff;
	_ =	sdelay $0x1  }
0x281: {  	v11 =	vor.u32 v14, v5;
	v3 =	vmul.f32 $8.000000000e+00, v3  }
0x282: {  	v13 =	vadd.s32 v49, v42  }
0x283: {  	[tilespmem:v1+s18+$0x0] =	vst.idx.msk $0xffff, v3  }
0x284: {  	v1 =	vmul.f32 $8.000000000e+00, v7;
	v3 =	vld.idx.msk [tilespmem:v9+s11+$0x0], $0xffff;
	_ =	sdelay $0x1  }
0x285: {  	[tilespmem:v11+s18+$0x0] =	vst.idx.msk $0xffff, v1;
	v1 =	vor.u32 v10, v2  }
0x286: {  	v9 =	vadd.s32 v55, v41;
	v7 =	vld.idx.msk [tilespmem:v13+s11+$0x0], $0xffff;
	_ =	sdelay $0x1  }
0x287: {  	v5 =	vor.u32 v16, v5;
	v3 =	vmul.f32 $8.000000000e+00, v3  }
0x288: {  	v11 =	vadd.s32 v17, v42  }
0x289: {  	[tilespmem:v1+s18+$0x0] =	vst.idx.msk $0xffff, v3  }
0x28a: {  	v1 =	vmul.f32 $8.000000000e+00, v7;
	v3 =	vld.idx.msk [tilespmem:v9+s11+$0x0], $0xffff;
	_ =	sdelay $0x1  }
0x28b: {  	[tilespmem:v5+s18+$0x0] =	vst.idx.msk $0xffff, v1;
	v1 =	vor.u32 v12, v2  }
0x28c: {  	v9 =	vadd.s32 v56, v41;
	v5 =	vadd.s32 $0x10, v42;
	v7 =	vld.idx.msk [tilespmem:v11+s11+$0x0], $0xffff  }
0x28d: {  	v5 =	vshll.u32 v5, $0x7  }
0x28e: {  	v11 =	vor.u32 v0, v5;
	v3 =	vmul.f32 $8.000000000e+00, v3  }
0x28f: {  	v13 =	vadd.s32 v15, v42  }
0x290: {  	[tilespmem:v1+s18+$0x0] =	vst.idx.msk $0xffff, v3  }
0x291: {  	v1 =	vmul.f32 $8.000000000e+00, v7;
	v3 =	vld.idx.msk [tilespmem:v9+s11+$0x0], $0xffff;
	_ =	sdelay $0x1  }
0x292: {  	[tilespmem:v11+s18+$0x0] =	vst.idx.msk $0xffff, v1;
	v1 =	vor.u32 v14, v2  }
0x293: {  	v9 =	vadd.s32 v57, v41;
	v7 =	vld.idx.msk [tilespmem:v13+s11+$0x0], $0xffff;
	_ =	sdelay $0x1  }
0x294: {  	v11 =	vor.u32 v4, v5;
	v3 =	vmul.f32 $8.000000000e+00, v3  }
0x295: {  	v13 =	vadd.s32 v51, v42  }
0x296: {  	[tilespmem:v1+s18+$0x0] =	vst.idx.msk $0xffff, v3  }
0x297: {  	v1 =	vmul.f32 $8.000000000e+00, v7;
	v3 =	vld.idx.msk [tilespmem:v9+s11+$0x0], $0xffff;
	_ =	sdelay $0x1  }
0x298: {  	[tilespmem:v11+s18+$0x0] =	vst.idx.msk $0xffff, v1;
	v1 =	vor.u32 v16, v2  }
0x299: {  	v7 =	vadd.s32 v58, v41;
	v2 =	vld.idx.msk [tilespmem:v13+s11+$0x0], $0xffff;
	_ =	sdelay $0x1  }
0x29a: {  	v9 =	vor.u32 v6, v5;
	v3 =	vmul.f32 $8.000000000e+00, v3  }
0x29b: {  	v37 =	vld [tilespmem:$0x1FF20];
	v11 =	vadd.s32 v52, v42  }
0x29c: {  	[tilespmem:v1+s18+$0x0] =	vst.idx.msk $0xffff, v3  }
0x29d: {  	v1 =	vmul.f32 $8.000000000e+00, v2;
	v2 =	vadd.s32 $0x20, v41;
	v3 =	vld.idx.msk [tilespmem:v7+s11+$0x0], $0xffff  }
0x29e: {  	v2 =	vshll.u32 v2, $0x7  }
0x29f: {  	[tilespmem:v9+s18+$0x0] =	vst.idx.msk $0xffff, v1;
	v1 =	vor.u32 v0, v2  }
0x2a0: {  	v9 =	vadd.s32 v37, v41;
	v7 =	vld.idx.msk [tilespmem:v11+s11+$0x0], $0xffff;
	_ =	sdelay $0x1  }
0x2a1: {  	v11 =	vor.u32 v8, v5;
	v3 =	vmul.f32 $8.000000000e+00, v3  }
0x2a2: {  	v38 =	vld [tilespmem:$0x1FF40];
	v13 =	vadd.s32 v54, v42  }
0x2a3: {  	[tilespmem:v1+s18+$0x0] =	vst.idx.msk $0xffff, v3  }
0x2a4: {  	v1 =	vmul.f32 $8.000000000e+00, v7;
	v3 =	vld.idx.msk [tilespmem:v9+s11+$0x0], $0xffff;
	_ =	sdelay $0x1  }
0x2a5: {  	[tilespmem:v11+s18+$0x0] =	vst.idx.msk $0xffff, v1;
	v1 =	vor.u32 v4, v2  }
0x2a6: {  	v9 =	vadd.s32 v38, v41;
	v7 =	vld.idx.msk [tilespmem:v13+s11+$0x0], $0xffff;
	_ =	sdelay $0x1  }
0x2a7: {  	v11 =	vor.u32 v10, v5;
	v3 =	vmul.f32 $8.000000000e+00, v3  }
0x2a8: {  	v39 =	vld [tilespmem:$0x1FF60];
	v13 =	vadd.s32 v55, v42  }
0x2a9: {  	[tilespmem:v1+s18+$0x0] =	vst.idx.msk $0xffff, v3  }
0x2aa: {  	v1 =	vmul.f32 $8.000000000e+00, v7;
	v3 =	vld.idx.msk [tilespmem:v9+s11+$0x0], $0xffff;
	_ =	sdelay $0x1  }
0x2ab: {  	[tilespmem:v11+s18+$0x0] =	vst.idx.msk $0xffff, v1;
	v1 =	vor.u32 v6, v2  }
0x2ac: {  	v9 =	vadd.s32 v39, v41;
	v7 =	vld.idx.msk [tilespmem:v13+s11+$0x0], $0xffff;
	_ =	sdelay $0x1  }
0x2ad: {  	v11 =	vor.u32 v12, v5;
	v3 =	vmul.f32 $8.000000000e+00, v3  }
0x2ae: {  	v40 =	vld [tilespmem:$0x1FF80]  }
0x2af: {  	[tilespmem:v1+s18+$0x0] =	vst.idx.msk $0xffff, v3  }
0x2b0: {  	v1 =	vmul.f32 $8.000000000e+00, v7;
	v3 =	vld.idx.msk [tilespmem:v9+s11+$0x0], $0xffff  }
0x2b1: {  	v13 =	vadd.s32 v56, v42  }
0x2b2: {  	[tilespmem:v11+s18+$0x0] =	vst.idx.msk $0xffff, v1;
	v1 =	vor.u32 v8, v2  }
0x2b3: {  	v9 =	vadd.s32 v40, v41;
	_ =	sdelay $0x1  }
0x2b4: {  	v3 =	vmul.f32 $8.000000000e+00, v3  }
0x2b5: {  	v7 =	vld.idx.msk [tilespmem:v13+s11+$0x0], $0xffff  }
0x2b6: {  	[tilespmem:v1+s18+$0x0] =	vst.idx.msk $0xffff, v3  }
0x2b7: {  	v11 =	vor.u32 v14, v5;
	v3 =	vld.idx.msk [tilespmem:v9+s11+$0x0], $0xffff  }
0x2b8: {  	v9 =	vld [tilespmem:$0x1FF30]  }
0x2b9: {  	v13 =	vadd.s32 v57, v42  }
0x2ba: {  	v1 =	vmul.f32 $8.000000000e+00, v7;
	_ =	sdelay $0x1  }
0x2bb: {  	[tilespmem:v11+s18+$0x0] =	vst.idx.msk $0xffff, v1;
	v1 =	vor.u32 v10, v2  }
0x2bc: {  	v9 =	vadd.s32 v9, v41  }
0x2bd: {  	v7 =	vld.idx.msk [tilespmem:v13+s11+$0x0], $0xffff  }
0x2be: {  	v3 =	vmul.f32 $8.000000000e+00, v3  }
0x2bf: {  	v5 =	vor.u32 v16, v5  }
0x2c0: {  	v11 =	vadd.s32 v58, v42;
	[tilespmem:v1+s18+$0x0] =	vst.idx.msk $0xffff, v3  }
0x2c1: {  	v3 =	vld.idx.msk [tilespmem:v9+s11+$0x0], $0xffff  }
0x2c2: {  	v1 =	vmul.f32 $8.000000000e+00, v7;
	v9 =	vld [tilespmem:$0x1FF50];
	_ =	sdelay $0x1  }
0x2c3: {  	[tilespmem:v5+s18+$0x0] =	vst.idx.msk $0xffff, v1  }
0x2c4: {  	v1 =	vor.u32 v12, v2;
	v7 =	vld.idx.msk [tilespmem:v11+s11+$0x0], $0xffff;
	_ =	sdelay $0x1  }
0x2c5: {  	v5 =	vadd.s32 $0x20, v42;
	v9 =	vadd.s32 v9, v41  }
0x2c6: {  	v50 =	vshll.u32 v5, $0x7;
	v3 =	vmul.f32 $8.000000000e+00, v3  }
0x2c7: {  	v5 =	vor.u32 v0, v50  }
0x2c8: {  	[tilespmem:v1+s18+$0x0] =	vst.idx.msk $0xffff, v3;
	v1 =	vmul.f32 $8.000000000e+00, v7;
	v7 =	vld [tilespmem:$0x1FF70];
	_ =	sdelay $0x1  }
0x2c9: {  	v11 =	vadd.s32 v37, v42;
	v3 =	vld.idx.msk [tilespmem:v9+s11+$0x0], $0xffff;
	_ =	sdelay $0x1  }
0x2ca: {  	[tilespmem:v5+s18+$0x0] =	vst.idx.msk $0xffff, v1;
	v1 =	vor.u32 v14, v2  }
0x2cb: {  	v7 =	vadd.s32 v7, v41;
	_ =	sdelay $0x1  }
0x2cc: {  	v5 =	vld.idx.msk [tilespmem:v11+s11+$0x0], $0xffff;
	v3 =	vmul.f32 $8.000000000e+00, v3;
	_ =	sdelay $0x1  }
0x2cd: {  	v9 =	vor.u32 v4, v50;
	[tilespmem:v1+s18+$0x0] =	vst.idx.msk $0xffff, v3  }
0x2ce: {  	v11 =	vadd.s32 v38, v42;
	v3 =	vld.idx.msk [tilespmem:v7+s11+$0x0], $0xffff  }
0x2cf: {  	v7 =	vld [tilespmem:$0x1FF90]  }
0x2d0: {  	v1 =	vmul.f32 $8.000000000e+00, v5;
	_ =	sdelay $0x1  }
0x2d1: {  	[tilespmem:v9+s18+$0x0] =	vst.idx.msk $0xffff, v1  }
0x2d2: {  	s8 =	ssub.s32 $0xE, s6;
	v1 =	vor.u32 v16, v2;
	v2 =	vld.idx.msk [tilespmem:v11+s11+$0x0], $0xffff  }
0x2d3: {  	v5 =	vmov s8;
	v7 =	vadd.s32 v7, v41  }
0x2d4: {  	vm10 =	vgt.u32 v5, v0;
	v5 =	vor.u32 v6, v50  }
0x2d5: {  	s8 =	sor.u32 $0x2, s6;
	v9 =	vsel vm10, v0, v63;
	v11 =	vadd.s32 v39, v42;
	v3 =	vmul.f32 $8.000000000e+00, v3  }
0x2d6: {  	v44 =	vadd.s32 s8, v9  }
0x2d7: {  	v9 =	vadd.s32 v53, v44;
	[tilespmem:v1+s18+$0x0] =	vst.idx.msk $0xffff, v3;
	v1 =	vmul.f32 $8.000000000e+00, v2  }
0x2d8: {  	v2 =	vadd.s32 $0x30, v41;
	v3 =	vld.idx.msk [tilespmem:v7+s11+$0x0], $0xffff  }
0x2d9: {  	v43 =	vshll.u32 v2, $0x7;
	[tilespmem:v5+s18+$0x0] =	vst.idx.msk $0xffff, v1  }
0x2da: {  	v1 =	vor.u32 v0, v43;
	v2 =	vld.idx.msk [tilespmem:v11+s11+$0x0], $0xffff;
	_ =	sdelay $0x1  }
0x2db: {  	v5 =	vadd.s32 v20, v41;
	v7 =	vld.idx.msk [tilespmem:v9+s11+$0x0], $0xffff;
	v9 =	vor.u32 v8, v50  }
0x2dc: {  	v11 =	vadd.s32 v40, v42;
	v3 =	vmul.f32 $8.000000000e+00, v3  }
0x2dd: {  	v51 =	vshll.u32 v44, $0x7  }
0x2de: {  	v13 =	vor.u32 v0, v51;
	[tilespmem:v1+s18+$0x0] =	vst.idx.msk $0xffff, v3;
	v1 =	vmul.f32 $8.000000000e+00, v2  }
0x2df: {  	v15 =	vadd.s32 v61, v44  }
0x2e0: {  	v2 =	vld.idx.msk [tilespmem:v5+s11+$0x0], $0xffff;
	[tilespmem:v9+s18+$0x0] =	vst.idx.msk $0xffff, v1  }
0x2e1: {  	v3 =	vmul.f32 $8.000000000e+00, v7;
	v5 =	vld.idx.msk [tilespmem:v11+s11+$0x0], $0xffff  }
0x2e2: {  	v11 =	vld [tilespmem:$0x1FF30]  }
0x2e3: {  	v1 =	vor.u32 v4, v43;
	[tilespmem:v13+s18+$0x0] =	vst.idx.msk $0xffff, v3  }
0x2e4: {  	v3 =	vadd.s32 v24, v41;
	v7 =	vld.idx.msk [tilespmem:v15+s11+$0x0], $0xffff  }
0x2e5: {  	v9 =	vor.u32 v10, v50  }
0x2e6: {  	v13 =	vor.u32 v4, v51;
	v2 =	vmul.f32 $8.000000000e+00, v2  }
0x2e7: {  	v11 =	vadd.s32 v11, v42  }
0x2e8: {  	[tilespmem:v1+s18+$0x0] =	vst.idx.msk $0xffff, v2;
	v1 =	vmul.f32 $8.000000000e+00, v5  }
0x2e9: {  	s8 =	ssub.s32 $0xD, s6;
	v2 =	vld.idx.msk [tilespmem:v3+s11+$0x0], $0xffff;
	v3 =	vmul.f32 $8.000000000e+00, v7  }
0x2ea: {  	v15 =	vadd.s32 v62, v44;
	[tilespmem:v9+s18+$0x0] =	vst.idx.msk $0xffff, v1;
	v1 =	vmov s8  }
0x2eb: {  	[tilespmem:v13+s18+$0x0] =	vst.idx.msk $0xffff, v3;
	vm11 =	vgt.u32 v1, v0;
	v13 =	vld [tilespmem:$0x1FF50]  }
0x2ec: {  	s8 =	sor.u32 $0x3, s6;
	v3 =	vsel vm11, v0, v63;
	v5 =	vld.idx.msk [tilespmem:v11+s11+$0x0], $0xffff  }
0x2ed: {  	v9 =	vor.u32 v6, v43;
	v45 =	vadd.s32 s8, v3  }
0x2ee: {  	v3 =	vor.u32 v12, v50;
	v7 =	vadd.s32 v53, v45  }
0x2ef: {  	v1 =	vld.idx.msk [tilespmem:v15+s11+$0x0], $0xffff;
	v11 =	vadd.s32 v22, v41;
	s8 =	ssub.s32 $0xC, s6  }
0x2f0: {  	v18 =	vor.u32 v6, v51;
	v2 =	vmul.f32 $8.000000000e+00, v2;
	v17 =	vmov s8  }
0x2f1: {  	vm12 =	vgt.u32 v17, v0;
	v13 =	vadd.s32 v13, v42;
	v5 =	vmul.f32 $8.000000000e+00, v5  }
0x2f2: {  	s7 =	sor.u32 $0x4, s6;
	v17 =	vadd.s32 v19, v44;
	v19 =	vsel vm12, v0, v63;
	[tilespmem:v9+s18+$0x0] =	vst.idx.msk $0xffff, v2  }
0x2f3: {  	v15 =	vor.u32 v14, v50;
	v52 =	vshll.u32 v45, $0x7;
	s8 =	ssub.s32 $0xB, s6;
	v46 =	vadd.s32 s7, v19;
	[tilespmem:v3+s18+$0x0] =	vst.idx.msk $0xffff, v5;
	v3 =	vld.idx.msk [tilespmem:v7+s11+$0x0], $0xffff  }
0x2f4: {  	v1 =	vmul.f32 $8.000000000e+00, v1;
	v9 =	vadd.s32 v53, v46;
	v58 =	vld.idx.msk [tilespmem:v11+s11+$0x0], $0xffff;
	v7 =	vmov s8;
	s8 =	ssub.s32 $0xA, s6  }
0x2f5: {  	v11 =	vld [tilespmem:$0x1FF70];
	v5 =	vor.u32 v0, v52;
	vm13 =	vgt.u32 v7, v0;
	v7 =	vmov s8  }
0x2f6: {  	s7 =	sor.u32 $0x5, s6;
	v2 =	vld.idx.msk [tilespmem:v13+s11+$0x0], $0xffff;
	v13 =	vadd.s32 v61, v45;
	s8 =	ssub.s32 $0x9, s6;
	v19 =	vsel vm13, v0, v63;
	vm14 =	vgt.u32 v7, v0  }
0x2f7: {  	[tilespmem:v18+s18+$0x0] =	vst.idx.msk $0xffff, v1;
	v7 =	vmov s8;
	v47 =	vadd.s32 s7, v19;
	s7 =	sor.u32 $0x6, s6;
	v1 =	vsel vm14, v0, v63  }
0x2f8: {  	v17 =	vld.idx.msk [tilespmem:v17+s11+$0x0], $0xffff;
	v18 =	vadd.s32 v53, v47;
	v48 =	vadd.s32 s7, v1;
	v1 =	vmul.f32 $8.000000000e+00, v3  }
0x2f9: {  	vm15 =	vgt.u32 v7, v0;
	v9 =	vld.idx.msk [tilespmem:v9+s11+$0x0], $0xffff;
	v3 =	vadd.s32 v53, v48  }
0x2fa: {  	v56 =	vshll.u32 v46, $0x7;
	s8 =	sor.u32 $0x7, s6;
	v11 =	vadd.s32 v11, v42;
	v7 =	vsel vm15, v0, v63;
	[tilespmem:v5+s18+$0x0] =	vst.idx.msk $0xffff, v1;
	v5 =	vld [tilespmem:$0x1FF00]  }
0x2fb: {  	v49 =	vadd.s32 s8, v7;
	v7 =	vor.u32 v8, v51;
	v2 =	vmul.f32 $8.000000000e+00, v2  }
0x2fc: {  	v19 =	vor.u32 v0, v56;
	v13 =	vld.idx.msk [tilespmem:v13+s11+$0x0], $0xffff  }
0x2fd: {  	v55 =	vshll.u32 v48, $0x7;
	v1 =	vadd.s32 v53, v49;
	[tilespmem:v15+s18+$0x0] =	vst.idx.msk $0xffff, v2;
	v2 =	vmul.f32 $8.000000000e+00, v17;
	v17 =	vld.idx.msk [tilespmem:v18+s11+$0x0], $0xffff  }
0x2fe: {  	v53 =	vshll.u32 v47, $0x7;
	v15 =	vadd.s32 v61, v46;
	v18 =	vor.u32 v4, v52;
	v3 =	vld.idx.msk [tilespmem:v3+s11+$0x0], $0xffff  }
0x2ff: {  	v9 =	vmul.f32 $8.000000000e+00, v9;
	v57 =	vld.idx.msk [tilespmem:v11+s11+$0x0], $0xffff;
	v11 =	vor.u32 v0, v53;
	v5 =	vadd.s32 v5, v44  }
0x300: {  	[tilespmem:v7+s18+$0x0] =	vst.idx.msk $0xffff, v2;
	v2 =	vadd.s32 v61, v47;
	v7 =	vor.u32 v0, v55  }
0x301: {  	[tilespmem:v19+s18+$0x0] =	vst.idx.msk $0xffff, v9;
	v9 =	vadd.s32 v61, v48;
	v13 =	vmul.f32 $8.000000000e+00, v13  }
0x302: {  	v1 =	vld.idx.msk [tilespmem:v1+s11+$0x0], $0xffff;
	v17 =	vmul.f32 $8.000000000e+00, v17  }
0x303: {  	v15 =	vld.idx.msk [tilespmem:v15+s11+$0x0], $0xffff;
	[tilespmem:v18+s18+$0x0] =	vst.idx.msk $0xffff, v13;
	v3 =	vmul.f32 $8.000000000e+00, v3  }
0x304: {  	v59 =	vadd.s32 v62, v45;
	[tilespmem:v11+s18+$0x0] =	vst.idx.msk $0xffff, v17;
	v5 =	vld.idx.msk [tilespmem:v5+s11+$0x0], $0xffff  }
0x305: {  	v13 =	vadd.s32 v61, v49;
	v61 =	vor.u32 v4, v56;
	v2 =	vld.idx.msk [tilespmem:v2+s11+$0x0], $0xffff;
	[tilespmem:v7+s18+$0x0] =	vst.idx.msk $0xffff, v3  }
0x306: {  	v54 =	vshll.u32 v49, $0x7;
	v11 =	vadd.s32 v62, v46;
	v7 =	vld.idx.msk [tilespmem:v9+s11+$0x0], $0xffff  }
0x307: {  	v19 =	vor.u32 v0, v54;
	v9 =	vld [tilespmem:$0x1FF10]  }
0x308: {  	v60 =	vor.u32 v10, v51;
	v15 =	vmul.f32 $8.000000000e+00, v15  }
0x309: {  	v59 =	vld.idx.msk [tilespmem:v59+s11+$0x0], $0xffff;
	v17 =	vor.u32 v4, v53  }
0x30a: {  	v18 =	vadd.s32 v30, v44;
	v1 =	vmul.f32 $8.000000000e+00, v1;
	[tilespmem:v61+s18+$0x0] =	vst.idx.msk $0xffff, v15  }
0x30b: {  	v11 =	vld.idx.msk [tilespmem:v11+s11+$0x0], $0xffff;
	v3 =	vmul.f32 $8.000000000e+00, v5;
	v5 =	vor.u32 v6, v52  }
0x30c: {  	[tilespmem:v19+s18+$0x0] =	vst.idx.msk $0xffff, v1;
	v2 =	vmul.f32 $8.000000000e+00, v2;
	v9 =	vadd.s32 v9, v45  }
0x30d: {  	v13 =	vld.idx.msk [tilespmem:v13+s11+$0x0], $0xffff;
	v61 =	vor.u32 v6, v56;
	[tilespmem:v60+s18+$0x0] =	vst.idx.msk $0xffff, v3  }
0x30e: {  	v1 =	vadd.s32 v62, v47;
	v19 =	vmul.f32 $8.000000000e+00, v59;
	v3 =	vor.u32 v4, v55;
	[tilespmem:v17+s18+$0x0] =	vst.idx.msk $0xffff, v2;
	v2 =	vld [tilespmem:$0x1FF10]  }
0x30f: {  	v15 =	vadd.s32 v62, v48;
	v18 =	vld.idx.msk [tilespmem:v18+s11+$0x0], $0xffff  }
0x310: {  	v59 =	vor.u32 v4, v54;
	v17 =	vld [tilespmem:$0x1FF00];
	v11 =	vmul.f32 $8.000000000e+00, v11;
	[tilespmem:v5+s18+$0x0] =	vst.idx.msk $0xffff, v19  }
0x311: {  	v60 =	vor.u32 v12, v51;
	v5 =	vmul.f32 $8.000000000e+00, v7;
	v7 =	vadd.s32 v62, v49;
	v9 =	vld.idx.msk [tilespmem:v9+s11+$0x0], $0xffff  }
0x312: {  	v19 =	vadd.s32 v26, v44;
	[tilespmem:v61+s18+$0x0] =	vst.idx.msk $0xffff, v11;
	v11 =	vld [tilespmem:$0x1FF10]  }
0x313: {  	v1 =	vld.idx.msk [tilespmem:v1+s11+$0x0], $0xffff;
	v2 =	vadd.s32 v2, v46;
	[tilespmem:v3+s18+$0x0] =	vst.idx.msk $0xffff, v5;
	v3 =	vmul.f32 $8.000000000e+00, v13  }
0x314: {  	v13 =	vor.u32 v8, v52;
	v5 =	vmul.f32 $8.000000000e+00, v18;
	v15 =	vld.idx.msk [tilespmem:v15+s11+$0x0], $0xffff  }
0x315: {  	v17 =	vadd.s32 v17, v45;
	v18 =	vor.u32 v6, v53;
	[tilespmem:v59+s18+$0x0] =	vst.idx.msk $0xffff, v3;
	v3 =	vld [tilespmem:$0x1FF10]  }
0x316: {  	[tilespmem:v60+s18+$0x0] =	vst.idx.msk $0xffff, v5;
	v5 =	vor.u32 v6, v55;
	v7 =	vld.idx.msk [tilespmem:v7+s11+$0x0], $0xffff  }
0x317: {  	v19 =	vld.idx.msk [tilespmem:v19+s11+$0x0], $0xffff;
	v9 =	vmul.f32 $8.000000000e+00, v9;
	v11 =	vadd.s32 v11, v48  }
0x318: {  	v1 =	vmul.f32 $8.000000000e+00, v1;
	v2 =	vld.idx.msk [tilespmem:v2+s11+$0x0], $0xffff  }
0x319: {  	v59 =	vor.u32 v6, v54;
	[tilespmem:v13+s18+$0x0] =	vst.idx.msk $0xffff, v9;
	v9 =	vmul.f32 $8.000000000e+00, v15;
	v13 =	vld [tilespmem:$0x1FF10]  }
0x31a: {  	v61 =	vor.u32 v8, v56;
	[tilespmem:v18+s18+$0x0] =	vst.idx.msk $0xffff, v1;
	v17 =	vld.idx.msk [tilespmem:v17+s11+$0x0], $0xffff  }
0x31b: {  	v1 =	vld [tilespmem:$0x1FF00];
	v3 =	vadd.s32 v3, v47;
	[tilespmem:v5+s18+$0x0] =	vst.idx.msk $0xffff, v9  }
0x31c: {  	v5 =	vmul.f32 $8.000000000e+00, v7;
	v9 =	vor.u32 v10, v52;
	v11 =	vld.idx.msk [tilespmem:v11+s11+$0x0], $0xffff  }
0x31d: {  	v2 =	vmul.f32 $8.000000000e+00, v2  }
0x31e: {  	v60 =	vor.u32 v14, v51;
	[tilespmem:v59+s18+$0x0] =	vst.idx.msk $0xffff, v5;
	v5 =	vld [tilespmem:$0x1FF00];
	v13 =	vadd.s32 v13, v49  }
0x31f: {  	v15 =	vadd.s32 v31, v44;
	v17 =	vmul.f32 $8.000000000e+00, v17;
	[tilespmem:v61+s18+$0x0] =	vst.idx.msk $0xffff, v2;
	v2 =	vld [tilespmem:$0x1FF00]  }
0x320: {  	v1 =	vadd.s32 v1, v46;
	v3 =	vld.idx.msk [tilespmem:v3+s11+$0x0], $0xffff  }
0x321: {  	v7 =	vmul.f32 $8.000000000e+00, v19;
	[tilespmem:v9+s18+$0x0] =	vst.idx.msk $0xffff, v17;
	v9 =	vmul.f32 $8.000000000e+00, v11;
	v11 =	vld [tilespmem:$0x1FF00]  }
0x322: {  	v18 =	vadd.s32 v30, v45;
	v19 =	vor.u32 v8, v53  }
0x323: {  	[tilespmem:v60+s18+$0x0] =	vst.idx.msk $0xffff, v7;
	v7 =	vor.u32 v8, v55;
	v5 =	vadd.s32 v5, v47;
	v13 =	vld.idx.msk [tilespmem:v13+s11+$0x0], $0xffff  }
0x324: {  	v15 =	vld.idx.msk [tilespmem:v15+s11+$0x0], $0xffff;
	v2 =	vadd.s32 v2, v48  }
0x325: {  	v59 =	vor.u32 v8, v54;
	v1 =	vld.idx.msk [tilespmem:v1+s11+$0x0], $0xffff;
	v3 =	vmul.f32 $8.000000000e+00, v3  }
0x326: {  	v51 =	vor.u32 v16, v51;
	v11 =	vadd.s32 v11, v49  }
0x327: {  	v60 =	vor.u32 v10, v56;
	v17 =	vadd.s32 v27, v44;
	v18 =	vld.idx.msk [tilespmem:v18+s11+$0x0], $0xffff;
	[tilespmem:v19+s18+$0x0] =	vst.idx.msk $0xffff, v3  }
0x328: {  	[tilespmem:v7+s18+$0x0] =	vst.idx.msk $0xffff, v9;
	v3 =	vadd.s32 v30, v46;
	v5 =	vld.idx.msk [tilespmem:v5+s11+$0x0], $0xffff;
	v7 =	vmul.f32 $8.000000000e+00, v13  }
0x329: {  	v9 =	vmul.f32 $8.000000000e+00, v15;
	v13 =	vor.u32 v12, v52;
	v2 =	vld.idx.msk [tilespmem:v2+s11+$0x0], $0xffff  }
0x32a: {  	v15 =	vadd.s32 v26, v45;
	v19 =	vor.u32 v10, v53;
	v1 =	vmul.f32 $8.000000000e+00, v1;
	[tilespmem:v59+s18+$0x0] =	vst.idx.msk $0xffff, v7  }
0x32b: {  	[tilespmem:v51+s18+$0x0] =	vst.idx.msk $0xffff, v9;
	v9 =	vor.u32 v10, v55;
	v7 =	vadd.s32 v30, v47;
	v11 =	vld.idx.msk [tilespmem:v11+s11+$0x0], $0xffff  }
0x32c: {  	v17 =	vld.idx.msk [tilespmem:v17+s11+$0x0], $0xffff;
	v18 =	vmul.f32 $8.000000000e+00, v18;
	v59 =	vadd.s32 $0x10, v44;
	[tilespmem:v60+s18+$0x0] =	vst.idx.msk $0xffff, v1;
	v1 =	vadd.s32 v30, v48  }
0x32d: {  	v51 =	vshll.u32 v59, $0x7;
	v3 =	vld.idx.msk [tilespmem:v3+s11+$0x0], $0xffff;
	v59 =	vor.u32 v10, v54;
	v5 =	vmul.f32 $8.000000000e+00, v5  }
0x32e: {  	v60 =	vor.u32 v0, v51;
	[tilespmem:v13+s18+$0x0] =	vst.idx.msk $0xffff, v18;
	v13 =	vadd.s32 v30, v49;
	v2 =	vmul.f32 $8.000000000e+00, v2  }
0x32f: {  	v61 =	vor.u32 v12, v56;
	v18 =	vadd.s32 v25, v44;
	v15 =	vld.idx.msk [tilespmem:v15+s11+$0x0], $0xffff;
	[tilespmem:v19+s18+$0x0] =	vst.idx.msk $0xffff, v5  }
0x330: {  	v5 =	vadd.s32 v26, v46;
	v7 =	vld.idx.msk [tilespmem:v7+s11+$0x0], $0xffff;
	[tilespmem:v9+s18+$0x0] =	vst.idx.msk $0xffff, v2;
	v2 =	vmul.f32 $8.000000000e+00, v11  }
0x331: {  	v11 =	vmul.f32 $8.000000000e+00, v17;
	v17 =	vor.u32 v14, v52;
	v1 =	vld.idx.msk [tilespmem:v1+s11+$0x0], $0xffff  }
0x332: {  	v62 =	vor.u32 v12, v53;
	v19 =	vadd.s32 v31, v45;
	v3 =	vmul.f32 $8.000000000e+00, v3;
	[tilespmem:v59+s18+$0x0] =	vst.idx.msk $0xffff, v2  }
0x333: {  	[tilespmem:v60+s18+$0x0] =	vst.idx.msk $0xffff, v11;
	v2 =	vadd.s32 v26, v47;
	v11 =	vor.u32 v12, v55;
	v13 =	vld.idx.msk [tilespmem:v13+s11+$0x0], $0xffff  }
0x334: {  	v58 =	vmul.f32 $8.000000000e+00, v58;
	v9 =	vor.u32 v8, v43;
	[tilespmem:v61+s18+$0x0] =	vst.idx.msk $0xffff, v3;
	v18 =	vld.idx.msk [tilespmem:v18+s11+$0x0], $0xffff;
	v15 =	vmul.f32 $8.000000000e+00, v15  }
0x335: {  	v3 =	vadd.s32 v26, v48;
	v59 =	vor.u32 v12, v54;
	v5 =	vld.idx.msk [tilespmem:v5+s11+$0x0], $0xffff;
	v7 =	vmul.f32 $8.000000000e+00, v7  }
0x336: {  	v60 =	vor.u32 v4, v51;
	v61 =	vor.u32 v14, v56;
	[tilespmem:v17+s18+$0x0] =	vst.idx.msk $0xffff, v15;
	v1 =	vmul.f32 $8.000000000e+00, v1  }
0x337: {  	v15 =	vadd.s32 v26, v49;
	v17 =	vadd.s32 v28, v44;
	v19 =	vld.idx.msk [tilespmem:v19+s11+$0x0], $0xffff;
	[tilespmem:v62+s18+$0x0] =	vst.idx.msk $0xffff, v7  }
0x338: {  	v7 =	vadd.s32 v31, v46;
	v2 =	vld.idx.msk [tilespmem:v2+s11+$0x0], $0xffff;
	[tilespmem:v11+s18+$0x0] =	vst.idx.msk $0xffff, v1;
	v1 =	vmul.f32 $8.000000000e+00, v13  }
0x339: {  	[tilespmem:v9+s18+$0x0] =	vst.idx.msk $0xffff, v58;
	v9 =	vmul.f32 $8.000000000e+00, v18;
	v11 =	vor.u32 v16, v52;
	v13 =	vadd.s32 v27, v45  }
0x33a: {  	v5 =	vmul.f32 $8.000000000e+00, v5;
	v18 =	vor.u32 v14, v53;
	v3 =	vld.idx.msk [tilespmem:v3+s11+$0x0], $0xffff;
	[tilespmem:v59+s18+$0x0] =	vst.idx.msk $0xffff, v1  }
0x33b: {  	[tilespmem:v60+s18+$0x0] =	vst.idx.msk $0xffff, v9;
	v1 =	vadd.s32 v31, v47  }
0x33c: {  	v9 =	vor.u32 v14, v55;
	[tilespmem:v61+s18+$0x0] =	vst.idx.msk $0xffff, v5;
	v15 =	vld.idx.msk [tilespmem:v15+s11+$0x0], $0xffff;
	v19 =	vmul.f32 $8.000000000e+00, v19  }
0x33d: {  	v5 =	vadd.s32 v31, v48;
	v59 =	vor.u32 v16, v50;
	v17 =	vld.idx.msk [tilespmem:v17+s11+$0x0], $0xffff;
	v2 =	vmul.f32 $8.000000000e+00, v2  }
0x33e: {  	v52 =	vadd.s32 v21, v41;
	v61 =	vor.u32 v14, v54;
	v7 =	vld.idx.msk [tilespmem:v7+s11+$0x0], $0xffff;
	[tilespmem:v11+s18+$0x0] =	vst.idx.msk $0xffff, v19  }
0x33f: {  	v62 =	vadd.s32 $0x10, v45;
	v11 =	vadd.s32 v31, v49;
	v3 =	vmul.f32 $8.000000000e+00, v3;
	v13 =	vld.idx.msk [tilespmem:v13+s11+$0x0], $0xffff;
	[tilespmem:v18+s18+$0x0] =	vst.idx.msk $0xffff, v2  }
0x340: {  	v56 =	vor.u32 v16, v56;
	v50 =	vshll.u32 v62, $0x7;
	v19 =	vmul.f32 $8.000000000e+00, v57;
	v1 =	vld.idx.msk [tilespmem:v1+s11+$0x0], $0xffff  }
0x341: {  	v57 =	vor.u32 v16, v53;
	v2 =	vadd.s32 v27, v46;
	[tilespmem:v9+s18+$0x0] =	vst.idx.msk $0xffff, v3;
	v3 =	vmul.f32 $8.000000000e+00, v15;
	v9 =	vld [tilespmem:$0x1FF90]  }
0x342: {  	[tilespmem:v59+s18+$0x0] =	vst.idx.msk $0xffff, v19;
	v15 =	vmul.f32 $8.000000000e+00, v17;
	v17 =	vor.u32 v0, v50;
	v5 =	vld.idx.msk [tilespmem:v5+s11+$0x0], $0xffff  }
0x343: {  	v58 =	vld.idx.msk [tilespmem:v52+s11+$0x0], $0xffff;
	v18 =	vadd.s32 v25, v45;
	v19 =	vadd.s32 $0x10, v46;
	v7 =	vmul.f32 $8.000000000e+00, v7;
	[tilespmem:v61+s18+$0x0] =	vst.idx.msk $0xffff, v3  }
0x344: {  	v60 =	vadd.s32 v27, v47;
	v55 =	vor.u32 v16, v55;
	v53 =	vshll.u32 v19, $0x7;
	v11 =	vld.idx.msk [tilespmem:v11+s11+$0x0], $0xffff  }
0x345: {  	v3 =	vor.u32 v6, v51;
	[tilespmem:v56+s18+$0x0] =	vst.idx.msk $0xffff, v7;
	v7 =	vadd.s32 v27, v48;
	v13 =	vmul.f32 $8.000000000e+00, v13  }
0x346: {  	v56 =	vor.u32 v16, v54;
	v2 =	vld.idx.msk [tilespmem:v2+s11+$0x0], $0xffff;
	v1 =	vmul.f32 $8.000000000e+00, v1;
	v9 =	vadd.s32 v9, v42  }
0x347: {  	v19 =	vor.u32 v0, v53;
	[tilespmem:v17+s18+$0x0] =	vst.idx.msk $0xffff, v13;
	v13 =	vadd.s32 v27, v49;
	v5 =	vmul.f32 $8.000000000e+00, v5  }
0x348: {  	v61 =	vadd.s32 v29, v44;
	v17 =	vld.idx.msk [tilespmem:v18+s11+$0x0], $0xffff;
	v18 =	vor.u32 v4, v50;
	[tilespmem:v57+s18+$0x0] =	vst.idx.msk $0xffff, v1  }
0x349: {  	v63 =	vadd.s32 $0x10, v47;
	v1 =	vadd.s32 v25, v46;
	v62 =	vld.idx.msk [tilespmem:v60+s11+$0x0], $0xffff;
	[tilespmem:v55+s18+$0x0] =	vst.idx.msk $0xffff, v5;
	v5 =	vmul.f32 $8.000000000e+00, v11  }
0x34a: {  	v54 =	vshll.u32 v63, $0x7;
	[tilespmem:v3+s18+$0x0] =	vst.idx.msk $0xffff, v15;
	v3 =	vadd.s32 v28, v45;
	v11 =	vadd.s32 $0x10, v48;
	v7 =	vld.idx.msk [tilespmem:v7+s11+$0x0], $0xffff  }
0x34b: {  	v2 =	vmul.f32 $8.000000000e+00, v2;
	v55 =	vshll.u32 v11, $0x7;
	v57 =	vld.idx.msk [tilespmem:v9+s11+$0x0], $0xffff;
	v9 =	vor.u32 v0, v54;
	[tilespmem:v56+s18+$0x0] =	vst.idx.msk $0xffff, v5  }
0x34c: {  	v15 =	vadd.s32 $0x10, v49;
	v5 =	vadd.s32 v25, v47;
	v11 =	vor.u32 v0, v55;
	v13 =	vld.idx.msk [tilespmem:v13+s11+$0x0], $0xffff  }
0x34d: {  	v52 =	vld.idx.msk [tilespmem:v61+s11+$0x0], $0xffff;
	[tilespmem:v19+s18+$0x0] =	vst.idx.msk $0xffff, v2;
	v2 =	vadd.s32 v25, v48;
	v56 =	vshll.u32 v15, $0x7;
	v17 =	vmul.f32 $8.000000000e+00, v17  }
0x34e: {  	v1 =	vld.idx.msk [tilespmem:v1+s11+$0x0], $0xffff;
	v19 =	vor.u32 v0, v56;
	v15 =	vmul.f32 $8.000000000e+00, v62  }
0x34f: {  	v59 =	vor.u32 v8, v51;
	[tilespmem:v18+s18+$0x0] =	vst.idx.msk $0xffff, v17;
	v17 =	vadd.s32 v25, v49;
	v7 =	vmul.f32 $8.000000000e+00, v7  }
0x350: {  	v60 =	vor.u32 v4, v53;
	v18 =	vadd.s32 v32, v44;
	v3 =	vld.idx.msk [tilespmem:v3+s11+$0x0], $0xffff;
	[tilespmem:v9+s18+$0x0] =	vst.idx.msk $0xffff, v15  }
0x351: {  	v9 =	vadd.s32 v28, v46;
	v5 =	vld.idx.msk [tilespmem:v5+s11+$0x0], $0xffff;
	[tilespmem:v11+s18+$0x0] =	vst.idx.msk $0xffff, v7;
	v7 =	vmul.f32 $8.000000000e+00, v13  }
0x352: {  	v11 =	vmul.f32 $8.000000000e+00, v52;
	v13 =	vor.u32 v6, v50;
	v2 =	vld.idx.msk [tilespmem:v2+s11+$0x0], $0xffff  }
0x353: {  	v15 =	vadd.s32 v29, v45;
	v1 =	vmul.f32 $8.000000000e+00, v1;
	v52 =	vor.u32 v4, v54;
	[tilespmem:v19+s18+$0x0] =	vst.idx.msk $0xffff, v7  }
0x354: {  	[tilespmem:v59+s18+$0x0] =	vst.idx.msk $0xffff, v11;
	v7 =	vadd.s32 v28, v47;
	v11 =	vor.u32 v4, v55;
	v17 =	vld.idx.msk [tilespmem:v17+s11+$0x0], $0xffff  }
0x355: {  	[tilespmem:v60+s18+$0x0] =	vst.idx.msk $0xffff, v1;
	v1 =	vadd.s32 v28, v48;
	v18 =	vld.idx.msk [tilespmem:v18+s11+$0x0], $0xffff;
	v3 =	vmul.f32 $8.000000000e+00, v3  }
0x356: {  	v19 =	vor.u32 v4, v56;
	v9 =	vld.idx.msk [tilespmem:v9+s11+$0x0], $0xffff;
	v5 =	vmul.f32 $8.000000000e+00, v5  }
0x357: {  	v59 =	vor.u32 v10, v51;
	[tilespmem:v13+s18+$0x0] =	vst.idx.msk $0xffff, v3;
	v3 =	vadd.s32 v28, v49;
	v2 =	vmul.f32 $8.000000000e+00, v2  }
0x358: {  	v60 =	vor.u32 v6, v53;
	v13 =	vadd.s32 v33, v44;
	v15 =	vld.idx.msk [tilespmem:v15+s11+$0x0], $0xffff;
	[tilespmem:v52+s18+$0x0] =	vst.idx.msk $0xffff, v5  }
0x359: {  	v5 =	vadd.s32 v29, v46;
	v7 =	vld.idx.msk [tilespmem:v7+s11+$0x0], $0xffff;
	[tilespmem:v11+s18+$0x0] =	vst.idx.msk $0xffff, v2;
	v2 =	vmul.f32 $8.000000000e+00, v17  }
0x35a: {  	v11 =	vmul.f32 $8.000000000e+00, v18;
	v17 =	vor.u32 v8, v50;
	v1 =	vld.idx.msk [tilespmem:v1+s11+$0x0], $0xffff  }
0x35b: {  	v52 =	vor.u32 v6, v54;
	v18 =	vadd.s32 v32, v45;
	v9 =	vmul.f32 $8.000000000e+00, v9;
	[tilespmem:v19+s18+$0x0] =	vst.idx.msk $0xffff, v2  }
0x35c: {  	[tilespmem:v59+s18+$0x0] =	vst.idx.msk $0xffff, v11;
	v2 =	vadd.s32 v29, v47;
	v11 =	vor.u32 v6, v55;
	v3 =	vld.idx.msk [tilespmem:v3+s11+$0x0], $0xffff  }
0x35d: {  	v13 =	vld.idx.msk [tilespmem:v13+s11+$0x0], $0xffff;
	v15 =	vmul.f32 $8.000000000e+00, v15;
	[tilespmem:v60+s18+$0x0] =	vst.idx.msk $0xffff, v9;
	v9 =	vadd.s32 v29, v48  }
0x35e: {  	v19 =	vor.u32 v6, v56;
	v5 =	vld.idx.msk [tilespmem:v5+s11+$0x0], $0xffff;
	v7 =	vmul.f32 $8.000000000e+00, v7  }
0x35f: {  	v59 =	vor.u32 v12, v51;
	[tilespmem:v17+s18+$0x0] =	vst.idx.msk $0xffff, v15;
	v15 =	vadd.s32 v29, v49;
	v1 =	vmul.f32 $8.000000000e+00, v1  }
0x360: {  	v60 =	vor.u32 v8, v53;
	v17 =	vadd.s32 v34, v44;
	v18 =	vld.idx.msk [tilespmem:v18+s11+$0x0], $0xffff;
	[tilespmem:v52+s18+$0x0] =	vst.idx.msk $0xffff, v7  }
0x361: {  	v7 =	vadd.s32 v32, v46;
	v2 =	vld.idx.msk [tilespmem:v2+s11+$0x0], $0xffff;
	[tilespmem:v11+s18+$0x0] =	vst.idx.msk $0xffff, v1;
	v1 =	vmul.f32 $8.000000000e+00, v3  }
0x362: {  	v3 =	vmul.f32 $8.000000000e+00, v13;
	v11 =	vor.u32 v10, v50;
	v9 =	vld.idx.msk [tilespmem:v9+s11+$0x0], $0xffff  }
0x363: {  	v52 =	vor.u32 v8, v54;
	v13 =	vadd.s32 v33, v45;
	v5 =	vmul.f32 $8.000000000e+00, v5;
	[tilespmem:v19+s18+$0x0] =	vst.idx.msk $0xffff, v1  }
0x364: {  	[tilespmem:v59+s18+$0x0] =	vst.idx.msk $0xffff, v3;
	v1 =	vadd.s32 v32, v47;
	v3 =	vor.u32 v8, v55;
	v15 =	vld.idx.msk [tilespmem:v15+s11+$0x0], $0xffff  }
0x365: {  	v17 =	vld.idx.msk [tilespmem:v17+s11+$0x0], $0xffff;
	v18 =	vmul.f32 $8.000000000e+00, v18;
	[tilespmem:v60+s18+$0x0] =	vst.idx.msk $0xffff, v5;
	v5 =	vadd.s32 v32, v48  }
0x366: {  	v19 =	vor.u32 v8, v56;
	v7 =	vld.idx.msk [tilespmem:v7+s11+$0x0], $0xffff;
	v2 =	vmul.f32 $8.000000000e+00, v2  }
0x367: {  	v59 =	vor.u32 v14, v51;
	[tilespmem:v11+s18+$0x0] =	vst.idx.msk $0xffff, v18;
	v11 =	vadd.s32 v32, v49;
	v9 =	vmul.f32 $8.000000000e+00, v9  }
0x368: {  	v60 =	vor.u32 v10, v53;
	v18 =	vadd.s32 v35, v44;
	v13 =	vld.idx.msk [tilespmem:v13+s11+$0x0], $0xffff;
	[tilespmem:v52+s18+$0x0] =	vst.idx.msk $0xffff, v2  }
0x369: {  	v2 =	vadd.s32 v33, v46;
	v1 =	vld.idx.msk [tilespmem:v1+s11+$0x0], $0xffff;
	[tilespmem:v3+s18+$0x0] =	vst.idx.msk $0xffff, v9;
	v3 =	vmul.f32 $8.000000000e+00, v15  }
0x36a: {  	v9 =	vmul.f32 $8.000000000e+00, v17;
	v15 =	vor.u32 v12, v50;
	v5 =	vld.idx.msk [tilespmem:v5+s11+$0x0], $0xffff  }
0x36b: {  	v63 =	vor.u32 v10, v54;
	v17 =	vadd.s32 v34, v45;
	v7 =	vmul.f32 $8.000000000e+00, v7;
	[tilespmem:v19+s18+$0x0] =	vst.idx.msk $0xffff, v3  }
0x36c: {  	[tilespmem:v59+s18+$0x0] =	vst.idx.msk $0xffff, v9;
	v3 =	vadd.s32 v33, v47;
	v9 =	vor.u32 v10, v55;
	v11 =	vld.idx.msk [tilespmem:v11+s11+$0x0], $0xffff  }
0x36d: {  	v18 =	vld.idx.msk [tilespmem:v18+s11+$0x0], $0xffff;
	v13 =	vmul.f32 $8.000000000e+00, v13;
	[tilespmem:v60+s18+$0x0] =	vst.idx.msk $0xffff, v7;
	v7 =	vadd.s32 v33, v48  }
0x36e: {  	v19 =	vor.u32 v10, v56;
	v2 =	vld.idx.msk [tilespmem:v2+s11+$0x0], $0xffff;
	v1 =	vmul.f32 $8.000000000e+00, v1  }
0x36f: {  	v51 =	vor.u32 v16, v51;
	[tilespmem:v15+s18+$0x0] =	vst.idx.msk $0xffff, v13;
	v13 =	vadd.s32 v33, v49;
	v5 =	vmul.f32 $8.000000000e+00, v5  }
0x370: {  	v59 =	vor.u32 v12, v53;
	v15 =	vadd.s32 v36, v44;
	v17 =	vld.idx.msk [tilespmem:v17+s11+$0x0], $0xffff;
	[tilespmem:v63+s18+$0x0] =	vst.idx.msk $0xffff, v1  }
0x371: {  	v1 =	vadd.s32 v34, v46;
	v3 =	vld.idx.msk [tilespmem:v3+s11+$0x0], $0xffff;
	[tilespmem:v9+s18+$0x0] =	vst.idx.msk $0xffff, v5;
	v5 =	vmul.f32 $8.000000000e+00, v11  }
0x372: {  	v61 =	vor.u32 v12, v54;
	v11 =	vmul.f32 $8.000000000e+00, v18;
	v18 =	vor.u32 v14, v50;
	v7 =	vld.idx.msk [tilespmem:v7+s11+$0x0], $0xffff  }
0x373: {  	v62 =	vor.u32 v14, v53;
	v60 =	vadd.s32 v35, v45;
	v2 =	vmul.f32 $8.000000000e+00, v2;
	[tilespmem:v19+s18+$0x0] =	vst.idx.msk $0xffff, v5  }
0x374: {  	[tilespmem:v51+s18+$0x0] =	vst.idx.msk $0xffff, v11;
	v5 =	vadd.s32 v34, v47;
	v11 =	vor.u32 v12, v55;
	v13 =	vld.idx.msk [tilespmem:v13+s11+$0x0], $0xffff  }
0x375: {  	v19 =	vadd.s32 $0x20, v44;
	v15 =	vld.idx.msk [tilespmem:v15+s11+$0x0], $0xffff;
	v17 =	vmul.f32 $8.000000000e+00, v17;
	[tilespmem:v59+s18+$0x0] =	vst.idx.msk $0xffff, v2;
	v2 =	vadd.s32 v34, v48  }
0x376: {  	v52 =	vshll.u32 v19, $0x7;
	v19 =	vor.u32 v12, v56;
	v1 =	vld.idx.msk [tilespmem:v1+s11+$0x0], $0xffff;
	v3 =	vmul.f32 $8.000000000e+00, v3  }
0x377: {  	v59 =	vor.u32 v0, v52;
	[tilespmem:v18+s18+$0x0] =	vst.idx.msk $0xffff, v17;
	v17 =	vadd.s32 v34, v49;
	v7 =	vmul.f32 $8.000000000e+00, v7  }
0x378: {  	v9 =	vor.u32 v10, v43;
	v18 =	vadd.s32 v37, v44;
	v60 =	vld.idx.msk [tilespmem:v60+s11+$0x0], $0xffff;
	[tilespmem:v61+s18+$0x0] =	vst.idx.msk $0xffff, v3  }
0x379: {  	v3 =	vmul.f32 $8.000000000e+00, v58;
	v58 =	vadd.s32 v35, v46;
	v5 =	vld.idx.msk [tilespmem:v5+s11+$0x0], $0xffff;
	[tilespmem:v11+s18+$0x0] =	vst.idx.msk $0xffff, v7;
	v7 =	vmul.f32 $8.000000000e+00, v13  }
0x37a: {  	v53 =	vor.u32 v16, v53;
	v11 =	vmul.f32 $8.000000000e+00, v15;
	v13 =	vor.u32 v16, v50;
	v2 =	vld.idx.msk [tilespmem:v2+s11+$0x0], $0xffff  }
0x37b: {  	v61 =	vor.u32 v14, v54;
	v15 =	vadd.s32 v36, v45;
	v1 =	vmul.f32 $8.000000000e+00, v1;
	[tilespmem:v19+s18+$0x0] =	vst.idx.msk $0xffff, v7  }
0x37c: {  	[tilespmem:v59+s18+$0x0] =	vst.idx.msk $0xffff, v11;
	v7 =	vadd.s32 v35, v47;
	v11 =	vor.u32 v14, v55;
	v17 =	vld.idx.msk [tilespmem:v17+s11+$0x0], $0xffff  }
0x37d: {  	v19 =	vadd.s32 $0x30, v42;
	v18 =	vld.idx.msk [tilespmem:v18+s11+$0x0], $0xffff;
	v59 =	vmul.f32 $8.000000000e+00, v60;
	[tilespmem:v62+s18+$0x0] =	vst.idx.msk $0xffff, v1;
	v1 =	vadd.s32 v35, v48  }
0x37e: {  	[tilespmem:v9+s18+$0x0] =	vst.idx.msk $0xffff, v3;
	v50 =	vshll.u32 v19, $0x7;
	v19 =	vld.idx.msk [tilespmem:v58+s11+$0x0], $0xffff;
	v58 =	vor.u32 v14, v56;
	v5 =	vmul.f32 $8.000000000e+00, v5  }
0x37f: {  	[tilespmem:v13+s18+$0x0] =	vst.idx.msk $0xffff, v59;
	v13 =	vadd.s32 v35, v49;
	v59 =	vor.u32 v4, v52;
	v2 =	vmul.f32 $8.000000000e+00, v2  }
0x380: {  	v63 =	vadd.s32 v37, v45;
	v54 =	vor.u32 v16, v54;
	v9 =	vadd.s32 $0x20, v46;
	[tilespmem:v61+s18+$0x0] =	vst.idx.msk $0xffff, v5  }
0x381: {  	v5 =	vmul.f32 $8.000000000e+00, v57;
	v57 =	vadd.s32 v36, v46;
	v7 =	vld.idx.msk [tilespmem:v7+s11+$0x0], $0xffff;
	[tilespmem:v11+s18+$0x0] =	vst.idx.msk $0xffff, v2;
	v2 =	vmul.f32 $8.000000000e+00, v17  }
0x382: {  	v60 =	vor.u32 v0, v50;
	v17 =	vmul.f32 $8.000000000e+00, v18;
	v18 =	vadd.s32 v38, v44;
	v1 =	vld.idx.msk [tilespmem:v1+s11+$0x0], $0xffff  }
0x383: {  	v55 =	vor.u32 v16, v55;
	v62 =	vadd.s32 $0x20, v45;
	v15 =	vld.idx.msk [tilespmem:v15+s11+$0x0], $0xffff;
	v19 =	vmul.f32 $8.000000000e+00, v19;
	[tilespmem:v58+s18+$0x0] =	vst.idx.msk $0xffff, v2  }
0x384: {  	v61 =	vor.u32 v6, v52;
	v58 =	vadd.s32 v36, v47;
	[tilespmem:v59+s18+$0x0] =	vst.idx.msk $0xffff, v17;
	v13 =	vld.idx.msk [tilespmem:v13+s11+$0x0], $0xffff  }
0x385: {  	v11 =	vadd.s32 v20, v42;
	v59 =	vor.u32 v16, v56;
	[tilespmem:v53+s18+$0x0] =	vst.idx.msk $0xffff, v19;
	v53 =	vshll.u32 v62, $0x7  }
0x386: {  	v19 =	vadd.s32 v36, v48;
	v17 =	vld.idx.msk [tilespmem:v57+s11+$0x0], $0xffff;
	v62 =	vor.u32 v0, v53;
	v7 =	vmul.f32 $8.000000000e+00, v7  }
0x387: {  	[tilespmem:v60+s18+$0x0] =	vst.idx.msk $0xffff, v5;
	v57 =	vshll.u32 v9, $0x7;
	v3 =	vld.idx.msk [tilespmem:v18+s11+$0x0], $0xffff;
	v18 =	vadd.s32 v36, v49;
	v1 =	vmul.f32 $8.000000000e+00, v1  }
0x388: {  	v5 =	vadd.s32 v37, v46;
	[tilespmem:v54+s18+$0x0] =	vst.idx.msk $0xffff, v7;
	v7 =	vor.u32 v0, v57  }
0x389: {  	v2 =	vadd.s32 v39, v44;
	v9 =	vadd.s32 $0x20, v47;
	v58 =	vld.idx.msk [tilespmem:v58+s11+$0x0], $0xffff;
	[tilespmem:v55+s18+$0x0] =	vst.idx.msk $0xffff, v1;
	v1 =	vmul.f32 $8.000000000e+00, v13  }
0x38a: {  	v15 =	vmul.f32 $8.000000000e+00, v15;
	v11 =	vld.idx.msk [tilespmem:v11+s11+$0x0], $0xffff;
	v55 =	vshll.u32 v9, $0x7;
	v9 =	vadd.s32 $0x20, v48  }
0x38b: {  	v13 =	vld.idx.msk [tilespmem:v19+s11+$0x0], $0xffff;
	v17 =	vmul.f32 $8.000000000e+00, v17;
	v19 =	vor.u32 v0, v55;
	v56 =	vshll.u32 v9, $0x7;
	[tilespmem:v59+s18+$0x0] =	vst.idx.msk $0xffff, v1  }
0x38c: {  	[tilespmem:v62+s18+$0x0] =	vst.idx.msk $0xffff, v15;
	v1 =	vadd.s32 v37, v47;
	v59 =	vadd.s32 $0x20, v49;
	v3 =	vmul.f32 $8.000000000e+00, v3;
	v18 =	vld.idx.msk [tilespmem:v18+s11+$0x0], $0xffff  }
0x38d: {  	v9 =	vor.u32 v0, v56;
	v54 =	vshll.u32 v59, $0x7;
	v59 =	vld.idx.msk [tilespmem:v63+s11+$0x0], $0xffff;
	[tilespmem:v7+s18+$0x0] =	vst.idx.msk $0xffff, v17  }
0x38e: {  	v15 =	vadd.s32 v37, v48;
	[tilespmem:v61+s18+$0x0] =	vst.idx.msk $0xffff, v3;
	v7 =	vmul.f32 $8.000000000e+00, v58;
	v3 =	vld.idx.msk [tilespmem:v5+s11+$0x0], $0xffff  }
0x38f: {  	v17 =	vor.u32 v0, v54;
	v2 =	vld.idx.msk [tilespmem:v2+s11+$0x0], $0xffff  }
0x390: {  	v58 =	vor.u32 v4, v53;
	v5 =	vmul.f32 $8.000000000e+00, v13;
	v13 =	vadd.s32 v37, v49;
	[tilespmem:v19+s18+$0x0] =	vst.idx.msk $0xffff, v7  }
0x391: {  	v60 =	vadd.s32 v38, v45;
	v62 =	vor.u32 v4, v55;
	v7 =	vor.u32 v4, v57;
	v1 =	vld.idx.msk [tilespmem:v1+s11+$0x0], $0xffff  }
0x392: {  	v19 =	vadd.s32 v38, v46;
	[tilespmem:v9+s18+$0x0] =	vst.idx.msk $0xffff, v5;
	v5 =	vmul.f32 $8.000000000e+00, v18;
	v18 =	vor.u32 v8, v52  }
0x393: {  	v61 =	vadd.s32 v40, v44;
	v9 =	vor.u32 v4, v50;
	v59 =	vmul.f32 $8.000000000e+00, v59;
	v15 =	vld.idx.msk [tilespmem:v15+s11+$0x0], $0xffff  }
0x394: {  	v37 =	vld [tilespmem:$0x1FF30];
	[tilespmem:v17+s18+$0x0] =	vst.idx.msk $0xffff, v5;
	v3 =	vmul.f32 $8.000000000e+00, v3;
	v5 =	vadd.s32 v38, v47;
	v17 =	vor.u32 v4, v56  }
0x395: {  	[tilespmem:v58+s18+$0x0] =	vst.idx.msk $0xffff, v59;
	v2 =	vmul.f32 $8.000000000e+00, v2;
	v59 =	vadd.s32 v38, v48;
	v13 =	vld.idx.msk [tilespmem:v13+s11+$0x0], $0xffff  }
0x396: {  	v60 =	vld.idx.msk [tilespmem:v60+s11+$0x0], $0xffff;
	[tilespmem:v7+s18+$0x0] =	vst.idx.msk $0xffff, v3;
	v3 =	vor.u32 v4, v54;
	v1 =	vmul.f32 $8.000000000e+00, v1  }
0x397: {  	v7 =	vmul.f32 $8.000000000e+00, v11;
	[tilespmem:v18+s18+$0x0] =	vst.idx.msk $0xffff, v2;
	v2 =	vld.idx.msk [tilespmem:v19+s11+$0x0], $0xffff;
	v19 =	vor.u32 v6, v53  }
0x398: {  	v11 =	vmul.f32 $8.000000000e+00, v15;
	v15 =	vadd.s32 v38, v49;
	v18 =	vld.idx.msk [tilespmem:v61+s11+$0x0], $0xffff;
	[tilespmem:v62+s18+$0x0] =	vst.idx.msk $0xffff, v1  }
0x399: {  	v61 =	vadd.s32 v39, v45;
	[tilespmem:v9+s18+$0x0] =	vst.idx.msk $0xffff, v7;
	v1 =	vor.u32 v6, v57;
	v5 =	vld.idx.msk [tilespmem:v5+s11+$0x0], $0xffff  }
0x39a: {  	v7 =	vor.u32 v10, v52;
	v9 =	vadd.s32 v39, v46;
	[tilespmem:v17+s18+$0x0] =	vst.idx.msk $0xffff, v11;
	v11 =	vmul.f32 $8.000000000e+00, v13  }
0x39b: {  	v17 =	vadd.s32 v37, v44;
	v13 =	vld.idx.msk [tilespmem:v59+s11+$0x0], $0xffff;
	v59 =	vmul.f32 $8.000000000e+00, v60;
	v60 =	vor.u32 v6, v55  }
0x39c: {  	v38 =	vld [tilespmem:$0x1FF50];
	[tilespmem:v3+s18+$0x0] =	vst.idx.msk $0xffff, v11;
	v2 =	vmul.f32 $8.000000000e+00, v2;
	v3 =	vadd.s32 v39, v47  }
0x39d: {  	v11 =	vor.u32 v6, v56;
	v15 =	vld.idx.msk [tilespmem:v15+s11+$0x0], $0xffff;
	v18 =	vmul.f32 $8.000000000e+00, v18;
	[tilespmem:v19+s18+$0x0] =	vst.idx.msk $0xffff, v59  }
0x39e: {  	v19 =	vadd.s32 v39, v48;
	v59 =	vld.idx.msk [tilespmem:v61+s11+$0x0], $0xffff;
	[tilespmem:v1+s18+$0x0] =	vst.idx.msk $0xffff, v2;
	v1 =	vmul.f32 $8.000000000e+00, v5  }
0x39f: {  	v2 =	vor.u32 v6, v54;
	[tilespmem:v7+s18+$0x0] =	vst.idx.msk $0xffff, v18;
	v5 =	vld.idx.msk [tilespmem:v9+s11+$0x0], $0xffff  }
0x3a0: {  	v9 =	vadd.s32 v39, v49;
	v7 =	vmul.f32 $8.000000000e+00, v13;
	v13 =	vld.idx.msk [tilespmem:v17+s11+$0x0], $0xffff;
	[tilespmem:v60+s18+$0x0] =	vst.idx.msk $0xffff, v1  }
0x3a1: {  	v58 =	vadd.s32 v24, v42;
	v1 =	vor.u32 v8, v57;
	v3 =	vld.idx.msk [tilespmem:v3+s11+$0x0], $0xffff  }
0x3a2: {  	v60 =	vadd.s32 v40, v46;
	[tilespmem:v11+s18+$0x0] =	vst.idx.msk $0xffff, v7;
	v7 =	vmul.f32 $8.000000000e+00, v15;
	v15 =	vor.u32 v12, v52  }
0x3a3: {  	v62 =	vor.u32 v8, v55;
	v19 =	vld.idx.msk [tilespmem:v19+s11+$0x0], $0xffff  }
0x3a4: {  	v17 =	vor.u32 v8, v53;
	[tilespmem:v2+s18+$0x0] =	vst.idx.msk $0xffff, v7;
	v2 =	vmul.f32 $8.000000000e+00, v5;
	v5 =	vadd.s32 v40, v47  }
0x3a5: {  	v18 =	vadd.s32 v40, v45;
	v7 =	vor.u32 v8, v56;
	v9 =	vld.idx.msk [tilespmem:v9+s11+$0x0], $0xffff;
	v13 =	vmul.f32 $8.000000000e+00, v13  }
0x3a6: {  	v58 =	vld.idx.msk [tilespmem:v58+s11+$0x0], $0xffff;
	v61 =	vadd.s32 v38, v44;
	[tilespmem:v1+s18+$0x0] =	vst.idx.msk $0xffff, v2;
	v1 =	vmul.f32 $8.000000000e+00, v3  }
0x3a7: {  	v59 =	vmul.f32 $8.000000000e+00, v59;
	v2 =	vor.u32 v8, v54;
	[tilespmem:v15+s18+$0x0] =	vst.idx.msk $0xffff, v13;
	v13 =	vld.idx.msk [tilespmem:v60+s11+$0x0], $0xffff  }
0x3a8: {  	v63 =	vadd.s32 v40, v48;
	v11 =	vor.u32 v6, v50;
	v15 =	vmul.f32 $8.000000000e+00, v19;
	[tilespmem:v62+s18+$0x0] =	vst.idx.msk $0xffff, v1  }
0x3a9: {  	[tilespmem:v17+s18+$0x0] =	vst.idx.msk $0xffff, v59;
	v1 =	vor.u32 v10, v57;
	v5 =	vld.idx.msk [tilespmem:v5+s11+$0x0], $0xffff  }
0x3aa: {  	v18 =	vld.idx.msk [tilespmem:v18+s11+$0x0], $0xffff;
	[tilespmem:v7+s18+$0x0] =	vst.idx.msk $0xffff, v15;
	v7 =	vmul.f32 $8.000000000e+00, v9  }
0x3ab: {  	v39 =	vld [tilespmem:$0x1FF70];
	v17 =	vadd.s32 v22, v42;
	v3 =	vmul.f32 $8.000000000e+00, v58;
	v19 =	vadd.s32 v40, v49  }
0x3ac: {  	v58 =	vor.u32 v10, v53;
	v60 =	vld.idx.msk [tilespmem:v61+s11+$0x0], $0xffff;
	[tilespmem:v2+s18+$0x0] =	vst.idx.msk $0xffff, v7;
	v2 =	vmul.f32 $8.000000000e+00, v13  }
0x3ad: {  	v61 =	vadd.s32 v37, v45;
	[tilespmem:v11+s18+$0x0] =	vst.idx.msk $0xffff, v3;
	v9 =	vld.idx.msk [tilespmem:v63+s11+$0x0], $0xffff  }
0x3ae: {  	v3 =	vadd.s32 v37, v46;
	[tilespmem:v1+s18+$0x0] =	vst.idx.msk $0xffff, v2;
	v1 =	vmul.f32 $8.000000000e+00, v5;
	v5 =	vld [tilespmem:$0x1FEF0]  }
0x3af: {  	v51 =	vadd.s32 v23, v41;
	v15 =	vmul.f32 $8.000000000e+00, v18;
	v18 =	vor.u32 v10, v55  }
0x3b0: {  	v59 =	vor.u32 v12, v43;
	v7 =	vadd.s32 v37, v47;
	v13 =	vor.u32 v10, v56;
	v19 =	vld.idx.msk [tilespmem:v19+s11+$0x0], $0xffff  }
0x3b1: {  	v11 =	vor.u32 v14, v52;
	v17 =	vld.idx.msk [tilespmem:v17+s11+$0x0], $0xffff;
	[tilespmem:v58+s18+$0x0] =	vst.idx.msk $0xffff, v15;
	v15 =	vadd.s32 v37, v48  }
0x3b2: {  	v62 =	vadd.s32 v39, v44;
	v52 =	vor.u32 v16, v52;
	v61 =	vld.idx.msk [tilespmem:v61+s11+$0x0], $0xffff;
	v2 =	vor.u32 v10, v54  }
0x3b3: {  	v3 =	vld.idx.msk [tilespmem:v3+s11+$0x0], $0xffff;
	v58 =	vadd.s32 v5, v41;
	v5 =	vmul.f32 $8.000000000e+00, v9;
	v9 =	vadd.s32 v37, v49  }
0x3b4: {  	v40 =	vld [tilespmem:$0x1FF90];
	v60 =	vmul.f32 $8.000000000e+00, v60;
	[tilespmem:v18+s18+$0x0] =	vst.idx.msk $0xffff, v1;
	v1 =	vor.u32 v12, v53;
	v18 =	vadd.s32 v38, v45  }
0x3b5: {  	v7 =	vld.idx.msk [tilespmem:v7+s11+$0x0], $0xffff;
	[tilespmem:v13+s18+$0x0] =	vst.idx.msk $0xffff, v5;
	v5 =	vor.u32 v12, v57;
	v13 =	vmul.f32 $8.000000000e+00, v19  }
0x3b6: {  	[tilespmem:v11+s18+$0x0] =	vst.idx.msk $0xffff, v60;
	v11 =	vadd.s32 v38, v46;
	v19 =	vor.u32 v8, v50;
	v15 =	vld.idx.msk [tilespmem:v15+s11+$0x0], $0xffff  }
0x3b7: {  	v60 =	vld.idx.msk [tilespmem:v62+s11+$0x0], $0xffff;
	v62 =	vor.u32 v12, v55;
	v61 =	vmul.f32 $8.000000000e+00, v61;
	[tilespmem:v2+s18+$0x0] =	vst.idx.msk $0xffff, v13  }
0x3b8: {  	v2 =	vmul.f32 $8.000000000e+00, v3;
	v3 =	vadd.s32 v38, v47;
	v13 =	vor.u32 v12, v56;
	v9 =	vld.idx.msk [tilespmem:v9+s11+$0x0], $0xffff  }
0x3b9: {  	v63 =	vadd.s32 v40, v45;
	v17 =	vmul.f32 $8.000000000e+00, v17;
	[tilespmem:v1+s18+$0x0] =	vst.idx.msk $0xffff, v61;
	v1 =	vadd.s32 v38, v48  }
0x3ba: {  	v18 =	vld.idx.msk [tilespmem:v18+s11+$0x0], $0xffff;
	[tilespmem:v5+s18+$0x0] =	vst.idx.msk $0xffff, v2;
	v2 =	vmul.f32 $8.000000000e+00, v7;
	v5 =	vor.u32 v12, v54  }
0x3bb: {  	[tilespmem:v19+s18+$0x0] =	vst.idx.msk $0xffff, v17;
	v7 =	vld.idx.msk [tilespmem:v11+s11+$0x0], $0xffff;
	v11 =	vmul.f32 $8.000000000e+00, v15;
	v15 =	vadd.s32 v38, v49  }
0x3bc: {  	v17 =	vmul.f32 $8.000000000e+00, v60;
	v19 =	vor.u32 v14, v53;
	v60 =	vadd.s32 v39, v45;
	[tilespmem:v62+s18+$0x0] =	vst.idx.msk $0xffff, v2  }
0x3bd: {  	v2 =	vor.u32 v14, v57;
	v3 =	vld.idx.msk [tilespmem:v3+s11+$0x0], $0xffff;
	[tilespmem:v13+s18+$0x0] =	vst.idx.msk $0xffff, v11;
	v9 =	vmul.f32 $8.000000000e+00, v9  }
0x3be: {  	v61 =	vor.u32 v14, v55;
	[tilespmem:v52+s18+$0x0] =	vst.idx.msk $0xffff, v17;
	v13 =	vadd.s32 v39, v46;
	v1 =	vld.idx.msk [tilespmem:v1+s11+$0x0], $0xffff  }
0x3bf: {  	v53 =	vor.u32 v16, v53;
	v18 =	vmul.f32 $8.000000000e+00, v18;
	v17 =	vor.u32 v10, v50;
	[tilespmem:v5+s18+$0x0] =	vst.idx.msk $0xffff, v9  }
0x3c0: {  	v9 =	vor.u32 v14, v56;
	v5 =	vmul.f32 $8.000000000e+00, v7;
	v7 =	vadd.s32 v39, v47;
	v15 =	vld.idx.msk [tilespmem:v15+s11+$0x0], $0xffff  }
0x3c1: {  	v62 =	vadd.s32 v40, v44;
	[tilespmem:v19+s18+$0x0] =	vst.idx.msk $0xffff, v18;
	v18 =	vadd.s32 v39, v48  }
0x3c2: {  	v52 =	vadd.s32 $0x30, v44;
	v19 =	vld.idx.msk [tilespmem:v60+s11+$0x0], $0xffff;
	[tilespmem:v2+s18+$0x0] =	vst.idx.msk $0xffff, v5;
	v2 =	vmul.f32 $8.000000000e+00, v3;
	v3 =	vor.u32 v14, v54  }
0x3c3: {  	v57 =	vor.u32 v16, v57;
	v11 =	vadd.s32 v21, v42;
	v13 =	vld.idx.msk [tilespmem:v13+s11+$0x0], $0xffff;
	v1 =	vmul.f32 $8.000000000e+00, v1  }
0x3c4: {  	v52 =	vshll.u32 v52, $0x7;
	v60 =	vld.idx.msk [tilespmem:v51+s11+$0x0], $0xffff;
	[tilespmem:v61+s18+$0x0] =	vst.idx.msk $0xffff, v2;
	v2 =	vadd.s32 v39, v49  }
0x3c5: {  	v5 =	vor.u32 v0, v52;
	v7 =	vld.idx.msk [tilespmem:v7+s11+$0x0], $0xffff;
	[tilespmem:v9+s18+$0x0] =	vst.idx.msk $0xffff, v1;
	v1 =	vmul.f32 $8.000000000e+00, v15  }
0x3c6: {  	v61 =	vadd.s32 v40, v46;
	v9 =	vadd.s32 v20, v44;
	v15 =	vadd.s32 $0x30, v45;
	v18 =	vld.idx.msk [tilespmem:v18+s11+$0x0], $0xffff  }
0x3c7: {  	v51 =	vshll.u32 v15, $0x7;
	v15 =	vor.u32 v16, v55;
	[tilespmem:v3+s18+$0x0] =	vst.idx.msk $0xffff, v1;
	v1 =	vld.idx.msk [tilespmem:v62+s11+$0x0], $0xffff;
	v3 =	vmul.f32 $8.000000000e+00, v19  }
0x3c8: {  	v55 =	vor.u32 v16, v56;
	v19 =	vadd.s32 v40, v47;
	v13 =	vmul.f32 $8.000000000e+00, v13  }
0x3c9: {  	v56 =	vadd.s32 v40, v48;
	[tilespmem:v53+s18+$0x0] =	vst.idx.msk $0xffff, v3;
	v3 =	vor.u32 v0, v51;
	v2 =	vld.idx.msk [tilespmem:v2+s11+$0x0], $0xffff  }
0x3ca: {  	v53 =	vadd.s32 $0x30, v46;
	v62 =	vld.idx.msk [tilespmem:v63+s11+$0x0], $0xffff;
	[tilespmem:v57+s18+$0x0] =	vst.idx.msk $0xffff, v13;
	v13 =	vadd.s32 v20, v45;
	v7 =	vmul.f32 $8.000000000e+00, v7  }
0x3cb: {  	v53 =	vshll.u32 v53, $0x7;
	v57 =	vld.idx.msk [tilespmem:v61+s11+$0x0], $0xffff;
	v18 =	vmul.f32 $8.000000000e+00, v18;
	v61 =	vor.u32 v16, v54  }
0x3cc: {  	v11 =	vld.idx.msk [tilespmem:v11+s11+$0x0], $0xffff;
	v54 =	vadd.s32 $0x30, v47;
	v1 =	vmul.f32 $8.000000000e+00, v1;
	[tilespmem:v15+s18+$0x0] =	vst.idx.msk $0xffff, v7;
	v15 =	vadd.s32 v40, v49  }
0x3cd: {  	v60 =	vmul.f32 $8.000000000e+00, v60;
	v7 =	vor.u32 v0, v53;
	v54 =	vshll.u32 v54, $0x7;
	[tilespmem:v55+s18+$0x0] =	vst.idx.msk $0xffff, v18;
	v19 =	vld.idx.msk [tilespmem:v19+s11+$0x0], $0xffff  }
0x3ce: {  	v18 =	vadd.s32 v20, v46;
	[tilespmem:v5+s18+$0x0] =	vst.idx.msk $0xffff, v1;
	v1 =	vadd.s32 $0x30, v48;
	v5 =	vld.idx.msk [tilespmem:v56+s11+$0x0], $0xffff;
	v2 =	vmul.f32 $8.000000000e+00, v2  }
0x3cf: {  	[tilespmem:v59+s18+$0x0] =	vst.idx.msk $0xffff, v60;
	v59 =	vor.u32 v0, v54;
	v9 =	vld.idx.msk [tilespmem:v9+s11+$0x0], $0xffff;
	v56 =	vmul.f32 $8.000000000e+00, v62;
	v55 =	vshll.u32 v1, $0x7  }
0x3d0: {  	v1 =	vmul.f32 $8.000000000e+00, v57;
	v57 =	vadd.s32 v20, v47;
	[tilespmem:v61+s18+$0x0] =	vst.idx.msk $0xffff, v2;
	v2 =	vor.u32 v0, v55  }
0x3d1: {  	v11 =	vmul.f32 $8.000000000e+00, v11;
	[tilespmem:v3+s18+$0x0] =	vst.idx.msk $0xffff, v56;
	v3 =	vadd.s32 v20, v48;
	v56 =	vadd.s32 $0x30, v49;
	v15 =	vld.idx.msk [tilespmem:v15+s11+$0x0], $0xffff  }
0x3d2: {  	v60 =	vor.u32 v4, v52;
	v13 =	vld.idx.msk [tilespmem:v13+s11+$0x0], $0xffff;
	[tilespmem:v7+s18+$0x0] =	vst.idx.msk $0xffff, v1;
	v1 =	vmul.f32 $8.000000000e+00, v19;
	v56 =	vshll.u32 v56, $0x7  }
0x3d3: {  	v7 =	vadd.s32 v24, v44;
	v18 =	vld.idx.msk [tilespmem:v18+s11+$0x0], $0xffff;
	v5 =	vmul.f32 $8.000000000e+00, v5;
	v19 =	vor.u32 v0, v56  }
0x3d4: {  	v9 =	vmul.f32 $8.000000000e+00, v9;
	[tilespmem:v59+s18+$0x0] =	vst.idx.msk $0xffff, v1;
	v1 =	vor.u32 v4, v51;
	v59 =	vadd.s32 v20, v49  }
0x3d5: {  	[tilespmem:v2+s18+$0x0] =	vst.idx.msk $0xffff, v5;
	v2 =	vadd.s32 v24, v45;
	v5 =	vor.u32 v4, v53;
	v57 =	vld.idx.msk [tilespmem:v57+s11+$0x0], $0xffff  }
0x3d6: {  	[tilespmem:v17+s18+$0x0] =	vst.idx.msk $0xffff, v11;
	v11 =	vadd.s32 v24, v46;
	v3 =	vld.idx.msk [tilespmem:v3+s11+$0x0], $0xffff;
	v15 =	vmul.f32 $8.000000000e+00, v15  }
0x3d7: {  	v17 =	vld.idx.msk [tilespmem:v58+s11+$0x0], $0xffff;
	[tilespmem:v60+s18+$0x0] =	vst.idx.msk $0xffff, v9;
	v9 =	vmul.f32 $8.000000000e+00, v13;
	v13 =	vor.u32 v4, v54  }
0x3d8: {  	v58 =	vor.u32 v4, v55;
	v7 =	vld.idx.msk [tilespmem:v7+s11+$0x0], $0xffff;
	v18 =	vmul.f32 $8.000000000e+00, v18;
	[tilespmem:v19+s18+$0x0] =	vst.idx.msk $0xffff, v15  }
0x3d9: {  	v15 =	vor.u32 v6, v52;
	[tilespmem:v1+s18+$0x0] =	vst.idx.msk $0xffff, v9;
	v1 =	vadd.s32 v24, v47;
	v9 =	vld.idx.msk [tilespmem:v59+s11+$0x0], $0xffff  }
0x3da: {  	v2 =	vld.idx.msk [tilespmem:v2+s11+$0x0], $0xffff;
	[tilespmem:v5+s18+$0x0] =	vst.idx.msk $0xffff, v18;
	v5 =	vmul.f32 $8.000000000e+00, v57;
	v18 =	vadd.s32 v24, v48  }
0x3db: {  	v19 =	vadd.s32 v22, v44;
	v57 =	vor.u32 v4, v56;
	v11 =	vld.idx.msk [tilespmem:v11+s11+$0x0], $0xffff;
	v3 =	vmul.f32 $8.000000000e+00, v3  }
0x3dc: {  	v59 =	vor.u32 v6, v51;
	[tilespmem:v13+s18+$0x0] =	vst.idx.msk $0xffff, v5;
	v5 =	vadd.s32 v24, v49  }
0x3dd: {  	v60 =	vor.u32 v6, v53;
	v13 =	vadd.s32 v23, v42;
	v7 =	vmul.f32 $8.000000000e+00, v7;
	[tilespmem:v58+s18+$0x0] =	vst.idx.msk $0xffff, v3  }
0x3de: {  	v3 =	vor.u32 v14, v43;
	v58 =	vadd.s32 v22, v45;
	v1 =	vld.idx.msk [tilespmem:v1+s11+$0x0], $0xffff;
	v9 =	vmul.f32 $8.000000000e+00, v9  }
0x3df: {  	[tilespmem:v15+s18+$0x0] =	vst.idx.msk $0xffff, v7;
	v7 =	vadd.s32 v22, v46;
	v2 =	vmul.f32 $8.000000000e+00, v2;
	v15 =	vld.idx.msk [tilespmem:v18+s11+$0x0], $0xffff  }
0x3e0: {  	v17 =	vmul.f32 $8.000000000e+00, v17;
	v18 =	vld.idx.msk [tilespmem:v19+s11+$0x0], $0xffff;
	v19 =	vor.u32 v6, v54;
	v11 =	vmul.f32 $8.000000000e+00, v11;
	[tilespmem:v57+s18+$0x0] =	vst.idx.msk $0xffff, v9  }
0x3e1: {  	v9 =	vor.u32 v6, v55;
	[tilespmem:v59+s18+$0x0] =	vst.idx.msk $0xffff, v2;
	v2 =	vadd.s32 v22, v47;
	v5 =	vld.idx.msk [tilespmem:v5+s11+$0x0], $0xffff  }
0x3e2: {  	v57 =	vor.u32 v8, v52;
	v13 =	vld.idx.msk [tilespmem:v13+s11+$0x0], $0xffff;
	[tilespmem:v60+s18+$0x0] =	vst.idx.msk $0xffff, v11;
	v11 =	vadd.s32 v22, v48  }
0x3e3: {  	v59 =	vadd.s32 v21, v44;
	v58 =	vld.idx.msk [tilespmem:v58+s11+$0x0], $0xffff;
	v60 =	vor.u32 v6, v56;
	v1 =	vmul.f32 $8.000000000e+00, v1  }
0x3e4: {  	[tilespmem:v3+s18+$0x0] =	vst.idx.msk $0xffff, v17;
	v3 =	vld.idx.msk [tilespmem:v7+s11+$0x0], $0xffff;
	v7 =	vmul.f32 $8.000000000e+00, v15;
	v15 =	vadd.s32 v22, v49  }
0x3e5: {  	v17 =	vmul.f32 $8.000000000e+00, v18;
	v18 =	vadd.s32 v21, v45;
	[tilespmem:v19+s18+$0x0] =	vst.idx.msk $0xffff, v1;
	v1 =	vor.u32 v8, v51  }
0x3e6: {  	[tilespmem:v9+s18+$0x0] =	vst.idx.msk $0xffff, v7;
	v7 =	vor.u32 v8, v53;
	v2 =	vld.idx.msk [tilespmem:v2+s11+$0x0], $0xffff;
	v5 =	vmul.f32 $8.000000000e+00, v5  }
0x3e7: {  	v9 =	vor.u32 v12, v50;
	[tilespmem:v57+s18+$0x0] =	vst.idx.msk $0xffff, v17;
	v17 =	vadd.s32 v21, v46;
	v11 =	vld.idx.msk [tilespmem:v11+s11+$0x0], $0xffff  }
0x3e8: {  	v19 =	vld.idx.msk [tilespmem:v59+s11+$0x0], $0xffff;
	v57 =	vmul.f32 $8.000000000e+00, v58;
	v58 =	vor.u32 v8, v54;
	[tilespmem:v60+s18+$0x0] =	vst.idx.msk $0xffff, v5  }
0x3e9: {  	v59 =	vor.u32 v8, v55;
	v3 =	vmul.f32 $8.000000000e+00, v3;
	v5 =	vadd.s32 v21, v47;
	v15 =	vld.idx.msk [tilespmem:v15+s11+$0x0], $0xffff  }
0x3ea: {  	v13 =	vmul.f32 $8.000000000e+00, v13;
	v60 =	vld [tilespmem:$0x1FEF0];
	[tilespmem:v1+s18+$0x0] =	vst.idx.msk $0xffff, v57;
	v1 =	vor.u32 v10, v52;
	v57 =	vadd.s32 v21, v48  }
0x3eb: {  	[tilespmem:v7+s18+$0x0] =	vst.idx.msk $0xffff, v3;
	v3 =	vld.idx.msk [tilespmem:v18+s11+$0x0], $0xffff;
	v2 =	vmul.f32 $8.000000000e+00, v2;
	v7 =	vor.u32 v8, v56  }
0x3ec: {  	[tilespmem:v9+s18+$0x0] =	vst.idx.msk $0xffff, v13;
	v13 =	vadd.s32 v21, v49;
	v9 =	vld.idx.msk [tilespmem:v17+s11+$0x0], $0xffff;
	v11 =	vmul.f32 $8.000000000e+00, v11  }
0x3ed: {  	v18 =	vadd.s32 v23, v44;
	v17 =	vmul.f32 $8.000000000e+00, v19;
	[tilespmem:v58+s18+$0x0] =	vst.idx.msk $0xffff, v2;
	v2 =	vor.u32 v10, v51  }
0x3ee: {  	v19 =	vor.u32 v10, v53;
	v5 =	vld.idx.msk [tilespmem:v5+s11+$0x0], $0xffff;
	[tilespmem:v59+s18+$0x0] =	vst.idx.msk $0xffff, v11;
	v11 =	vmul.f32 $8.000000000e+00, v15  }
0x3ef: {  	[tilespmem:v1+s18+$0x0] =	vst.idx.msk $0xffff, v17;
	v1 =	vadd.s32 v23, v45;
	v15 =	vld.idx.msk [tilespmem:v57+s11+$0x0], $0xffff  }
0x3f0: {  	v17 =	vadd.s32 v60, v42;
	v57 =	vor.u32 v10, v54;
	v3 =	vmul.f32 $8.000000000e+00, v3;
	[tilespmem:v7+s18+$0x0] =	vst.idx.msk $0xffff, v11  }
0x3f1: {  	v11 =	vor.u32 v10, v55;
	v7 =	vmul.f32 $8.000000000e+00, v9;
	v9 =	vadd.s32 v23, v46;
	v13 =	vld.idx.msk [tilespmem:v13+s11+$0x0], $0xffff  }
0x3f2: {  	v18 =	vld.idx.msk [tilespmem:v18+s11+$0x0], $0xffff;
	[tilespmem:v2+s18+$0x0] =	vst.idx.msk $0xffff, v3;
	v2 =	vadd.s32 v23, v47  }
0x3f3: {  	v59 =	vld [tilespmem:$0x1FEE0];
	[tilespmem:v19+s18+$0x0] =	vst.idx.msk $0xffff, v7;
	v3 =	vmul.f32 $8.000000000e+00, v5;
	v5 =	vadd.s32 v23, v48;
	v7 =	vor.u32 v10, v56  }
0x3f4: {  	v58 =	vadd.s32 v23, v49;
	v19 =	vor.u32 v12, v52;
	v1 =	vld.idx.msk [tilespmem:v1+s11+$0x0], $0xffff;
	v15 =	vmul.f32 $8.000000000e+00, v15  }
0x3f5: {  	v17 =	vld.idx.msk [tilespmem:v17+s11+$0x0], $0xffff;
	[tilespmem:v57+s18+$0x0] =	vst.idx.msk $0xffff, v3;
	v3 =	vadd.s32 v60, v44  }
0x3f6: {  	v57 =	vor.u32 v12, v51;
	v9 =	vld.idx.msk [tilespmem:v9+s11+$0x0], $0xffff;
	[tilespmem:v11+s18+$0x0] =	vst.idx.msk $0xffff, v15;
	v11 =	vmul.f32 $8.000000000e+00, v13  }
0x3f7: {  	v13 =	vor.u32 v14, v50;
	v15 =	vmul.f32 $8.000000000e+00, v18;
	v18 =	vadd.s32 v60, v45;
	v2 =	vld.idx.msk [tilespmem:v2+s11+$0x0], $0xffff  }
0x3f8: {  	[tilespmem:v7+s18+$0x0] =	vst.idx.msk $0xffff, v11;
	v7 =	vor.u32 v12, v53;
	v5 =	vld.idx.msk [tilespmem:v5+s11+$0x0], $0xffff  }
0x3f9: {  	[tilespmem:v19+s18+$0x0] =	vst.idx.msk $0xffff, v15;
	v11 =	vor.u32 v12, v54;
	v1 =	vmul.f32 $8.000000000e+00, v1;
	v15 =	vld.idx.msk [tilespmem:v58+s11+$0x0], $0xffff  }
0x3fa: {  	v19 =	vadd.s32 v60, v46;
	v17 =	vmul.f32 $8.000000000e+00, v17;
	v58 =	vor.u32 v12, v55;
	v3 =	vld.idx.msk [tilespmem:v3+s11+$0x0], $0xffff  }
0x3fb: {  	[tilespmem:v57+s18+$0x0] =	vst.idx.msk $0xffff, v1;
	v1 =	vmul.f32 $8.000000000e+00, v9;
	v9 =	vadd.s32 v60, v47;
	v57 =	vor.u32 v12, v56  }
0x3fc: {  	[tilespmem:v13+s18+$0x0] =	vst.idx.msk $0xffff, v17;
	v17 =	vadd.s32 v60, v48;
	v13 =	vld.idx.msk [tilespmem:v18+s11+$0x0], $0xffff;
	v2 =	vmul.f32 $8.000000000e+00, v2  }
0x3fd: {  	[tilespmem:v7+s18+$0x0] =	vst.idx.msk $0xffff, v1;
	v1 =	vor.u32 v14, v52;
	v5 =	vmul.f32 $8.000000000e+00, v5;
	v7 =	vadd.s32 v60, v49  }
0x3fe: {  	[tilespmem:v11+s18+$0x0] =	vst.idx.msk $0xffff, v2;
	v2 =	vadd.s32 v59, v41;
	v11 =	vor.u32 v14, v51;
	v15 =	vmul.f32 $8.000000000e+00, v15  }
0x3ff: {  	v18 =	vld.idx.msk [tilespmem:v19+s11+$0x0], $0xffff;
	[tilespmem:v58+s18+$0x0] =	vst.idx.msk $0xffff, v5;
	v5 =	vadd.s32 v59, v42  }
0x400: {  	v3 =	vmul.f32 $8.000000000e+00, v3;
	[tilespmem:v57+s18+$0x0] =	vst.idx.msk $0xffff, v15;
	v15 =	vadd.s32 v59, v44;
	v9 =	vld.idx.msk [tilespmem:v9+s11+$0x0], $0xffff  }
0x401: {  	v19 =	vadd.s32 v59, v45;
	v41 =	vor.u32 v14, v53;
	v17 =	vld.idx.msk [tilespmem:v17+s11+$0x0], $0xffff;
	v13 =	vmul.f32 $8.000000000e+00, v13  }
0x402: {  	[tilespmem:v1+s18+$0x0] =	vst.idx.msk $0xffff, v3;
	v1 =	vadd.s32 v59, v46;
	v3 =	vor.u32 v14, v54;
	v7 =	vld.idx.msk [tilespmem:v7+s11+$0x0], $0xffff  }
0x403: {  	v2 =	vld.idx.msk [tilespmem:v2+s11+$0x0], $0xffff;
	[tilespmem:v11+s18+$0x0] =	vst.idx.msk $0xffff, v13;
	v11 =	vadd.s32 v59, v47;
	v13 =	vor.u32 v14, v55  }
0x404: {  	v42 =	vadd.s32 v59, v48;
	v44 =	vor.u32 v14, v56;
	v18 =	vmul.f32 $8.000000000e+00, v18;
	v5 =	vld.idx.msk [tilespmem:v5+s11+$0x0], $0xffff  }
0x405: {  	v43 =	vor.u32 v16, v43;
	v60 =	vadd.s32 v59, v49;
	v15 =	vld.idx.msk [tilespmem:v15+s11+$0x0], $0xffff;
	v9 =	vmul.f32 $8.000000000e+00, v9  }
0x406: {  	v19 =	vld.idx.msk [tilespmem:v19+s11+$0x0], $0xffff;
	[tilespmem:v41+s18+$0x0] =	vst.idx.msk $0xffff, v18;
	v18 =	vor.u32 v16, v50;
	v17 =	vmul.f32 $8.000000000e+00, v17  }
0x407: {  	[tilespmem:v3+s18+$0x0] =	vst.idx.msk $0xffff, v9;
	v3 =	vor.u32 v16, v52;
	v1 =	vld.idx.msk [tilespmem:v1+s11+$0x0], $0xffff;
	v7 =	vmul.f32 $8.000000000e+00, v7  }
0x408: {  	v9 =	vor.u32 v16, v51;
	[tilespmem:v13+s18+$0x0] =	vst.idx.msk $0xffff, v17;
	v2 =	vmul.f32 $8.000000000e+00, v2;
	v11 =	vld.idx.msk [tilespmem:v11+s11+$0x0], $0xffff  }
0x409: {  	[tilespmem:v44+s18+$0x0] =	vst.idx.msk $0xffff, v7;
	v5 =	vmul.f32 $8.000000000e+00, v5;
	v7 =	vor.u32 v16, v53;
	v13 =	vld.idx.msk [tilespmem:v42+s11+$0x0], $0xffff  }
0x40a: {  	[tilespmem:v43+s18+$0x0] =	vst.idx.msk $0xffff, v2;
	v2 =	vmul.f32 $8.000000000e+00, v15;
	v15 =	vor.u32 v16, v54;
	v17 =	vld.idx.msk [tilespmem:v60+s11+$0x0], $0xffff  }
0x40b: {  	[tilespmem:v18+s18+$0x0] =	vst.idx.msk $0xffff, v5;
	v5 =	vmul.f32 $8.000000000e+00, v19;
	v18 =	vor.u32 v16, v55  }
0x40c: {  	p2 =	por p1, p1;
	v63 =	vld [tilespmem:$0x1FEB0];
	[tilespmem:v3+s18+$0x0] =	vst.idx.msk $0xffff, v2;
	v1 =	vmul.f32 $8.000000000e+00, v1;
	v2 =	vor.u32 v16, v56  }
.Ltmp3:
0x40d: {  	v62 =	vld [tilespmem:$0x1FED0];
	[tilespmem:v9+s18+$0x0] =	vst.idx.msk $0xffff, v5;
	v3 =	vmul.f32 $8.000000000e+00, v11;
	(pc) =	sbr.rel @p2 .LBB2_5-.Ltmp3, $4  }
0x40e: {  	v61 =	vld [tilespmem:$0x1FEC0];
	[tilespmem:v7+s18+$0x0] =	vst.idx.msk $0xffff, v1;
	v1 =	vmul.f32 $8.000000000e+00, v13  }
0x40f: {  	v49 =	vmov v31;
	v58 =	vmov v36;
	v53 =	vld [tilespmem:$0x1FEA0];
	[tilespmem:v15+s18+$0x0] =	vst.idx.msk $0xffff, v3;
	v3 =	vmul.f32 $8.000000000e+00, v17  }
0x410: {  	v57 =	vmovc v35;
	v46 =	vmovc v30;
	v52 =	vmov v29;
	v51 =	vmov v28;
	v54 =	vmov v32;
	v19 =	vld [tilespmem:$0x1FF10];
	[tilespmem:v18+s18+$0x0] =	vst.idx.msk $0xffff, v1  }
0x411: {  	p1 =	por $0x0, $0x0;
	s6 =	simm.s32 $0x8;
	v55 =	vmovc v33;
	v56 =	vmovc v34;
	v13 =	vmov v26;
	v15 =	vmov v25;
	v17 =	vmov v27;
	v18 =	vld [tilespmem:$0x1FF00];
	[tilespmem:v2+s18+$0x0] =	vst.idx.msk $0xffff, v3  }
0x412: {  	s0 =	sshll.u32 s0, $0xA;
	s6 =	sshll.u32 s3, $0xF  }
0x413: {  	s7 =	sshll.u32 s3, $0x12;
	s0 =	ssub.s32 s0, s6  }
0x414: {  	s0 =	sadd.s32 s7, s0  }
0x415: {  	s31 =	sor.u32 $0x3, s31;
	s0 =	sshrl.u32 s0, $0x3  }
0x416: {  	s8 =	sshll.u32 s31, $0x7;
	s0 =	sadd.s32 s2, s0  }
0x417: {  	[hbm4b:s0+s14] =	stream.strided.scatter [tilespmem:s18], [sflag:$0x6], $0x2000, s15, s14, $0x38;
	[tilespmem:$0x1E400] =	vst v63  }
0x418: {  	s0 =	sand.u32 $0x3FFFFF80, s8  }
0x419: {  	[tilespmem:s19], [sflag:$0x4] =	stream.indirect.gather [hbm4b:s4+s9], $0x80, s0, s9, $0xb8;
	[tilespmem:$0x1E400] =	vst v63  }
0x41a: {  	_ =	swait.ge [sflag:s20], $0x4000  }
0x41b: {  	[sflag:s20] =	ssyncset.done $0x0  }
0x41c: {  	s3 =	simm.s32 @!p0 $0x7;
	[sflag:s20] =	ssyncadd.s32 $0xFFFFC000  }
0x41d: {  	_ =	swait.ge @!p0 [sflag:s3], $0x2000  }
0x41e: {  	v43 =	vmov v17;
	v17 =	vld [tilespmem:$0x1FF20]  }
0x41f: {  	v47 =	vld [tilespmem:$0x1FF40]  }
0x420: {  	p1 =	por $0x1, $0x1;
	v42 =	vmov v13;
	s0 =	sadd.s32 s5, s1;
	[sflag:s3] =	ssyncset.done @!p0 $0x0;
	v48 =	vld [tilespmem:$0x1FF60]  }
0x421: {  	v44 =	vmovc v15;
	v15 =	vmovc v51;
	v45 =	vmov v52;
	v52 =	vmov v22;
	v51 =	vmov v20;
	s1 =	sshrl.u32 s0, $0x5;
	v50 =	vld [tilespmem:$0x1FF80];
	[sflag:s3] =	ssyncadd.s32 @!p0 $0xFFFFE000;
	s3 =	simm.s32 $0x0  }
.LBB2_7:
0x422: {  	s6 =	ssub.s32 $0x10, s3  }
0x423: {  	v1 =	vmov s6  }
0x424: {  	vm0 =	vgt.u32 v1, v0  }
0x425: {  	v1 =	vsel vm0, v0, v63  }
0x426: {  	v41 =	vadd.s32 s3, v1  }
0x427: {  	v1 =	vadd.s32 v53, v41;
	_ =	sdelay $0x4  }
0x428: {  	v1 =	vld.idx.msk [tilespmem:v1+s16+$0x0], $0xffff  }
0x429: {  	v2 =	vshll.u32 v41, $0x7  }
0x42a: {  	v3 =	vor.u32 v0, v2  }
0x42b: {  	v5 =	vadd.s32 v61, v41;
	_ =	sdelay $0x1  }
0x42c: {  	v1 =	vmul.f32 $8.000000000e+00, v1;
	_ =	sdelay $0x1  }
0x42d: {  	[tilespmem:v3+s21+$0x0] =	vst.idx.msk $0xffff, v1  }
0x42e: {  	v1 =	vld.idx.msk [tilespmem:v5+s16+$0x0], $0xffff;
	_ =	sdelay $0x1  }
0x42f: {  	v3 =	vor.u32 v4, v2  }
0x430: {  	v5 =	vadd.s32 v62, v41;
	_ =	sdelay $0x1  }
0x431: {  	v1 =	vmul.f32 $8.000000000e+00, v1;
	_ =	sdelay $0x1  }
0x432: {  	[tilespmem:v3+s21+$0x0] =	vst.idx.msk $0xffff, v1  }
0x433: {  	v1 =	vld.idx.msk [tilespmem:v5+s16+$0x0], $0xffff;
	_ =	sdelay $0x1  }
0x434: {  	v3 =	vor.u32 v6, v2  }
0x435: {  	v5 =	vadd.s32 v19, v41;
	_ =	sdelay $0x1  }
0x436: {  	v1 =	vmul.f32 $8.000000000e+00, v1;
	_ =	sdelay $0x1  }
0x437: {  	[tilespmem:v3+s21+$0x0] =	vst.idx.msk $0xffff, v1  }
0x438: {  	v1 =	vld.idx.msk [tilespmem:v5+s16+$0x0], $0xffff;
	_ =	sdelay $0x1  }
0x439: {  	v3 =	vor.u32 v8, v2  }
0x43a: {  	v5 =	vadd.s32 v18, v41;
	_ =	sdelay $0x1  }
0x43b: {  	v1 =	vmul.f32 $8.000000000e+00, v1;
	_ =	sdelay $0x1  }
0x43c: {  	[tilespmem:v3+s21+$0x0] =	vst.idx.msk $0xffff, v1  }
0x43d: {  	v1 =	vld.idx.msk [tilespmem:v5+s16+$0x0], $0xffff;
	_ =	sdelay $0x1  }
0x43e: {  	v3 =	vor.u32 v10, v2;
	_ =	sdelay $0x1  }
0x43f: {  	v5 =	vadd.s32 v46, v41  }
0x440: {  	v1 =	vmul.f32 $8.000000000e+00, v1  }
0x441: {  	s7 =	sxor.u32 $0xF, s3  }
0x442: {  	[tilespmem:v3+s21+$0x0] =	vst.idx.msk $0xffff, v1;
	v3 =	vmov s7  }
0x443: {  	vm9 =	vgt.u32 v3, v0  }
0x444: {  	s8 =	sor.u32 $0x1, s3;
	v1 =	vld.idx.msk [tilespmem:v5+s16+$0x0], $0xffff;
	v5 =	vsel vm9, v0, v63  }
0x445: {  	v25 =	vmov v42;
	v7 =	vadd.s32 v42, v41;
	v42 =	vadd.s32 s8, v5  }
0x446: {  	v3 =	vor.u32 v12, v2;
	v5 =	vadd.s32 v53, v42;
	_ =	sdelay $0x2  }
0x447: {  	v1 =	vmul.f32 $8.000000000e+00, v1;
	_ =	sdelay $0x1  }
0x448: {  	[tilespmem:v3+s21+$0x0] =	vst.idx.msk $0xffff, v1;
	v3 =	vld.idx.msk [tilespmem:v5+s16+$0x0], $0xffff  }
0x449: {  	v5 =	vshll.u32 v42, $0x7  }
0x44a: {  	v1 =	vld.idx.msk [tilespmem:v7+s16+$0x0], $0xffff;
	v7 =	vor.u32 v0, v5  }
0x44b: {  	v9 =	vadd.s32 v61, v42;
	_ =	sdelay $0x1  }
0x44c: {  	v3 =	vmul.f32 $8.000000000e+00, v3;
	_ =	sdelay $0x1  }
0x44d: {  	[tilespmem:v7+s21+$0x0] =	vst.idx.msk $0xffff, v3  }
0x44e: {  	v3 =	vor.u32 v14, v2;
	v7 =	vld.idx.msk [tilespmem:v9+s16+$0x0], $0xffff  }
0x44f: {  	v9 =	vadd.s32 v49, v41  }
0x450: {  	v11 =	vor.u32 v4, v5  }
0x451: {  	v13 =	vadd.s32 v62, v42;
	v1 =	vmul.f32 $8.000000000e+00, v1;
	_ =	sdelay $0x1  }
0x452: {  	[tilespmem:v3+s21+$0x0] =	vst.idx.msk $0xffff, v1;
	v1 =	vmul.f32 $8.000000000e+00, v7  }
0x453: {  	v3 =	vld.idx.msk [tilespmem:v9+s16+$0x0], $0xffff  }
0x454: {  	[tilespmem:v11+s21+$0x0] =	vst.idx.msk $0xffff, v1  }
0x455: {  	v1 =	vor.u32 v16, v2;
	v2 =	vld.idx.msk [tilespmem:v13+s16+$0x0], $0xffff  }
0x456: {  	v7 =	vadd.s32 v43, v41  }
0x457: {  	v9 =	vor.u32 v6, v5  }
0x458: {  	v11 =	vadd.s32 v19, v42;
	v3 =	vmul.f32 $8.000000000e+00, v3;
	_ =	sdelay $0x1  }
0x459: {  	[tilespmem:v1+s21+$0x0] =	vst.idx.msk $0xffff, v3;
	v1 =	vmul.f32 $8.000000000e+00, v2  }
0x45a: {  	v2 =	vadd.s32 $0x10, v41;
	v3 =	vld.idx.msk [tilespmem:v7+s16+$0x0], $0xffff  }
0x45b: {  	v2 =	vshll.u32 v2, $0x7;
	[tilespmem:v9+s21+$0x0] =	vst.idx.msk $0xffff, v1  }
0x45c: {  	v1 =	vor.u32 v0, v2;
	v7 =	vld.idx.msk [tilespmem:v11+s16+$0x0], $0xffff  }
0x45d: {  	v9 =	vadd.s32 v44, v41  }
0x45e: {  	v11 =	vor.u32 v8, v5  }
0x45f: {  	v13 =	vadd.s32 v18, v42;
	v3 =	vmul.f32 $8.000000000e+00, v3;
	_ =	sdelay $0x1  }
0x460: {  	[tilespmem:v1+s21+$0x0] =	vst.idx.msk $0xffff, v3;
	v1 =	vmul.f32 $8.000000000e+00, v7  }
0x461: {  	v3 =	vld.idx.msk [tilespmem:v9+s16+$0x0], $0xffff  }
0x462: {  	[tilespmem:v11+s21+$0x0] =	vst.idx.msk $0xffff, v1  }
0x463: {  	v1 =	vor.u32 v4, v2;
	v7 =	vld.idx.msk [tilespmem:v13+s16+$0x0], $0xffff  }
0x464: {  	v9 =	vadd.s32 v15, v41  }
0x465: {  	v11 =	vor.u32 v10, v5  }
0x466: {  	v13 =	vadd.s32 v46, v42;
	v3 =	vmul.f32 $8.000000000e+00, v3;
	_ =	sdelay $0x1  }
0x467: {  	[tilespmem:v1+s21+$0x0] =	vst.idx.msk $0xffff, v3;
	v1 =	vmul.f32 $8.000000000e+00, v7  }
0x468: {  	v3 =	vld.idx.msk [tilespmem:v9+s16+$0x0], $0xffff  }
0x469: {  	[tilespmem:v11+s21+$0x0] =	vst.idx.msk $0xffff, v1  }
0x46a: {  	v1 =	vor.u32 v6, v2;
	v7 =	vld.idx.msk [tilespmem:v13+s16+$0x0], $0xffff  }
0x46b: {  	v9 =	vadd.s32 v45, v41  }
0x46c: {  	v11 =	vor.u32 v12, v5  }
0x46d: {  	v13 =	vadd.s32 v25, v42;
	v3 =	vmul.f32 $8.000000000e+00, v3;
	_ =	sdelay $0x1  }
0x46e: {  	[tilespmem:v1+s21+$0x0] =	vst.idx.msk $0xffff, v3;
	v1 =	vmul.f32 $8.000000000e+00, v7  }
0x46f: {  	v3 =	vld.idx.msk [tilespmem:v9+s16+$0x0], $0xffff  }
0x470: {  	[tilespmem:v11+s21+$0x0] =	vst.idx.msk $0xffff, v1  }
0x471: {  	v1 =	vor.u32 v8, v2;
	v7 =	vld.idx.msk [tilespmem:v13+s16+$0x0], $0xffff  }
0x472: {  	v9 =	vadd.s32 v54, v41  }
0x473: {  	v11 =	vor.u32 v14, v5  }
0x474: {  	v13 =	vadd.s32 v49, v42;
	v3 =	vmul.f32 $8.000000000e+00, v3;
	_ =	sdelay $0x1  }
0x475: {  	[tilespmem:v1+s21+$0x0] =	vst.idx.msk $0xffff, v3;
	v1 =	vmul.f32 $8.000000000e+00, v7  }
0x476: {  	v3 =	vld.idx.msk [tilespmem:v9+s16+$0x0], $0xffff  }
0x477: {  	[tilespmem:v11+s21+$0x0] =	vst.idx.msk $0xffff, v1  }
0x478: {  	v1 =	vor.u32 v10, v2;
	v7 =	vld.idx.msk [tilespmem:v13+s16+$0x0], $0xffff  }
0x479: {  	v9 =	vadd.s32 v55, v41  }
0x47a: {  	v5 =	vor.u32 v16, v5  }
0x47b: {  	v11 =	vadd.s32 v43, v42;
	v3 =	vmul.f32 $8.000000000e+00, v3;
	_ =	sdelay $0x1  }
0x47c: {  	[tilespmem:v1+s21+$0x0] =	vst.idx.msk $0xffff, v3;
	v1 =	vmul.f32 $8.000000000e+00, v7  }
0x47d: {  	v3 =	vld.idx.msk [tilespmem:v9+s16+$0x0], $0xffff  }
0x47e: {  	[tilespmem:v5+s21+$0x0] =	vst.idx.msk $0xffff, v1  }
0x47f: {  	v1 =	vor.u32 v12, v2;
	v5 =	vadd.s32 $0x10, v42;
	v7 =	vld.idx.msk [tilespmem:v11+s16+$0x0], $0xffff  }
0x480: {  	v9 =	vadd.s32 v56, v41;
	v5 =	vshll.u32 v5, $0x7  }
0x481: {  	v11 =	vor.u32 v0, v5  }
0x482: {  	v13 =	vadd.s32 v44, v42;
	v3 =	vmul.f32 $8.000000000e+00, v3;
	_ =	sdelay $0x1  }
0x483: {  	[tilespmem:v1+s21+$0x0] =	vst.idx.msk $0xffff, v3;
	v1 =	vmul.f32 $8.000000000e+00, v7  }
0x484: {  	v3 =	vld.idx.msk [tilespmem:v9+s16+$0x0], $0xffff  }
0x485: {  	[tilespmem:v11+s21+$0x0] =	vst.idx.msk $0xffff, v1  }
0x486: {  	v1 =	vor.u32 v14, v2;
	v7 =	vld.idx.msk [tilespmem:v13+s16+$0x0], $0xffff  }
0x487: {  	v9 =	vadd.s32 v57, v41  }
0x488: {  	v11 =	vor.u32 v4, v5  }
0x489: {  	v13 =	vadd.s32 v15, v42;
	v3 =	vmul.f32 $8.000000000e+00, v3;
	_ =	sdelay $0x1  }
0x48a: {  	[tilespmem:v1+s21+$0x0] =	vst.idx.msk $0xffff, v3;
	v1 =	vmul.f32 $8.000000000e+00, v7  }
0x48b: {  	v3 =	vld.idx.msk [tilespmem:v9+s16+$0x0], $0xffff  }
0x48c: {  	[tilespmem:v11+s21+$0x0] =	vst.idx.msk $0xffff, v1  }
0x48d: {  	v1 =	vor.u32 v16, v2;
	v2 =	vld.idx.msk [tilespmem:v13+s16+$0x0], $0xffff  }
0x48e: {  	v7 =	vadd.s32 v58, v41  }
0x48f: {  	v9 =	vor.u32 v6, v5  }
0x490: {  	v11 =	vadd.s32 v45, v42;
	v3 =	vmul.f32 $8.000000000e+00, v3;
	_ =	sdelay $0x1  }
0x491: {  	[tilespmem:v1+s21+$0x0] =	vst.idx.msk $0xffff, v3;
	v1 =	vmul.f32 $8.000000000e+00, v2  }
0x492: {  	v2 =	vadd.s32 $0x20, v41;
	v3 =	vld.idx.msk [tilespmem:v7+s16+$0x0], $0xffff  }
0x493: {  	v2 =	vshll.u32 v2, $0x7;
	[tilespmem:v9+s21+$0x0] =	vst.idx.msk $0xffff, v1  }
0x494: {  	v1 =	vor.u32 v0, v2;
	v7 =	vld.idx.msk [tilespmem:v11+s16+$0x0], $0xffff  }
0x495: {  	v9 =	vadd.s32 v17, v41  }
0x496: {  	v11 =	vor.u32 v8, v5  }
0x497: {  	v13 =	vadd.s32 v54, v42;
	v3 =	vmul.f32 $8.000000000e+00, v3;
	_ =	sdelay $0x1  }
0x498: {  	[tilespmem:v1+s21+$0x0] =	vst.idx.msk $0xffff, v3;
	v1 =	vmul.f32 $8.000000000e+00, v7  }
0x499: {  	v3 =	vld.idx.msk [tilespmem:v9+s16+$0x0], $0xffff  }
0x49a: {  	[tilespmem:v11+s21+$0x0] =	vst.idx.msk $0xffff, v1  }
0x49b: {  	v1 =	vor.u32 v4, v2;
	v7 =	vld.idx.msk [tilespmem:v13+s16+$0x0], $0xffff  }
0x49c: {  	v9 =	vadd.s32 v47, v41  }
0x49d: {  	v11 =	vor.u32 v10, v5  }
0x49e: {  	v13 =	vadd.s32 v55, v42;
	v3 =	vmul.f32 $8.000000000e+00, v3;
	_ =	sdelay $0x1  }
0x49f: {  	[tilespmem:v1+s21+$0x0] =	vst.idx.msk $0xffff, v3;
	v1 =	vmul.f32 $8.000000000e+00, v7  }
0x4a0: {  	v3 =	vld.idx.msk [tilespmem:v9+s16+$0x0], $0xffff  }
0x4a1: {  	[tilespmem:v11+s21+$0x0] =	vst.idx.msk $0xffff, v1  }
0x4a2: {  	v1 =	vor.u32 v6, v2;
	v7 =	vld.idx.msk [tilespmem:v13+s16+$0x0], $0xffff  }
0x4a3: {  	v9 =	vadd.s32 v48, v41  }
0x4a4: {  	v11 =	vor.u32 v12, v5  }
0x4a5: {  	v13 =	vadd.s32 v56, v42;
	v3 =	vmul.f32 $8.000000000e+00, v3;
	_ =	sdelay $0x1  }
0x4a6: {  	[tilespmem:v1+s21+$0x0] =	vst.idx.msk $0xffff, v3;
	v1 =	vmul.f32 $8.000000000e+00, v7  }
0x4a7: {  	v3 =	vld.idx.msk [tilespmem:v9+s16+$0x0], $0xffff  }
0x4a8: {  	[tilespmem:v11+s21+$0x0] =	vst.idx.msk $0xffff, v1  }
0x4a9: {  	v1 =	vor.u32 v8, v2;
	v7 =	vld.idx.msk [tilespmem:v13+s16+$0x0], $0xffff  }
0x4aa: {  	v9 =	vadd.s32 v50, v41  }
0x4ab: {  	v11 =	vor.u32 v14, v5  }
0x4ac: {  	v13 =	vadd.s32 v57, v42;
	v3 =	vmul.f32 $8.000000000e+00, v3;
	_ =	sdelay $0x1  }
0x4ad: {  	[tilespmem:v1+s21+$0x0] =	vst.idx.msk $0xffff, v3;
	v1 =	vmul.f32 $8.000000000e+00, v7  }
0x4ae: {  	v3 =	vld.idx.msk [tilespmem:v9+s16+$0x0], $0xffff  }
0x4af: {  	[tilespmem:v11+s21+$0x0] =	vst.idx.msk $0xffff, v1  }
0x4b0: {  	v1 =	vor.u32 v10, v2;
	v7 =	vld.idx.msk [tilespmem:v13+s16+$0x0], $0xffff  }
0x4b1: {  	v9 =	vadd.s32 v37, v41  }
0x4b2: {  	v5 =	vor.u32 v16, v5  }
0x4b3: {  	v11 =	vadd.s32 v58, v42;
	v3 =	vmul.f32 $8.000000000e+00, v3;
	_ =	sdelay $0x1  }
0x4b4: {  	[tilespmem:v1+s21+$0x0] =	vst.idx.msk $0xffff, v3;
	v1 =	vmul.f32 $8.000000000e+00, v7  }
0x4b5: {  	v3 =	vld.idx.msk [tilespmem:v9+s16+$0x0], $0xffff  }
0x4b6: {  	[tilespmem:v5+s21+$0x0] =	vst.idx.msk $0xffff, v1  }
0x4b7: {  	v1 =	vor.u32 v12, v2;
	v5 =	vadd.s32 $0x20, v42;
	v7 =	vld.idx.msk [tilespmem:v11+s16+$0x0], $0xffff  }
0x4b8: {  	v36 =	vmov v50;
	v9 =	vadd.s32 v38, v41;
	v50 =	vshll.u32 v5, $0x7  }
0x4b9: {  	v5 =	vor.u32 v0, v50  }
0x4ba: {  	v11 =	vadd.s32 v17, v42;
	v3 =	vmul.f32 $8.000000000e+00, v3;
	_ =	sdelay $0x1  }
0x4bb: {  	[tilespmem:v1+s21+$0x0] =	vst.idx.msk $0xffff, v3;
	v1 =	vmul.f32 $8.000000000e+00, v7  }
0x4bc: {  	v3 =	vld.idx.msk [tilespmem:v9+s16+$0x0], $0xffff  }
0x4bd: {  	[tilespmem:v5+s21+$0x0] =	vst.idx.msk $0xffff, v1  }
0x4be: {  	v1 =	vor.u32 v14, v2;
	v5 =	vld.idx.msk [tilespmem:v11+s16+$0x0], $0xffff  }
0x4bf: {  	v7 =	vadd.s32 v39, v41  }
0x4c0: {  	v9 =	vor.u32 v4, v50  }
0x4c1: {  	v11 =	vadd.s32 v47, v42;
	v3 =	vmul.f32 $8.000000000e+00, v3;
	_ =	sdelay $0x1  }
0x4c2: {  	[tilespmem:v1+s21+$0x0] =	vst.idx.msk $0xffff, v3;
	v1 =	vmul.f32 $8.000000000e+00, v5  }
0x4c3: {  	v3 =	vld.idx.msk [tilespmem:v7+s16+$0x0], $0xffff  }
0x4c4: {  	[tilespmem:v9+s21+$0x0] =	vst.idx.msk $0xffff, v1  }
0x4c5: {  	s7 =	ssub.s32 $0xE, s3;
	v1 =	vor.u32 v16, v2;
	v2 =	vld.idx.msk [tilespmem:v11+s16+$0x0], $0xffff  }
0x4c6: {  	v5 =	vmov s7;
	v7 =	vadd.s32 v40, v41  }
0x4c7: {  	vm10 =	vgt.u32 v5, v0;
	v5 =	vor.u32 v6, v50  }
0x4c8: {  	s8 =	sor.u32 $0x2, s3;
	v9 =	vsel vm10, v0, v63;
	v11 =	vadd.s32 v48, v42;
	v3 =	vmul.f32 $8.000000000e+00, v3  }
0x4c9: {  	v44 =	vadd.s32 s8, v9  }
0x4ca: {  	v9 =	vadd.s32 v53, v44;
	[tilespmem:v1+s21+$0x0] =	vst.idx.msk $0xffff, v3;
	v1 =	vmul.f32 $8.000000000e+00, v2  }
0x4cb: {  	v2 =	vadd.s32 $0x30, v41;
	v3 =	vld.idx.msk [tilespmem:v7+s16+$0x0], $0xffff  }
0x4cc: {  	v43 =	vshll.u32 v2, $0x7;
	[tilespmem:v5+s21+$0x0] =	vst.idx.msk $0xffff, v1  }
0x4cd: {  	v1 =	vor.u32 v0, v43;
	v2 =	vld.idx.msk [tilespmem:v11+s16+$0x0], $0xffff  }
0x4ce: {  	v5 =	vadd.s32 v51, v41  }
0x4cf: {  	v7 =	vld.idx.msk [tilespmem:v9+s16+$0x0], $0xffff;
	v9 =	vor.u32 v8, v50  }
0x4d0: {  	v27 =	vmovc v51;
	v51 =	vshll.u32 v44, $0x7;
	v11 =	vadd.s32 v36, v42;
	v3 =	vmul.f32 $8.000000000e+00, v3  }
0x4d1: {  	v13 =	vor.u32 v0, v51  }
0x4d2: {  	v31 =	vld [tilespmem:$0x1FFE0];
	v15 =	vadd.s32 v61, v44;
	[tilespmem:v1+s21+$0x0] =	vst.idx.msk $0xffff, v3;
	v1 =	vmul.f32 $8.000000000e+00, v2  }
0x4d3: {  	v2 =	vld.idx.msk [tilespmem:v5+s16+$0x0], $0xffff  }
0x4d4: {  	v3 =	vmul.f32 $8.000000000e+00, v7;
	[tilespmem:v9+s21+$0x0] =	vst.idx.msk $0xffff, v1  }
0x4d5: {  	v1 =	vor.u32 v4, v43;
	v5 =	vld.idx.msk [tilespmem:v11+s16+$0x0], $0xffff  }
0x4d6: {  	[tilespmem:v13+s21+$0x0] =	vst.idx.msk $0xffff, v3  }
0x4d7: {  	v3 =	vadd.s32 v31, v41;
	v7 =	vld.idx.msk [tilespmem:v15+s16+$0x0], $0xffff;
	v9 =	vor.u32 v10, v50  }
0x4d8: {  	v2 =	vmul.f32 $8.000000000e+00, v2  }
0x4d9: {  	v13 =	vor.u32 v4, v51;
	v11 =	vadd.s32 v37, v42  }
0x4da: {  	[tilespmem:v1+s21+$0x0] =	vst.idx.msk $0xffff, v2;
	v1 =	vmul.f32 $8.000000000e+00, v5  }
0x4db: {  	s7 =	ssub.s32 $0xD, s3  }
0x4dc: {  	v15 =	vadd.s32 v62, v44;
	v2 =	vld.idx.msk [tilespmem:v3+s16+$0x0], $0xffff;
	v3 =	vmul.f32 $8.000000000e+00, v7;
	[tilespmem:v9+s21+$0x0] =	vst.idx.msk $0xffff, v1;
	v1 =	vmov s7  }
0x4dd: {  	vm11 =	vgt.u32 v1, v0  }
0x4de: {  	s8 =	sor.u32 $0x3, s3;
	[tilespmem:v13+s21+$0x0] =	vst.idx.msk $0xffff, v3;
	v5 =	vld.idx.msk [tilespmem:v11+s16+$0x0], $0xffff;
	v3 =	vsel vm11, v0, v63  }
0x4df: {  	v28 =	vmov v45;
	v45 =	vadd.s32 s8, v3  }
0x4e0: {  	v3 =	vor.u32 v12, v50;
	v7 =	vadd.s32 v53, v45  }
0x4e1: {  	v9 =	vor.u32 v6, v43;
	s7 =	ssub.s32 $0xC, s3;
	v1 =	vld.idx.msk [tilespmem:v15+s16+$0x0], $0xffff  }
0x4e2: {  	v23 =	vmovc v17;
	v18 =	vor.u32 v6, v51;
	v13 =	vadd.s32 v38, v42;
	v17 =	vmov s7  }
0x4e3: {  	v11 =	vadd.s32 v52, v41;
	vm12 =	vgt.u32 v17, v0;
	v5 =	vmul.f32 $8.000000000e+00, v5  }
0x4e4: {  	v29 =	vmovc v46;
	v26 =	vmovc v52;
	v17 =	vadd.s32 v19, v44;
	v2 =	vmul.f32 $8.000000000e+00, v2;
	s8 =	sor.u32 $0x4, s3;
	v19 =	vsel vm12, v0, v63  }
0x4e5: {  	v15 =	vor.u32 v14, v50;
	s7 =	ssub.s32 $0xB, s3;
	v52 =	vshll.u32 v45, $0x7;
	v46 =	vadd.s32 s8, v19;
	[tilespmem:v3+s21+$0x0] =	vst.idx.msk $0xffff, v5;
	v3 =	vld.idx.msk [tilespmem:v7+s16+$0x0], $0xffff  }
0x4e6: {  	[tilespmem:v9+s21+$0x0] =	vst.idx.msk $0xffff, v2;
	v9 =	vadd.s32 v53, v46;
	v1 =	vmul.f32 $8.000000000e+00, v1;
	v7 =	vmov s7;
	s7 =	ssub.s32 $0xA, s3  }
0x4e7: {  	v20 =	vmovc v58;
	v5 =	vor.u32 v0, v52;
	vm13 =	vgt.u32 v7, v0;
	v7 =	vmov s7  }
0x4e8: {  	s8 =	sor.u32 $0x5, s3;
	v2 =	vld.idx.msk [tilespmem:v13+s16+$0x0], $0xffff;
	v13 =	vadd.s32 v61, v45;
	s7 =	ssub.s32 $0x9, s3;
	v19 =	vsel vm13, v0, v63;
	vm14 =	vgt.u32 v7, v0  }
0x4e9: {  	v21 =	vmovc v47;
	v58 =	vld.idx.msk [tilespmem:v11+s16+$0x0], $0xffff;
	[tilespmem:v18+s21+$0x0] =	vst.idx.msk $0xffff, v1;
	v7 =	vmov s7;
	v47 =	vadd.s32 s8, v19;
	s8 =	sor.u32 $0x6, s3;
	v1 =	vsel vm14, v0, v63  }
0x4ea: {  	v22 =	vmovc v48;
	v17 =	vld.idx.msk [tilespmem:v17+s16+$0x0], $0xffff;
	v18 =	vadd.s32 v53, v47;
	v48 =	vadd.s32 s8, v1;
	v1 =	vmul.f32 $8.000000000e+00, v3  }
0x4eb: {  	v34 =	vmov v56;
	v9 =	vld.idx.msk [tilespmem:v9+s16+$0x0], $0xffff;
	vm15 =	vgt.u32 v7, v0;
	v3 =	vadd.s32 v53, v48  }
0x4ec: {  	v56 =	vshll.u32 v46, $0x7;
	v11 =	vadd.s32 v39, v42;
	s8 =	sor.u32 $0x7, s3;
	v7 =	vsel vm15, v0, v63;
	[tilespmem:v5+s21+$0x0] =	vst.idx.msk $0xffff, v1;
	v5 =	vld [tilespmem:$0x1FF00]  }
0x4ed: {  	v30 =	vmovc v49;
	v2 =	vmul.f32 $8.000000000e+00, v2;
	v49 =	vadd.s32 s8, v7;
	v7 =	vor.u32 v8, v51  }
0x4ee: {  	v33 =	vmov v55;
	v19 =	vor.u32 v0, v56;
	v13 =	vld.idx.msk [tilespmem:v13+s16+$0x0], $0xffff  }
0x4ef: {  	v55 =	vshll.u32 v48, $0x7;
	v1 =	vadd.s32 v53, v49;
	[tilespmem:v15+s21+$0x0] =	vst.idx.msk $0xffff, v2;
	v2 =	vmul.f32 $8.000000000e+00, v17;
	v17 =	vld.idx.msk [tilespmem:v18+s16+$0x0], $0xffff  }
0x4f0: {  	v15 =	vadd.s32 v61, v46;
	v53 =	vshll.u32 v47, $0x7;
	v18 =	vor.u32 v4, v52;
	v3 =	vld.idx.msk [tilespmem:v3+s16+$0x0], $0xffff  }
0x4f1: {  	v35 =	vmovc v57;
	v9 =	vmul.f32 $8.000000000e+00, v9;
	v57 =	vld.idx.msk [tilespmem:v11+s16+$0x0], $0xffff;
	v11 =	vor.u32 v0, v53;
	v5 =	vadd.s32 v5, v44  }
0x4f2: {  	[tilespmem:v7+s21+$0x0] =	vst.idx.msk $0xffff, v2;
	v2 =	vadd.s32 v61, v47;
	v7 =	vor.u32 v0, v55  }
0x4f3: {  	[tilespmem:v19+s21+$0x0] =	vst.idx.msk $0xffff, v9;
	v9 =	vadd.s32 v61, v48;
	v13 =	vmul.f32 $8.000000000e+00, v13  }
0x4f4: {  	v1 =	vld.idx.msk [tilespmem:v1+s16+$0x0], $0xffff;
	v17 =	vmul.f32 $8.000000000e+00, v17  }
0x4f5: {  	v15 =	vld.idx.msk [tilespmem:v15+s16+$0x0], $0xffff;
	[tilespmem:v18+s21+$0x0] =	vst.idx.msk $0xffff, v13;
	v3 =	vmul.f32 $8.000000000e+00, v3  }
0x4f6: {  	v59 =	vadd.s32 v62, v45;
	[tilespmem:v11+s21+$0x0] =	vst.idx.msk $0xffff, v17;
	v5 =	vld.idx.msk [tilespmem:v5+s16+$0x0], $0xffff  }
0x4f7: {  	v13 =	vadd.s32 v61, v49;
	v61 =	vor.u32 v4, v56;
	v2 =	vld.idx.msk [tilespmem:v2+s16+$0x0], $0xffff;
	[tilespmem:v7+s21+$0x0] =	vst.idx.msk $0xffff, v3  }
0x4f8: {  	v32 =	vmov v54;
	v54 =	vshll.u32 v49, $0x7;
	v11 =	vadd.s32 v62, v46;
	v7 =	vld.idx.msk [tilespmem:v9+s16+$0x0], $0xffff  }
0x4f9: {  	v19 =	vor.u32 v0, v54;
	v9 =	vld [tilespmem:$0x1FF10]  }
0x4fa: {  	v60 =	vor.u32 v10, v51;
	v15 =	vmul.f32 $8.000000000e+00, v15  }
0x4fb: {  	v59 =	vld.idx.msk [tilespmem:v59+s16+$0x0], $0xffff;
	v17 =	vor.u32 v4, v53  }
0x4fc: {  	v18 =	vadd.s32 v29, v44;
	v1 =	vmul.f32 $8.000000000e+00, v1;
	[tilespmem:v61+s21+$0x0] =	vst.idx.msk $0xffff, v15  }
0x4fd: {  	v11 =	vld.idx.msk [tilespmem:v11+s16+$0x0], $0xffff;
	v3 =	vmul.f32 $8.000000000e+00, v5;
	v5 =	vor.u32 v6, v52  }
0x4fe: {  	[tilespmem:v19+s21+$0x0] =	vst.idx.msk $0xffff, v1;
	v2 =	vmul.f32 $8.000000000e+00, v2;
	v9 =	vadd.s32 v9, v45  }
0x4ff: {  	v13 =	vld.idx.msk [tilespmem:v13+s16+$0x0], $0xffff;
	v61 =	vor.u32 v6, v56;
	[tilespmem:v60+s21+$0x0] =	vst.idx.msk $0xffff, v3  }
0x500: {  	v1 =	vadd.s32 v62, v47;
	v19 =	vmul.f32 $8.000000000e+00, v59;
	v3 =	vor.u32 v4, v55;
	[tilespmem:v17+s21+$0x0] =	vst.idx.msk $0xffff, v2;
	v2 =	vld [tilespmem:$0x1FF10]  }
0x501: {  	v15 =	vadd.s32 v62, v48;
	v18 =	vld.idx.msk [tilespmem:v18+s16+$0x0], $0xffff  }
0x502: {  	v59 =	vor.u32 v4, v54;
	v17 =	vld [tilespmem:$0x1FF00];
	v11 =	vmul.f32 $8.000000000e+00, v11;
	[tilespmem:v5+s21+$0x0] =	vst.idx.msk $0xffff, v19  }
0x503: {  	v60 =	vor.u32 v12, v51;
	v5 =	vmul.f32 $8.000000000e+00, v7;
	v7 =	vadd.s32 v62, v49;
	v9 =	vld.idx.msk [tilespmem:v9+s16+$0x0], $0xffff  }
0x504: {  	v19 =	vadd.s32 v25, v44;
	[tilespmem:v61+s21+$0x0] =	vst.idx.msk $0xffff, v11;
	v11 =	vld [tilespmem:$0x1FF10]  }
0x505: {  	v1 =	vld.idx.msk [tilespmem:v1+s16+$0x0], $0xffff;
	v2 =	vadd.s32 v2, v46;
	[tilespmem:v3+s21+$0x0] =	vst.idx.msk $0xffff, v5;
	v3 =	vmul.f32 $8.000000000e+00, v13  }
0x506: {  	v13 =	vor.u32 v8, v52;
	v5 =	vmul.f32 $8.000000000e+00, v18;
	v15 =	vld.idx.msk [tilespmem:v15+s16+$0x0], $0xffff  }
0x507: {  	v17 =	vadd.s32 v17, v45;
	v18 =	vor.u32 v6, v53;
	[tilespmem:v59+s21+$0x0] =	vst.idx.msk $0xffff, v3;
	v3 =	vld [tilespmem:$0x1FF10]  }
0x508: {  	[tilespmem:v60+s21+$0x0] =	vst.idx.msk $0xffff, v5;
	v5 =	vor.u32 v6, v55;
	v7 =	vld.idx.msk [tilespmem:v7+s16+$0x0], $0xffff  }
0x509: {  	v19 =	vld.idx.msk [tilespmem:v19+s16+$0x0], $0xffff;
	v9 =	vmul.f32 $8.000000000e+00, v9;
	v11 =	vadd.s32 v11, v48  }
0x50a: {  	v1 =	vmul.f32 $8.000000000e+00, v1;
	v2 =	vld.idx.msk [tilespmem:v2+s16+$0x0], $0xffff  }
0x50b: {  	v59 =	vor.u32 v6, v54;
	[tilespmem:v13+s21+$0x0] =	vst.idx.msk $0xffff, v9;
	v9 =	vmul.f32 $8.000000000e+00, v15;
	v13 =	vld [tilespmem:$0x1FF10]  }
0x50c: {  	[tilespmem:v18+s21+$0x0] =	vst.idx.msk $0xffff, v1;
	v3 =	vadd.s32 v3, v47;
	v17 =	vld.idx.msk [tilespmem:v17+s16+$0x0], $0xffff  }
0x50d: {  	v61 =	vor.u32 v8, v56;
	v1 =	vld [tilespmem:$0x1FF00];
	[tilespmem:v5+s21+$0x0] =	vst.idx.msk $0xffff, v9  }
0x50e: {  	v5 =	vmul.f32 $8.000000000e+00, v7;
	v9 =	vor.u32 v10, v52;
	v11 =	vld.idx.msk [tilespmem:v11+s16+$0x0], $0xffff  }
0x50f: {  	v60 =	vor.u32 v14, v51  }
0x510: {  	v2 =	vmul.f32 $8.000000000e+00, v2;
	[tilespmem:v59+s21+$0x0] =	vst.idx.msk $0xffff, v5;
	v5 =	vld [tilespmem:$0x1FF00];
	v13 =	vadd.s32 v13, v49  }
0x511: {  	v15 =	vadd.s32 v30, v44;
	v3 =	vld.idx.msk [tilespmem:v3+s16+$0x0], $0xffff;
	v17 =	vmul.f32 $8.000000000e+00, v17  }
0x512: {  	v7 =	vmul.f32 $8.000000000e+00, v19;
	v1 =	vadd.s32 v1, v46;
	[tilespmem:v61+s21+$0x0] =	vst.idx.msk $0xffff, v2;
	v2 =	vld [tilespmem:$0x1FF00]  }
0x513: {  	[tilespmem:v9+s21+$0x0] =	vst.idx.msk $0xffff, v17;
	v9 =	vmul.f32 $8.000000000e+00, v11;
	v11 =	vld [tilespmem:$0x1FF00]  }
0x514: {  	v18 =	vadd.s32 v29, v45;
	[tilespmem:v60+s21+$0x0] =	vst.idx.msk $0xffff, v7;
	v7 =	vor.u32 v8, v55;
	v17 =	vld [tilespmem:$0x1FFC0]  }
0x515: {  	v19 =	vor.u32 v8, v53;
	v13 =	vld.idx.msk [tilespmem:v13+s16+$0x0], $0xffff  }
0x516: {  	v15 =	vld.idx.msk [tilespmem:v15+s16+$0x0], $0xffff;
	v5 =	vadd.s32 v5, v47  }
0x517: {  	v59 =	vor.u32 v8, v54;
	v1 =	vld.idx.msk [tilespmem:v1+s16+$0x0], $0xffff;
	v2 =	vadd.s32 v2, v48  }
0x518: {  	v51 =	vor.u32 v16, v51;
	v3 =	vmul.f32 $8.000000000e+00, v3;
	v11 =	vadd.s32 v11, v49  }
0x519: {  	v60 =	vor.u32 v10, v56;
	v18 =	vld.idx.msk [tilespmem:v18+s16+$0x0], $0xffff;
	[tilespmem:v7+s21+$0x0] =	vst.idx.msk $0xffff, v9;
	v17 =	vadd.s32 v17, v44  }
0x51a: {  	[tilespmem:v19+s21+$0x0] =	vst.idx.msk $0xffff, v3;
	v3 =	vadd.s32 v29, v46;
	v7 =	vmul.f32 $8.000000000e+00, v13  }
0x51b: {  	v9 =	vmul.f32 $8.000000000e+00, v15;
	v5 =	vld.idx.msk [tilespmem:v5+s16+$0x0], $0xffff;
	v13 =	vor.u32 v12, v52  }
0x51c: {  	v15 =	vadd.s32 v25, v45;
	v1 =	vmul.f32 $8.000000000e+00, v1;
	v2 =	vld.idx.msk [tilespmem:v2+s16+$0x0], $0xffff;
	[tilespmem:v59+s21+$0x0] =	vst.idx.msk $0xffff, v7  }
0x51d: {  	[tilespmem:v51+s21+$0x0] =	vst.idx.msk $0xffff, v9;
	v11 =	vld.idx.msk [tilespmem:v11+s16+$0x0], $0xffff  }
0x51e: {  	v9 =	vor.u32 v10, v55;
	v18 =	vmul.f32 $8.000000000e+00, v18;
	[tilespmem:v60+s21+$0x0] =	vst.idx.msk $0xffff, v1;
	v17 =	vld.idx.msk [tilespmem:v17+s16+$0x0], $0xffff  }
0x51f: {  	v19 =	vor.u32 v10, v53;
	v59 =	vadd.s32 $0x10, v44;
	v1 =	vadd.s32 v29, v48;
	v3 =	vld.idx.msk [tilespmem:v3+s16+$0x0], $0xffff  }
0x520: {  	v7 =	vadd.s32 v29, v47;
	v51 =	vshll.u32 v59, $0x7;
	v59 =	vor.u32 v10, v54;
	[tilespmem:v13+s21+$0x0] =	vst.idx.msk $0xffff, v18;
	v18 =	vld [tilespmem:$0x1FFB0]  }
0x521: {  	v60 =	vor.u32 v0, v51;
	v13 =	vadd.s32 v29, v49;
	v2 =	vmul.f32 $8.000000000e+00, v2;
	v15 =	vld.idx.msk [tilespmem:v15+s16+$0x0], $0xffff  }
0x522: {  	v61 =	vor.u32 v12, v56;
	v5 =	vmul.f32 $8.000000000e+00, v5  }
0x523: {  	[tilespmem:v9+s21+$0x0] =	vst.idx.msk $0xffff, v2;
	v2 =	vmul.f32 $8.000000000e+00, v11;
	v11 =	vmul.f32 $8.000000000e+00, v17;
	v17 =	vor.u32 v14, v52  }
0x524: {  	[tilespmem:v19+s21+$0x0] =	vst.idx.msk $0xffff, v5;
	v5 =	vadd.s32 v25, v46;
	v1 =	vld.idx.msk [tilespmem:v1+s16+$0x0], $0xffff  }
0x525: {  	v7 =	vld.idx.msk [tilespmem:v7+s16+$0x0], $0xffff;
	v3 =	vmul.f32 $8.000000000e+00, v3;
	v18 =	vadd.s32 v18, v44;
	[tilespmem:v59+s21+$0x0] =	vst.idx.msk $0xffff, v2  }
0x526: {  	[tilespmem:v60+s21+$0x0] =	vst.idx.msk $0xffff, v11;
	v11 =	vor.u32 v12, v55;
	v13 =	vld.idx.msk [tilespmem:v13+s16+$0x0], $0xffff;
	v15 =	vmul.f32 $8.000000000e+00, v15  }
0x527: {  	v62 =	vor.u32 v12, v53;
	v19 =	vadd.s32 v30, v45;
	[tilespmem:v61+s21+$0x0] =	vst.idx.msk $0xffff, v3  }
0x528: {  	v2 =	vadd.s32 v25, v47;
	[tilespmem:v17+s21+$0x0] =	vst.idx.msk $0xffff, v15;
	v17 =	vld [tilespmem:$0x1FFF0]  }
0x529: {  	v58 =	vmul.f32 $8.000000000e+00, v58;
	v9 =	vor.u32 v8, v43;
	v5 =	vld.idx.msk [tilespmem:v5+s16+$0x0], $0xffff;
	v1 =	vmul.f32 $8.000000000e+00, v1  }
0x52a: {  	v3 =	vadd.s32 v25, v48;
	v59 =	vor.u32 v12, v54;
	v7 =	vmul.f32 $8.000000000e+00, v7;
	v18 =	vld.idx.msk [tilespmem:v18+s16+$0x0], $0xffff  }
0x52b: {  	v61 =	vor.u32 v14, v56;
	v15 =	vadd.s32 v25, v49;
	[tilespmem:v11+s21+$0x0] =	vst.idx.msk $0xffff, v1;
	v1 =	vmul.f32 $8.000000000e+00, v13;
	v13 =	vld [tilespmem:$0x1FFC0]  }
0x52c: {  	v60 =	vor.u32 v4, v51;
	v19 =	vld.idx.msk [tilespmem:v19+s16+$0x0], $0xffff;
	[tilespmem:v62+s21+$0x0] =	vst.idx.msk $0xffff, v7;
	v7 =	vadd.s32 v30, v46  }
0x52d: {  	v2 =	vld.idx.msk [tilespmem:v2+s16+$0x0], $0xffff;
	v17 =	vadd.s32 v17, v44  }
0x52e: {  	[tilespmem:v9+s21+$0x0] =	vst.idx.msk $0xffff, v58;
	v11 =	vor.u32 v16, v52;
	v5 =	vmul.f32 $8.000000000e+00, v5  }
0x52f: {  	v3 =	vld.idx.msk [tilespmem:v3+s16+$0x0], $0xffff;
	[tilespmem:v59+s21+$0x0] =	vst.idx.msk $0xffff, v1;
	v9 =	vmul.f32 $8.000000000e+00, v18;
	v18 =	vor.u32 v14, v53  }
0x530: {  	[tilespmem:v61+s21+$0x0] =	vst.idx.msk $0xffff, v5;
	v15 =	vld.idx.msk [tilespmem:v15+s16+$0x0], $0xffff;
	v13 =	vadd.s32 v13, v45  }
0x531: {  	v1 =	vadd.s32 v30, v47;
	v19 =	vmul.f32 $8.000000000e+00, v19;
	v7 =	vld.idx.msk [tilespmem:v7+s16+$0x0], $0xffff;
	[tilespmem:v60+s21+$0x0] =	vst.idx.msk $0xffff, v9  }
0x532: {  	v2 =	vmul.f32 $8.000000000e+00, v2;
	v9 =	vor.u32 v14, v55;
	v17 =	vld.idx.msk [tilespmem:v17+s16+$0x0], $0xffff  }
0x533: {  	v56 =	vor.u32 v16, v56;
	v62 =	vld [tilespmem:$0x1FFC0];
	[tilespmem:v11+s21+$0x0] =	vst.idx.msk $0xffff, v19  }
0x534: {  	v5 =	vadd.s32 v30, v48;
	v59 =	vor.u32 v16, v50;
	[tilespmem:v18+s21+$0x0] =	vst.idx.msk $0xffff, v2;
	v2 =	vld [tilespmem:$0x1FFC0]  }
0x535: {  	v61 =	vadd.s32 $0x10, v45;
	v60 =	vor.u32 v14, v54;
	v3 =	vmul.f32 $8.000000000e+00, v3;
	v13 =	vld.idx.msk [tilespmem:v13+s16+$0x0], $0xffff  }
0x536: {  	v50 =	vshll.u32 v61, $0x7;
	v11 =	vadd.s32 v30, v49;
	v7 =	vmul.f32 $8.000000000e+00, v7;
	v1 =	vld.idx.msk [tilespmem:v1+s16+$0x0], $0xffff  }
0x537: {  	v24 =	vld [tilespmem:$0x1FFA0];
	[tilespmem:v9+s21+$0x0] =	vst.idx.msk $0xffff, v3;
	v3 =	vmul.f32 $8.000000000e+00, v15;
	v15 =	vmul.f32 $8.000000000e+00, v17;
	v17 =	vor.u32 v0, v50  }
0x538: {  	v19 =	vmul.f32 $8.000000000e+00, v57;
	v57 =	vor.u32 v16, v53;
	v18 =	vld [tilespmem:$0x1FFB0]  }
0x539: {  	[tilespmem:v56+s21+$0x0] =	vst.idx.msk $0xffff, v7;
	v7 =	vld [tilespmem:$0x1FFC0];
	v9 =	vadd.s32 v40, v42  }
0x53a: {  	v5 =	vld.idx.msk [tilespmem:v5+s16+$0x0], $0xffff;
	[tilespmem:v60+s21+$0x0] =	vst.idx.msk $0xffff, v3;
	v60 =	vadd.s32 v62, v47;
	v13 =	vmul.f32 $8.000000000e+00, v13  }
0x53b: {  	[tilespmem:v59+s21+$0x0] =	vst.idx.msk $0xffff, v19;
	v2 =	vadd.s32 v2, v46;
	v11 =	vld.idx.msk [tilespmem:v11+s16+$0x0], $0xffff;
	v1 =	vmul.f32 $8.000000000e+00, v1  }
0x53c: {  	v3 =	vor.u32 v6, v51;
	[tilespmem:v17+s21+$0x0] =	vst.idx.msk $0xffff, v13;
	v13 =	vld [tilespmem:$0x1FFC0]  }
0x53d: {  	v52 =	vadd.s32 v24, v41;
	v55 =	vor.u32 v16, v55;
	[tilespmem:v57+s21+$0x0] =	vst.idx.msk $0xffff, v1;
	v1 =	vld [tilespmem:$0x1FFB0]  }
0x53e: {  	v18 =	vadd.s32 v18, v45;
	v57 =	vld.idx.msk [tilespmem:v9+s16+$0x0], $0xffff  }
0x53f: {  	v63 =	vadd.s32 $0x10, v47;
	v19 =	vadd.s32 $0x10, v46;
	v56 =	vor.u32 v16, v54;
	v62 =	vld.idx.msk [tilespmem:v60+s16+$0x0], $0xffff  }
0x540: {  	v54 =	vshll.u32 v63, $0x7;
	v7 =	vadd.s32 v7, v48;
	v5 =	vmul.f32 $8.000000000e+00, v5;
	v2 =	vld.idx.msk [tilespmem:v2+s16+$0x0], $0xffff  }
0x541: {  	v53 =	vshll.u32 v19, $0x7;
	v9 =	vor.u32 v0, v54;
	[tilespmem:v3+s21+$0x0] =	vst.idx.msk $0xffff, v15;
	v3 =	vld [tilespmem:$0x1FFF0]  }
0x542: {  	v58 =	vld.idx.msk [tilespmem:v52+s16+$0x0], $0xffff;
	v19 =	vor.u32 v0, v53;
	[tilespmem:v55+s21+$0x0] =	vst.idx.msk $0xffff, v5;
	v5 =	vmul.f32 $8.000000000e+00, v11  }
0x543: {  	v15 =	vadd.s32 $0x10, v49;
	v17 =	vld.idx.msk [tilespmem:v18+s16+$0x0], $0xffff;
	v13 =	vadd.s32 v13, v49  }
0x544: {  	[tilespmem:v56+s21+$0x0] =	vst.idx.msk $0xffff, v5;
	v5 =	vld [tilespmem:$0x1FFB0];
	v56 =	vshll.u32 v15, $0x7;
	v1 =	vadd.s32 v1, v46;
	v15 =	vmul.f32 $8.000000000e+00, v62  }
0x545: {  	v18 =	vor.u32 v4, v50;
	v7 =	vld.idx.msk [tilespmem:v7+s16+$0x0], $0xffff;
	v2 =	vmul.f32 $8.000000000e+00, v2  }
0x546: {  	v11 =	vadd.s32 $0x10, v48;
	v3 =	vadd.s32 v3, v45;
	[tilespmem:v9+s21+$0x0] =	vst.idx.msk $0xffff, v15;
	v9 =	vld [tilespmem:$0x1FFF0]  }
0x547: {  	v61 =	vadd.s32 v28, v44;
	v55 =	vshll.u32 v11, $0x7;
	[tilespmem:v19+s21+$0x0] =	vst.idx.msk $0xffff, v2;
	v2 =	vld [tilespmem:$0x1FFB0]  }
0x548: {  	v11 =	vor.u32 v0, v55;
	v17 =	vmul.f32 $8.000000000e+00, v17;
	v13 =	vld.idx.msk [tilespmem:v13+s16+$0x0], $0xffff  }
0x549: {  	v5 =	vadd.s32 v5, v47;
	v1 =	vld.idx.msk [tilespmem:v1+s16+$0x0], $0xffff  }
0x54a: {  	v19 =	vor.u32 v0, v56;
	[tilespmem:v18+s21+$0x0] =	vst.idx.msk $0xffff, v17;
	v17 =	vld [tilespmem:$0x1FFB0]  }
0x54b: {  	v60 =	vor.u32 v4, v53;
	v7 =	vmul.f32 $8.000000000e+00, v7;
	v3 =	vld.idx.msk [tilespmem:v3+s16+$0x0], $0xffff  }
0x54c: {  	v52 =	vld.idx.msk [tilespmem:v61+s16+$0x0], $0xffff;
	v2 =	vadd.s32 v2, v48  }
0x54d: {  	[tilespmem:v11+s21+$0x0] =	vst.idx.msk $0xffff, v7;
	v7 =	vmul.f32 $8.000000000e+00, v13;
	v13 =	vor.u32 v6, v50  }
0x54e: {  	v59 =	vor.u32 v8, v51;
	v9 =	vadd.s32 v9, v46;
	v5 =	vld.idx.msk [tilespmem:v5+s16+$0x0], $0xffff;
	v1 =	vmul.f32 $8.000000000e+00, v1  }
0x54f: {  	v17 =	vadd.s32 v17, v49;
	[tilespmem:v19+s21+$0x0] =	vst.idx.msk $0xffff, v7;
	v7 =	vld [tilespmem:$0x1FFF0]  }
0x550: {  	v18 =	vadd.s32 v32, v44;
	v3 =	vmul.f32 $8.000000000e+00, v3;
	[tilespmem:v60+s21+$0x0] =	vst.idx.msk $0xffff, v1;
	v1 =	vld [tilespmem:$0x1FFF0]  }
0x551: {  	v11 =	vmul.f32 $8.000000000e+00, v52;
	v52 =	vor.u32 v4, v54;
	v2 =	vld.idx.msk [tilespmem:v2+s16+$0x0], $0xffff  }
0x552: {  	[tilespmem:v13+s21+$0x0] =	vst.idx.msk $0xffff, v3;
	v3 =	vld [tilespmem:$0x1FFF0]  }
0x553: {  	v15 =	vadd.s32 v28, v45;
	[tilespmem:v59+s21+$0x0] =	vst.idx.msk $0xffff, v11;
	v9 =	vld.idx.msk [tilespmem:v9+s16+$0x0], $0xffff  }
0x554: {  	v11 =	vor.u32 v4, v55;
	v17 =	vld.idx.msk [tilespmem:v17+s16+$0x0], $0xffff;
	v5 =	vmul.f32 $8.000000000e+00, v5;
	v7 =	vadd.s32 v7, v47  }
0x555: {  	v18 =	vld.idx.msk [tilespmem:v18+s16+$0x0], $0xffff;
	v60 =	vor.u32 v6, v53;
	v1 =	vadd.s32 v1, v48  }
0x556: {  	v19 =	vor.u32 v4, v56;
	[tilespmem:v52+s21+$0x0] =	vst.idx.msk $0xffff, v5;
	v5 =	vadd.s32 v28, v46  }
0x557: {  	v59 =	vor.u32 v10, v51;
	v2 =	vmul.f32 $8.000000000e+00, v2;
	v3 =	vadd.s32 v3, v49  }
0x558: {  	v13 =	vadd.s32 v33, v44;
	v15 =	vld.idx.msk [tilespmem:v15+s16+$0x0], $0xffff;
	v9 =	vmul.f32 $8.000000000e+00, v9  }
0x559: {  	[tilespmem:v11+s21+$0x0] =	vst.idx.msk $0xffff, v2;
	v2 =	vmul.f32 $8.000000000e+00, v17;
	v7 =	vld.idx.msk [tilespmem:v7+s16+$0x0], $0xffff  }
0x55a: {  	[tilespmem:v60+s21+$0x0] =	vst.idx.msk $0xffff, v9;
	v11 =	vmul.f32 $8.000000000e+00, v18;
	v17 =	vor.u32 v8, v50;
	v1 =	vld.idx.msk [tilespmem:v1+s16+$0x0], $0xffff  }
0x55b: {  	v52 =	vor.u32 v6, v54;
	v18 =	vadd.s32 v32, v45;
	v5 =	vld.idx.msk [tilespmem:v5+s16+$0x0], $0xffff;
	[tilespmem:v19+s21+$0x0] =	vst.idx.msk $0xffff, v2  }
0x55c: {  	[tilespmem:v59+s21+$0x0] =	vst.idx.msk $0xffff, v11;
	v11 =	vor.u32 v6, v55;
	v3 =	vld.idx.msk [tilespmem:v3+s16+$0x0], $0xffff  }
0x55d: {  	v9 =	vadd.s32 v28, v48;
	v60 =	vor.u32 v8, v53;
	v15 =	vmul.f32 $8.000000000e+00, v15;
	v13 =	vld.idx.msk [tilespmem:v13+s16+$0x0], $0xffff  }
0x55e: {  	v2 =	vadd.s32 v28, v47;
	v19 =	vor.u32 v6, v56;
	v7 =	vmul.f32 $8.000000000e+00, v7  }
0x55f: {  	v59 =	vor.u32 v12, v51;
	[tilespmem:v17+s21+$0x0] =	vst.idx.msk $0xffff, v15;
	v15 =	vadd.s32 v28, v49;
	v1 =	vmul.f32 $8.000000000e+00, v1  }
0x560: {  	v17 =	vadd.s32 v34, v44;
	v5 =	vmul.f32 $8.000000000e+00, v5;
	v18 =	vld.idx.msk [tilespmem:v18+s16+$0x0], $0xffff;
	[tilespmem:v52+s21+$0x0] =	vst.idx.msk $0xffff, v7  }
0x561: {  	v7 =	vadd.s32 v32, v46;
	[tilespmem:v11+s21+$0x0] =	vst.idx.msk $0xffff, v1;
	v1 =	vmul.f32 $8.000000000e+00, v3  }
0x562: {  	[tilespmem:v60+s21+$0x0] =	vst.idx.msk $0xffff, v5;
	v11 =	vor.u32 v10, v50;
	v3 =	vmul.f32 $8.000000000e+00, v13;
	v9 =	vld.idx.msk [tilespmem:v9+s16+$0x0], $0xffff  }
0x563: {  	v2 =	vld.idx.msk [tilespmem:v2+s16+$0x0], $0xffff;
	[tilespmem:v19+s21+$0x0] =	vst.idx.msk $0xffff, v1  }
0x564: {  	v13 =	vadd.s32 v33, v45;
	[tilespmem:v59+s21+$0x0] =	vst.idx.msk $0xffff, v3;
	v3 =	vor.u32 v8, v55;
	v15 =	vld.idx.msk [tilespmem:v15+s16+$0x0], $0xffff  }
0x565: {  	v5 =	vadd.s32 v32, v48;
	v52 =	vor.u32 v8, v54;
	v18 =	vmul.f32 $8.000000000e+00, v18;
	v17 =	vld.idx.msk [tilespmem:v17+s16+$0x0], $0xffff  }
0x566: {  	v1 =	vadd.s32 v32, v47;
	v19 =	vor.u32 v8, v56;
	v7 =	vld.idx.msk [tilespmem:v7+s16+$0x0], $0xffff  }
0x567: {  	v59 =	vor.u32 v14, v51;
	[tilespmem:v11+s21+$0x0] =	vst.idx.msk $0xffff, v18;
	v11 =	vadd.s32 v32, v49;
	v9 =	vmul.f32 $8.000000000e+00, v9  }
0x568: {  	v60 =	vor.u32 v10, v53;
	v18 =	vadd.s32 v35, v44;
	v2 =	vmul.f32 $8.000000000e+00, v2  }
0x569: {  	v13 =	vld.idx.msk [tilespmem:v13+s16+$0x0], $0xffff;
	[tilespmem:v3+s21+$0x0] =	vst.idx.msk $0xffff, v9;
	v3 =	vmul.f32 $8.000000000e+00, v15  }
0x56a: {  	[tilespmem:v52+s21+$0x0] =	vst.idx.msk $0xffff, v2;
	v2 =	vadd.s32 v33, v46;
	v9 =	vmul.f32 $8.000000000e+00, v17;
	v5 =	vld.idx.msk [tilespmem:v5+s16+$0x0], $0xffff  }
0x56b: {  	v1 =	vld.idx.msk [tilespmem:v1+s16+$0x0], $0xffff;
	v15 =	vor.u32 v12, v50;
	v7 =	vmul.f32 $8.000000000e+00, v7;
	[tilespmem:v19+s21+$0x0] =	vst.idx.msk $0xffff, v3  }
0x56c: {  	v17 =	vadd.s32 v34, v45;
	[tilespmem:v59+s21+$0x0] =	vst.idx.msk $0xffff, v9;
	v9 =	vor.u32 v10, v55;
	v11 =	vld.idx.msk [tilespmem:v11+s16+$0x0], $0xffff  }
0x56d: {  	v63 =	vor.u32 v10, v54;
	v18 =	vld.idx.msk [tilespmem:v18+s16+$0x0], $0xffff;
	[tilespmem:v60+s21+$0x0] =	vst.idx.msk $0xffff, v7;
	v7 =	vadd.s32 v33, v48  }
0x56e: {  	v3 =	vadd.s32 v33, v47;
	v13 =	vmul.f32 $8.000000000e+00, v13  }
0x56f: {  	v51 =	vor.u32 v16, v51;
	v5 =	vmul.f32 $8.000000000e+00, v5  }
0x570: {  	v19 =	vor.u32 v10, v56;
	v2 =	vld.idx.msk [tilespmem:v2+s16+$0x0], $0xffff;
	v1 =	vmul.f32 $8.000000000e+00, v1;
	[tilespmem:v15+s21+$0x0] =	vst.idx.msk $0xffff, v13  }
0x571: {  	v59 =	vor.u32 v12, v53;
	v13 =	vadd.s32 v33, v49;
	v17 =	vld.idx.msk [tilespmem:v17+s16+$0x0], $0xffff;
	[tilespmem:v9+s21+$0x0] =	vst.idx.msk $0xffff, v5  }
0x572: {  	v15 =	vadd.s32 v20, v44;
	[tilespmem:v63+s21+$0x0] =	vst.idx.msk $0xffff, v1;
	v5 =	vmul.f32 $8.000000000e+00, v11;
	v11 =	vmul.f32 $8.000000000e+00, v18;
	v7 =	vld.idx.msk [tilespmem:v7+s16+$0x0], $0xffff  }
0x573: {  	v1 =	vadd.s32 v34, v46;
	v3 =	vld.idx.msk [tilespmem:v3+s16+$0x0], $0xffff;
	v18 =	vor.u32 v14, v50  }
0x574: {  	[tilespmem:v51+s21+$0x0] =	vst.idx.msk $0xffff, v11;
	v11 =	vor.u32 v12, v55  }
0x575: {  	v61 =	vor.u32 v12, v54;
	v2 =	vmul.f32 $8.000000000e+00, v2;
	[tilespmem:v19+s21+$0x0] =	vst.idx.msk $0xffff, v5  }
0x576: {  	v62 =	vor.u32 v14, v53;
	v5 =	vadd.s32 v34, v47;
	v13 =	vld.idx.msk [tilespmem:v13+s16+$0x0], $0xffff;
	v17 =	vmul.f32 $8.000000000e+00, v17  }
0x577: {  	v60 =	vadd.s32 v35, v45;
	v15 =	vld.idx.msk [tilespmem:v15+s16+$0x0], $0xffff;
	[tilespmem:v59+s21+$0x0] =	vst.idx.msk $0xffff, v2;
	v7 =	vmul.f32 $8.000000000e+00, v7  }
0x578: {  	v53 =	vor.u32 v16, v53;
	v19 =	vadd.s32 $0x20, v44;
	v1 =	vld.idx.msk [tilespmem:v1+s16+$0x0], $0xffff;
	v3 =	vmul.f32 $8.000000000e+00, v3;
	[tilespmem:v18+s21+$0x0] =	vst.idx.msk $0xffff, v17  }
0x579: {  	v2 =	vadd.s32 v34, v48;
	v52 =	vshll.u32 v19, $0x7;
	v19 =	vor.u32 v12, v56;
	[tilespmem:v11+s21+$0x0] =	vst.idx.msk $0xffff, v7;
	v11 =	vld [tilespmem:$0x1FFD0]  }
0x57a: {  	v9 =	vor.u32 v10, v43;
	v17 =	vadd.s32 v34, v49;
	[tilespmem:v61+s21+$0x0] =	vst.idx.msk $0xffff, v3  }
0x57b: {  	v59 =	vor.u32 v0, v52;
	v3 =	vmul.f32 $8.000000000e+00, v58;
	v58 =	vadd.s32 v35, v46;
	v5 =	vld.idx.msk [tilespmem:v5+s16+$0x0], $0xffff  }
0x57c: {  	v63 =	vadd.s32 v23, v45;
	v18 =	vadd.s32 v23, v44;
	v60 =	vld.idx.msk [tilespmem:v60+s16+$0x0], $0xffff;
	v7 =	vmul.f32 $8.000000000e+00, v13  }
0x57d: {  	v61 =	vor.u32 v14, v54;
	v13 =	vor.u32 v16, v50;
	v1 =	vmul.f32 $8.000000000e+00, v1  }
0x57e: {  	v2 =	vld.idx.msk [tilespmem:v2+s16+$0x0], $0xffff;
	[tilespmem:v19+s21+$0x0] =	vst.idx.msk $0xffff, v7;
	v51 =	vadd.s32 v11, v41;
	v11 =	vmul.f32 $8.000000000e+00, v15  }
0x57f: {  	v7 =	vadd.s32 v35, v47;
	v19 =	vadd.s32 $0x30, v42;
	v17 =	vld.idx.msk [tilespmem:v17+s16+$0x0], $0xffff;
	[tilespmem:v62+s21+$0x0] =	vst.idx.msk $0xffff, v1  }
0x580: {  	v50 =	vshll.u32 v19, $0x7;
	v19 =	vld.idx.msk [tilespmem:v58+s16+$0x0], $0xffff;
	v5 =	vmul.f32 $8.000000000e+00, v5;
	[tilespmem:v59+s21+$0x0] =	vst.idx.msk $0xffff, v11;
	v11 =	vor.u32 v14, v55  }
0x581: {  	v54 =	vor.u32 v16, v54;
	v1 =	vadd.s32 v35, v48;
	v59 =	vmul.f32 $8.000000000e+00, v60;
	v18 =	vld.idx.msk [tilespmem:v18+s16+$0x0], $0xffff  }
0x582: {  	v15 =	vadd.s32 v20, v45;
	v58 =	vor.u32 v14, v56;
	[tilespmem:v61+s21+$0x0] =	vst.idx.msk $0xffff, v5  }
0x583: {  	v62 =	vadd.s32 $0x20, v45;
	v2 =	vmul.f32 $8.000000000e+00, v2;
	[tilespmem:v13+s21+$0x0] =	vst.idx.msk $0xffff, v59;
	v13 =	vadd.s32 v35, v49  }
0x584: {  	v60 =	vor.u32 v0, v50;
	v55 =	vor.u32 v16, v55;
	v5 =	vmul.f32 $8.000000000e+00, v57;
	v7 =	vld.idx.msk [tilespmem:v7+s16+$0x0], $0xffff  }
0x585: {  	v57 =	vadd.s32 v20, v46;
	v59 =	vor.u32 v4, v52;
	[tilespmem:v11+s21+$0x0] =	vst.idx.msk $0xffff, v2;
	v2 =	vmul.f32 $8.000000000e+00, v17  }
0x586: {  	[tilespmem:v9+s21+$0x0] =	vst.idx.msk $0xffff, v3;
	v19 =	vmul.f32 $8.000000000e+00, v19;
	v17 =	vmul.f32 $8.000000000e+00, v18;
	v18 =	vadd.s32 v21, v44;
	v1 =	vld.idx.msk [tilespmem:v1+s16+$0x0], $0xffff  }
0x587: {  	v61 =	vor.u32 v6, v52;
	v15 =	vld.idx.msk [tilespmem:v15+s16+$0x0], $0xffff;
	[tilespmem:v58+s21+$0x0] =	vst.idx.msk $0xffff, v2;
	v58 =	vadd.s32 v20, v47  }
0x588: {  	v9 =	vadd.s32 $0x20, v46;
	v11 =	vadd.s32 v27, v42;
	[tilespmem:v53+s21+$0x0] =	vst.idx.msk $0xffff, v19;
	v53 =	vshll.u32 v62, $0x7;
	v13 =	vld.idx.msk [tilespmem:v13+s16+$0x0], $0xffff  }
0x589: {  	v19 =	vadd.s32 v20, v48;
	[tilespmem:v60+s21+$0x0] =	vst.idx.msk $0xffff, v5;
	v62 =	vor.u32 v0, v53;
	v7 =	vmul.f32 $8.000000000e+00, v7  }
0x58a: {  	v5 =	vadd.s32 v23, v46;
	[tilespmem:v59+s21+$0x0] =	vst.idx.msk $0xffff, v17;
	v17 =	vld.idx.msk [tilespmem:v57+s16+$0x0], $0xffff;
	v59 =	vor.u32 v16, v56  }
0x58b: {  	v57 =	vshll.u32 v9, $0x7;
	[tilespmem:v54+s21+$0x0] =	vst.idx.msk $0xffff, v7;
	v3 =	vld.idx.msk [tilespmem:v18+s16+$0x0], $0xffff;
	v1 =	vmul.f32 $8.000000000e+00, v1;
	v18 =	vadd.s32 v20, v49  }
0x58c: {  	v15 =	vmul.f32 $8.000000000e+00, v15;
	v9 =	vadd.s32 $0x20, v47;
	v7 =	vor.u32 v0, v57;
	v58 =	vld.idx.msk [tilespmem:v58+s16+$0x0], $0xffff  }
0x58d: {  	v2 =	vadd.s32 v22, v44;
	v11 =	vld.idx.msk [tilespmem:v11+s16+$0x0], $0xffff;
	[tilespmem:v55+s21+$0x0] =	vst.idx.msk $0xffff, v1;
	v1 =	vmul.f32 $8.000000000e+00, v13;
	v55 =	vshll.u32 v9, $0x7  }
0x58e: {  	v60 =	vadd.s32 $0x20, v49;
	[tilespmem:v62+s21+$0x0] =	vst.idx.msk $0xffff, v15;
	v9 =	vadd.s32 $0x20, v48;
	v13 =	vld.idx.msk [tilespmem:v19+s16+$0x0], $0xffff;
	v19 =	vor.u32 v0, v55  }
0x58f: {  	v17 =	vmul.f32 $8.000000000e+00, v17;
	v56 =	vshll.u32 v9, $0x7;
	[tilespmem:v59+s21+$0x0] =	vst.idx.msk $0xffff, v1;
	v1 =	vadd.s32 v23, v47;
	v59 =	vld.idx.msk [tilespmem:v63+s16+$0x0], $0xffff  }
0x590: {  	v54 =	vshll.u32 v60, $0x7;
	v9 =	vor.u32 v0, v56;
	v18 =	vld.idx.msk [tilespmem:v18+s16+$0x0], $0xffff;
	v3 =	vmul.f32 $8.000000000e+00, v3  }
0x591: {  	v15 =	vadd.s32 v23, v48;
	[tilespmem:v7+s21+$0x0] =	vst.idx.msk $0xffff, v17;
	v7 =	vmul.f32 $8.000000000e+00, v58;
	v58 =	vor.u32 v4, v53  }
0x592: {  	v17 =	vor.u32 v0, v54;
	[tilespmem:v61+s21+$0x0] =	vst.idx.msk $0xffff, v3;
	v3 =	vld.idx.msk [tilespmem:v5+s16+$0x0], $0xffff  }
0x593: {  	v5 =	vmul.f32 $8.000000000e+00, v13;
	v13 =	vadd.s32 v23, v49;
	v2 =	vld.idx.msk [tilespmem:v2+s16+$0x0], $0xffff;
	[tilespmem:v19+s21+$0x0] =	vst.idx.msk $0xffff, v7  }
0x594: {  	v60 =	vadd.s32 v21, v45;
	v7 =	vor.u32 v4, v57;
	v1 =	vld.idx.msk [tilespmem:v1+s16+$0x0], $0xffff;
	v59 =	vmul.f32 $8.000000000e+00, v59  }
0x595: {  	v19 =	vadd.s32 v21, v46;
	[tilespmem:v9+s21+$0x0] =	vst.idx.msk $0xffff, v5;
	v5 =	vmul.f32 $8.000000000e+00, v18;
	v18 =	vor.u32 v8, v52  }
0x596: {  	v62 =	vor.u32 v4, v55;
	v61 =	vadd.s32 v36, v44;
	v15 =	vld.idx.msk [tilespmem:v15+s16+$0x0], $0xffff;
	[tilespmem:v58+s21+$0x0] =	vst.idx.msk $0xffff, v59  }
0x597: {  	v9 =	vor.u32 v4, v50;
	[tilespmem:v17+s21+$0x0] =	vst.idx.msk $0xffff, v5;
	v3 =	vmul.f32 $8.000000000e+00, v3;
	v5 =	vadd.s32 v21, v47  }
0x598: {  	v59 =	vadd.s32 v21, v48;
	v17 =	vor.u32 v4, v56;
	v13 =	vld.idx.msk [tilespmem:v13+s16+$0x0], $0xffff;
	v2 =	vmul.f32 $8.000000000e+00, v2  }
0x599: {  	v60 =	vld.idx.msk [tilespmem:v60+s16+$0x0], $0xffff;
	[tilespmem:v7+s21+$0x0] =	vst.idx.msk $0xffff, v3;
	v1 =	vmul.f32 $8.000000000e+00, v1;
	v3 =	vor.u32 v4, v54  }
0x59a: {  	v7 =	vmul.f32 $8.000000000e+00, v11;
	[tilespmem:v18+s21+$0x0] =	vst.idx.msk $0xffff, v2;
	v2 =	vld.idx.msk [tilespmem:v19+s16+$0x0], $0xffff;
	v19 =	vor.u32 v6, v53  }
0x59b: {  	v11 =	vmul.f32 $8.000000000e+00, v15;
	v15 =	vadd.s32 v21, v49;
	v18 =	vld.idx.msk [tilespmem:v61+s16+$0x0], $0xffff;
	[tilespmem:v62+s21+$0x0] =	vst.idx.msk $0xffff, v1  }
0x59c: {  	v61 =	vadd.s32 v22, v45;
	v1 =	vor.u32 v6, v57;
	[tilespmem:v9+s21+$0x0] =	vst.idx.msk $0xffff, v7;
	v5 =	vld.idx.msk [tilespmem:v5+s16+$0x0], $0xffff  }
0x59d: {  	v7 =	vor.u32 v10, v52;
	v9 =	vadd.s32 v22, v46;
	[tilespmem:v17+s21+$0x0] =	vst.idx.msk $0xffff, v11;
	v11 =	vmul.f32 $8.000000000e+00, v13  }
0x59e: {  	v17 =	vadd.s32 v37, v44;
	v13 =	vld.idx.msk [tilespmem:v59+s16+$0x0], $0xffff;
	v59 =	vmul.f32 $8.000000000e+00, v60;
	v60 =	vor.u32 v6, v55  }
0x59f: {  	[tilespmem:v3+s21+$0x0] =	vst.idx.msk $0xffff, v11;
	v2 =	vmul.f32 $8.000000000e+00, v2;
	v3 =	vadd.s32 v22, v47  }
0x5a0: {  	v11 =	vor.u32 v6, v56;
	v15 =	vld.idx.msk [tilespmem:v15+s16+$0x0], $0xffff;
	v18 =	vmul.f32 $8.000000000e+00, v18;
	[tilespmem:v19+s21+$0x0] =	vst.idx.msk $0xffff, v59  }
0x5a1: {  	v19 =	vadd.s32 v22, v48;
	v59 =	vld.idx.msk [tilespmem:v61+s16+$0x0], $0xffff;
	[tilespmem:v1+s21+$0x0] =	vst.idx.msk $0xffff, v2;
	v1 =	vmul.f32 $8.000000000e+00, v5  }
0x5a2: {  	v2 =	vor.u32 v6, v54;
	[tilespmem:v7+s21+$0x0] =	vst.idx.msk $0xffff, v18;
	v5 =	vld.idx.msk [tilespmem:v9+s16+$0x0], $0xffff  }
0x5a3: {  	v9 =	vadd.s32 v22, v49;
	v7 =	vmul.f32 $8.000000000e+00, v13;
	v13 =	vld.idx.msk [tilespmem:v17+s16+$0x0], $0xffff;
	[tilespmem:v60+s21+$0x0] =	vst.idx.msk $0xffff, v1  }
0x5a4: {  	v58 =	vadd.s32 v31, v42;
	v1 =	vor.u32 v8, v57;
	v3 =	vld.idx.msk [tilespmem:v3+s16+$0x0], $0xffff  }
0x5a5: {  	v60 =	vadd.s32 v36, v46;
	[tilespmem:v11+s21+$0x0] =	vst.idx.msk $0xffff, v7;
	v7 =	vmul.f32 $8.000000000e+00, v15;
	v15 =	vor.u32 v12, v52  }
0x5a6: {  	v62 =	vor.u32 v8, v55;
	v19 =	vld.idx.msk [tilespmem:v19+s16+$0x0], $0xffff  }
0x5a7: {  	v17 =	vor.u32 v8, v53;
	[tilespmem:v2+s21+$0x0] =	vst.idx.msk $0xffff, v7;
	v2 =	vmul.f32 $8.000000000e+00, v5;
	v5 =	vadd.s32 v36, v47  }
0x5a8: {  	v18 =	vadd.s32 v36, v45;
	v7 =	vor.u32 v8, v56;
	v9 =	vld.idx.msk [tilespmem:v9+s16+$0x0], $0xffff;
	v13 =	vmul.f32 $8.000000000e+00, v13  }
0x5a9: {  	v58 =	vld.idx.msk [tilespmem:v58+s16+$0x0], $0xffff;
	v61 =	vadd.s32 v38, v44;
	[tilespmem:v1+s21+$0x0] =	vst.idx.msk $0xffff, v2;
	v1 =	vmul.f32 $8.000000000e+00, v3  }
0x5aa: {  	v59 =	vmul.f32 $8.000000000e+00, v59;
	v2 =	vor.u32 v8, v54;
	[tilespmem:v15+s21+$0x0] =	vst.idx.msk $0xffff, v13;
	v13 =	vld.idx.msk [tilespmem:v60+s16+$0x0], $0xffff  }
0x5ab: {  	v63 =	vadd.s32 v36, v48;
	v11 =	vor.u32 v6, v50;
	v15 =	vmul.f32 $8.000000000e+00, v19;
	[tilespmem:v62+s21+$0x0] =	vst.idx.msk $0xffff, v1  }
0x5ac: {  	[tilespmem:v17+s21+$0x0] =	vst.idx.msk $0xffff, v59;
	v1 =	vor.u32 v10, v57;
	v5 =	vld.idx.msk [tilespmem:v5+s16+$0x0], $0xffff  }
0x5ad: {  	v18 =	vld.idx.msk [tilespmem:v18+s16+$0x0], $0xffff;
	[tilespmem:v7+s21+$0x0] =	vst.idx.msk $0xffff, v15;
	v7 =	vmul.f32 $8.000000000e+00, v9  }
0x5ae: {  	v17 =	vadd.s32 v26, v42;
	v3 =	vmul.f32 $8.000000000e+00, v58;
	v19 =	vadd.s32 v36, v49  }
0x5af: {  	v58 =	vor.u32 v10, v53;
	v60 =	vld.idx.msk [tilespmem:v61+s16+$0x0], $0xffff;
	[tilespmem:v2+s21+$0x0] =	vst.idx.msk $0xffff, v7;
	v2 =	vmul.f32 $8.000000000e+00, v13  }
0x5b0: {  	v61 =	vadd.s32 v37, v45;
	[tilespmem:v11+s21+$0x0] =	vst.idx.msk $0xffff, v3;
	v9 =	vld.idx.msk [tilespmem:v63+s16+$0x0], $0xffff  }
0x5b1: {  	v3 =	vadd.s32 v37, v46;
	[tilespmem:v1+s21+$0x0] =	vst.idx.msk $0xffff, v2;
	v1 =	vmul.f32 $8.000000000e+00, v5;
	v5 =	vld [tilespmem:$0x1FEF0]  }
0x5b2: {  	v15 =	vmul.f32 $8.000000000e+00, v18;
	v18 =	vor.u32 v10, v55  }
0x5b3: {  	v7 =	vadd.s32 v37, v47;
	v13 =	vor.u32 v10, v56;
	v19 =	vld.idx.msk [tilespmem:v19+s16+$0x0], $0xffff  }
0x5b4: {  	v11 =	vor.u32 v14, v52;
	v17 =	vld.idx.msk [tilespmem:v17+s16+$0x0], $0xffff;
	[tilespmem:v58+s21+$0x0] =	vst.idx.msk $0xffff, v15;
	v15 =	vadd.s32 v37, v48  }
0x5b5: {  	v59 =	vor.u32 v12, v43;
	v62 =	vadd.s32 v39, v44;
	v61 =	vld.idx.msk [tilespmem:v61+s16+$0x0], $0xffff;
	v2 =	vor.u32 v10, v54  }
0x5b6: {  	v3 =	vld.idx.msk [tilespmem:v3+s16+$0x0], $0xffff;
	v58 =	vadd.s32 v5, v41;
	v5 =	vmul.f32 $8.000000000e+00, v9;
	v9 =	vadd.s32 v37, v49  }
0x5b7: {  	v60 =	vmul.f32 $8.000000000e+00, v60;
	[tilespmem:v18+s21+$0x0] =	vst.idx.msk $0xffff, v1;
	v1 =	vor.u32 v12, v53;
	v18 =	vadd.s32 v38, v45  }
0x5b8: {  	v7 =	vld.idx.msk [tilespmem:v7+s16+$0x0], $0xffff;
	[tilespmem:v13+s21+$0x0] =	vst.idx.msk $0xffff, v5;
	v5 =	vor.u32 v12, v57;
	v13 =	vmul.f32 $8.000000000e+00, v19  }
0x5b9: {  	[tilespmem:v11+s21+$0x0] =	vst.idx.msk $0xffff, v60;
	v11 =	vadd.s32 v38, v46;
	v19 =	vor.u32 v8, v50;
	v15 =	vld.idx.msk [tilespmem:v15+s16+$0x0], $0xffff  }
0x5ba: {  	v60 =	vld.idx.msk [tilespmem:v62+s16+$0x0], $0xffff;
	v62 =	vor.u32 v12, v55;
	v61 =	vmul.f32 $8.000000000e+00, v61;
	[tilespmem:v2+s21+$0x0] =	vst.idx.msk $0xffff, v13  }
0x5bb: {  	v2 =	vmul.f32 $8.000000000e+00, v3;
	v3 =	vadd.s32 v38, v47;
	v13 =	vor.u32 v12, v56;
	v9 =	vld.idx.msk [tilespmem:v9+s16+$0x0], $0xffff  }
0x5bc: {  	v52 =	vor.u32 v16, v52;
	v17 =	vmul.f32 $8.000000000e+00, v17;
	[tilespmem:v1+s21+$0x0] =	vst.idx.msk $0xffff, v61;
	v1 =	vadd.s32 v38, v48  }
0x5bd: {  	v18 =	vld.idx.msk [tilespmem:v18+s16+$0x0], $0xffff;
	[tilespmem:v5+s21+$0x0] =	vst.idx.msk $0xffff, v2;
	v2 =	vmul.f32 $8.000000000e+00, v7;
	v5 =	vor.u32 v12, v54  }
0x5be: {  	[tilespmem:v19+s21+$0x0] =	vst.idx.msk $0xffff, v17;
	v7 =	vld.idx.msk [tilespmem:v11+s16+$0x0], $0xffff;
	v11 =	vmul.f32 $8.000000000e+00, v15;
	v15 =	vadd.s32 v38, v49  }
0x5bf: {  	v17 =	vmul.f32 $8.000000000e+00, v60;
	v19 =	vor.u32 v14, v53;
	v60 =	vadd.s32 v39, v45;
	[tilespmem:v62+s21+$0x0] =	vst.idx.msk $0xffff, v2  }
0x5c0: {  	v2 =	vor.u32 v14, v57;
	v3 =	vld.idx.msk [tilespmem:v3+s16+$0x0], $0xffff;
	[tilespmem:v13+s21+$0x0] =	vst.idx.msk $0xffff, v11;
	v9 =	vmul.f32 $8.000000000e+00, v9  }
0x5c1: {  	v63 =	vadd.s32 v40, v45;
	[tilespmem:v52+s21+$0x0] =	vst.idx.msk $0xffff, v17;
	v13 =	vadd.s32 v39, v46;
	v1 =	vld.idx.msk [tilespmem:v1+s16+$0x0], $0xffff  }
0x5c2: {  	v61 =	vor.u32 v14, v55;
	v53 =	vor.u32 v16, v53;
	v18 =	vmul.f32 $8.000000000e+00, v18;
	[tilespmem:v5+s21+$0x0] =	vst.idx.msk $0xffff, v9  }
0x5c3: {  	v9 =	vor.u32 v14, v56;
	v5 =	vmul.f32 $8.000000000e+00, v7;
	v7 =	vadd.s32 v39, v47;
	v15 =	vld.idx.msk [tilespmem:v15+s16+$0x0], $0xffff  }
0x5c4: {  	v62 =	vadd.s32 v40, v44;
	[tilespmem:v19+s21+$0x0] =	vst.idx.msk $0xffff, v18;
	v18 =	vadd.s32 v39, v48  }
0x5c5: {  	v52 =	vadd.s32 $0x30, v44;
	v19 =	vld.idx.msk [tilespmem:v60+s16+$0x0], $0xffff;
	[tilespmem:v2+s21+$0x0] =	vst.idx.msk $0xffff, v5;
	v2 =	vmul.f32 $8.000000000e+00, v3;
	v3 =	vor.u32 v14, v54  }
0x5c6: {  	v57 =	vor.u32 v16, v57;
	v11 =	vadd.s32 v24, v42;
	v13 =	vld.idx.msk [tilespmem:v13+s16+$0x0], $0xffff;
	v1 =	vmul.f32 $8.000000000e+00, v1  }
0x5c7: {  	v52 =	vshll.u32 v52, $0x7;
	v60 =	vld.idx.msk [tilespmem:v51+s16+$0x0], $0xffff;
	[tilespmem:v61+s21+$0x0] =	vst.idx.msk $0xffff, v2;
	v2 =	vadd.s32 v39, v49  }
0x5c8: {  	v5 =	vor.u32 v0, v52;
	v7 =	vld.idx.msk [tilespmem:v7+s16+$0x0], $0xffff;
	[tilespmem:v9+s21+$0x0] =	vst.idx.msk $0xffff, v1;
	v1 =	vmul.f32 $8.000000000e+00, v15  }
0x5c9: {  	v61 =	vadd.s32 v40, v46;
	v9 =	vadd.s32 v27, v44;
	v15 =	vadd.s32 $0x30, v45;
	v18 =	vld.idx.msk [tilespmem:v18+s16+$0x0], $0xffff  }
0x5ca: {  	v51 =	vshll.u32 v15, $0x7;
	v15 =	vor.u32 v16, v55;
	[tilespmem:v3+s21+$0x0] =	vst.idx.msk $0xffff, v1;
	v1 =	vld.idx.msk [tilespmem:v62+s16+$0x0], $0xffff;
	v3 =	vmul.f32 $8.000000000e+00, v19  }
0x5cb: {  	v55 =	vor.u32 v16, v56;
	v19 =	vadd.s32 v40, v47;
	v13 =	vmul.f32 $8.000000000e+00, v13  }
0x5cc: {  	v56 =	vadd.s32 v40, v48;
	[tilespmem:v53+s21+$0x0] =	vst.idx.msk $0xffff, v3;
	v3 =	vor.u32 v0, v51;
	v2 =	vld.idx.msk [tilespmem:v2+s16+$0x0], $0xffff  }
0x5cd: {  	v53 =	vadd.s32 $0x30, v46;
	v62 =	vld.idx.msk [tilespmem:v63+s16+$0x0], $0xffff;
	[tilespmem:v57+s21+$0x0] =	vst.idx.msk $0xffff, v13;
	v13 =	vadd.s32 v27, v45;
	v7 =	vmul.f32 $8.000000000e+00, v7  }
0x5ce: {  	v53 =	vshll.u32 v53, $0x7;
	v57 =	vld.idx.msk [tilespmem:v61+s16+$0x0], $0xffff;
	v18 =	vmul.f32 $8.000000000e+00, v18;
	v61 =	vor.u32 v16, v54  }
0x5cf: {  	v11 =	vld.idx.msk [tilespmem:v11+s16+$0x0], $0xffff;
	v54 =	vadd.s32 $0x30, v47;
	v1 =	vmul.f32 $8.000000000e+00, v1;
	[tilespmem:v15+s21+$0x0] =	vst.idx.msk $0xffff, v7;
	v15 =	vadd.s32 v40, v49  }
0x5d0: {  	v60 =	vmul.f32 $8.000000000e+00, v60;
	v7 =	vor.u32 v0, v53;
	v54 =	vshll.u32 v54, $0x7;
	[tilespmem:v55+s21+$0x0] =	vst.idx.msk $0xffff, v18;
	v19 =	vld.idx.msk [tilespmem:v19+s16+$0x0], $0xffff  }
0x5d1: {  	v18 =	vadd.s32 v27, v46;
	[tilespmem:v5+s21+$0x0] =	vst.idx.msk $0xffff, v1;
	v1 =	vadd.s32 $0x30, v48;
	v5 =	vld.idx.msk [tilespmem:v56+s16+$0x0], $0xffff;
	v2 =	vmul.f32 $8.000000000e+00, v2  }
0x5d2: {  	[tilespmem:v59+s21+$0x0] =	vst.idx.msk $0xffff, v60;
	v59 =	vor.u32 v0, v54;
	v9 =	vld.idx.msk [tilespmem:v9+s16+$0x0], $0xffff;
	v56 =	vmul.f32 $8.000000000e+00, v62;
	v55 =	vshll.u32 v1, $0x7  }
0x5d3: {  	v1 =	vmul.f32 $8.000000000e+00, v57;
	v57 =	vadd.s32 v27, v47;
	[tilespmem:v61+s21+$0x0] =	vst.idx.msk $0xffff, v2;
	v2 =	vor.u32 v0, v55  }
0x5d4: {  	v17 =	vor.u32 v10, v50;
	v11 =	vmul.f32 $8.000000000e+00, v11;
	[tilespmem:v3+s21+$0x0] =	vst.idx.msk $0xffff, v56;
	v56 =	vadd.s32 $0x30, v49;
	v15 =	vld.idx.msk [tilespmem:v15+s16+$0x0], $0xffff  }
0x5d5: {  	v60 =	vor.u32 v4, v52;
	v13 =	vld.idx.msk [tilespmem:v13+s16+$0x0], $0xffff;
	[tilespmem:v7+s21+$0x0] =	vst.idx.msk $0xffff, v1;
	v1 =	vmul.f32 $8.000000000e+00, v19;
	v56 =	vshll.u32 v56, $0x7  }
0x5d6: {  	v3 =	vadd.s32 v27, v48;
	v18 =	vld.idx.msk [tilespmem:v18+s16+$0x0], $0xffff;
	v5 =	vmul.f32 $8.000000000e+00, v5;
	v19 =	vor.u32 v0, v56  }
0x5d7: {  	v7 =	vadd.s32 v31, v44;
	v9 =	vmul.f32 $8.000000000e+00, v9;
	[tilespmem:v59+s21+$0x0] =	vst.idx.msk $0xffff, v1;
	v1 =	vor.u32 v4, v51  }
0x5d8: {  	v59 =	vadd.s32 v27, v49;
	[tilespmem:v2+s21+$0x0] =	vst.idx.msk $0xffff, v5;
	v5 =	vor.u32 v4, v53;
	v57 =	vld.idx.msk [tilespmem:v57+s16+$0x0], $0xffff  }
0x5d9: {  	[tilespmem:v17+s21+$0x0] =	vst.idx.msk $0xffff, v11;
	v2 =	vadd.s32 v31, v45;
	v15 =	vmul.f32 $8.000000000e+00, v15  }
0x5da: {  	v17 =	vld.idx.msk [tilespmem:v58+s16+$0x0], $0xffff;
	[tilespmem:v60+s21+$0x0] =	vst.idx.msk $0xffff, v9;
	v9 =	vmul.f32 $8.000000000e+00, v13;
	v13 =	vor.u32 v4, v54  }
0x5db: {  	v11 =	vadd.s32 v31, v46;
	v3 =	vld.idx.msk [tilespmem:v3+s16+$0x0], $0xffff;
	v18 =	vmul.f32 $8.000000000e+00, v18;
	[tilespmem:v19+s21+$0x0] =	vst.idx.msk $0xffff, v15  }
0x5dc: {  	v7 =	vld.idx.msk [tilespmem:v7+s16+$0x0], $0xffff;
	[tilespmem:v1+s21+$0x0] =	vst.idx.msk $0xffff, v9  }
0x5dd: {  	v58 =	vor.u32 v4, v55;
	v9 =	vld.idx.msk [tilespmem:v59+s16+$0x0], $0xffff;
	[tilespmem:v5+s21+$0x0] =	vst.idx.msk $0xffff, v18;
	v5 =	vmul.f32 $8.000000000e+00, v57  }
0x5de: {  	v15 =	vor.u32 v6, v52;
	v1 =	vadd.s32 v31, v47;
	v2 =	vld.idx.msk [tilespmem:v2+s16+$0x0], $0xffff  }
0x5df: {  	v60 =	vor.u32 v6, v53;
	v18 =	vadd.s32 v31, v48;
	[tilespmem:v13+s21+$0x0] =	vst.idx.msk $0xffff, v5;
	v13 =	vld [tilespmem:$0x1FFD0]  }
0x5e0: {  	v19 =	vadd.s32 v26, v44;
	v57 =	vor.u32 v4, v56;
	v11 =	vld.idx.msk [tilespmem:v11+s16+$0x0], $0xffff;
	v3 =	vmul.f32 $8.000000000e+00, v3  }
0x5e1: {  	v59 =	vor.u32 v6, v51;
	v5 =	vadd.s32 v31, v49;
	v7 =	vmul.f32 $8.000000000e+00, v7  }
0x5e2: {  	[tilespmem:v58+s21+$0x0] =	vst.idx.msk $0xffff, v3;
	v3 =	vor.u32 v14, v43;
	v58 =	vadd.s32 v26, v45  }
0x5e3: {  	v1 =	vld.idx.msk [tilespmem:v1+s16+$0x0], $0xffff;
	v9 =	vmul.f32 $8.000000000e+00, v9;
	[tilespmem:v15+s21+$0x0] =	vst.idx.msk $0xffff, v7;
	v7 =	vadd.s32 v26, v46  }
0x5e4: {  	v2 =	vmul.f32 $8.000000000e+00, v2;
	v15 =	vld.idx.msk [tilespmem:v18+s16+$0x0], $0xffff;
	v13 =	vadd.s32 v13, v42  }
0x5e5: {  	v18 =	vld.idx.msk [tilespmem:v19+s16+$0x0], $0xffff;
	v19 =	vor.u32 v6, v54;
	v11 =	vmul.f32 $8.000000000e+00, v11;
	[tilespmem:v57+s21+$0x0] =	vst.idx.msk $0xffff, v9  }
0x5e6: {  	v17 =	vmul.f32 $8.000000000e+00, v17;
	v9 =	vor.u32 v6, v55;
	[tilespmem:v59+s21+$0x0] =	vst.idx.msk $0xffff, v2;
	v5 =	vld.idx.msk [tilespmem:v5+s16+$0x0], $0xffff  }
0x5e7: {  	v57 =	vor.u32 v8, v52;
	[tilespmem:v60+s21+$0x0] =	vst.idx.msk $0xffff, v11;
	v58 =	vld.idx.msk [tilespmem:v58+s16+$0x0], $0xffff  }
0x5e8: {  	v2 =	vadd.s32 v26, v47;
	[tilespmem:v3+s21+$0x0] =	vst.idx.msk $0xffff, v17;
	v1 =	vmul.f32 $8.000000000e+00, v1;
	v3 =	vld.idx.msk [tilespmem:v7+s16+$0x0], $0xffff  }
0x5e9: {  	v11 =	vadd.s32 v26, v48;
	v60 =	vor.u32 v6, v56;
	v7 =	vmul.f32 $8.000000000e+00, v15;
	v13 =	vld.idx.msk [tilespmem:v13+s16+$0x0], $0xffff  }
0x5ea: {  	v59 =	vadd.s32 v24, v44;
	[tilespmem:v19+s21+$0x0] =	vst.idx.msk $0xffff, v1;
	v1 =	vor.u32 v8, v51  }
0x5eb: {  	v15 =	vadd.s32 v26, v49;
	v17 =	vmul.f32 $8.000000000e+00, v18;
	[tilespmem:v9+s21+$0x0] =	vst.idx.msk $0xffff, v7;
	v9 =	vor.u32 v12, v50  }
0x5ec: {  	v18 =	vadd.s32 v24, v45;
	v7 =	vor.u32 v8, v53;
	v5 =	vmul.f32 $8.000000000e+00, v5  }
0x5ed: {  	v2 =	vld.idx.msk [tilespmem:v2+s16+$0x0], $0xffff;
	[tilespmem:v57+s21+$0x0] =	vst.idx.msk $0xffff, v17;
	v17 =	vadd.s32 v24, v46;
	v57 =	vmul.f32 $8.000000000e+00, v58  }
0x5ee: {  	v11 =	vld.idx.msk [tilespmem:v11+s16+$0x0], $0xffff;
	v58 =	vor.u32 v8, v54;
	[tilespmem:v60+s21+$0x0] =	vst.idx.msk $0xffff, v5;
	v13 =	vmul.f32 $8.000000000e+00, v13  }
0x5ef: {  	v19 =	vld.idx.msk [tilespmem:v59+s16+$0x0], $0xffff;
	v59 =	vor.u32 v8, v55;
	v5 =	vadd.s32 v24, v47;
	[tilespmem:v1+s21+$0x0] =	vst.idx.msk $0xffff, v57  }
0x5f0: {  	v57 =	vadd.s32 v24, v48;
	[tilespmem:v9+s21+$0x0] =	vst.idx.msk $0xffff, v13;
	v13 =	vadd.s32 v24, v49;
	v24 =	vld [tilespmem:$0x1FFD0]  }
0x5f1: {  	v3 =	vmul.f32 $8.000000000e+00, v3;
	v15 =	vld.idx.msk [tilespmem:v15+s16+$0x0], $0xffff;
	v1 =	vor.u32 v10, v52  }
0x5f2: {  	v60 =	vld [tilespmem:$0x1FEF0];
	v2 =	vmul.f32 $8.000000000e+00, v2  }
0x5f3: {  	[tilespmem:v7+s21+$0x0] =	vst.idx.msk $0xffff, v3;
	v3 =	vld.idx.msk [tilespmem:v18+s16+$0x0], $0xffff;
	v7 =	vor.u32 v8, v56;
	v11 =	vmul.f32 $8.000000000e+00, v11  }
0x5f4: {  	v9 =	vld.idx.msk [tilespmem:v17+s16+$0x0], $0xffff;
	v17 =	vmul.f32 $8.000000000e+00, v19;
	[tilespmem:v58+s21+$0x0] =	vst.idx.msk $0xffff, v2  }
0x5f5: {  	v2 =	vor.u32 v10, v51;
	v5 =	vld.idx.msk [tilespmem:v5+s16+$0x0], $0xffff;
	[tilespmem:v59+s21+$0x0] =	vst.idx.msk $0xffff, v11;
	v18 =	vadd.s32 v24, v44  }
0x5f6: {  	v19 =	vor.u32 v10, v53;
	v11 =	vmul.f32 $8.000000000e+00, v15;
	[tilespmem:v1+s21+$0x0] =	vst.idx.msk $0xffff, v17;
	v1 =	vadd.s32 v24, v45  }
0x5f7: {  	v15 =	vld.idx.msk [tilespmem:v57+s16+$0x0], $0xffff  }
0x5f8: {  	v17 =	vadd.s32 v60, v42;
	v57 =	vor.u32 v10, v54;
	v3 =	vmul.f32 $8.000000000e+00, v3;
	[tilespmem:v7+s21+$0x0] =	vst.idx.msk $0xffff, v11  }
0x5f9: {  	v11 =	vor.u32 v10, v55;
	v7 =	vmul.f32 $8.000000000e+00, v9;
	v9 =	vadd.s32 v24, v46;
	v13 =	vld.idx.msk [tilespmem:v13+s16+$0x0], $0xffff  }
0x5fa: {  	[tilespmem:v2+s21+$0x0] =	vst.idx.msk $0xffff, v3;
	v2 =	vadd.s32 v24, v47;
	v3 =	vmul.f32 $8.000000000e+00, v5;
	v18 =	vld.idx.msk [tilespmem:v18+s16+$0x0], $0xffff  }
0x5fb: {  	v5 =	vadd.s32 v24, v48;
	[tilespmem:v19+s21+$0x0] =	vst.idx.msk $0xffff, v7;
	v7 =	vor.u32 v10, v56;
	v1 =	vld.idx.msk [tilespmem:v1+s16+$0x0], $0xffff  }
0x5fc: {  	v59 =	vld [tilespmem:$0x1FEE0];
	v58 =	vadd.s32 v24, v49;
	v19 =	vor.u32 v12, v52;
	v15 =	vmul.f32 $8.000000000e+00, v15  }
0x5fd: {  	v17 =	vld.idx.msk [tilespmem:v17+s16+$0x0], $0xffff;
	[tilespmem:v57+s21+$0x0] =	vst.idx.msk $0xffff, v3;
	v57 =	vor.u32 v12, v51  }
0x5fe: {  	v3 =	vadd.s32 v60, v44;
	[tilespmem:v11+s21+$0x0] =	vst.idx.msk $0xffff, v15;
	v9 =	vld.idx.msk [tilespmem:v9+s16+$0x0], $0xffff;
	v11 =	vmul.f32 $8.000000000e+00, v13  }
0x5ff: {  	v13 =	vor.u32 v14, v50;
	v2 =	vld.idx.msk [tilespmem:v2+s16+$0x0], $0xffff;
	v15 =	vmul.f32 $8.000000000e+00, v18;
	v18 =	vadd.s32 v60, v45  }
0x600: {  	v5 =	vld.idx.msk [tilespmem:v5+s16+$0x0], $0xffff;
	[tilespmem:v7+s21+$0x0] =	vst.idx.msk $0xffff, v11;
	v7 =	vor.u32 v12, v53;
	v1 =	vmul.f32 $8.000000000e+00, v1  }
0x601: {  	v11 =	vor.u32 v12, v54;
	[tilespmem:v19+s21+$0x0] =	vst.idx.msk $0xffff, v15;
	v15 =	vld.idx.msk [tilespmem:v58+s16+$0x0], $0xffff  }
0x602: {  	v17 =	vmul.f32 $8.000000000e+00, v17;
	v19 =	vadd.s32 v60, v46;
	v58 =	vor.u32 v12, v55;
	[tilespmem:v57+s21+$0x0] =	vst.idx.msk $0xffff, v1  }
0x603: {  	v1 =	vmul.f32 $8.000000000e+00, v9;
	v9 =	vadd.s32 v60, v47;
	v57 =	vor.u32 v12, v56;
	v3 =	vld.idx.msk [tilespmem:v3+s16+$0x0], $0xffff  }
0x604: {  	[tilespmem:v13+s21+$0x0] =	vst.idx.msk $0xffff, v17;
	v2 =	vmul.f32 $8.000000000e+00, v2;
	v17 =	vadd.s32 v60, v48;
	v13 =	vld.idx.msk [tilespmem:v18+s16+$0x0], $0xffff  }
0x605: {  	v63 =	vld [tilespmem:$0x1FEB0];
	v5 =	vmul.f32 $8.000000000e+00, v5;
	[tilespmem:v7+s21+$0x0] =	vst.idx.msk $0xffff, v1;
	v1 =	vor.u32 v14, v52;
	v7 =	vadd.s32 v60, v49  }
0x606: {  	v62 =	vld [tilespmem:$0x1FED0];
	[tilespmem:v11+s21+$0x0] =	vst.idx.msk $0xffff, v2;
	v2 =	vadd.s32 v59, v41;
	v11 =	vor.u32 v14, v51;
	v15 =	vmul.f32 $8.000000000e+00, v15  }
0x607: {  	[tilespmem:v58+s21+$0x0] =	vst.idx.msk $0xffff, v5;
	v5 =	vadd.s32 v59, v42;
	v18 =	vld.idx.msk [tilespmem:v19+s16+$0x0], $0xffff  }
0x608: {  	v9 =	vld.idx.msk [tilespmem:v9+s16+$0x0], $0xffff;
	v3 =	vmul.f32 $8.000000000e+00, v3;
	[tilespmem:v57+s21+$0x0] =	vst.idx.msk $0xffff, v15;
	v15 =	vadd.s32 v59, v44  }
0x609: {  	v41 =	vor.u32 v14, v53;
	v19 =	vadd.s32 v59, v45;
	v17 =	vld.idx.msk [tilespmem:v17+s16+$0x0], $0xffff;
	v13 =	vmul.f32 $8.000000000e+00, v13  }
0x60a: {  	[tilespmem:v1+s21+$0x0] =	vst.idx.msk $0xffff, v3;
	v1 =	vadd.s32 v59, v46;
	v3 =	vor.u32 v14, v54;
	v7 =	vld.idx.msk [tilespmem:v7+s16+$0x0], $0xffff  }
0x60b: {  	v2 =	vld.idx.msk [tilespmem:v2+s16+$0x0], $0xffff;
	[tilespmem:v11+s21+$0x0] =	vst.idx.msk $0xffff, v13;
	v11 =	vadd.s32 v59, v47;
	v13 =	vor.u32 v14, v55  }
0x60c: {  	v58 =	vor.u32 v14, v56;
	v57 =	vadd.s32 v59, v48;
	v5 =	vld.idx.msk [tilespmem:v5+s16+$0x0], $0xffff;
	v18 =	vmul.f32 $8.000000000e+00, v18  }
0x60d: {  	v43 =	vor.u32 v16, v43;
	v60 =	vadd.s32 v59, v49;
	v9 =	vmul.f32 $8.000000000e+00, v9;
	v15 =	vld.idx.msk [tilespmem:v15+s16+$0x0], $0xffff  }
0x60e: {  	v19 =	vld.idx.msk [tilespmem:v19+s16+$0x0], $0xffff;
	v17 =	vmul.f32 $8.000000000e+00, v17;
	[tilespmem:v41+s21+$0x0] =	vst.idx.msk $0xffff, v18;
	v18 =	vor.u32 v16, v50  }
0x60f: {  	[tilespmem:v3+s21+$0x0] =	vst.idx.msk $0xffff, v9;
	v3 =	vor.u32 v16, v52;
	v1 =	vld.idx.msk [tilespmem:v1+s16+$0x0], $0xffff;
	v7 =	vmul.f32 $8.000000000e+00, v7  }
0x610: {  	v2 =	vmul.f32 $8.000000000e+00, v2;
	v9 =	vor.u32 v16, v51;
	[tilespmem:v13+s21+$0x0] =	vst.idx.msk $0xffff, v17;
	v11 =	vld.idx.msk [tilespmem:v11+s16+$0x0], $0xffff  }
0x611: {  	[tilespmem:v58+s21+$0x0] =	vst.idx.msk $0xffff, v7;
	v5 =	vmul.f32 $8.000000000e+00, v5;
	v7 =	vor.u32 v16, v53;
	v13 =	vld.idx.msk [tilespmem:v57+s16+$0x0], $0xffff  }
0x612: {  	[tilespmem:v43+s21+$0x0] =	vst.idx.msk $0xffff, v2;
	v17 =	vld.idx.msk [tilespmem:v60+s16+$0x0], $0xffff;
	v2 =	vmul.f32 $8.000000000e+00, v15;
	v15 =	vor.u32 v16, v54  }
0x613: {  	v61 =	vld [tilespmem:$0x1FEC0];
	[tilespmem:v18+s21+$0x0] =	vst.idx.msk $0xffff, v5;
	v5 =	vmul.f32 $8.000000000e+00, v19;
	v18 =	vor.u32 v16, v55  }
0x614: {  	p2 =	por p1, p1;
	v44 =	vld [tilespmem:$0x1FFB0];
	v1 =	vmul.f32 $8.000000000e+00, v1;
	[tilespmem:v3+s21+$0x0] =	vst.idx.msk $0xffff, v2;
	v2 =	vor.u32 v16, v56  }
.Ltmp4:
0x615: {  	v43 =	vld [tilespmem:$0x1FFC0];
	[tilespmem:v9+s21+$0x0] =	vst.idx.msk $0xffff, v5;
	v3 =	vmul.f32 $8.000000000e+00, v11;
	(pc) =	sbr.rel @p2 .LBB2_7-.Ltmp4, $4  }
0x616: {  	v49 =	vmov v30;
	v53 =	vld [tilespmem:$0x1FEA0];
	[tilespmem:v7+s21+$0x0] =	vst.idx.msk $0xffff, v1;
	v1 =	vmul.f32 $8.000000000e+00, v13  }
0x617: {  	v42 =	vmovc v25;
	v45 =	vmovc v28;
	v48 =	vmov v22;
	v46 =	vmov v29;
	v19 =	vld [tilespmem:$0x1FF10];
	[tilespmem:v15+s21+$0x0] =	vst.idx.msk $0xffff, v3;
	v3 =	vmul.f32 $8.000000000e+00, v17  }
0x618: {  	v47 =	vmovc v21;
	v50 =	vmovc v36;
	v52 =	vmov v26;
	v51 =	vmov v27;
	v58 =	vmov v20;
	v15 =	vld [tilespmem:$0x1FFF0];
	[tilespmem:v18+s21+$0x0] =	vst.idx.msk $0xffff, v1  }
0x619: {  	p1 =	por $0x0, $0x0;
	s3 =	simm.s32 $0x8;
	v57 =	vmovc v35;
	v55 =	vmovc v33;
	v54 =	vmov v32;
	v56 =	vmov v34;
	v17 =	vmov v23;
	v18 =	vld [tilespmem:$0x1FF00];
	[tilespmem:v2+s21+$0x0] =	vst.idx.msk $0xffff, v3  }
0x61a: {  	s0 =	sshll.u32 s0, $0xA;
	s3 =	sshll.u32 s1, $0xF  }
0x61b: {  	s8 =	sshll.u32 s1, $0x12;
	s0 =	ssub.s32 s0, s3  }
0x61c: {  	s0 =	sadd.s32 s8, s0  }
0x61d: {  	s0 =	sshrl.u32 s0, $0x3  }
0x61e: {  	p1 =	seq.s32 s30, $0x31;
	s0 =	sadd.s32 s2, s0  }
0x61f: {  	[hbm4b:s0+s14] =	stream.strided.scatter [tilespmem:s21], [sflag:$0x7], $0x2000, s15, s14, $0x38;
	[tilespmem:$0x1E400] =	vst v63  }
0x620: {  	s0 =	sshll.u32 @!p1 s30, $0x9  }
0x621: {  	s0 =	sand.u32 @!p1 $0x3FFFFE00, s0  }
0x622: {  	s1 =	simm.s32 @!p1 $0x80;
	s3 =	simm.s32 @!p1 $0x6400;
	s0 =	sadd.s32 @!p1 $0x200, s0  }
0x623: {  	[tilespmem:s3], [sflag:$0x1] =	stream.indirect.gather @!p1 [hbm4b:s4+s1], $0x80, s0, s1, $0xb8;
	[tilespmem:$0x1E400] =	vst v63  }
0x624: {  	_ =	swait.ge [sflag:s22], $0x4000  }
0x625: {  	[sflag:s22] =	ssyncset.done $0x0  }
0x626: {  	s3 =	simm.s32 @!p0 $0x8;
	[sflag:s22] =	ssyncadd.s32 $0xFFFFC000  }
0x627: {  	s0 =	sadd.s32 s5, s31;
	_ =	swait.ge @!p0 [sflag:s3], $0x2000  }
0x628: {  	s1 =	sshrl.u32 s0, $0x5;
	[sflag:s3] =	ssyncset.done @!p0 $0x0  }
0x629: {  	[sflag:s3] =	ssyncadd.s32 @!p0 $0xFFFFE000;
	s3 =	simm.s32 $0x0;
	p0 =	por $0x1, $0x1  }
.LBB2_9:
0x62a: {  	s6 =	ssub.s32 $0x10, s3  }
0x62b: {  	v1 =	vmov s6  }
0x62c: {  	vm0 =	vgt.u32 v1, v0  }
0x62d: {  	v1 =	vsel vm0, v0, v63  }
0x62e: {  	v41 =	vadd.s32 s3, v1  }
0x62f: {  	v1 =	vadd.s32 v53, v41;
	_ =	sdelay $0x4  }
0x630: {  	v1 =	vld.idx.msk [tilespmem:v1+s19+$0x0], $0xffff  }
0x631: {  	v2 =	vshll.u32 v41, $0x7  }
0x632: {  	v3 =	vor.u32 v0, v2  }
0x633: {  	v5 =	vadd.s32 v61, v41;
	_ =	sdelay $0x1  }
0x634: {  	v1 =	vmul.f32 $8.000000000e+00, v1;
	_ =	sdelay $0x1  }
0x635: {  	[tilespmem:v3+s23+$0x0] =	vst.idx.msk $0xffff, v1  }
0x636: {  	v1 =	vld.idx.msk [tilespmem:v5+s19+$0x0], $0xffff;
	_ =	sdelay $0x1  }
0x637: {  	v3 =	vor.u32 v4, v2  }
0x638: {  	v5 =	vadd.s32 v62, v41;
	_ =	sdelay $0x1  }
0x639: {  	v1 =	vmul.f32 $8.000000000e+00, v1;
	_ =	sdelay $0x1  }
0x63a: {  	[tilespmem:v3+s23+$0x0] =	vst.idx.msk $0xffff, v1  }
0x63b: {  	v1 =	vld.idx.msk [tilespmem:v5+s19+$0x0], $0xffff;
	_ =	sdelay $0x1  }
0x63c: {  	v3 =	vor.u32 v6, v2  }
0x63d: {  	v5 =	vadd.s32 v19, v41;
	_ =	sdelay $0x1  }
0x63e: {  	v1 =	vmul.f32 $8.000000000e+00, v1;
	_ =	sdelay $0x1  }
0x63f: {  	[tilespmem:v3+s23+$0x0] =	vst.idx.msk $0xffff, v1  }
0x640: {  	v1 =	vld.idx.msk [tilespmem:v5+s19+$0x0], $0xffff;
	_ =	sdelay $0x1  }
0x641: {  	v3 =	vor.u32 v8, v2  }
0x642: {  	v5 =	vadd.s32 v18, v41;
	_ =	sdelay $0x1  }
0x643: {  	v1 =	vmul.f32 $8.000000000e+00, v1;
	_ =	sdelay $0x1  }
0x644: {  	[tilespmem:v3+s23+$0x0] =	vst.idx.msk $0xffff, v1  }
0x645: {  	v1 =	vld.idx.msk [tilespmem:v5+s19+$0x0], $0xffff;
	_ =	sdelay $0x1  }
0x646: {  	v3 =	vor.u32 v10, v2;
	_ =	sdelay $0x1  }
0x647: {  	v5 =	vadd.s32 v46, v41  }
0x648: {  	v1 =	vmul.f32 $8.000000000e+00, v1  }
0x649: {  	s8 =	sxor.u32 $0xF, s3  }
0x64a: {  	[tilespmem:v3+s23+$0x0] =	vst.idx.msk $0xffff, v1;
	v3 =	vmov s8  }
0x64b: {  	vm9 =	vgt.u32 v3, v0  }
0x64c: {  	s31 =	sor.u32 $0x1, s3;
	v1 =	vld.idx.msk [tilespmem:v5+s19+$0x0], $0xffff;
	v5 =	vsel vm9, v0, v63  }
0x64d: {  	v7 =	vadd.s32 v42, v41;
	v42 =	vadd.s32 s31, v5  }
0x64e: {  	v3 =	vor.u32 v12, v2;
	v5 =	vadd.s32 v53, v42;
	_ =	sdelay $0x2  }
0x64f: {  	v1 =	vmul.f32 $8.000000000e+00, v1;
	_ =	sdelay $0x1  }
0x650: {  	[tilespmem:v3+s23+$0x0] =	vst.idx.msk $0xffff, v1;
	v3 =	vld.idx.msk [tilespmem:v5+s19+$0x0], $0xffff  }
0x651: {  	v5 =	vshll.u32 v42, $0x7  }
0x652: {  	v1 =	vld.idx.msk [tilespmem:v7+s19+$0x0], $0xffff;
	v7 =	vor.u32 v0, v5  }
0x653: {  	v9 =	vadd.s32 v61, v42;
	_ =	sdelay $0x1  }
0x654: {  	v3 =	vmul.f32 $8.000000000e+00, v3;
	_ =	sdelay $0x1  }
0x655: {  	[tilespmem:v7+s23+$0x0] =	vst.idx.msk $0xffff, v3  }
0x656: {  	v3 =	vor.u32 v14, v2;
	v7 =	vld.idx.msk [tilespmem:v9+s19+$0x0], $0xffff  }
0x657: {  	v9 =	vadd.s32 v49, v41  }
0x658: {  	v11 =	vor.u32 v4, v5  }
0x659: {  	v13 =	vadd.s32 v62, v42;
	v1 =	vmul.f32 $8.000000000e+00, v1;
	_ =	sdelay $0x1  }
0x65a: {  	[tilespmem:v3+s23+$0x0] =	vst.idx.msk $0xffff, v1;
	v1 =	vmul.f32 $8.000000000e+00, v7  }
0x65b: {  	v3 =	vld.idx.msk [tilespmem:v9+s19+$0x0], $0xffff  }
0x65c: {  	[tilespmem:v11+s23+$0x0] =	vst.idx.msk $0xffff, v1  }
0x65d: {  	v1 =	vor.u32 v16, v2;
	v2 =	vld.idx.msk [tilespmem:v13+s19+$0x0], $0xffff  }
0x65e: {  	v7 =	vadd.s32 v43, v41  }
0x65f: {  	v9 =	vor.u32 v6, v5  }
0x660: {  	v11 =	vadd.s32 v19, v42;
	v3 =	vmul.f32 $8.000000000e+00, v3;
	_ =	sdelay $0x1  }
0x661: {  	[tilespmem:v1+s23+$0x0] =	vst.idx.msk $0xffff, v3;
	v1 =	vmul.f32 $8.000000000e+00, v2  }
0x662: {  	v2 =	vadd.s32 $0x10, v41;
	v3 =	vld.idx.msk [tilespmem:v7+s19+$0x0], $0xffff  }
0x663: {  	v2 =	vshll.u32 v2, $0x7;
	[tilespmem:v9+s23+$0x0] =	vst.idx.msk $0xffff, v1  }
0x664: {  	v1 =	vor.u32 v0, v2;
	v7 =	vld.idx.msk [tilespmem:v11+s19+$0x0], $0xffff  }
0x665: {  	v9 =	vadd.s32 v44, v41  }
0x666: {  	v11 =	vor.u32 v8, v5  }
0x667: {  	v13 =	vadd.s32 v18, v42;
	v3 =	vmul.f32 $8.000000000e+00, v3;
	_ =	sdelay $0x1  }
0x668: {  	[tilespmem:v1+s23+$0x0] =	vst.idx.msk $0xffff, v3;
	v1 =	vmul.f32 $8.000000000e+00, v7  }
0x669: {  	v3 =	vld.idx.msk [tilespmem:v9+s19+$0x0], $0xffff  }
0x66a: {  	[tilespmem:v11+s23+$0x0] =	vst.idx.msk $0xffff, v1  }
0x66b: {  	v1 =	vor.u32 v4, v2;
	v7 =	vld.idx.msk [tilespmem:v13+s19+$0x0], $0xffff  }
0x66c: {  	v9 =	vadd.s32 v15, v41  }
0x66d: {  	v11 =	vor.u32 v10, v5  }
0x66e: {  	v13 =	vadd.s32 v29, v42;
	v3 =	vmul.f32 $8.000000000e+00, v3;
	_ =	sdelay $0x1  }
0x66f: {  	[tilespmem:v1+s23+$0x0] =	vst.idx.msk $0xffff, v3;
	v1 =	vmul.f32 $8.000000000e+00, v7  }
0x670: {  	v3 =	vld.idx.msk [tilespmem:v9+s19+$0x0], $0xffff  }
0x671: {  	[tilespmem:v11+s23+$0x0] =	vst.idx.msk $0xffff, v1  }
0x672: {  	v1 =	vor.u32 v6, v2;
	v7 =	vld.idx.msk [tilespmem:v13+s19+$0x0], $0xffff  }
0x673: {  	v9 =	vadd.s32 v45, v41  }
0x674: {  	v11 =	vor.u32 v12, v5  }
0x675: {  	v13 =	vadd.s32 v25, v42;
	v3 =	vmul.f32 $8.000000000e+00, v3;
	_ =	sdelay $0x1  }
0x676: {  	[tilespmem:v1+s23+$0x0] =	vst.idx.msk $0xffff, v3;
	v1 =	vmul.f32 $8.000000000e+00, v7  }
0x677: {  	v3 =	vld.idx.msk [tilespmem:v9+s19+$0x0], $0xffff  }
0x678: {  	[tilespmem:v11+s23+$0x0] =	vst.idx.msk $0xffff, v1  }
0x679: {  	v1 =	vor.u32 v8, v2;
	v7 =	vld.idx.msk [tilespmem:v13+s19+$0x0], $0xffff  }
0x67a: {  	v9 =	vadd.s32 v54, v41  }
0x67b: {  	v11 =	vor.u32 v14, v5  }
0x67c: {  	v13 =	vadd.s32 v30, v42;
	v3 =	vmul.f32 $8.000000000e+00, v3;
	_ =	sdelay $0x1  }
0x67d: {  	[tilespmem:v1+s23+$0x0] =	vst.idx.msk $0xffff, v3;
	v1 =	vmul.f32 $8.000000000e+00, v7  }
0x67e: {  	v3 =	vld.idx.msk [tilespmem:v9+s19+$0x0], $0xffff  }
0x67f: {  	[tilespmem:v11+s23+$0x0] =	vst.idx.msk $0xffff, v1  }
0x680: {  	v1 =	vor.u32 v10, v2;
	v7 =	vld.idx.msk [tilespmem:v13+s19+$0x0], $0xffff  }
0x681: {  	v9 =	vadd.s32 v55, v41  }
0x682: {  	v5 =	vor.u32 v16, v5  }
0x683: {  	v11 =	vadd.s32 v43, v42;
	v3 =	vmul.f32 $8.000000000e+00, v3;
	_ =	sdelay $0x1  }
0x684: {  	[tilespmem:v1+s23+$0x0] =	vst.idx.msk $0xffff, v3;
	v1 =	vmul.f32 $8.000000000e+00, v7  }
0x685: {  	v3 =	vld.idx.msk [tilespmem:v9+s19+$0x0], $0xffff  }
0x686: {  	[tilespmem:v5+s23+$0x0] =	vst.idx.msk $0xffff, v1  }
0x687: {  	v1 =	vor.u32 v12, v2;
	v5 =	vadd.s32 $0x10, v42;
	v7 =	vld.idx.msk [tilespmem:v11+s19+$0x0], $0xffff  }
0x688: {  	v9 =	vadd.s32 v56, v41;
	v5 =	vshll.u32 v5, $0x7  }
0x689: {  	v11 =	vor.u32 v0, v5  }
0x68a: {  	v13 =	vadd.s32 v44, v42;
	v3 =	vmul.f32 $8.000000000e+00, v3;
	_ =	sdelay $0x1  }
0x68b: {  	[tilespmem:v1+s23+$0x0] =	vst.idx.msk $0xffff, v3;
	v1 =	vmul.f32 $8.000000000e+00, v7  }
0x68c: {  	v3 =	vld.idx.msk [tilespmem:v9+s19+$0x0], $0xffff  }
0x68d: {  	[tilespmem:v11+s23+$0x0] =	vst.idx.msk $0xffff, v1  }
0x68e: {  	v1 =	vor.u32 v14, v2;
	v7 =	vld.idx.msk [tilespmem:v13+s19+$0x0], $0xffff  }
0x68f: {  	v9 =	vadd.s32 v57, v41  }
0x690: {  	v11 =	vor.u32 v4, v5  }
0x691: {  	v13 =	vadd.s32 v15, v42;
	v3 =	vmul.f32 $8.000000000e+00, v3;
	_ =	sdelay $0x1  }
0x692: {  	[tilespmem:v1+s23+$0x0] =	vst.idx.msk $0xffff, v3;
	v1 =	vmul.f32 $8.000000000e+00, v7  }
0x693: {  	v3 =	vld.idx.msk [tilespmem:v9+s19+$0x0], $0xffff  }
0x694: {  	[tilespmem:v11+s23+$0x0] =	vst.idx.msk $0xffff, v1  }
0x695: {  	v1 =	vor.u32 v16, v2;
	v2 =	vld.idx.msk [tilespmem:v13+s19+$0x0], $0xffff  }
0x696: {  	v7 =	vadd.s32 v58, v41  }
0x697: {  	v9 =	vor.u32 v6, v5  }
0x698: {  	v11 =	vadd.s32 v45, v42;
	v3 =	vmul.f32 $8.000000000e+00, v3;
	_ =	sdelay $0x1  }
0x699: {  	[tilespmem:v1+s23+$0x0] =	vst.idx.msk $0xffff, v3;
	v1 =	vmul.f32 $8.000000000e+00, v2  }
0x69a: {  	v2 =	vadd.s32 $0x20, v41;
	v3 =	vld.idx.msk [tilespmem:v7+s19+$0x0], $0xffff  }
0x69b: {  	v2 =	vshll.u32 v2, $0x7;
	[tilespmem:v9+s23+$0x0] =	vst.idx.msk $0xffff, v1  }
0x69c: {  	v1 =	vor.u32 v0, v2;
	v7 =	vld.idx.msk [tilespmem:v11+s19+$0x0], $0xffff  }
0x69d: {  	v9 =	vadd.s32 v17, v41  }
0x69e: {  	v11 =	vor.u32 v8, v5  }
0x69f: {  	v13 =	vadd.s32 v54, v42;
	v3 =	vmul.f32 $8.000000000e+00, v3;
	_ =	sdelay $0x1  }
0x6a0: {  	[tilespmem:v1+s23+$0x0] =	vst.idx.msk $0xffff, v3;
	v1 =	vmul.f32 $8.000000000e+00, v7  }
0x6a1: {  	v3 =	vld.idx.msk [tilespmem:v9+s19+$0x0], $0xffff  }
0x6a2: {  	[tilespmem:v11+s23+$0x0] =	vst.idx.msk $0xffff, v1  }
0x6a3: {  	v1 =	vor.u32 v4, v2;
	v7 =	vld.idx.msk [tilespmem:v13+s19+$0x0], $0xffff  }
0x6a4: {  	v9 =	vadd.s32 v47, v41  }
0x6a5: {  	v11 =	vor.u32 v10, v5  }
0x6a6: {  	v13 =	vadd.s32 v55, v42;
	v3 =	vmul.f32 $8.000000000e+00, v3;
	_ =	sdelay $0x1  }
0x6a7: {  	[tilespmem:v1+s23+$0x0] =	vst.idx.msk $0xffff, v3;
	v1 =	vmul.f32 $8.000000000e+00, v7  }
0x6a8: {  	v3 =	vld.idx.msk [tilespmem:v9+s19+$0x0], $0xffff  }
0x6a9: {  	[tilespmem:v11+s23+$0x0] =	vst.idx.msk $0xffff, v1  }
0x6aa: {  	v1 =	vor.u32 v6, v2;
	v7 =	vld.idx.msk [tilespmem:v13+s19+$0x0], $0xffff  }
0x6ab: {  	v9 =	vadd.s32 v48, v41  }
0x6ac: {  	v11 =	vor.u32 v12, v5  }
0x6ad: {  	v13 =	vadd.s32 v56, v42;
	v3 =	vmul.f32 $8.000000000e+00, v3;
	_ =	sdelay $0x1  }
0x6ae: {  	[tilespmem:v1+s23+$0x0] =	vst.idx.msk $0xffff, v3;
	v1 =	vmul.f32 $8.000000000e+00, v7  }
0x6af: {  	v3 =	vld.idx.msk [tilespmem:v9+s19+$0x0], $0xffff  }
0x6b0: {  	[tilespmem:v11+s23+$0x0] =	vst.idx.msk $0xffff, v1  }
0x6b1: {  	v1 =	vor.u32 v8, v2;
	v7 =	vld.idx.msk [tilespmem:v13+s19+$0x0], $0xffff  }
0x6b2: {  	v9 =	vadd.s32 v50, v41  }
0x6b3: {  	v11 =	vor.u32 v14, v5  }
0x6b4: {  	v13 =	vadd.s32 v57, v42;
	v3 =	vmul.f32 $8.000000000e+00, v3;
	_ =	sdelay $0x1  }
0x6b5: {  	[tilespmem:v1+s23+$0x0] =	vst.idx.msk $0xffff, v3;
	v1 =	vmul.f32 $8.000000000e+00, v7  }
0x6b6: {  	v3 =	vld.idx.msk [tilespmem:v9+s19+$0x0], $0xffff  }
0x6b7: {  	[tilespmem:v11+s23+$0x0] =	vst.idx.msk $0xffff, v1  }
0x6b8: {  	v1 =	vor.u32 v10, v2;
	v7 =	vld.idx.msk [tilespmem:v13+s19+$0x0], $0xffff  }
0x6b9: {  	v9 =	vadd.s32 v37, v41  }
0x6ba: {  	v5 =	vor.u32 v16, v5  }
0x6bb: {  	v11 =	vadd.s32 v58, v42;
	v3 =	vmul.f32 $8.000000000e+00, v3;
	_ =	sdelay $0x1  }
0x6bc: {  	[tilespmem:v1+s23+$0x0] =	vst.idx.msk $0xffff, v3;
	v1 =	vmul.f32 $8.000000000e+00, v7  }
0x6bd: {  	v3 =	vld.idx.msk [tilespmem:v9+s19+$0x0], $0xffff  }
0x6be: {  	[tilespmem:v5+s23+$0x0] =	vst.idx.msk $0xffff, v1  }
0x6bf: {  	v1 =	vor.u32 v12, v2;
	v5 =	vadd.s32 $0x20, v42;
	v7 =	vld.idx.msk [tilespmem:v11+s19+$0x0], $0xffff  }
0x6c0: {  	v9 =	vadd.s32 v38, v41;
	v50 =	vshll.u32 v5, $0x7  }
0x6c1: {  	v5 =	vor.u32 v0, v50  }
0x6c2: {  	v11 =	vadd.s32 v17, v42;
	v3 =	vmul.f32 $8.000000000e+00, v3;
	_ =	sdelay $0x1  }
0x6c3: {  	[tilespmem:v1+s23+$0x0] =	vst.idx.msk $0xffff, v3;
	v1 =	vmul.f32 $8.000000000e+00, v7  }
0x6c4: {  	v3 =	vld.idx.msk [tilespmem:v9+s19+$0x0], $0xffff  }
0x6c5: {  	[tilespmem:v5+s23+$0x0] =	vst.idx.msk $0xffff, v1  }
0x6c6: {  	v1 =	vor.u32 v14, v2;
	v5 =	vld.idx.msk [tilespmem:v11+s19+$0x0], $0xffff  }
0x6c7: {  	v7 =	vadd.s32 v39, v41  }
0x6c8: {  	v9 =	vor.u32 v4, v50  }
0x6c9: {  	v11 =	vadd.s32 v47, v42;
	v3 =	vmul.f32 $8.000000000e+00, v3;
	_ =	sdelay $0x1  }
0x6ca: {  	[tilespmem:v1+s23+$0x0] =	vst.idx.msk $0xffff, v3;
	v1 =	vmul.f32 $8.000000000e+00, v5  }
0x6cb: {  	v3 =	vld.idx.msk [tilespmem:v7+s19+$0x0], $0xffff  }
0x6cc: {  	[tilespmem:v9+s23+$0x0] =	vst.idx.msk $0xffff, v1  }
0x6cd: {  	s7 =	ssub.s32 $0xE, s3;
	v1 =	vor.u32 v16, v2;
	v2 =	vld.idx.msk [tilespmem:v11+s19+$0x0], $0xffff  }
0x6ce: {  	v5 =	vmov s7;
	v7 =	vadd.s32 v40, v41  }
0x6cf: {  	vm10 =	vgt.u32 v5, v0;
	v5 =	vor.u32 v6, v50  }
0x6d0: {  	s8 =	sor.u32 $0x2, s3;
	v9 =	vsel vm10, v0, v63;
	v11 =	vadd.s32 v48, v42;
	v3 =	vmul.f32 $8.000000000e+00, v3  }
0x6d1: {  	v44 =	vadd.s32 s8, v9  }
0x6d2: {  	v9 =	vadd.s32 v53, v44;
	[tilespmem:v1+s23+$0x0] =	vst.idx.msk $0xffff, v3;
	v1 =	vmul.f32 $8.000000000e+00, v2  }
0x6d3: {  	v2 =	vadd.s32 $0x30, v41;
	v3 =	vld.idx.msk [tilespmem:v7+s19+$0x0], $0xffff  }
0x6d4: {  	v43 =	vshll.u32 v2, $0x7;
	[tilespmem:v5+s23+$0x0] =	vst.idx.msk $0xffff, v1  }
0x6d5: {  	v1 =	vor.u32 v0, v43;
	v2 =	vld.idx.msk [tilespmem:v11+s19+$0x0], $0xffff  }
0x6d6: {  	v5 =	vadd.s32 v51, v41  }
0x6d7: {  	v7 =	vld.idx.msk [tilespmem:v9+s19+$0x0], $0xffff;
	v9 =	vor.u32 v8, v50  }
0x6d8: {  	v51 =	vshll.u32 v44, $0x7;
	v11 =	vadd.s32 v36, v42;
	v3 =	vmul.f32 $8.000000000e+00, v3  }
0x6d9: {  	v13 =	vor.u32 v0, v51  }
0x6da: {  	v31 =	vld [tilespmem:$0x1FFE0];
	v15 =	vadd.s32 v61, v44;
	[tilespmem:v1+s23+$0x0] =	vst.idx.msk $0xffff, v3;
	v1 =	vmul.f32 $8.000000000e+00, v2  }
0x6db: {  	v2 =	vld.idx.msk [tilespmem:v5+s19+$0x0], $0xffff  }
0x6dc: {  	v3 =	vmul.f32 $8.000000000e+00, v7;
	[tilespmem:v9+s23+$0x0] =	vst.idx.msk $0xffff, v1  }
0x6dd: {  	v1 =	vor.u32 v4, v43;
	v5 =	vld.idx.msk [tilespmem:v11+s19+$0x0], $0xffff  }
0x6de: {  	[tilespmem:v13+s23+$0x0] =	vst.idx.msk $0xffff, v3  }
0x6df: {  	v3 =	vadd.s32 v31, v41;
	v7 =	vld.idx.msk [tilespmem:v15+s19+$0x0], $0xffff;
	v9 =	vor.u32 v10, v50  }
0x6e0: {  	v2 =	vmul.f32 $8.000000000e+00, v2  }
0x6e1: {  	v13 =	vor.u32 v4, v51;
	v11 =	vadd.s32 v37, v42  }
0x6e2: {  	[tilespmem:v1+s23+$0x0] =	vst.idx.msk $0xffff, v2;
	v1 =	vmul.f32 $8.000000000e+00, v5  }
0x6e3: {  	s31 =	ssub.s32 $0xD, s3  }
0x6e4: {  	v15 =	vadd.s32 v62, v44;
	v2 =	vld.idx.msk [tilespmem:v3+s19+$0x0], $0xffff;
	v3 =	vmul.f32 $8.000000000e+00, v7;
	[tilespmem:v9+s23+$0x0] =	vst.idx.msk $0xffff, v1;
	v1 =	vmov s31  }
0x6e5: {  	vm11 =	vgt.u32 v1, v0  }
0x6e6: {  	s7 =	sor.u32 $0x3, s3;
	[tilespmem:v13+s23+$0x0] =	vst.idx.msk $0xffff, v3;
	v5 =	vld.idx.msk [tilespmem:v11+s19+$0x0], $0xffff;
	v3 =	vsel vm11, v0, v63  }
0x6e7: {  	v45 =	vadd.s32 s7, v3  }
0x6e8: {  	s8 =	ssub.s32 $0xC, s3;
	v3 =	vor.u32 v12, v50;
	v7 =	vadd.s32 v53, v45  }
0x6e9: {  	v17 =	vmov s8;
	v9 =	vor.u32 v6, v43;
	v1 =	vld.idx.msk [tilespmem:v15+s19+$0x0], $0xffff  }
0x6ea: {  	vm12 =	vgt.u32 v17, v0;
	v17 =	vadd.s32 v19, v44  }
0x6eb: {  	v19 =	vsel vm12, v0, v63;
	v13 =	vadd.s32 v38, v42;
	v5 =	vmul.f32 $8.000000000e+00, v5  }
0x6ec: {  	v18 =	vor.u32 v6, v51;
	s31 =	sor.u32 $0x4, s3;
	v11 =	vadd.s32 v52, v41;
	v2 =	vmul.f32 $8.000000000e+00, v2  }
0x6ed: {  	v15 =	vor.u32 v14, v50;
	v46 =	vadd.s32 s31, v19;
	s7 =	ssub.s32 $0xB, s3;
	v52 =	vshll.u32 v45, $0x7;
	[tilespmem:v3+s23+$0x0] =	vst.idx.msk $0xffff, v5;
	v3 =	vld.idx.msk [tilespmem:v7+s19+$0x0], $0xffff  }
0x6ee: {  	[tilespmem:v9+s23+$0x0] =	vst.idx.msk $0xffff, v2;
	v9 =	vadd.s32 v53, v46;
	v1 =	vmul.f32 $8.000000000e+00, v1;
	v7 =	vmov s7;
	s7 =	ssub.s32 $0xA, s3  }
0x6ef: {  	v5 =	vor.u32 v0, v52;
	vm13 =	vgt.u32 v7, v0;
	v7 =	vmov s7  }
0x6f0: {  	s8 =	sor.u32 $0x5, s3;
	s31 =	ssub.s32 $0x9, s3;
	v2 =	vld.idx.msk [tilespmem:v13+s19+$0x0], $0xffff;
	v13 =	vadd.s32 v61, v45;
	v19 =	vsel vm13, v0, v63;
	vm14 =	vgt.u32 v7, v0  }
0x6f1: {  	v58 =	vld.idx.msk [tilespmem:v11+s19+$0x0], $0xffff;
	[tilespmem:v18+s23+$0x0] =	vst.idx.msk $0xffff, v1;
	v7 =	vmov s31;
	v47 =	vadd.s32 s8, v19;
	s8 =	sor.u32 $0x6, s3;
	v1 =	vsel vm14, v0, v63  }
0x6f2: {  	v17 =	vld.idx.msk [tilespmem:v17+s19+$0x0], $0xffff;
	v18 =	vadd.s32 v53, v47;
	v48 =	vadd.s32 s8, v1;
	v1 =	vmul.f32 $8.000000000e+00, v3  }
0x6f3: {  	v9 =	vld.idx.msk [tilespmem:v9+s19+$0x0], $0xffff;
	vm15 =	vgt.u32 v7, v0;
	v3 =	vadd.s32 v53, v48  }
0x6f4: {  	v56 =	vshll.u32 v46, $0x7;
	v11 =	vadd.s32 v39, v42;
	s31 =	sor.u32 $0x7, s3;
	v7 =	vsel vm15, v0, v63;
	[tilespmem:v5+s23+$0x0] =	vst.idx.msk $0xffff, v1;
	v5 =	vld [tilespmem:$0x1FF00]  }
0x6f5: {  	v2 =	vmul.f32 $8.000000000e+00, v2;
	v49 =	vadd.s32 s31, v7;
	v7 =	vor.u32 v8, v51  }
0x6f6: {  	v19 =	vor.u32 v0, v56;
	v13 =	vld.idx.msk [tilespmem:v13+s19+$0x0], $0xffff  }
0x6f7: {  	v55 =	vshll.u32 v48, $0x7;
	v1 =	vadd.s32 v53, v49;
	[tilespmem:v15+s23+$0x0] =	vst.idx.msk $0xffff, v2;
	v2 =	vmul.f32 $8.000000000e+00, v17;
	v17 =	vld.idx.msk [tilespmem:v18+s19+$0x0], $0xffff  }
0x6f8: {  	v15 =	vadd.s32 v61, v46;
	v53 =	vshll.u32 v47, $0x7;
	v18 =	vor.u32 v4, v52;
	v3 =	vld.idx.msk [tilespmem:v3+s19+$0x0], $0xffff  }
0x6f9: {  	v9 =	vmul.f32 $8.000000000e+00, v9;
	v57 =	vld.idx.msk [tilespmem:v11+s19+$0x0], $0xffff;
	v11 =	vor.u32 v0, v53;
	v5 =	vadd.s32 v5, v44  }
0x6fa: {  	[tilespmem:v7+s23+$0x0] =	vst.idx.msk $0xffff, v2;
	v2 =	vadd.s32 v61, v47;
	v7 =	vor.u32 v0, v55  }
0x6fb: {  	[tilespmem:v19+s23+$0x0] =	vst.idx.msk $0xffff, v9;
	v9 =	vadd.s32 v61, v48;
	v13 =	vmul.f32 $8.000000000e+00, v13  }
0x6fc: {  	v1 =	vld.idx.msk [tilespmem:v1+s19+$0x0], $0xffff;
	v17 =	vmul.f32 $8.000000000e+00, v17  }
0x6fd: {  	v15 =	vld.idx.msk [tilespmem:v15+s19+$0x0], $0xffff;
	[tilespmem:v18+s23+$0x0] =	vst.idx.msk $0xffff, v13;
	v3 =	vmul.f32 $8.000000000e+00, v3  }
0x6fe: {  	v59 =	vadd.s32 v62, v45;
	[tilespmem:v11+s23+$0x0] =	vst.idx.msk $0xffff, v17;
	v5 =	vld.idx.msk [tilespmem:v5+s19+$0x0], $0xffff  }
0x6ff: {  	v13 =	vadd.s32 v61, v49;
	v61 =	vor.u32 v4, v56;
	v2 =	vld.idx.msk [tilespmem:v2+s19+$0x0], $0xffff;
	[tilespmem:v7+s23+$0x0] =	vst.idx.msk $0xffff, v3  }
0x700: {  	v54 =	vshll.u32 v49, $0x7;
	v11 =	vadd.s32 v62, v46;
	v7 =	vld.idx.msk [tilespmem:v9+s19+$0x0], $0xffff  }
0x701: {  	v19 =	vor.u32 v0, v54;
	v9 =	vld [tilespmem:$0x1FF10]  }
0x702: {  	v60 =	vor.u32 v10, v51;
	v15 =	vmul.f32 $8.000000000e+00, v15  }
0x703: {  	v59 =	vld.idx.msk [tilespmem:v59+s19+$0x0], $0xffff;
	v17 =	vor.u32 v4, v53  }
0x704: {  	v18 =	vadd.s32 v29, v44;
	v1 =	vmul.f32 $8.000000000e+00, v1;
	[tilespmem:v61+s23+$0x0] =	vst.idx.msk $0xffff, v15  }
0x705: {  	v11 =	vld.idx.msk [tilespmem:v11+s19+$0x0], $0xffff;
	v3 =	vmul.f32 $8.000000000e+00, v5;
	v5 =	vor.u32 v6, v52  }
0x706: {  	[tilespmem:v19+s23+$0x0] =	vst.idx.msk $0xffff, v1;
	v2 =	vmul.f32 $8.000000000e+00, v2;
	v9 =	vadd.s32 v9, v45  }
0x707: {  	v13 =	vld.idx.msk [tilespmem:v13+s19+$0x0], $0xffff;
	v61 =	vor.u32 v6, v56;
	[tilespmem:v60+s23+$0x0] =	vst.idx.msk $0xffff, v3  }
0x708: {  	v1 =	vadd.s32 v62, v47;
	v19 =	vmul.f32 $8.000000000e+00, v59;
	v3 =	vor.u32 v4, v55;
	[tilespmem:v17+s23+$0x0] =	vst.idx.msk $0xffff, v2;
	v2 =	vld [tilespmem:$0x1FF10]  }
0x709: {  	v15 =	vadd.s32 v62, v48;
	v18 =	vld.idx.msk [tilespmem:v18+s19+$0x0], $0xffff  }
0x70a: {  	v59 =	vor.u32 v4, v54;
	v17 =	vld [tilespmem:$0x1FF00];
	v11 =	vmul.f32 $8.000000000e+00, v11;
	[tilespmem:v5+s23+$0x0] =	vst.idx.msk $0xffff, v19  }
0x70b: {  	v60 =	vor.u32 v12, v51;
	v5 =	vmul.f32 $8.000000000e+00, v7;
	v7 =	vadd.s32 v62, v49;
	v9 =	vld.idx.msk [tilespmem:v9+s19+$0x0], $0xffff  }
0x70c: {  	v19 =	vadd.s32 v25, v44;
	[tilespmem:v61+s23+$0x0] =	vst.idx.msk $0xffff, v11;
	v11 =	vld [tilespmem:$0x1FF10]  }
0x70d: {  	v1 =	vld.idx.msk [tilespmem:v1+s19+$0x0], $0xffff;
	v2 =	vadd.s32 v2, v46;
	[tilespmem:v3+s23+$0x0] =	vst.idx.msk $0xffff, v5;
	v3 =	vmul.f32 $8.000000000e+00, v13  }
0x70e: {  	v13 =	vor.u32 v8, v52;
	v5 =	vmul.f32 $8.000000000e+00, v18;
	v15 =	vld.idx.msk [tilespmem:v15+s19+$0x0], $0xffff  }
0x70f: {  	v17 =	vadd.s32 v17, v45;
	v18 =	vor.u32 v6, v53;
	[tilespmem:v59+s23+$0x0] =	vst.idx.msk $0xffff, v3;
	v3 =	vld [tilespmem:$0x1FF10]  }
0x710: {  	[tilespmem:v60+s23+$0x0] =	vst.idx.msk $0xffff, v5;
	v5 =	vor.u32 v6, v55;
	v7 =	vld.idx.msk [tilespmem:v7+s19+$0x0], $0xffff  }
0x711: {  	v19 =	vld.idx.msk [tilespmem:v19+s19+$0x0], $0xffff;
	v9 =	vmul.f32 $8.000000000e+00, v9;
	v11 =	vadd.s32 v11, v48  }
0x712: {  	v1 =	vmul.f32 $8.000000000e+00, v1;
	v2 =	vld.idx.msk [tilespmem:v2+s19+$0x0], $0xffff  }
0x713: {  	v59 =	vor.u32 v6, v54;
	[tilespmem:v13+s23+$0x0] =	vst.idx.msk $0xffff, v9;
	v9 =	vmul.f32 $8.000000000e+00, v15;
	v13 =	vld [tilespmem:$0x1FF10]  }
0x714: {  	[tilespmem:v18+s23+$0x0] =	vst.idx.msk $0xffff, v1;
	v3 =	vadd.s32 v3, v47;
	v17 =	vld.idx.msk [tilespmem:v17+s19+$0x0], $0xffff  }
0x715: {  	v61 =	vor.u32 v8, v56;
	v1 =	vld [tilespmem:$0x1FF00];
	[tilespmem:v5+s23+$0x0] =	vst.idx.msk $0xffff, v9  }
0x716: {  	v5 =	vmul.f32 $8.000000000e+00, v7;
	v9 =	vor.u32 v10, v52;
	v11 =	vld.idx.msk [tilespmem:v11+s19+$0x0], $0xffff  }
0x717: {  	v60 =	vor.u32 v14, v51  }
0x718: {  	v2 =	vmul.f32 $8.000000000e+00, v2;
	[tilespmem:v59+s23+$0x0] =	vst.idx.msk $0xffff, v5;
	v5 =	vld [tilespmem:$0x1FF00];
	v13 =	vadd.s32 v13, v49  }
0x719: {  	v15 =	vadd.s32 v30, v44;
	v3 =	vld.idx.msk [tilespmem:v3+s19+$0x0], $0xffff;
	v17 =	vmul.f32 $8.000000000e+00, v17  }
0x71a: {  	v7 =	vmul.f32 $8.000000000e+00, v19;
	v1 =	vadd.s32 v1, v46;
	[tilespmem:v61+s23+$0x0] =	vst.idx.msk $0xffff, v2;
	v2 =	vld [tilespmem:$0x1FF00]  }
0x71b: {  	[tilespmem:v9+s23+$0x0] =	vst.idx.msk $0xffff, v17;
	v9 =	vmul.f32 $8.000000000e+00, v11;
	v11 =	vld [tilespmem:$0x1FF00]  }
0x71c: {  	v18 =	vadd.s32 v29, v45;
	[tilespmem:v60+s23+$0x0] =	vst.idx.msk $0xffff, v7;
	v7 =	vor.u32 v8, v55;
	v17 =	vld [tilespmem:$0x1FFC0]  }
0x71d: {  	v19 =	vor.u32 v8, v53;
	v13 =	vld.idx.msk [tilespmem:v13+s19+$0x0], $0xffff  }
0x71e: {  	v15 =	vld.idx.msk [tilespmem:v15+s19+$0x0], $0xffff;
	v5 =	vadd.s32 v5, v47  }
0x71f: {  	v59 =	vor.u32 v8, v54;
	v1 =	vld.idx.msk [tilespmem:v1+s19+$0x0], $0xffff;
	v2 =	vadd.s32 v2, v48  }
0x720: {  	v51 =	vor.u32 v16, v51;
	v3 =	vmul.f32 $8.000000000e+00, v3;
	v11 =	vadd.s32 v11, v49  }
0x721: {  	v60 =	vor.u32 v10, v56;
	v18 =	vld.idx.msk [tilespmem:v18+s19+$0x0], $0xffff;
	[tilespmem:v7+s23+$0x0] =	vst.idx.msk $0xffff, v9;
	v17 =	vadd.s32 v17, v44  }
0x722: {  	[tilespmem:v19+s23+$0x0] =	vst.idx.msk $0xffff, v3;
	v3 =	vadd.s32 v29, v46;
	v7 =	vmul.f32 $8.000000000e+00, v13  }
0x723: {  	v9 =	vmul.f32 $8.000000000e+00, v15;
	v5 =	vld.idx.msk [tilespmem:v5+s19+$0x0], $0xffff;
	v13 =	vor.u32 v12, v52  }
0x724: {  	v15 =	vadd.s32 v25, v45;
	v1 =	vmul.f32 $8.000000000e+00, v1;
	v2 =	vld.idx.msk [tilespmem:v2+s19+$0x0], $0xffff;
	[tilespmem:v59+s23+$0x0] =	vst.idx.msk $0xffff, v7  }
0x725: {  	[tilespmem:v51+s23+$0x0] =	vst.idx.msk $0xffff, v9;
	v11 =	vld.idx.msk [tilespmem:v11+s19+$0x0], $0xffff  }
0x726: {  	v9 =	vor.u32 v10, v55;
	v18 =	vmul.f32 $8.000000000e+00, v18;
	[tilespmem:v60+s23+$0x0] =	vst.idx.msk $0xffff, v1;
	v17 =	vld.idx.msk [tilespmem:v17+s19+$0x0], $0xffff  }
0x727: {  	v19 =	vor.u32 v10, v53;
	v59 =	vadd.s32 $0x10, v44;
	v1 =	vadd.s32 v29, v48;
	v3 =	vld.idx.msk [tilespmem:v3+s19+$0x0], $0xffff  }
0x728: {  	v7 =	vadd.s32 v29, v47;
	v51 =	vshll.u32 v59, $0x7;
	v59 =	vor.u32 v10, v54;
	[tilespmem:v13+s23+$0x0] =	vst.idx.msk $0xffff, v18;
	v18 =	vld [tilespmem:$0x1FFB0]  }
0x729: {  	v60 =	vor.u32 v0, v51;
	v13 =	vadd.s32 v29, v49;
	v2 =	vmul.f32 $8.000000000e+00, v2;
	v15 =	vld.idx.msk [tilespmem:v15+s19+$0x0], $0xffff  }
0x72a: {  	v61 =	vor.u32 v12, v56;
	v5 =	vmul.f32 $8.000000000e+00, v5  }
0x72b: {  	[tilespmem:v9+s23+$0x0] =	vst.idx.msk $0xffff, v2;
	v2 =	vmul.f32 $8.000000000e+00, v11;
	v11 =	vmul.f32 $8.000000000e+00, v17;
	v17 =	vor.u32 v14, v52  }
0x72c: {  	[tilespmem:v19+s23+$0x0] =	vst.idx.msk $0xffff, v5;
	v5 =	vadd.s32 v25, v46;
	v1 =	vld.idx.msk [tilespmem:v1+s19+$0x0], $0xffff  }
0x72d: {  	v7 =	vld.idx.msk [tilespmem:v7+s19+$0x0], $0xffff;
	v3 =	vmul.f32 $8.000000000e+00, v3;
	v18 =	vadd.s32 v18, v44;
	[tilespmem:v59+s23+$0x0] =	vst.idx.msk $0xffff, v2  }
0x72e: {  	[tilespmem:v60+s23+$0x0] =	vst.idx.msk $0xffff, v11;
	v11 =	vor.u32 v12, v55;
	v13 =	vld.idx.msk [tilespmem:v13+s19+$0x0], $0xffff;
	v15 =	vmul.f32 $8.000000000e+00, v15  }
0x72f: {  	v62 =	vor.u32 v12, v53;
	v19 =	vadd.s32 v30, v45;
	[tilespmem:v61+s23+$0x0] =	vst.idx.msk $0xffff, v3  }
0x730: {  	v2 =	vadd.s32 v25, v47;
	[tilespmem:v17+s23+$0x0] =	vst.idx.msk $0xffff, v15;
	v17 =	vld [tilespmem:$0x1FFF0]  }
0x731: {  	v58 =	vmul.f32 $8.000000000e+00, v58;
	v9 =	vor.u32 v8, v43;
	v5 =	vld.idx.msk [tilespmem:v5+s19+$0x0], $0xffff;
	v1 =	vmul.f32 $8.000000000e+00, v1  }
0x732: {  	v3 =	vadd.s32 v25, v48;
	v59 =	vor.u32 v12, v54;
	v7 =	vmul.f32 $8.000000000e+00, v7;
	v18 =	vld.idx.msk [tilespmem:v18+s19+$0x0], $0xffff  }
0x733: {  	v61 =	vor.u32 v14, v56;
	v15 =	vadd.s32 v25, v49;
	[tilespmem:v11+s23+$0x0] =	vst.idx.msk $0xffff, v1;
	v1 =	vmul.f32 $8.000000000e+00, v13;
	v13 =	vld [tilespmem:$0x1FFC0]  }
0x734: {  	v60 =	vor.u32 v4, v51;
	v19 =	vld.idx.msk [tilespmem:v19+s19+$0x0], $0xffff;
	[tilespmem:v62+s23+$0x0] =	vst.idx.msk $0xffff, v7;
	v7 =	vadd.s32 v30, v46  }
0x735: {  	v2 =	vld.idx.msk [tilespmem:v2+s19+$0x0], $0xffff;
	v17 =	vadd.s32 v17, v44  }
0x736: {  	[tilespmem:v9+s23+$0x0] =	vst.idx.msk $0xffff, v58;
	v11 =	vor.u32 v16, v52;
	v5 =	vmul.f32 $8.000000000e+00, v5  }
0x737: {  	v3 =	vld.idx.msk [tilespmem:v3+s19+$0x0], $0xffff;
	[tilespmem:v59+s23+$0x0] =	vst.idx.msk $0xffff, v1;
	v9 =	vmul.f32 $8.000000000e+00, v18;
	v18 =	vor.u32 v14, v53  }
0x738: {  	[tilespmem:v61+s23+$0x0] =	vst.idx.msk $0xffff, v5;
	v15 =	vld.idx.msk [tilespmem:v15+s19+$0x0], $0xffff;
	v13 =	vadd.s32 v13, v45  }
0x739: {  	v1 =	vadd.s32 v30, v47;
	v19 =	vmul.f32 $8.000000000e+00, v19;
	v7 =	vld.idx.msk [tilespmem:v7+s19+$0x0], $0xffff;
	[tilespmem:v60+s23+$0x0] =	vst.idx.msk $0xffff, v9  }
0x73a: {  	v2 =	vmul.f32 $8.000000000e+00, v2;
	v9 =	vor.u32 v14, v55;
	v17 =	vld.idx.msk [tilespmem:v17+s19+$0x0], $0xffff  }
0x73b: {  	v56 =	vor.u32 v16, v56;
	v62 =	vld [tilespmem:$0x1FFC0];
	[tilespmem:v11+s23+$0x0] =	vst.idx.msk $0xffff, v19  }
0x73c: {  	v5 =	vadd.s32 v30, v48;
	v59 =	vor.u32 v16, v50;
	[tilespmem:v18+s23+$0x0] =	vst.idx.msk $0xffff, v2;
	v2 =	vld [tilespmem:$0x1FFC0]  }
0x73d: {  	v61 =	vadd.s32 $0x10, v45;
	v60 =	vor.u32 v14, v54;
	v3 =	vmul.f32 $8.000000000e+00, v3;
	v13 =	vld.idx.msk [tilespmem:v13+s19+$0x0], $0xffff  }
0x73e: {  	v50 =	vshll.u32 v61, $0x7;
	v11 =	vadd.s32 v30, v49;
	v7 =	vmul.f32 $8.000000000e+00, v7;
	v1 =	vld.idx.msk [tilespmem:v1+s19+$0x0], $0xffff  }
0x73f: {  	v24 =	vld [tilespmem:$0x1FFA0];
	[tilespmem:v9+s23+$0x0] =	vst.idx.msk $0xffff, v3;
	v3 =	vmul.f32 $8.000000000e+00, v15;
	v15 =	vmul.f32 $8.000000000e+00, v17;
	v17 =	vor.u32 v0, v50  }
0x740: {  	v19 =	vmul.f32 $8.000000000e+00, v57;
	v57 =	vor.u32 v16, v53;
	v18 =	vld [tilespmem:$0x1FFB0]  }
0x741: {  	[tilespmem:v56+s23+$0x0] =	vst.idx.msk $0xffff, v7;
	v7 =	vld [tilespmem:$0x1FFC0];
	v9 =	vadd.s32 v40, v42  }
0x742: {  	v5 =	vld.idx.msk [tilespmem:v5+s19+$0x0], $0xffff;
	[tilespmem:v60+s23+$0x0] =	vst.idx.msk $0xffff, v3;
	v60 =	vadd.s32 v62, v47;
	v13 =	vmul.f32 $8.000000000e+00, v13  }
0x743: {  	[tilespmem:v59+s23+$0x0] =	vst.idx.msk $0xffff, v19;
	v2 =	vadd.s32 v2, v46;
	v11 =	vld.idx.msk [tilespmem:v11+s19+$0x0], $0xffff;
	v1 =	vmul.f32 $8.000000000e+00, v1  }
0x744: {  	v3 =	vor.u32 v6, v51;
	[tilespmem:v17+s23+$0x0] =	vst.idx.msk $0xffff, v13;
	v13 =	vld [tilespmem:$0x1FFC0]  }
0x745: {  	v52 =	vadd.s32 v24, v41;
	v55 =	vor.u32 v16, v55;
	[tilespmem:v57+s23+$0x0] =	vst.idx.msk $0xffff, v1;
	v1 =	vld [tilespmem:$0x1FFB0]  }
0x746: {  	v18 =	vadd.s32 v18, v45;
	v57 =	vld.idx.msk [tilespmem:v9+s19+$0x0], $0xffff  }
0x747: {  	v63 =	vadd.s32 $0x10, v47;
	v19 =	vadd.s32 $0x10, v46;
	v56 =	vor.u32 v16, v54;
	v62 =	vld.idx.msk [tilespmem:v60+s19+$0x0], $0xffff  }
0x748: {  	v54 =	vshll.u32 v63, $0x7;
	v7 =	vadd.s32 v7, v48;
	v5 =	vmul.f32 $8.000000000e+00, v5;
	v2 =	vld.idx.msk [tilespmem:v2+s19+$0x0], $0xffff  }
0x749: {  	v53 =	vshll.u32 v19, $0x7;
	v9 =	vor.u32 v0, v54;
	[tilespmem:v3+s23+$0x0] =	vst.idx.msk $0xffff, v15;
	v3 =	vld [tilespmem:$0x1FFF0]  }
0x74a: {  	v58 =	vld.idx.msk [tilespmem:v52+s19+$0x0], $0xffff;
	v19 =	vor.u32 v0, v53;
	[tilespmem:v55+s23+$0x0] =	vst.idx.msk $0xffff, v5;
	v5 =	vmul.f32 $8.000000000e+00, v11  }
0x74b: {  	v15 =	vadd.s32 $0x10, v49;
	v17 =	vld.idx.msk [tilespmem:v18+s19+$0x0], $0xffff;
	v13 =	vadd.s32 v13, v49  }
0x74c: {  	[tilespmem:v56+s23+$0x0] =	vst.idx.msk $0xffff, v5;
	v5 =	vld [tilespmem:$0x1FFB0];
	v56 =	vshll.u32 v15, $0x7;
	v1 =	vadd.s32 v1, v46;
	v15 =	vmul.f32 $8.000000000e+00, v62  }
0x74d: {  	v18 =	vor.u32 v4, v50;
	v7 =	vld.idx.msk [tilespmem:v7+s19+$0x0], $0xffff;
	v2 =	vmul.f32 $8.000000000e+00, v2  }
0x74e: {  	v11 =	vadd.s32 $0x10, v48;
	v3 =	vadd.s32 v3, v45;
	[tilespmem:v9+s23+$0x0] =	vst.idx.msk $0xffff, v15;
	v9 =	vld [tilespmem:$0x1FFF0]  }
0x74f: {  	v61 =	vadd.s32 v28, v44;
	v55 =	vshll.u32 v11, $0x7;
	[tilespmem:v19+s23+$0x0] =	vst.idx.msk $0xffff, v2;
	v2 =	vld [tilespmem:$0x1FFB0]  }
0x750: {  	v11 =	vor.u32 v0, v55;
	v17 =	vmul.f32 $8.000000000e+00, v17;
	v13 =	vld.idx.msk [tilespmem:v13+s19+$0x0], $0xffff  }
0x751: {  	v5 =	vadd.s32 v5, v47;
	v1 =	vld.idx.msk [tilespmem:v1+s19+$0x0], $0xffff  }
0x752: {  	v19 =	vor.u32 v0, v56;
	[tilespmem:v18+s23+$0x0] =	vst.idx.msk $0xffff, v17;
	v17 =	vld [tilespmem:$0x1FFB0]  }
0x753: {  	v60 =	vor.u32 v4, v53;
	v7 =	vmul.f32 $8.000000000e+00, v7;
	v3 =	vld.idx.msk [tilespmem:v3+s19+$0x0], $0xffff  }
0x754: {  	v52 =	vld.idx.msk [tilespmem:v61+s19+$0x0], $0xffff;
	v2 =	vadd.s32 v2, v48  }
0x755: {  	[tilespmem:v11+s23+$0x0] =	vst.idx.msk $0xffff, v7;
	v7 =	vmul.f32 $8.000000000e+00, v13;
	v13 =	vor.u32 v6, v50  }
0x756: {  	v59 =	vor.u32 v8, v51;
	v9 =	vadd.s32 v9, v46;
	v5 =	vld.idx.msk [tilespmem:v5+s19+$0x0], $0xffff;
	v1 =	vmul.f32 $8.000000000e+00, v1  }
0x757: {  	v17 =	vadd.s32 v17, v49;
	[tilespmem:v19+s23+$0x0] =	vst.idx.msk $0xffff, v7;
	v7 =	vld [tilespmem:$0x1FFF0]  }
0x758: {  	v18 =	vadd.s32 v32, v44;
	v3 =	vmul.f32 $8.000000000e+00, v3;
	[tilespmem:v60+s23+$0x0] =	vst.idx.msk $0xffff, v1;
	v1 =	vld [tilespmem:$0x1FFF0]  }
0x759: {  	v11 =	vmul.f32 $8.000000000e+00, v52;
	v52 =	vor.u32 v4, v54;
	v2 =	vld.idx.msk [tilespmem:v2+s19+$0x0], $0xffff  }
0x75a: {  	[tilespmem:v13+s23+$0x0] =	vst.idx.msk $0xffff, v3;
	v3 =	vld [tilespmem:$0x1FFF0]  }
0x75b: {  	v15 =	vadd.s32 v28, v45;
	[tilespmem:v59+s23+$0x0] =	vst.idx.msk $0xffff, v11;
	v9 =	vld.idx.msk [tilespmem:v9+s19+$0x0], $0xffff  }
0x75c: {  	v11 =	vor.u32 v4, v55;
	v17 =	vld.idx.msk [tilespmem:v17+s19+$0x0], $0xffff;
	v5 =	vmul.f32 $8.000000000e+00, v5;
	v7 =	vadd.s32 v7, v47  }
0x75d: {  	v18 =	vld.idx.msk [tilespmem:v18+s19+$0x0], $0xffff;
	v60 =	vor.u32 v6, v53;
	v1 =	vadd.s32 v1, v48  }
0x75e: {  	v19 =	vor.u32 v4, v56;
	[tilespmem:v52+s23+$0x0] =	vst.idx.msk $0xffff, v5;
	v5 =	vadd.s32 v28, v46  }
0x75f: {  	v59 =	vor.u32 v10, v51;
	v2 =	vmul.f32 $8.000000000e+00, v2;
	v3 =	vadd.s32 v3, v49  }
0x760: {  	v13 =	vadd.s32 v33, v44;
	v15 =	vld.idx.msk [tilespmem:v15+s19+$0x0], $0xffff;
	v9 =	vmul.f32 $8.000000000e+00, v9  }
0x761: {  	[tilespmem:v11+s23+$0x0] =	vst.idx.msk $0xffff, v2;
	v2 =	vmul.f32 $8.000000000e+00, v17;
	v7 =	vld.idx.msk [tilespmem:v7+s19+$0x0], $0xffff  }
0x762: {  	[tilespmem:v60+s23+$0x0] =	vst.idx.msk $0xffff, v9;
	v11 =	vmul.f32 $8.000000000e+00, v18;
	v17 =	vor.u32 v8, v50;
	v1 =	vld.idx.msk [tilespmem:v1+s19+$0x0], $0xffff  }
0x763: {  	v52 =	vor.u32 v6, v54;
	v18 =	vadd.s32 v32, v45;
	v5 =	vld.idx.msk [tilespmem:v5+s19+$0x0], $0xffff;
	[tilespmem:v19+s23+$0x0] =	vst.idx.msk $0xffff, v2  }
0x764: {  	[tilespmem:v59+s23+$0x0] =	vst.idx.msk $0xffff, v11;
	v11 =	vor.u32 v6, v55;
	v3 =	vld.idx.msk [tilespmem:v3+s19+$0x0], $0xffff  }
0x765: {  	v9 =	vadd.s32 v28, v48;
	v60 =	vor.u32 v8, v53;
	v15 =	vmul.f32 $8.000000000e+00, v15;
	v13 =	vld.idx.msk [tilespmem:v13+s19+$0x0], $0xffff  }
0x766: {  	v2 =	vadd.s32 v28, v47;
	v19 =	vor.u32 v6, v56;
	v7 =	vmul.f32 $8.000000000e+00, v7  }
0x767: {  	v59 =	vor.u32 v12, v51;
	[tilespmem:v17+s23+$0x0] =	vst.idx.msk $0xffff, v15;
	v15 =	vadd.s32 v28, v49;
	v1 =	vmul.f32 $8.000000000e+00, v1  }
0x768: {  	v17 =	vadd.s32 v34, v44;
	v5 =	vmul.f32 $8.000000000e+00, v5;
	v18 =	vld.idx.msk [tilespmem:v18+s19+$0x0], $0xffff;
	[tilespmem:v52+s23+$0x0] =	vst.idx.msk $0xffff, v7  }
0x769: {  	v7 =	vadd.s32 v32, v46;
	[tilespmem:v11+s23+$0x0] =	vst.idx.msk $0xffff, v1;
	v1 =	vmul.f32 $8.000000000e+00, v3  }
0x76a: {  	[tilespmem:v60+s23+$0x0] =	vst.idx.msk $0xffff, v5;
	v11 =	vor.u32 v10, v50;
	v3 =	vmul.f32 $8.000000000e+00, v13;
	v9 =	vld.idx.msk [tilespmem:v9+s19+$0x0], $0xffff  }
0x76b: {  	v2 =	vld.idx.msk [tilespmem:v2+s19+$0x0], $0xffff;
	[tilespmem:v19+s23+$0x0] =	vst.idx.msk $0xffff, v1  }
0x76c: {  	v13 =	vadd.s32 v33, v45;
	[tilespmem:v59+s23+$0x0] =	vst.idx.msk $0xffff, v3;
	v3 =	vor.u32 v8, v55;
	v15 =	vld.idx.msk [tilespmem:v15+s19+$0x0], $0xffff  }
0x76d: {  	v5 =	vadd.s32 v32, v48;
	v52 =	vor.u32 v8, v54;
	v18 =	vmul.f32 $8.000000000e+00, v18;
	v17 =	vld.idx.msk [tilespmem:v17+s19+$0x0], $0xffff  }
0x76e: {  	v1 =	vadd.s32 v32, v47;
	v19 =	vor.u32 v8, v56;
	v7 =	vld.idx.msk [tilespmem:v7+s19+$0x0], $0xffff  }
0x76f: {  	v59 =	vor.u32 v14, v51;
	[tilespmem:v11+s23+$0x0] =	vst.idx.msk $0xffff, v18;
	v11 =	vadd.s32 v32, v49;
	v9 =	vmul.f32 $8.000000000e+00, v9  }
0x770: {  	v60 =	vor.u32 v10, v53;
	v18 =	vadd.s32 v35, v44;
	v2 =	vmul.f32 $8.000000000e+00, v2  }
0x771: {  	v13 =	vld.idx.msk [tilespmem:v13+s19+$0x0], $0xffff;
	[tilespmem:v3+s23+$0x0] =	vst.idx.msk $0xffff, v9;
	v3 =	vmul.f32 $8.000000000e+00, v15  }
0x772: {  	[tilespmem:v52+s23+$0x0] =	vst.idx.msk $0xffff, v2;
	v2 =	vadd.s32 v33, v46;
	v9 =	vmul.f32 $8.000000000e+00, v17;
	v5 =	vld.idx.msk [tilespmem:v5+s19+$0x0], $0xffff  }
0x773: {  	v1 =	vld.idx.msk [tilespmem:v1+s19+$0x0], $0xffff;
	v15 =	vor.u32 v12, v50;
	v7 =	vmul.f32 $8.000000000e+00, v7;
	[tilespmem:v19+s23+$0x0] =	vst.idx.msk $0xffff, v3  }
0x774: {  	v17 =	vadd.s32 v34, v45;
	[tilespmem:v59+s23+$0x0] =	vst.idx.msk $0xffff, v9;
	v9 =	vor.u32 v10, v55;
	v11 =	vld.idx.msk [tilespmem:v11+s19+$0x0], $0xffff  }
0x775: {  	v63 =	vor.u32 v10, v54;
	v18 =	vld.idx.msk [tilespmem:v18+s19+$0x0], $0xffff;
	[tilespmem:v60+s23+$0x0] =	vst.idx.msk $0xffff, v7;
	v7 =	vadd.s32 v33, v48  }
0x776: {  	v3 =	vadd.s32 v33, v47;
	v13 =	vmul.f32 $8.000000000e+00, v13  }
0x777: {  	v51 =	vor.u32 v16, v51;
	v5 =	vmul.f32 $8.000000000e+00, v5  }
0x778: {  	v19 =	vor.u32 v10, v56;
	v2 =	vld.idx.msk [tilespmem:v2+s19+$0x0], $0xffff;
	v1 =	vmul.f32 $8.000000000e+00, v1;
	[tilespmem:v15+s23+$0x0] =	vst.idx.msk $0xffff, v13  }
0x779: {  	v59 =	vor.u32 v12, v53;
	v13 =	vadd.s32 v33, v49;
	v17 =	vld.idx.msk [tilespmem:v17+s19+$0x0], $0xffff;
	[tilespmem:v9+s23+$0x0] =	vst.idx.msk $0xffff, v5  }
0x77a: {  	v15 =	vadd.s32 v20, v44;
	[tilespmem:v63+s23+$0x0] =	vst.idx.msk $0xffff, v1;
	v5 =	vmul.f32 $8.000000000e+00, v11;
	v11 =	vmul.f32 $8.000000000e+00, v18;
	v7 =	vld.idx.msk [tilespmem:v7+s19+$0x0], $0xffff  }
0x77b: {  	v1 =	vadd.s32 v34, v46;
	v3 =	vld.idx.msk [tilespmem:v3+s19+$0x0], $0xffff;
	v18 =	vor.u32 v14, v50  }
0x77c: {  	[tilespmem:v51+s23+$0x0] =	vst.idx.msk $0xffff, v11;
	v11 =	vor.u32 v12, v55  }
0x77d: {  	v61 =	vor.u32 v12, v54;
	v2 =	vmul.f32 $8.000000000e+00, v2;
	[tilespmem:v19+s23+$0x0] =	vst.idx.msk $0xffff, v5  }
0x77e: {  	v62 =	vor.u32 v14, v53;
	v5 =	vadd.s32 v34, v47;
	v13 =	vld.idx.msk [tilespmem:v13+s19+$0x0], $0xffff;
	v17 =	vmul.f32 $8.000000000e+00, v17  }
0x77f: {  	v60 =	vadd.s32 v35, v45;
	v15 =	vld.idx.msk [tilespmem:v15+s19+$0x0], $0xffff;
	[tilespmem:v59+s23+$0x0] =	vst.idx.msk $0xffff, v2;
	v7 =	vmul.f32 $8.000000000e+00, v7  }
0x780: {  	v53 =	vor.u32 v16, v53;
	v19 =	vadd.s32 $0x20, v44;
	v1 =	vld.idx.msk [tilespmem:v1+s19+$0x0], $0xffff;
	v3 =	vmul.f32 $8.000000000e+00, v3;
	[tilespmem:v18+s23+$0x0] =	vst.idx.msk $0xffff, v17  }
0x781: {  	v2 =	vadd.s32 v34, v48;
	v52 =	vshll.u32 v19, $0x7;
	v19 =	vor.u32 v12, v56;
	[tilespmem:v11+s23+$0x0] =	vst.idx.msk $0xffff, v7;
	v11 =	vld [tilespmem:$0x1FFD0]  }
0x782: {  	v9 =	vor.u32 v10, v43;
	v17 =	vadd.s32 v34, v49;
	[tilespmem:v61+s23+$0x0] =	vst.idx.msk $0xffff, v3  }
0x783: {  	v59 =	vor.u32 v0, v52;
	v3 =	vmul.f32 $8.000000000e+00, v58;
	v58 =	vadd.s32 v35, v46;
	v5 =	vld.idx.msk [tilespmem:v5+s19+$0x0], $0xffff  }
0x784: {  	v63 =	vadd.s32 v23, v45;
	v18 =	vadd.s32 v23, v44;
	v60 =	vld.idx.msk [tilespmem:v60+s19+$0x0], $0xffff;
	v7 =	vmul.f32 $8.000000000e+00, v13  }
0x785: {  	v61 =	vor.u32 v14, v54;
	v13 =	vor.u32 v16, v50;
	v1 =	vmul.f32 $8.000000000e+00, v1  }
0x786: {  	v2 =	vld.idx.msk [tilespmem:v2+s19+$0x0], $0xffff;
	[tilespmem:v19+s23+$0x0] =	vst.idx.msk $0xffff, v7;
	v51 =	vadd.s32 v11, v41;
	v11 =	vmul.f32 $8.000000000e+00, v15  }
0x787: {  	v7 =	vadd.s32 v35, v47;
	v19 =	vadd.s32 $0x30, v42;
	v17 =	vld.idx.msk [tilespmem:v17+s19+$0x0], $0xffff;
	[tilespmem:v62+s23+$0x0] =	vst.idx.msk $0xffff, v1  }
0x788: {  	v50 =	vshll.u32 v19, $0x7;
	v19 =	vld.idx.msk [tilespmem:v58+s19+$0x0], $0xffff;
	v5 =	vmul.f32 $8.000000000e+00, v5;
	[tilespmem:v59+s23+$0x0] =	vst.idx.msk $0xffff, v11;
	v11 =	vor.u32 v14, v55  }
0x789: {  	v54 =	vor.u32 v16, v54;
	v1 =	vadd.s32 v35, v48;
	v59 =	vmul.f32 $8.000000000e+00, v60;
	v18 =	vld.idx.msk [tilespmem:v18+s19+$0x0], $0xffff  }
0x78a: {  	v15 =	vadd.s32 v20, v45;
	v58 =	vor.u32 v14, v56;
	[tilespmem:v61+s23+$0x0] =	vst.idx.msk $0xffff, v5  }
0x78b: {  	v62 =	vadd.s32 $0x20, v45;
	v2 =	vmul.f32 $8.000000000e+00, v2;
	[tilespmem:v13+s23+$0x0] =	vst.idx.msk $0xffff, v59;
	v13 =	vadd.s32 v35, v49  }
0x78c: {  	v60 =	vor.u32 v0, v50;
	v55 =	vor.u32 v16, v55;
	v5 =	vmul.f32 $8.000000000e+00, v57;
	v7 =	vld.idx.msk [tilespmem:v7+s19+$0x0], $0xffff  }
0x78d: {  	v57 =	vadd.s32 v20, v46;
	v59 =	vor.u32 v4, v52;
	[tilespmem:v11+s23+$0x0] =	vst.idx.msk $0xffff, v2;
	v2 =	vmul.f32 $8.000000000e+00, v17  }
0x78e: {  	[tilespmem:v9+s23+$0x0] =	vst.idx.msk $0xffff, v3;
	v19 =	vmul.f32 $8.000000000e+00, v19;
	v17 =	vmul.f32 $8.000000000e+00, v18;
	v18 =	vadd.s32 v21, v44;
	v1 =	vld.idx.msk [tilespmem:v1+s19+$0x0], $0xffff  }
0x78f: {  	v61 =	vor.u32 v6, v52;
	v15 =	vld.idx.msk [tilespmem:v15+s19+$0x0], $0xffff;
	[tilespmem:v58+s23+$0x0] =	vst.idx.msk $0xffff, v2;
	v58 =	vadd.s32 v20, v47  }
0x790: {  	v9 =	vadd.s32 $0x20, v46;
	v11 =	vadd.s32 v27, v42;
	[tilespmem:v53+s23+$0x0] =	vst.idx.msk $0xffff, v19;
	v53 =	vshll.u32 v62, $0x7;
	v13 =	vld.idx.msk [tilespmem:v13+s19+$0x0], $0xffff  }
0x791: {  	v19 =	vadd.s32 v20, v48;
	[tilespmem:v60+s23+$0x0] =	vst.idx.msk $0xffff, v5;
	v62 =	vor.u32 v0, v53;
	v7 =	vmul.f32 $8.000000000e+00, v7  }
0x792: {  	v5 =	vadd.s32 v23, v46;
	[tilespmem:v59+s23+$0x0] =	vst.idx.msk $0xffff, v17;
	v17 =	vld.idx.msk [tilespmem:v57+s19+$0x0], $0xffff;
	v59 =	vor.u32 v16, v56  }
0x793: {  	v57 =	vshll.u32 v9, $0x7;
	[tilespmem:v54+s23+$0x0] =	vst.idx.msk $0xffff, v7;
	v3 =	vld.idx.msk [tilespmem:v18+s19+$0x0], $0xffff;
	v1 =	vmul.f32 $8.000000000e+00, v1;
	v18 =	vadd.s32 v20, v49  }
0x794: {  	v15 =	vmul.f32 $8.000000000e+00, v15;
	v9 =	vadd.s32 $0x20, v47;
	v7 =	vor.u32 v0, v57;
	v58 =	vld.idx.msk [tilespmem:v58+s19+$0x0], $0xffff  }
0x795: {  	v2 =	vadd.s32 v22, v44;
	v11 =	vld.idx.msk [tilespmem:v11+s19+$0x0], $0xffff;
	[tilespmem:v55+s23+$0x0] =	vst.idx.msk $0xffff, v1;
	v1 =	vmul.f32 $8.000000000e+00, v13;
	v55 =	vshll.u32 v9, $0x7  }
0x796: {  	v60 =	vadd.s32 $0x20, v49;
	[tilespmem:v62+s23+$0x0] =	vst.idx.msk $0xffff, v15;
	v9 =	vadd.s32 $0x20, v48;
	v13 =	vld.idx.msk [tilespmem:v19+s19+$0x0], $0xffff;
	v19 =	vor.u32 v0, v55  }
0x797: {  	v17 =	vmul.f32 $8.000000000e+00, v17;
	v56 =	vshll.u32 v9, $0x7;
	[tilespmem:v59+s23+$0x0] =	vst.idx.msk $0xffff, v1;
	v1 =	vadd.s32 v23, v47;
	v59 =	vld.idx.msk [tilespmem:v63+s19+$0x0], $0xffff  }
0x798: {  	v54 =	vshll.u32 v60, $0x7;
	v9 =	vor.u32 v0, v56;
	v18 =	vld.idx.msk [tilespmem:v18+s19+$0x0], $0xffff;
	v3 =	vmul.f32 $8.000000000e+00, v3  }
0x799: {  	v15 =	vadd.s32 v23, v48;
	[tilespmem:v7+s23+$0x0] =	vst.idx.msk $0xffff, v17;
	v7 =	vmul.f32 $8.000000000e+00, v58;
	v58 =	vor.u32 v4, v53  }
0x79a: {  	v17 =	vor.u32 v0, v54;
	[tilespmem:v61+s23+$0x0] =	vst.idx.msk $0xffff, v3;
	v3 =	vld.idx.msk [tilespmem:v5+s19+$0x0], $0xffff  }
0x79b: {  	v5 =	vmul.f32 $8.000000000e+00, v13;
	v13 =	vadd.s32 v23, v49;
	v2 =	vld.idx.msk [tilespmem:v2+s19+$0x0], $0xffff;
	[tilespmem:v19+s23+$0x0] =	vst.idx.msk $0xffff, v7  }
0x79c: {  	v60 =	vadd.s32 v21, v45;
	v7 =	vor.u32 v4, v57;
	v1 =	vld.idx.msk [tilespmem:v1+s19+$0x0], $0xffff;
	v59 =	vmul.f32 $8.000000000e+00, v59  }
0x79d: {  	v19 =	vadd.s32 v21, v46;
	[tilespmem:v9+s23+$0x0] =	vst.idx.msk $0xffff, v5;
	v5 =	vmul.f32 $8.000000000e+00, v18;
	v18 =	vor.u32 v8, v52  }
0x79e: {  	v62 =	vor.u32 v4, v55;
	v61 =	vadd.s32 v36, v44;
	v15 =	vld.idx.msk [tilespmem:v15+s19+$0x0], $0xffff;
	[tilespmem:v58+s23+$0x0] =	vst.idx.msk $0xffff, v59  }
0x79f: {  	v9 =	vor.u32 v4, v50;
	[tilespmem:v17+s23+$0x0] =	vst.idx.msk $0xffff, v5;
	v3 =	vmul.f32 $8.000000000e+00, v3;
	v5 =	vadd.s32 v21, v47  }
0x7a0: {  	v59 =	vadd.s32 v21, v48;
	v17 =	vor.u32 v4, v56;
	v13 =	vld.idx.msk [tilespmem:v13+s19+$0x0], $0xffff;
	v2 =	vmul.f32 $8.000000000e+00, v2  }
0x7a1: {  	v60 =	vld.idx.msk [tilespmem:v60+s19+$0x0], $0xffff;
	[tilespmem:v7+s23+$0x0] =	vst.idx.msk $0xffff, v3;
	v1 =	vmul.f32 $8.000000000e+00, v1;
	v3 =	vor.u32 v4, v54  }
0x7a2: {  	v7 =	vmul.f32 $8.000000000e+00, v11;
	[tilespmem:v18+s23+$0x0] =	vst.idx.msk $0xffff, v2;
	v2 =	vld.idx.msk [tilespmem:v19+s19+$0x0], $0xffff;
	v19 =	vor.u32 v6, v53  }
0x7a3: {  	v11 =	vmul.f32 $8.000000000e+00, v15;
	v15 =	vadd.s32 v21, v49;
	v18 =	vld.idx.msk [tilespmem:v61+s19+$0x0], $0xffff;
	[tilespmem:v62+s23+$0x0] =	vst.idx.msk $0xffff, v1  }
0x7a4: {  	v61 =	vadd.s32 v22, v45;
	v1 =	vor.u32 v6, v57;
	[tilespmem:v9+s23+$0x0] =	vst.idx.msk $0xffff, v7;
	v5 =	vld.idx.msk [tilespmem:v5+s19+$0x0], $0xffff  }
0x7a5: {  	v7 =	vor.u32 v10, v52;
	v9 =	vadd.s32 v22, v46;
	[tilespmem:v17+s23+$0x0] =	vst.idx.msk $0xffff, v11;
	v11 =	vmul.f32 $8.000000000e+00, v13  }
0x7a6: {  	v17 =	vadd.s32 v37, v44;
	v13 =	vld.idx.msk [tilespmem:v59+s19+$0x0], $0xffff;
	v59 =	vmul.f32 $8.000000000e+00, v60;
	v60 =	vor.u32 v6, v55  }
0x7a7: {  	[tilespmem:v3+s23+$0x0] =	vst.idx.msk $0xffff, v11;
	v2 =	vmul.f32 $8.000000000e+00, v2;
	v3 =	vadd.s32 v22, v47  }
0x7a8: {  	v11 =	vor.u32 v6, v56;
	v15 =	vld.idx.msk [tilespmem:v15+s19+$0x0], $0xffff;
	v18 =	vmul.f32 $8.000000000e+00, v18;
	[tilespmem:v19+s23+$0x0] =	vst.idx.msk $0xffff, v59  }
0x7a9: {  	v19 =	vadd.s32 v22, v48;
	v59 =	vld.idx.msk [tilespmem:v61+s19+$0x0], $0xffff;
	[tilespmem:v1+s23+$0x0] =	vst.idx.msk $0xffff, v2;
	v1 =	vmul.f32 $8.000000000e+00, v5  }
0x7aa: {  	v2 =	vor.u32 v6, v54;
	[tilespmem:v7+s23+$0x0] =	vst.idx.msk $0xffff, v18;
	v5 =	vld.idx.msk [tilespmem:v9+s19+$0x0], $0xffff  }
0x7ab: {  	v9 =	vadd.s32 v22, v49;
	v7 =	vmul.f32 $8.000000000e+00, v13;
	v13 =	vld.idx.msk [tilespmem:v17+s19+$0x0], $0xffff;
	[tilespmem:v60+s23+$0x0] =	vst.idx.msk $0xffff, v1  }
0x7ac: {  	v58 =	vadd.s32 v31, v42;
	v1 =	vor.u32 v8, v57;
	v3 =	vld.idx.msk [tilespmem:v3+s19+$0x0], $0xffff  }
0x7ad: {  	v60 =	vadd.s32 v36, v46;
	[tilespmem:v11+s23+$0x0] =	vst.idx.msk $0xffff, v7;
	v7 =	vmul.f32 $8.000000000e+00, v15;
	v15 =	vor.u32 v12, v52  }
0x7ae: {  	v62 =	vor.u32 v8, v55;
	v19 =	vld.idx.msk [tilespmem:v19+s19+$0x0], $0xffff  }
0x7af: {  	v17 =	vor.u32 v8, v53;
	[tilespmem:v2+s23+$0x0] =	vst.idx.msk $0xffff, v7;
	v2 =	vmul.f32 $8.000000000e+00, v5;
	v5 =	vadd.s32 v36, v47  }
0x7b0: {  	v18 =	vadd.s32 v36, v45;
	v7 =	vor.u32 v8, v56;
	v9 =	vld.idx.msk [tilespmem:v9+s19+$0x0], $0xffff;
	v13 =	vmul.f32 $8.000000000e+00, v13  }
0x7b1: {  	v58 =	vld.idx.msk [tilespmem:v58+s19+$0x0], $0xffff;
	v61 =	vadd.s32 v38, v44;
	[tilespmem:v1+s23+$0x0] =	vst.idx.msk $0xffff, v2;
	v1 =	vmul.f32 $8.000000000e+00, v3  }
0x7b2: {  	v59 =	vmul.f32 $8.000000000e+00, v59;
	v2 =	vor.u32 v8, v54;
	[tilespmem:v15+s23+$0x0] =	vst.idx.msk $0xffff, v13;
	v13 =	vld.idx.msk [tilespmem:v60+s19+$0x0], $0xffff  }
0x7b3: {  	v63 =	vadd.s32 v36, v48;
	v11 =	vor.u32 v6, v50;
	v15 =	vmul.f32 $8.000000000e+00, v19;
	[tilespmem:v62+s23+$0x0] =	vst.idx.msk $0xffff, v1  }
0x7b4: {  	[tilespmem:v17+s23+$0x0] =	vst.idx.msk $0xffff, v59;
	v1 =	vor.u32 v10, v57;
	v5 =	vld.idx.msk [tilespmem:v5+s19+$0x0], $0xffff  }
0x7b5: {  	v18 =	vld.idx.msk [tilespmem:v18+s19+$0x0], $0xffff;
	[tilespmem:v7+s23+$0x0] =	vst.idx.msk $0xffff, v15;
	v7 =	vmul.f32 $8.000000000e+00, v9  }
0x7b6: {  	v17 =	vadd.s32 v26, v42;
	v3 =	vmul.f32 $8.000000000e+00, v58;
	v19 =	vadd.s32 v36, v49  }
0x7b7: {  	v58 =	vor.u32 v10, v53;
	v60 =	vld.idx.msk [tilespmem:v61+s19+$0x0], $0xffff;
	[tilespmem:v2+s23+$0x0] =	vst.idx.msk $0xffff, v7;
	v2 =	vmul.f32 $8.000000000e+00, v13  }
0x7b8: {  	v61 =	vadd.s32 v37, v45;
	[tilespmem:v11+s23+$0x0] =	vst.idx.msk $0xffff, v3;
	v9 =	vld.idx.msk [tilespmem:v63+s19+$0x0], $0xffff  }
0x7b9: {  	v3 =	vadd.s32 v37, v46;
	[tilespmem:v1+s23+$0x0] =	vst.idx.msk $0xffff, v2;
	v1 =	vmul.f32 $8.000000000e+00, v5;
	v5 =	vld [tilespmem:$0x1FEF0]  }
0x7ba: {  	v15 =	vmul.f32 $8.000000000e+00, v18;
	v18 =	vor.u32 v10, v55  }
0x7bb: {  	v7 =	vadd.s32 v37, v47;
	v13 =	vor.u32 v10, v56;
	v19 =	vld.idx.msk [tilespmem:v19+s19+$0x0], $0xffff  }
0x7bc: {  	v11 =	vor.u32 v14, v52;
	v17 =	vld.idx.msk [tilespmem:v17+s19+$0x0], $0xffff;
	[tilespmem:v58+s23+$0x0] =	vst.idx.msk $0xffff, v15;
	v15 =	vadd.s32 v37, v48  }
0x7bd: {  	v59 =	vor.u32 v12, v43;
	v62 =	vadd.s32 v39, v44;
	v61 =	vld.idx.msk [tilespmem:v61+s19+$0x0], $0xffff;
	v2 =	vor.u32 v10, v54  }
0x7be: {  	v3 =	vld.idx.msk [tilespmem:v3+s19+$0x0], $0xffff;
	v58 =	vadd.s32 v5, v41;
	v5 =	vmul.f32 $8.000000000e+00, v9;
	v9 =	vadd.s32 v37, v49  }
0x7bf: {  	v60 =	vmul.f32 $8.000000000e+00, v60;
	[tilespmem:v18+s23+$0x0] =	vst.idx.msk $0xffff, v1;
	v1 =	vor.u32 v12, v53;
	v18 =	vadd.s32 v38, v45  }
0x7c0: {  	v7 =	vld.idx.msk [tilespmem:v7+s19+$0x0], $0xffff;
	[tilespmem:v13+s23+$0x0] =	vst.idx.msk $0xffff, v5;
	v5 =	vor.u32 v12, v57;
	v13 =	vmul.f32 $8.000000000e+00, v19  }
0x7c1: {  	[tilespmem:v11+s23+$0x0] =	vst.idx.msk $0xffff, v60;
	v11 =	vadd.s32 v38, v46;
	v19 =	vor.u32 v8, v50;
	v15 =	vld.idx.msk [tilespmem:v15+s19+$0x0], $0xffff  }
0x7c2: {  	v60 =	vld.idx.msk [tilespmem:v62+s19+$0x0], $0xffff;
	v62 =	vor.u32 v12, v55;
	v61 =	vmul.f32 $8.000000000e+00, v61;
	[tilespmem:v2+s23+$0x0] =	vst.idx.msk $0xffff, v13  }
0x7c3: {  	v2 =	vmul.f32 $8.000000000e+00, v3;
	v3 =	vadd.s32 v38, v47;
	v13 =	vor.u32 v12, v56;
	v9 =	vld.idx.msk [tilespmem:v9+s19+$0x0], $0xffff  }
0x7c4: {  	v52 =	vor.u32 v16, v52;
	v17 =	vmul.f32 $8.000000000e+00, v17;
	[tilespmem:v1+s23+$0x0] =	vst.idx.msk $0xffff, v61;
	v1 =	vadd.s32 v38, v48  }
0x7c5: {  	v18 =	vld.idx.msk [tilespmem:v18+s19+$0x0], $0xffff;
	[tilespmem:v5+s23+$0x0] =	vst.idx.msk $0xffff, v2;
	v2 =	vmul.f32 $8.000000000e+00, v7;
	v5 =	vor.u32 v12, v54  }
0x7c6: {  	[tilespmem:v19+s23+$0x0] =	vst.idx.msk $0xffff, v17;
	v7 =	vld.idx.msk [tilespmem:v11+s19+$0x0], $0xffff;
	v11 =	vmul.f32 $8.000000000e+00, v15;
	v15 =	vadd.s32 v38, v49  }
0x7c7: {  	v17 =	vmul.f32 $8.000000000e+00, v60;
	v19 =	vor.u32 v14, v53;
	v60 =	vadd.s32 v39, v45;
	[tilespmem:v62+s23+$0x0] =	vst.idx.msk $0xffff, v2  }
0x7c8: {  	v2 =	vor.u32 v14, v57;
	v3 =	vld.idx.msk [tilespmem:v3+s19+$0x0], $0xffff;
	[tilespmem:v13+s23+$0x0] =	vst.idx.msk $0xffff, v11;
	v9 =	vmul.f32 $8.000000000e+00, v9  }
0x7c9: {  	v63 =	vadd.s32 v40, v45;
	[tilespmem:v52+s23+$0x0] =	vst.idx.msk $0xffff, v17;
	v13 =	vadd.s32 v39, v46;
	v1 =	vld.idx.msk [tilespmem:v1+s19+$0x0], $0xffff  }
0x7ca: {  	v61 =	vor.u32 v14, v55;
	v53 =	vor.u32 v16, v53;
	v18 =	vmul.f32 $8.000000000e+00, v18;
	[tilespmem:v5+s23+$0x0] =	vst.idx.msk $0xffff, v9  }
0x7cb: {  	v9 =	vor.u32 v14, v56;
	v5 =	vmul.f32 $8.000000000e+00, v7;
	v7 =	vadd.s32 v39, v47;
	v15 =	vld.idx.msk [tilespmem:v15+s19+$0x0], $0xffff  }
0x7cc: {  	v62 =	vadd.s32 v40, v44;
	[tilespmem:v19+s23+$0x0] =	vst.idx.msk $0xffff, v18;
	v18 =	vadd.s32 v39, v48  }
0x7cd: {  	v52 =	vadd.s32 $0x30, v44;
	v19 =	vld.idx.msk [tilespmem:v60+s19+$0x0], $0xffff;
	[tilespmem:v2+s23+$0x0] =	vst.idx.msk $0xffff, v5;
	v2 =	vmul.f32 $8.000000000e+00, v3;
	v3 =	vor.u32 v14, v54  }
0x7ce: {  	v57 =	vor.u32 v16, v57;
	v11 =	vadd.s32 v24, v42;
	v13 =	vld.idx.msk [tilespmem:v13+s19+$0x0], $0xffff;
	v1 =	vmul.f32 $8.000000000e+00, v1  }
0x7cf: {  	v52 =	vshll.u32 v52, $0x7;
	v60 =	vld.idx.msk [tilespmem:v51+s19+$0x0], $0xffff;
	[tilespmem:v61+s23+$0x0] =	vst.idx.msk $0xffff, v2;
	v2 =	vadd.s32 v39, v49  }
0x7d0: {  	v5 =	vor.u32 v0, v52;
	v7 =	vld.idx.msk [tilespmem:v7+s19+$0x0], $0xffff;
	[tilespmem:v9+s23+$0x0] =	vst.idx.msk $0xffff, v1;
	v1 =	vmul.f32 $8.000000000e+00, v15  }
0x7d1: {  	v61 =	vadd.s32 v40, v46;
	v9 =	vadd.s32 v27, v44;
	v15 =	vadd.s32 $0x30, v45;
	v18 =	vld.idx.msk [tilespmem:v18+s19+$0x0], $0xffff  }
0x7d2: {  	v51 =	vshll.u32 v15, $0x7;
	v15 =	vor.u32 v16, v55;
	[tilespmem:v3+s23+$0x0] =	vst.idx.msk $0xffff, v1;
	v1 =	vld.idx.msk [tilespmem:v62+s19+$0x0], $0xffff;
	v3 =	vmul.f32 $8.000000000e+00, v19  }
0x7d3: {  	v55 =	vor.u32 v16, v56;
	v19 =	vadd.s32 v40, v47;
	v13 =	vmul.f32 $8.000000000e+00, v13  }
0x7d4: {  	v56 =	vadd.s32 v40, v48;
	[tilespmem:v53+s23+$0x0] =	vst.idx.msk $0xffff, v3;
	v3 =	vor.u32 v0, v51;
	v2 =	vld.idx.msk [tilespmem:v2+s19+$0x0], $0xffff  }
0x7d5: {  	v53 =	vadd.s32 $0x30, v46;
	v62 =	vld.idx.msk [tilespmem:v63+s19+$0x0], $0xffff;
	[tilespmem:v57+s23+$0x0] =	vst.idx.msk $0xffff, v13;
	v13 =	vadd.s32 v27, v45;
	v7 =	vmul.f32 $8.000000000e+00, v7  }
0x7d6: {  	v53 =	vshll.u32 v53, $0x7;
	v57 =	vld.idx.msk [tilespmem:v61+s19+$0x0], $0xffff;
	v18 =	vmul.f32 $8.000000000e+00, v18;
	v61 =	vor.u32 v16, v54  }
0x7d7: {  	v11 =	vld.idx.msk [tilespmem:v11+s19+$0x0], $0xffff;
	v54 =	vadd.s32 $0x30, v47;
	v1 =	vmul.f32 $8.000000000e+00, v1;
	[tilespmem:v15+s23+$0x0] =	vst.idx.msk $0xffff, v7;
	v15 =	vadd.s32 v40, v49  }
0x7d8: {  	v60 =	vmul.f32 $8.000000000e+00, v60;
	v7 =	vor.u32 v0, v53;
	v54 =	vshll.u32 v54, $0x7;
	[tilespmem:v55+s23+$0x0] =	vst.idx.msk $0xffff, v18;
	v19 =	vld.idx.msk [tilespmem:v19+s19+$0x0], $0xffff  }
0x7d9: {  	v18 =	vadd.s32 v27, v46;
	[tilespmem:v5+s23+$0x0] =	vst.idx.msk $0xffff, v1;
	v1 =	vadd.s32 $0x30, v48;
	v5 =	vld.idx.msk [tilespmem:v56+s19+$0x0], $0xffff;
	v2 =	vmul.f32 $8.000000000e+00, v2  }
0x7da: {  	[tilespmem:v59+s23+$0x0] =	vst.idx.msk $0xffff, v60;
	v59 =	vor.u32 v0, v54;
	v9 =	vld.idx.msk [tilespmem:v9+s19+$0x0], $0xffff;
	v56 =	vmul.f32 $8.000000000e+00, v62;
	v55 =	vshll.u32 v1, $0x7  }
0x7db: {  	v1 =	vmul.f32 $8.000000000e+00, v57;
	v57 =	vadd.s32 v27, v47;
	[tilespmem:v61+s23+$0x0] =	vst.idx.msk $0xffff, v2;
	v2 =	vor.u32 v0, v55  }
0x7dc: {  	v17 =	vor.u32 v10, v50;
	v11 =	vmul.f32 $8.000000000e+00, v11;
	[tilespmem:v3+s23+$0x0] =	vst.idx.msk $0xffff, v56;
	v56 =	vadd.s32 $0x30, v49;
	v15 =	vld.idx.msk [tilespmem:v15+s19+$0x0], $0xffff  }
0x7dd: {  	v60 =	vor.u32 v4, v52;
	v13 =	vld.idx.msk [tilespmem:v13+s19+$0x0], $0xffff;
	[tilespmem:v7+s23+$0x0] =	vst.idx.msk $0xffff, v1;
	v1 =	vmul.f32 $8.000000000e+00, v19;
	v56 =	vshll.u32 v56, $0x7  }
0x7de: {  	v3 =	vadd.s32 v27, v48;
	v18 =	vld.idx.msk [tilespmem:v18+s19+$0x0], $0xffff;
	v5 =	vmul.f32 $8.000000000e+00, v5;
	v19 =	vor.u32 v0, v56  }
0x7df: {  	v7 =	vadd.s32 v31, v44;
	v9 =	vmul.f32 $8.000000000e+00, v9;
	[tilespmem:v59+s23+$0x0] =	vst.idx.msk $0xffff, v1;
	v1 =	vor.u32 v4, v51  }
0x7e0: {  	v59 =	vadd.s32 v27, v49;
	[tilespmem:v2+s23+$0x0] =	vst.idx.msk $0xffff, v5;
	v5 =	vor.u32 v4, v53;
	v57 =	vld.idx.msk [tilespmem:v57+s19+$0x0], $0xffff  }
0x7e1: {  	[tilespmem:v17+s23+$0x0] =	vst.idx.msk $0xffff, v11;
	v2 =	vadd.s32 v31, v45;
	v15 =	vmul.f32 $8.000000000e+00, v15  }
0x7e2: {  	v17 =	vld.idx.msk [tilespmem:v58+s19+$0x0], $0xffff;
	[tilespmem:v60+s23+$0x0] =	vst.idx.msk $0xffff, v9;
	v9 =	vmul.f32 $8.000000000e+00, v13;
	v13 =	vor.u32 v4, v54  }
0x7e3: {  	v11 =	vadd.s32 v31, v46;
	v3 =	vld.idx.msk [tilespmem:v3+s19+$0x0], $0xffff;
	v18 =	vmul.f32 $8.000000000e+00, v18;
	[tilespmem:v19+s23+$0x0] =	vst.idx.msk $0xffff, v15  }
0x7e4: {  	v7 =	vld.idx.msk [tilespmem:v7+s19+$0x0], $0xffff;
	[tilespmem:v1+s23+$0x0] =	vst.idx.msk $0xffff, v9  }
0x7e5: {  	v58 =	vor.u32 v4, v55;
	v9 =	vld.idx.msk [tilespmem:v59+s19+$0x0], $0xffff;
	[tilespmem:v5+s23+$0x0] =	vst.idx.msk $0xffff, v18;
	v5 =	vmul.f32 $8.000000000e+00, v57  }
0x7e6: {  	v15 =	vor.u32 v6, v52;
	v1 =	vadd.s32 v31, v47;
	v2 =	vld.idx.msk [tilespmem:v2+s19+$0x0], $0xffff  }
0x7e7: {  	v60 =	vor.u32 v6, v53;
	v18 =	vadd.s32 v31, v48;
	[tilespmem:v13+s23+$0x0] =	vst.idx.msk $0xffff, v5;
	v13 =	vld [tilespmem:$0x1FFD0]  }
0x7e8: {  	v19 =	vadd.s32 v26, v44;
	v57 =	vor.u32 v4, v56;
	v11 =	vld.idx.msk [tilespmem:v11+s19+$0x0], $0xffff;
	v3 =	vmul.f32 $8.000000000e+00, v3  }
0x7e9: {  	v59 =	vor.u32 v6, v51;
	v5 =	vadd.s32 v31, v49;
	v7 =	vmul.f32 $8.000000000e+00, v7  }
0x7ea: {  	[tilespmem:v58+s23+$0x0] =	vst.idx.msk $0xffff, v3;
	v3 =	vor.u32 v14, v43;
	v58 =	vadd.s32 v26, v45  }
0x7eb: {  	v1 =	vld.idx.msk [tilespmem:v1+s19+$0x0], $0xffff;
	v9 =	vmul.f32 $8.000000000e+00, v9;
	[tilespmem:v15+s23+$0x0] =	vst.idx.msk $0xffff, v7;
	v7 =	vadd.s32 v26, v46  }
0x7ec: {  	v2 =	vmul.f32 $8.000000000e+00, v2;
	v15 =	vld.idx.msk [tilespmem:v18+s19+$0x0], $0xffff;
	v13 =	vadd.s32 v13, v42  }
0x7ed: {  	v18 =	vld.idx.msk [tilespmem:v19+s19+$0x0], $0xffff;
	v19 =	vor.u32 v6, v54;
	v11 =	vmul.f32 $8.000000000e+00, v11;
	[tilespmem:v57+s23+$0x0] =	vst.idx.msk $0xffff, v9  }
0x7ee: {  	v17 =	vmul.f32 $8.000000000e+00, v17;
	v9 =	vor.u32 v6, v55;
	[tilespmem:v59+s23+$0x0] =	vst.idx.msk $0xffff, v2;
	v5 =	vld.idx.msk [tilespmem:v5+s19+$0x0], $0xffff  }
0x7ef: {  	v57 =	vor.u32 v8, v52;
	[tilespmem:v60+s23+$0x0] =	vst.idx.msk $0xffff, v11;
	v58 =	vld.idx.msk [tilespmem:v58+s19+$0x0], $0xffff  }
0x7f0: {  	v2 =	vadd.s32 v26, v47;
	[tilespmem:v3+s23+$0x0] =	vst.idx.msk $0xffff, v17;
	v1 =	vmul.f32 $8.000000000e+00, v1;
	v3 =	vld.idx.msk [tilespmem:v7+s19+$0x0], $0xffff  }
0x7f1: {  	v11 =	vadd.s32 v26, v48;
	v60 =	vor.u32 v6, v56;
	v7 =	vmul.f32 $8.000000000e+00, v15;
	v13 =	vld.idx.msk [tilespmem:v13+s19+$0x0], $0xffff  }
0x7f2: {  	v59 =	vadd.s32 v24, v44;
	[tilespmem:v19+s23+$0x0] =	vst.idx.msk $0xffff, v1;
	v1 =	vor.u32 v8, v51  }
0x7f3: {  	v15 =	vadd.s32 v26, v49;
	v17 =	vmul.f32 $8.000000000e+00, v18;
	[tilespmem:v9+s23+$0x0] =	vst.idx.msk $0xffff, v7;
	v9 =	vor.u32 v12, v50  }
0x7f4: {  	v18 =	vadd.s32 v24, v45;
	v7 =	vor.u32 v8, v53;
	v5 =	vmul.f32 $8.000000000e+00, v5  }
0x7f5: {  	v2 =	vld.idx.msk [tilespmem:v2+s19+$0x0], $0xffff;
	[tilespmem:v57+s23+$0x0] =	vst.idx.msk $0xffff, v17;
	v17 =	vadd.s32 v24, v46;
	v57 =	vmul.f32 $8.000000000e+00, v58  }
0x7f6: {  	v11 =	vld.idx.msk [tilespmem:v11+s19+$0x0], $0xffff;
	v58 =	vor.u32 v8, v54;
	[tilespmem:v60+s23+$0x0] =	vst.idx.msk $0xffff, v5;
	v13 =	vmul.f32 $8.000000000e+00, v13  }
0x7f7: {  	v19 =	vld.idx.msk [tilespmem:v59+s19+$0x0], $0xffff;
	v59 =	vor.u32 v8, v55;
	v5 =	vadd.s32 v24, v47;
	[tilespmem:v1+s23+$0x0] =	vst.idx.msk $0xffff, v57  }
0x7f8: {  	v57 =	vadd.s32 v24, v48;
	[tilespmem:v9+s23+$0x0] =	vst.idx.msk $0xffff, v13;
	v13 =	vadd.s32 v24, v49;
	v24 =	vld [tilespmem:$0x1FFD0]  }
0x7f9: {  	v3 =	vmul.f32 $8.000000000e+00, v3;
	v15 =	vld.idx.msk [tilespmem:v15+s19+$0x0], $0xffff;
	v1 =	vor.u32 v10, v52  }
0x7fa: {  	v60 =	vld [tilespmem:$0x1FEF0];
	v2 =	vmul.f32 $8.000000000e+00, v2  }
0x7fb: {  	[tilespmem:v7+s23+$0x0] =	vst.idx.msk $0xffff, v3;
	v3 =	vld.idx.msk [tilespmem:v18+s19+$0x0], $0xffff;
	v7 =	vor.u32 v8, v56;
	v11 =	vmul.f32 $8.000000000e+00, v11  }
0x7fc: {  	v9 =	vld.idx.msk [tilespmem:v17+s19+$0x0], $0xffff;
	v17 =	vmul.f32 $8.000000000e+00, v19;
	[tilespmem:v58+s23+$0x0] =	vst.idx.msk $0xffff, v2  }
0x7fd: {  	v2 =	vor.u32 v10, v51;
	v5 =	vld.idx.msk [tilespmem:v5+s19+$0x0], $0xffff;
	[tilespmem:v59+s23+$0x0] =	vst.idx.msk $0xffff, v11;
	v18 =	vadd.s32 v24, v44  }
0x7fe: {  	v19 =	vor.u32 v10, v53;
	v11 =	vmul.f32 $8.000000000e+00, v15;
	[tilespmem:v1+s23+$0x0] =	vst.idx.msk $0xffff, v17;
	v1 =	vadd.s32 v24, v45  }
0x7ff: {  	v15 =	vld.idx.msk [tilespmem:v57+s19+$0x0], $0xffff  }
0x800: {  	v17 =	vadd.s32 v60, v42;
	v57 =	vor.u32 v10, v54;
	v3 =	vmul.f32 $8.000000000e+00, v3;
	[tilespmem:v7+s23+$0x0] =	vst.idx.msk $0xffff, v11  }
0x801: {  	v11 =	vor.u32 v10, v55;
	v7 =	vmul.f32 $8.000000000e+00, v9;
	v9 =	vadd.s32 v24, v46;
	v13 =	vld.idx.msk [tilespmem:v13+s19+$0x0], $0xffff  }
0x802: {  	[tilespmem:v2+s23+$0x0] =	vst.idx.msk $0xffff, v3;
	v2 =	vadd.s32 v24, v47;
	v3 =	vmul.f32 $8.000000000e+00, v5;
	v18 =	vld.idx.msk [tilespmem:v18+s19+$0x0], $0xffff  }
0x803: {  	v5 =	vadd.s32 v24, v48;
	[tilespmem:v19+s23+$0x0] =	vst.idx.msk $0xffff, v7;
	v7 =	vor.u32 v10, v56;
	v1 =	vld.idx.msk [tilespmem:v1+s19+$0x0], $0xffff  }
0x804: {  	v59 =	vld [tilespmem:$0x1FEE0];
	v58 =	vadd.s32 v24, v49;
	v19 =	vor.u32 v12, v52;
	v15 =	vmul.f32 $8.000000000e+00, v15  }
0x805: {  	v17 =	vld.idx.msk [tilespmem:v17+s19+$0x0], $0xffff;
	[tilespmem:v57+s23+$0x0] =	vst.idx.msk $0xffff, v3;
	v57 =	vor.u32 v12, v51  }
0x806: {  	v3 =	vadd.s32 v60, v44;
	[tilespmem:v11+s23+$0x0] =	vst.idx.msk $0xffff, v15;
	v9 =	vld.idx.msk [tilespmem:v9+s19+$0x0], $0xffff;
	v11 =	vmul.f32 $8.000000000e+00, v13  }
0x807: {  	v13 =	vor.u32 v14, v50;
	v2 =	vld.idx.msk [tilespmem:v2+s19+$0x0], $0xffff;
	v15 =	vmul.f32 $8.000000000e+00, v18;
	v18 =	vadd.s32 v60, v45  }
0x808: {  	v5 =	vld.idx.msk [tilespmem:v5+s19+$0x0], $0xffff;
	[tilespmem:v7+s23+$0x0] =	vst.idx.msk $0xffff, v11;
	v7 =	vor.u32 v12, v53;
	v1 =	vmul.f32 $8.000000000e+00, v1  }
0x809: {  	v11 =	vor.u32 v12, v54;
	[tilespmem:v19+s23+$0x0] =	vst.idx.msk $0xffff, v15;
	v15 =	vld.idx.msk [tilespmem:v58+s19+$0x0], $0xffff  }
0x80a: {  	v17 =	vmul.f32 $8.000000000e+00, v17;
	v19 =	vadd.s32 v60, v46;
	v58 =	vor.u32 v12, v55;
	[tilespmem:v57+s23+$0x0] =	vst.idx.msk $0xffff, v1  }
0x80b: {  	v1 =	vmul.f32 $8.000000000e+00, v9;
	v9 =	vadd.s32 v60, v47;
	v57 =	vor.u32 v12, v56;
	v3 =	vld.idx.msk [tilespmem:v3+s19+$0x0], $0xffff  }
0x80c: {  	[tilespmem:v13+s23+$0x0] =	vst.idx.msk $0xffff, v17;
	v2 =	vmul.f32 $8.000000000e+00, v2;
	v17 =	vadd.s32 v60, v48;
	v13 =	vld.idx.msk [tilespmem:v18+s19+$0x0], $0xffff  }
0x80d: {  	v63 =	vld [tilespmem:$0x1FEB0];
	v5 =	vmul.f32 $8.000000000e+00, v5;
	[tilespmem:v7+s23+$0x0] =	vst.idx.msk $0xffff, v1;
	v1 =	vor.u32 v14, v52;
	v7 =	vadd.s32 v60, v49  }
0x80e: {  	v62 =	vld [tilespmem:$0x1FED0];
	[tilespmem:v11+s23+$0x0] =	vst.idx.msk $0xffff, v2;
	v2 =	vadd.s32 v59, v41;
	v11 =	vor.u32 v14, v51;
	v15 =	vmul.f32 $8.000000000e+00, v15  }
0x80f: {  	[tilespmem:v58+s23+$0x0] =	vst.idx.msk $0xffff, v5;
	v5 =	vadd.s32 v59, v42;
	v18 =	vld.idx.msk [tilespmem:v19+s19+$0x0], $0xffff  }
0x810: {  	v9 =	vld.idx.msk [tilespmem:v9+s19+$0x0], $0xffff;
	v3 =	vmul.f32 $8.000000000e+00, v3;
	[tilespmem:v57+s23+$0x0] =	vst.idx.msk $0xffff, v15;
	v15 =	vadd.s32 v59, v44  }
0x811: {  	v41 =	vor.u32 v14, v53;
	v19 =	vadd.s32 v59, v45;
	v17 =	vld.idx.msk [tilespmem:v17+s19+$0x0], $0xffff;
	v13 =	vmul.f32 $8.000000000e+00, v13  }
0x812: {  	[tilespmem:v1+s23+$0x0] =	vst.idx.msk $0xffff, v3;
	v1 =	vadd.s32 v59, v46;
	v3 =	vor.u32 v14, v54;
	v7 =	vld.idx.msk [tilespmem:v7+s19+$0x0], $0xffff  }
0x813: {  	v2 =	vld.idx.msk [tilespmem:v2+s19+$0x0], $0xffff;
	[tilespmem:v11+s23+$0x0] =	vst.idx.msk $0xffff, v13;
	v11 =	vadd.s32 v59, v47;
	v13 =	vor.u32 v14, v55  }
0x814: {  	v58 =	vor.u32 v14, v56;
	v57 =	vadd.s32 v59, v48;
	v5 =	vld.idx.msk [tilespmem:v5+s19+$0x0], $0xffff;
	v18 =	vmul.f32 $8.000000000e+00, v18  }
0x815: {  	v43 =	vor.u32 v16, v43;
	v60 =	vadd.s32 v59, v49;
	v9 =	vmul.f32 $8.000000000e+00, v9;
	v15 =	vld.idx.msk [tilespmem:v15+s19+$0x0], $0xffff  }
0x816: {  	v19 =	vld.idx.msk [tilespmem:v19+s19+$0x0], $0xffff;
	v17 =	vmul.f32 $8.000000000e+00, v17;
	[tilespmem:v41+s23+$0x0] =	vst.idx.msk $0xffff, v18;
	v18 =	vor.u32 v16, v50  }
0x817: {  	[tilespmem:v3+s23+$0x0] =	vst.idx.msk $0xffff, v9;
	v3 =	vor.u32 v16, v52;
	v1 =	vld.idx.msk [tilespmem:v1+s19+$0x0], $0xffff;
	v7 =	vmul.f32 $8.000000000e+00, v7  }
0x818: {  	v2 =	vmul.f32 $8.000000000e+00, v2;
	v9 =	vor.u32 v16, v51;
	[tilespmem:v13+s23+$0x0] =	vst.idx.msk $0xffff, v17;
	v11 =	vld.idx.msk [tilespmem:v11+s19+$0x0], $0xffff  }
0x819: {  	[tilespmem:v58+s23+$0x0] =	vst.idx.msk $0xffff, v7;
	v5 =	vmul.f32 $8.000000000e+00, v5;
	v7 =	vor.u32 v16, v53;
	v13 =	vld.idx.msk [tilespmem:v57+s19+$0x0], $0xffff  }
0x81a: {  	[tilespmem:v43+s23+$0x0] =	vst.idx.msk $0xffff, v2;
	v17 =	vld.idx.msk [tilespmem:v60+s19+$0x0], $0xffff;
	v2 =	vmul.f32 $8.000000000e+00, v15;
	v15 =	vor.u32 v16, v54  }
0x81b: {  	v61 =	vld [tilespmem:$0x1FEC0];
	[tilespmem:v18+s23+$0x0] =	vst.idx.msk $0xffff, v5;
	v5 =	vmul.f32 $8.000000000e+00, v19;
	v18 =	vor.u32 v16, v55  }
0x81c: {  	p2 =	por p0, p0;
	v44 =	vld [tilespmem:$0x1FFB0];
	v1 =	vmul.f32 $8.000000000e+00, v1;
	[tilespmem:v3+s23+$0x0] =	vst.idx.msk $0xffff, v2;
	v2 =	vor.u32 v16, v56  }
.Ltmp5:
0x81d: {  	v43 =	vld [tilespmem:$0x1FFC0];
	[tilespmem:v9+s23+$0x0] =	vst.idx.msk $0xffff, v5;
	v3 =	vmul.f32 $8.000000000e+00, v11;
	(pc) =	sbr.rel @p2 .LBB2_9-.Ltmp5, $4  }
0x81e: {  	v49 =	vmov v30;
	v53 =	vld [tilespmem:$0x1FEA0];
	[tilespmem:v7+s23+$0x0] =	vst.idx.msk $0xffff, v1;
	v1 =	vmul.f32 $8.000000000e+00, v13  }
0x81f: {  	v42 =	vmovc v25;
	v45 =	vmovc v28;
	v48 =	vmov v22;
	v46 =	vmov v29;
	v19 =	vld [tilespmem:$0x1FF10];
	[tilespmem:v15+s23+$0x0] =	vst.idx.msk $0xffff, v3;
	v3 =	vmul.f32 $8.000000000e+00, v17  }
0x820: {  	v47 =	vmovc v21;
	v50 =	vmovc v36;
	v52 =	vmov v26;
	v51 =	vmov v27;
	v58 =	vmov v20;
	v15 =	vld [tilespmem:$0x1FFF0];
	[tilespmem:v18+s23+$0x0] =	vst.idx.msk $0xffff, v1  }
0x821: {  	p0 =	por $0x0, $0x0;
	s3 =	simm.s32 $0x8;
	v57 =	vmovc v35;
	v55 =	vmovc v33;
	v54 =	vmov v32;
	v56 =	vmov v34;
	v17 =	vmov v23;
	v18 =	vld [tilespmem:$0x1FF00];
	[tilespmem:v2+s23+$0x0] =	vst.idx.msk $0xffff, v3  }
0x822: {  	s0 =	sshll.u32 s0, $0xA;
	s3 =	sshll.u32 s1, $0xF  }
.Ltmp6:
0x823: {  	s31 =	sshll.u32 s1, $0x12;
	s0 =	ssub.s32 s0, s3;
	(pc) =	sbr.rel @p1 .LBB2_12-.Ltmp6, $4  }
0x824: {  	v7 =	vmov v24;
	v5 =	vmov v52;
	s0 =	sadd.s32 s31, s0  }
0x825: {  	v2 =	vmovc v51;
	v33 =	vmovc v58;
	v32 =	vmov v57;
	v31 =	vmov v56;
	v30 =	vmov v55;
	s0 =	sshrl.u32 s0, $0x3  }
0x826: {  	v9 =	vld [tilespmem:$0x1FFE0];
	v29 =	vmovc v54;
	v28 =	vmovc v45;
	v26 =	vmov v44;
	v25 =	vmov v43;
	v24 =	vmov v49;
	s0 =	sadd.s32 s2, s0  }
0x827: {  	v3 =	vld [tilespmem:$0x1FFA0];
	v23 =	vmovc v42;
	v22 =	vmovc v46;
	v20 =	vmov v19;
	v27 =	vmov v15;
	v21 =	vmov v18;
	[hbm4b:s0+s14] =	stream.strided.scatter [tilespmem:s23], [sflag:$0x8], $0x2000, s15, s14, $0x38  }
.Ltmp7:
0x828: {  	(pc) =	sbr.rel .LBB2_2-.Ltmp7, $4  }
0x829: {  	s0 =	sshll.u32 s30, $0x9  }
0x82a: {  	s0 =	sand.u32 $0x3FFFFE00, s0  }
0x82b: {  	s30 =	sadd.s32 $0x1, s30;
	s0 =	sadd.s32 $0x280, s0  }
0x82c: {  	v11 =	vmov v27;
	[tilespmem:s11], [sflag:$0x2] =	stream.indirect.gather [hbm4b:s4+s9], $0x80, s0, s9, $0xb8;
	[tilespmem:$0x1E400] =	vst v63  }
.LBB2_13:
0x82d: {  	_ =	sfence.sel $0x180000  }
0x82e: {  	[bflag:$0x0] =	sbarrier.arrive $0xFFFF  }
0x82f: {  	_ =	strace $0x90000047  }
0x830: {  	s0 =	stileid.u32;
	[bflag:$0x2] =	sbarrier.arrive $0xFFFF  }
0x831: {  	p0 =	sne.s32 s0, $0x0;
	s0 =	rddreg [dreg:$0x2]  }
0x832: {  	s0 =	sadd.s32 @!p0 $0x100000, s0  }
0x833: {  	[sflag:s0] =	ssyncadd.tile.s32 @!p0 $0x1;
	_ =	shalt  }
.Lfunc_end2:
_tile_overlayer_lowered:
.L_overlay_start_2:
0x834: {  	(tag) =	ssettag $0x2  }
0x835: {  	s0 =	rddreg [dreg:$0x0];
	s2 =	stileid.u32  }
0x836: {  	s1 =	rddreg [dreg:$0x1];
	p0 =	sne.s32 s2, $0x0  }
0x837: {  	s3 =	rddreg [dreg:$0x2];
	[bflag:$0x3] =	sbarrier.arrive $0xFFFF;
	s2 =	simm.s32 @!p0 $0x1C09  }
0x838: {  	[timem:s3], [sflag:s2] =	dma.local @!p0 [hbm:s0], s1  }
0x839: {  	s0 =	simm.s32 @!p0 $0x9  }
0x83a: {  	_ =	swait.ge @!p0 [sflag:s0], s1  }
0x83b: {  	s1 =	ssub.s32 @!p0 $0x0, s1;
	[sflag:s0] =	ssyncset.done @!p0 $0x0  }
0x83c: {  	[sflag:s0] =	ssyncadd.s32 @!p0 s1  }
0x83d: {  	[bflag:$0x3] =	sbarrier.arrive $0xFFFF  }
0x83e: {  	_ =	shalt  }

</sc_bundles>
